<compile_context>
chip_gen: v7x
topology: tpu7x:2x2x1
jax: 0.10.2.dev20260603
libtpu: 0.0.44.dev20260713+nightly
codegen_flags: <defaults>
</compile_context>

<pallas_src>
import jax
import jax.numpy as jnp
from jax import lax
from jax.experimental import pallas as pl
from jax.experimental.pallas import tpu as pltpu
from jax.experimental.pallas import tpu_sc as plsc

B, T, F = 8, 2048, 128
K = 1408
R = B * T
L = 16
NC, NS = 2, 16
NW = NC * NS
RPW = R // NW
BLK = 32
NBLK = RPW // BLK
NCHUNK = K // L
G = 8
NGROUP = NCHUNK // G


def _sc_gather(x_hbm, idx_hbm, out_hbm, idx_v, xin0, xin1, xout0, xout1,
               isem0, isem1, osem0, osem1):
    wid = lax.axis_index("s") * NC + lax.axis_index("c")

    def in_copy(b, buf, sem):
        base = (wid * NBLK + b) * BLK
        return pltpu.make_async_copy(x_hbm.at[pl.ds(base, BLK)], buf, sem)

    def out_copy(b, buf, sem):
        base = (wid * NBLK + b) * BLK
        return pltpu.make_async_copy(buf, out_hbm.at[pl.ds(base, BLK)], sem)

    zero = jnp.zeros((L,), jnp.int32)

    def compute(xin, xout):
        for g0, ng in ((0, 4), (4, 4), (8, 3)):
            cb = g0 * G * L
            nk = ng * G
            idxs = [idx_v[pl.ds(cb + k * L, L)] for k in range(nk)]

            @plsc.parallel_loop(0, BLK, unroll=1)
            def _row(r):
                rb = r * F
                for k in range(nk):
                    vals = plsc.load_gather(xin, [zero, idxs[k] + rb])
                    xout[r, pl.ds(cb + k * L, L)] = vals

    in_copy(0, xin0, isem0).start()
    in_copy(1, xin1, isem1).start()
    pltpu.sync_copy(idx_hbm, idx_v)

    @pl.loop(0, NBLK // 2)
    def _pair(m):
        for p, (xin, xout, isem, osem) in enumerate(
                ((xin0, xout0, isem0, osem0), (xin1, xout1, isem1, osem1))):
            b = 2 * m + p
            in_copy(b, xin, isem).wait()

            @pl.when(m > 0)
            def _():
                out_copy(b - 2, xout, osem).wait()

            compute(xin, xout)
            out_copy(b, xout, osem).start()

            @pl.when(m < NBLK // 2 - 1)
            def _():
                in_copy(b + 2, xin, isem).start()

    out_copy(NBLK - 2, xout0, osem0).wait()
    out_copy(NBLK - 1, xout1, osem1).wait()


@jax.jit
def _run(x, idx):
    mesh = plsc.VectorSubcoreMesh(
        core_axis_name="c", subcore_axis_name="s",
        num_cores=NC, num_subcores=NS)
    f = pl.kernel(
        _sc_gather,
        out_type=jax.ShapeDtypeStruct((R, K), jnp.float32),
        mesh=mesh,
        compiler_params=pltpu.CompilerParams(needs_layout_passes=False),
        scratch_types=[
            pltpu.VMEM((K,), jnp.int32),
            pltpu.VMEM((BLK, F), jnp.float32),
            pltpu.VMEM((BLK, F), jnp.float32),
            pltpu.VMEM((BLK, K), jnp.float32),
            pltpu.VMEM((BLK, K), jnp.float32),
            pltpu.SemaphoreType.DMA,
            pltpu.SemaphoreType.DMA,
            pltpu.SemaphoreType.DMA,
            pltpu.SemaphoreType.DMA,
        ],
    )
    return f(x, idx)


def kernel(inputs, kernel):
    x = inputs.reshape(R, F)
    out = _run(x, kernel)
    return out.reshape(B, T, K)

# --- scband reference (transcript-rebuilt; emitter-appended) ---
"""Pipeline reference for scband-context-window-28656021799259 (READ-ONLY COPY).

The authoritative reference and input builder live on the scoring server;
editing this copy changes nothing except your own understanding.
"""

import jax, jax.numpy as jnp
import numpy as np

LEFT_CONTEXT = 5
RIGHT_CONTEXT = 5
FEATURE = 128


def _make_kernel(feature, left, right):
    array_select = []
    for i in range(feature):
        gather = list(range(i - left, i + right + 1, 1))
        gather = [max(k, 0) for k in gather]
        gather = [min(k, feature - 1) for k in gather]
        array_select.extend(gather)
    return jnp.asarray(np.array(array_select, dtype=np.int32).reshape(-1))


def setup_inputs(seed: int = 0) -> dict:
    key = jax.random.key(seed)
    inputs = jax.random.normal(key, (8, 2048, FEATURE), dtype=jnp.float32)
    kernel = _make_kernel(FEATURE, LEFT_CONTEXT, RIGHT_CONTEXT)
    return {"inputs": inputs, "kernel": kernel}


def reference(inputs, kernel):
    # Faithful translation of tf.gather(inputs, kernel, axis=-1)
    return jnp.take(inputs, kernel, axis=-1)

if __name__ == "__main__":
    import jax
    _d = setup_inputs()
    print(jax.jit(kernel)(*tuple(_d.values())))

</pallas_src>

<mosaic_0001>
#map = affine_map<(d0, d1) -> (0, 0)>
#map1 = affine_map<(d0, d1) -> (0)>
module attributes {stable_mosaic.version = 14 : i64} {
  func.func @_sc_gather(%arg0: i32, %arg1: i32, %arg2: memref<16384x128xf32, #tpu.memory_space<hbm>>, %arg3: memref<1408xi32, #tpu.memory_space<hbm>>, %arg4: memref<16384x1408xf32, #tpu.memory_space<hbm>>, %arg5: memref<1408xi32, #tpu.memory_space<vmem>>, %arg6: memref<32x128xf32, #tpu.memory_space<vmem>>, %arg7: memref<32x128xf32, #tpu.memory_space<vmem>>, %arg8: memref<32x1408xf32, #tpu.memory_space<vmem>>, %arg9: memref<32x1408xf32, #tpu.memory_space<vmem>>, %arg10: memref<!tpu.dma_semaphore, #tpu.memory_space<semaphore_mem>>, %arg11: memref<!tpu.dma_semaphore, #tpu.memory_space<semaphore_mem>>, %arg12: memref<!tpu.dma_semaphore, #tpu.memory_space<semaphore_mem>>, %arg13: memref<!tpu.dma_semaphore, #tpu.memory_space<semaphore_mem>>) attributes {dimension_semantics = [#tpu.dimension_semantics<core_parallel>, #tpu.dimension_semantics<subcore_parallel>], iteration_bounds = array<i64: 2, 16>, scalar_prefetch = 0 : i64, scratch_operands = 9 : i64, tpu.core_type = #tpu.core_type<sc_vector_subcore>, window_params = [{transform_indices = #map}, {transform_indices = #map1}, {transform_indices = #map}]} {
    %mul3A = arith.constant 2 : i32
    %mul3A_0 = arith.muli %arg1, %mul3A : i32
    %add3A = arith.addi %mul3A_0, %arg0 : i32
    %broadcast_in_dim3A = arith.constant 0 : i32
    %broadcast_in_dim3A_1 = vector.broadcast %broadcast_in_dim3A : i32 to vector<16xi32>
    %mul3A_2 = arith.constant 16 : i32
    %mul3A_3 = arith.muli %add3A, %mul3A_2 : i32
    %add3A_4 = arith.constant 0 : i32
    %add3A_5 = arith.addi %mul3A_3, %add3A_4 : i32
    %mul3A_6 = arith.constant 32 : i32
    %mul3A_7 = arith.muli %add3A_5, %mul3A_6 : i32
    %dma_start3A = arith.constant 0 : i32
    %dma_start3A_8 = tpu.memref_slice %arg2[%mul3A_7, %dma_start3A] : memref<16384x128xf32, #tpu.memory_space<hbm>> -> memref<32x128xf32, #tpu.memory_space<hbm>>
    %dma_start3A_9 = arith.constant 0 : i32
    %dma_start3A_10 = tpu.memref_slice %arg2[%mul3A_7, %dma_start3A_9] : memref<16384x128xf32, #tpu.memory_space<hbm>> -> memref<32x128xf32, #tpu.memory_space<hbm>>
    tpu.enqueue_dma source(%dma_start3A_10 : memref<32x128xf32, #tpu.memory_space<hbm>>) target(%arg6 : memref<32x128xf32, #tpu.memory_space<vmem>>) target_semaphore(%arg10 : memref<!tpu.dma_semaphore, #tpu.memory_space<semaphore_mem>>)
    %mul3A_11 = arith.constant 16 : i32
    %mul3A_12 = arith.muli %add3A, %mul3A_11 : i32
    %add3A_13 = arith.constant 1 : i32
    %add3A_14 = arith.addi %mul3A_12, %add3A_13 : i32
    %mul3A_15 = arith.constant 32 : i32
    %mul3A_16 = arith.muli %add3A_14, %mul3A_15 : i32
    %dma_start3A_17 = arith.constant 0 : i32
    %dma_start3A_18 = tpu.memref_slice %arg2[%mul3A_16, %dma_start3A_17] : memref<16384x128xf32, #tpu.memory_space<hbm>> -> memref<32x128xf32, #tpu.memory_space<hbm>>
    %dma_start3A_19 = arith.constant 0 : i32
    %dma_start3A_20 = tpu.memref_slice %arg2[%mul3A_16, %dma_start3A_19] : memref<16384x128xf32, #tpu.memory_space<hbm>> -> memref<32x128xf32, #tpu.memory_space<hbm>>
    tpu.enqueue_dma source(%dma_start3A_20 : memref<32x128xf32, #tpu.memory_space<hbm>>) target(%arg7 : memref<32x128xf32, #tpu.memory_space<vmem>>) target_semaphore(%arg11 : memref<!tpu.dma_semaphore, #tpu.memory_space<semaphore_mem>>)
    "tpu.region"() ({
      %run_scoped3A = tpu.sem_alloc : memref<!tpu.dma_semaphore, #tpu.memory_space<semaphore_mem>>
      tpu.enqueue_dma source(%arg3 : memref<1408xi32, #tpu.memory_space<hbm>>) target(%arg5 : memref<1408xi32, #tpu.memory_space<vmem>>) target_semaphore(%run_scoped3A : memref<!tpu.dma_semaphore, #tpu.memory_space<semaphore_mem>>)
      tpu.wait_dma2 semaphore(%run_scoped3A : memref<!tpu.dma_semaphore, #tpu.memory_space<semaphore_mem>>) src(%arg3 : memref<1408xi32, #tpu.memory_space<hbm>>) dst(%arg5 : memref<1408xi32, #tpu.memory_space<vmem>>)
      tpu.yield
    }) : () -> ()
    %scan3A = arith.constant 0 : i32
    %scan3A_21 = arith.constant 8 : i32
    %scan3A_22 = arith.addi %scan3A, %scan3A_21 : i32
    %scan3A_23 = arith.constant 1 : i32
    scf.for %scan3A_44 = %scan3A to %scan3A_22 step %scan3A_23  : i32 {
      %mul3A_45 = arith.constant 1 : i32
      %mul3A_46 = arith.muli %scan3A_44, %mul3A_45 : i32
      %add3A_47 = arith.constant 0 : i32
      %add3A_48 = arith.addi %add3A_47, %mul3A_46 : i32
      %mul3A_49 = arith.constant 2 : i32
      %mul3A_50 = arith.muli %mul3A_49, %add3A_48 : i32
      %add3A_51 = arith.constant 0 : i32
      %add3A_52 = arith.addi %mul3A_50, %add3A_51 : i32
      %mul3A_53 = arith.constant 16 : i32
      %mul3A_54 = arith.muli %add3A, %mul3A_53 : i32
      %add3A_55 = arith.addi %mul3A_54, %add3A_52 : i32
      %mul3A_56 = arith.constant 32 : i32
      %mul3A_57 = arith.muli %add3A_55, %mul3A_56 : i32
      %dma_wait3A_58 = arith.constant 0 : i32
      %dma_wait3A_59 = tpu.memref_slice %arg2[%mul3A_57, %dma_wait3A_58] : memref<16384x128xf32, #tpu.memory_space<hbm>> -> memref<32x128xf32, #tpu.memory_space<hbm>>
      %dma_wait3A_60 = arith.constant 0 : i32
      %dma_wait3A_61 = tpu.memref_slice %arg2[%mul3A_57, %dma_wait3A_60] : memref<16384x128xf32, #tpu.memory_space<hbm>> -> memref<32x128xf32, #tpu.memory_space<hbm>>
      tpu.wait_dma2 semaphore(%arg10 : memref<!tpu.dma_semaphore, #tpu.memory_space<semaphore_mem>>) src(%dma_wait3A_61 : memref<32x128xf32, #tpu.memory_space<hbm>>) dst(%arg6 : memref<32x128xf32, #tpu.memory_space<vmem>>)
      %gt3A = arith.constant 0 : i32
      %gt3A_62 = arith.cmpi sgt, %add3A_48, %gt3A : i32
      %convert_element_type3A = arith.extui %gt3A_62 : i1 to i32
      %cond3A = arith.constant 0 : i32
      %cond3A_63 = arith.cmpi ne, %convert_element_type3A, %cond3A : i32
      scf.if %cond3A_63 {
        %sub3A = arith.constant 2 : i32
        %sub3A_477 = arith.subi %add3A_52, %sub3A : i32
        %mul3A_478 = arith.constant 16 : i32
        %mul3A_479 = arith.muli %add3A, %mul3A_478 : i32
        %add3A_480 = arith.addi %mul3A_479, %sub3A_477 : i32
        %mul3A_481 = arith.constant 32 : i32
        %mul3A_482 = arith.muli %add3A_480, %mul3A_481 : i32
        %dma_wait3A_483 = arith.constant 0 : i32
        %dma_wait3A_484 = tpu.memref_slice %arg4[%mul3A_482, %dma_wait3A_483] : memref<16384x1408xf32, #tpu.memory_space<hbm>> -> memref<32x1408xf32, #tpu.memory_space<hbm>>
        %dma_wait3A_485 = arith.constant 0 : i32
        %dma_wait3A_486 = tpu.memref_slice %arg4[%mul3A_482, %dma_wait3A_485] : memref<16384x1408xf32, #tpu.memory_space<hbm>> -> memref<32x1408xf32, #tpu.memory_space<hbm>>
        tpu.wait_dma2 semaphore(%arg12 : memref<!tpu.dma_semaphore, #tpu.memory_space<semaphore_mem>>) src(%arg8 : memref<32x1408xf32, #tpu.memory_space<vmem>>) dst(%dma_wait3A_486 : memref<32x1408xf32, #tpu.memory_space<hbm>>)
      } else {
      }
      %get3A = arith.constant 0 : index
      %get3A_64 = tpu.vector_load %arg5[%get3A] {strides = array<i32>} : memref<1408xi32, #tpu.memory_space<vmem>>, vector<16xi32>,
      %get3A_65 = arith.constant 16 : index
      %get3A_66 = tpu.vector_load %arg5[%get3A_65] {strides = array<i32>} : memref<1408xi32, #tpu.memory_space<vmem>>, vector<16xi32>,
      %get3A_67 = arith.constant 32 : index
      %get3A_68 = tpu.vector_load %arg5[%get3A_67] {strides = array<i32>} : memref<1408xi32, #tpu.memory_space<vmem>>, vector<16xi32>,
      %get3A_69 = arith.constant 48 : index
      %get3A_70 = tpu.vector_load %arg5[%get3A_69] {strides = array<i32>} : memref<1408xi32, #tpu.memory_space<vmem>>, vector<16xi32>,
      %get3A_71 = arith.constant 64 : index
      %get3A_72 = tpu.vector_load %arg5[%get3A_71] {strides = array<i32>} : memref<1408xi32, #tpu.memory_space<vmem>>, vector<16xi32>,
      %get3A_73 = arith.constant 80 : index
      %get3A_74 = tpu.vector_load %arg5[%get3A_73] {strides = array<i32>} : memref<1408xi32, #tpu.memory_space<vmem>>, vector<16xi32>,
      %get3A_75 = arith.constant 96 : index
      %get3A_76 = tpu.vector_load %arg5[%get3A_75] {strides = array<i32>} : memref<1408xi32, #tpu.memory_space<vmem>>, vector<16xi32>,
      %get3A_77 = arith.constant 112 : index
      %get3A_78 = tpu.vector_load %arg5[%get3A_77] {strides = array<i32>} : memref<1408xi32, #tpu.memory_space<vmem>>, vector<16xi32>,
      %get3A_79 = arith.constant 128 : index
      %get3A_80 = tpu.vector_load %arg5[%get3A_79] {strides = array<i32>} : memref<1408xi32, #tpu.memory_space<vmem>>, vector<16xi32>,
      %get3A_81 = arith.constant 144 : index
      %get3A_82 = tpu.vector_load %arg5[%get3A_81] {strides = array<i32>} : memref<1408xi32, #tpu.memory_space<vmem>>, vector<16xi32>,
      %get3A_83 = arith.constant 160 : index
      %get3A_84 = tpu.vector_load %arg5[%get3A_83] {strides = array<i32>} : memref<1408xi32, #tpu.memory_space<vmem>>, vector<16xi32>,
      %get3A_85 = arith.constant 176 : index
      %get3A_86 = tpu.vector_load %arg5[%get3A_85] {strides = array<i32>} : memref<1408xi32, #tpu.memory_space<vmem>>, vector<16xi32>,
      %get3A_87 = arith.constant 192 : index
      %get3A_88 = tpu.vector_load %arg5[%get3A_87] {strides = array<i32>} : memref<1408xi32, #tpu.memory_space<vmem>>, vector<16xi32>,
      %get3A_89 = arith.constant 208 : index
      %get3A_90 = tpu.vector_load %arg5[%get3A_89] {strides = array<i32>} : memref<1408xi32, #tpu.memory_space<vmem>>, vector<16xi32>,
      %get3A_91 = arith.constant 224 : index
      %get3A_92 = tpu.vector_load %arg5[%get3A_91] {strides = array<i32>} : memref<1408xi32, #tpu.memory_space<vmem>>, vector<16xi32>,
      %get3A_93 = arith.constant 240 : index
      %get3A_94 = tpu.vector_load %arg5[%get3A_93] {strides = array<i32>} : memref<1408xi32, #tpu.memory_space<vmem>>, vector<16xi32>,
      %get3A_95 = arith.constant 256 : index
      %get3A_96 = tpu.vector_load %arg5[%get3A_95] {strides = array<i32>} : memref<1408xi32, #tpu.memory_space<vmem>>, vector<16xi32>,
      %get3A_97 = arith.constant 272 : index
      %get3A_98 = tpu.vector_load %arg5[%get3A_97] {strides = array<i32>} : memref<1408xi32, #tpu.memory_space<vmem>>, vector<16xi32>,
      %get3A_99 = arith.constant 288 : index
      %get3A_100 = tpu.vector_load %arg5[%get3A_99] {strides = array<i32>} : memref<1408xi32, #tpu.memory_space<vmem>>, vector<16xi32>,
      %get3A_101 = arith.constant 304 : index
      %get3A_102 = tpu.vector_load %arg5[%get3A_101] {strides = array<i32>} : memref<1408xi32, #tpu.memory_space<vmem>>, vector<16xi32>,
      %get3A_103 = arith.constant 320 : index
      %get3A_104 = tpu.vector_load %arg5[%get3A_103] {strides = array<i32>} : memref<1408xi32, #tpu.memory_space<vmem>>, vector<16xi32>,
      %get3A_105 = arith.constant 336 : index
      %get3A_106 = tpu.vector_load %arg5[%get3A_105] {strides = array<i32>} : memref<1408xi32, #tpu.memory_space<vmem>>, vector<16xi32>,
      %get3A_107 = arith.constant 352 : index
      %get3A_108 = tpu.vector_load %arg5[%get3A_107] {strides = array<i32>} : memref<1408xi32, #tpu.memory_space<vmem>>, vector<16xi32>,
      %get3A_109 = arith.constant 368 : index
      %get3A_110 = tpu.vector_load %arg5[%get3A_109] {strides = array<i32>} : memref<1408xi32, #tpu.memory_space<vmem>>, vector<16xi32>,
      %get3A_111 = arith.constant 384 : index
      %get3A_112 = tpu.vector_load %arg5[%get3A_111] {strides = array<i32>} : memref<1408xi32, #tpu.memory_space<vmem>>, vector<16xi32>,
      %get3A_113 = arith.constant 400 : index
      %get3A_114 = tpu.vector_load %arg5[%get3A_113] {strides = array<i32>} : memref<1408xi32, #tpu.memory_space<vmem>>, vector<16xi32>,
      %get3A_115 = arith.constant 416 : index
      %get3A_116 = tpu.vector_load %arg5[%get3A_115] {strides = array<i32>} : memref<1408xi32, #tpu.memory_space<vmem>>, vector<16xi32>,
      %get3A_117 = arith.constant 432 : index
      %get3A_118 = tpu.vector_load %arg5[%get3A_117] {strides = array<i32>} : memref<1408xi32, #tpu.memory_space<vmem>>, vector<16xi32>,
      %get3A_119 = arith.constant 448 : index
      %get3A_120 = tpu.vector_load %arg5[%get3A_119] {strides = array<i32>} : memref<1408xi32, #tpu.memory_space<vmem>>, vector<16xi32>,
      %get3A_121 = arith.constant 464 : index
      %get3A_122 = tpu.vector_load %arg5[%get3A_121] {strides = array<i32>} : memref<1408xi32, #tpu.memory_space<vmem>>, vector<16xi32>,
      %get3A_123 = arith.constant 480 : index
      %get3A_124 = tpu.vector_load %arg5[%get3A_123] {strides = array<i32>} : memref<1408xi32, #tpu.memory_space<vmem>>, vector<16xi32>,
      %get3A_125 = arith.constant 496 : index
      %get3A_126 = tpu.vector_load %arg5[%get3A_125] {strides = array<i32>} : memref<1408xi32, #tpu.memory_space<vmem>>, vector<16xi32>,
      %parallel_loop3A = arith.constant 0 : i32
      %parallel_loop3A_127 = arith.constant 32 : i32
      %parallel_loop3A_128 = arith.constant 1 : i32
      scf.for %parallel_loop3A_477 = %parallel_loop3A to %parallel_loop3A_127 step %parallel_loop3A_128  : i32 {
        %parallel_loop3A_478 = arith.constant 128 : i32
        %parallel_loop3A_479 = arith.muli %parallel_loop3A_477, %parallel_loop3A_478 : i32
        %parallel_loop3A_480 = vector.broadcast %parallel_loop3A_479 : i32 to vector<16xi32>
        %parallel_loop3A_481 = arith.addi %get3A_64, %parallel_loop3A_480 : vector<16xi32>
        %parallel_loop3A_482 = tpu.vector_load_idx %arg6[%broadcast_in_dim3A_1, %parallel_loop3A_481] : memref<32x128xf32, #tpu.memory_space<vmem>>[vector<16xi32>, vector<16xi32>], vector<16xf32>,
        %parallel_loop3A_483 = arith.index_cast %parallel_loop3A_477 : i32 to index
        %parallel_loop3A_484 = arith.constant 0 : index
        %parallel_loop3A_485 = tpu.vector_load %arg8[%parallel_loop3A_483, %parallel_loop3A_484] {strides = array<i32>} : memref<32x1408xf32, #tpu.memory_space<vmem>>, vector<16xf32>,
        tpu.vector_store %arg8[%parallel_loop3A_483, %parallel_loop3A_484], %parallel_loop3A_482 {strides = array<i32>} : memref<32x1408xf32, #tpu.memory_space<vmem>>, vector<16xf32>,
        %parallel_loop3A_486 = vector.broadcast %parallel_loop3A_479 : i32 to vector<16xi32>
        %parallel_loop3A_487 = arith.addi %get3A_66, %parallel_loop3A_486 : vector<16xi32>
        %parallel_loop3A_488 = tpu.vector_load_idx %arg6[%broadcast_in_dim3A_1, %parallel_loop3A_487] : memref<32x128xf32, #tpu.memory_space<vmem>>[vector<16xi32>, vector<16xi32>], vector<16xf32>,
        %parallel_loop3A_489 = arith.index_cast %parallel_loop3A_477 : i32 to index
        %parallel_loop3A_490 = arith.constant 16 : index
        %parallel_loop3A_491 = tpu.vector_load %arg8[%parallel_loop3A_489, %parallel_loop3A_490] {strides = array<i32>} : memref<32x1408xf32, #tpu.memory_space<vmem>>, vector<16xf32>,
        tpu.vector_store %arg8[%parallel_loop3A_489, %parallel_loop3A_490], %parallel_loop3A_488 {strides = array<i32>} : memref<32x1408xf32, #tpu.memory_space<vmem>>, vector<16xf32>,
        %parallel_loop3A_492 = vector.broadcast %parallel_loop3A_479 : i32 to vector<16xi32>
        %parallel_loop3A_493 = arith.addi %get3A_68, %parallel_loop3A_492 : vector<16xi32>
        %parallel_loop3A_494 = tpu.vector_load_idx %arg6[%broadcast_in_dim3A_1, %parallel_loop3A_493] : memref<32x128xf32, #tpu.memory_space<vmem>>[vector<16xi32>, vector<16xi32>], vector<16xf32>,
        %parallel_loop3A_495 = arith.index_cast %parallel_loop3A_477 : i32 to index
        %parallel_loop3A_496 = arith.constant 32 : index
        %parallel_loop3A_497 = tpu.vector_load %arg8[%parallel_loop3A_495, %parallel_loop3A_496] {strides = array<i32>} : memref<32x1408xf32, #tpu.memory_space<vmem>>, vector<16xf32>,
        tpu.vector_store %arg8[%parallel_loop3A_495, %parallel_loop3A_496], %parallel_loop3A_494 {strides = array<i32>} : memref<32x1408xf32, #tpu.memory_space<vmem>>, vector<16xf32>,
        %parallel_loop3A_498 = vector.broadcast %parallel_loop3A_479 : i32 to vector<16xi32>
        %parallel_loop3A_499 = arith.addi %get3A_70, %parallel_loop3A_498 : vector<16xi32>
        %parallel_loop3A_500 = tpu.vector_load_idx %arg6[%broadcast_in_dim3A_1, %parallel_loop3A_499] : memref<32x128xf32, #tpu.memory_space<vmem>>[vector<16xi32>, vector<16xi32>], vector<16xf32>,
        %parallel_loop3A_501 = arith.index_cast %parallel_loop3A_477 : i32 to index
        %parallel_loop3A_502 = arith.constant 48 : index
        %parallel_loop3A_503 = tpu.vector_load %arg8[%parallel_loop3A_501, %parallel_loop3A_502] {strides = array<i32>} : memref<32x1408xf32, #tpu.memory_space<vmem>>, vector<16xf32>,
        tpu.vector_store %arg8[%parallel_loop3A_501, %parallel_loop3A_502], %parallel_loop3A_500 {strides = array<i32>} : memref<32x1408xf32, #tpu.memory_space<vmem>>, vector<16xf32>,
        %parallel_loop3A_504 = vector.broadcast %parallel_loop3A_479 : i32 to vector<16xi32>
        %parallel_loop3A_505 = arith.addi %get3A_72, %parallel_loop3A_504 : vector<16xi32>
        %parallel_loop3A_506 = tpu.vector_load_idx %arg6[%broadcast_in_dim3A_1, %parallel_loop3A_505] : memref<32x128xf32, #tpu.memory_space<vmem>>[vector<16xi32>, vector<16xi32>], vector<16xf32>,
        %parallel_loop3A_507 = arith.index_cast %parallel_loop3A_477 : i32 to index
        %parallel_loop3A_508 = arith.constant 64 : index
        %parallel_loop3A_509 = tpu.vector_load %arg8[%parallel_loop3A_507, %parallel_loop3A_508] {strides = array<i32>} : memref<32x1408xf32, #tpu.memory_space<vmem>>, vector<16xf32>,
        tpu.vector_store %arg8[%parallel_loop3A_507, %parallel_loop3A_508], %parallel_loop3A_506 {strides = array<i32>} : memref<32x1408xf32, #tpu.memory_space<vmem>>, vector<16xf32>,
        %parallel_loop3A_510 = vector.broadcast %parallel_loop3A_479 : i32 to vector<16xi32>
        %parallel_loop3A_511 = arith.addi %get3A_74, %parallel_loop3A_510 : vector<16xi32>
        %parallel_loop3A_512 = tpu.vector_load_idx %arg6[%broadcast_in_dim3A_1, %parallel_loop3A_511] : memref<32x128xf32, #tpu.memory_space<vmem>>[vector<16xi32>, vector<16xi32>], vector<16xf32>,
        %parallel_loop3A_513 = arith.index_cast %parallel_loop3A_477 : i32 to index
        %parallel_loop3A_514 = arith.constant 80 : index
        %parallel_loop3A_515 = tpu.vector_load %arg8[%parallel_loop3A_513, %parallel_loop3A_514] {strides = array<i32>} : memref<32x1408xf32, #tpu.memory_space<vmem>>, vector<16xf32>,
        tpu.vector_store %arg8[%parallel_loop3A_513, %parallel_loop3A_514], %parallel_loop3A_512 {strides = array<i32>} : memref<32x1408xf32, #tpu.memory_space<vmem>>, vector<16xf32>,
        %parallel_loop3A_516 = vector.broadcast %parallel_loop3A_479 : i32 to vector<16xi32>
        %parallel_loop3A_517 = arith.addi %get3A_76, %parallel_loop3A_516 : vector<16xi32>
        %parallel_loop3A_518 = tpu.vector_load_idx %arg6[%broadcast_in_dim3A_1, %parallel_loop3A_517] : memref<32x128xf32, #tpu.memory_space<vmem>>[vector<16xi32>, vector<16xi32>], vector<16xf32>,
        %parallel_loop3A_519 = arith.index_cast %parallel_loop3A_477 : i32 to index
        %parallel_loop3A_520 = arith.constant 96 : index
        %parallel_loop3A_521 = tpu.vector_load %arg8[%parallel_loop3A_519, %parallel_loop3A_520] {strides = array<i32>} : memref<32x1408xf32, #tpu.memory_space<vmem>>, vector<16xf32>,
        tpu.vector_store %arg8[%parallel_loop3A_519, %parallel_loop3A_520], %parallel_loop3A_518 {strides = array<i32>} : memref<32x1408xf32, #tpu.memory_space<vmem>>, vector<16xf32>,
        %parallel_loop3A_522 = vector.broadcast %parallel_loop3A_479 : i32 to vector<16xi32>
        %parallel_loop3A_523 = arith.addi %get3A_78, %parallel_loop3A_522 : vector<16xi32>
        %parallel_loop3A_524 = tpu.vector_load_idx %arg6[%broadcast_in_dim3A_1, %parallel_loop3A_523] : memref<32x128xf32, #tpu.memory_space<vmem>>[vector<16xi32>, vector<16xi32>], vector<16xf32>,
        %parallel_loop3A_525 = arith.index_cast %parallel_loop3A_477 : i32 to index
        %parallel_loop3A_526 = arith.constant 112 : index
        %parallel_loop3A_527 = tpu.vector_load %arg8[%parallel_loop3A_525, %parallel_loop3A_526] {strides = array<i32>} : memref<32x1408xf32, #tpu.memory_space<vmem>>, vector<16xf32>,
        tpu.vector_store %arg8[%parallel_loop3A_525, %parallel_loop3A_526], %parallel_loop3A_524 {strides = array<i32>} : memref<32x1408xf32, #tpu.memory_space<vmem>>, vector<16xf32>,
        %parallel_loop3A_528 = vector.broadcast %parallel_loop3A_479 : i32 to vector<16xi32>
        %parallel_loop3A_529 = arith.addi %get3A_80, %parallel_loop3A_528 : vector<16xi32>
        %parallel_loop3A_530 = tpu.vector_load_idx %arg6[%broadcast_in_dim3A_1, %parallel_loop3A_529] : memref<32x128xf32, #tpu.memory_space<vmem>>[vector<16xi32>, vector<16xi32>], vector<16xf32>,
        %parallel_loop3A_531 = arith.index_cast %parallel_loop3A_477 : i32 to index
        %parallel_loop3A_532 = arith.constant 128 : index
        %parallel_loop3A_533 = tpu.vector_load %arg8[%parallel_loop3A_531, %parallel_loop3A_532] {strides = array<i32>} : memref<32x1408xf32, #tpu.memory_space<vmem>>, vector<16xf32>,
        tpu.vector_store %arg8[%parallel_loop3A_531, %parallel_loop3A_532], %parallel_loop3A_530 {strides = array<i32>} : memref<32x1408xf32, #tpu.memory_space<vmem>>, vector<16xf32>,
        %parallel_loop3A_534 = vector.broadcast %parallel_loop3A_479 : i32 to vector<16xi32>
        %parallel_loop3A_535 = arith.addi %get3A_82, %parallel_loop3A_534 : vector<16xi32>
        %parallel_loop3A_536 = tpu.vector_load_idx %arg6[%broadcast_in_dim3A_1, %parallel_loop3A_535] : memref<32x128xf32, #tpu.memory_space<vmem>>[vector<16xi32>, vector<16xi32>], vector<16xf32>,
        %parallel_loop3A_537 = arith.index_cast %parallel_loop3A_477 : i32 to index
        %parallel_loop3A_538 = arith.constant 144 : index
        %parallel_loop3A_539 = tpu.vector_load %arg8[%parallel_loop3A_537, %parallel_loop3A_538] {strides = array<i32>} : memref<32x1408xf32, #tpu.memory_space<vmem>>, vector<16xf32>,
        tpu.vector_store %arg8[%parallel_loop3A_537, %parallel_loop3A_538], %parallel_loop3A_536 {strides = array<i32>} : memref<32x1408xf32, #tpu.memory_space<vmem>>, vector<16xf32>,
        %parallel_loop3A_540 = vector.broadcast %parallel_loop3A_479 : i32 to vector<16xi32>
        %parallel_loop3A_541 = arith.addi %get3A_84, %parallel_loop3A_540 : vector<16xi32>
        %parallel_loop3A_542 = tpu.vector_load_idx %arg6[%broadcast_in_dim3A_1, %parallel_loop3A_541] : memref<32x128xf32, #tpu.memory_space<vmem>>[vector<16xi32>, vector<16xi32>], vector<16xf32>,
        %parallel_loop3A_543 = arith.index_cast %parallel_loop3A_477 : i32 to index
        %parallel_loop3A_544 = arith.constant 160 : index
        %parallel_loop3A_545 = tpu.vector_load %arg8[%parallel_loop3A_543, %parallel_loop3A_544] {strides = array<i32>} : memref<32x1408xf32, #tpu.memory_space<vmem>>, vector<16xf32>,
        tpu.vector_store %arg8[%parallel_loop3A_543, %parallel_loop3A_544], %parallel_loop3A_542 {strides = array<i32>} : memref<32x1408xf32, #tpu.memory_space<vmem>>, vector<16xf32>,
        %parallel_loop3A_546 = vector.broadcast %parallel_loop3A_479 : i32 to vector<16xi32>
        %parallel_loop3A_547 = arith.addi %get3A_86, %parallel_loop3A_546 : vector<16xi32>
        %parallel_loop3A_548 = tpu.vector_load_idx %arg6[%broadcast_in_dim3A_1, %parallel_loop3A_547] : memref<32x128xf32, #tpu.memory_space<vmem>>[vector<16xi32>, vector<16xi32>], vector<16xf32>,
        %parallel_loop3A_549 = arith.index_cast %parallel_loop3A_477 : i32 to index
        %parallel_loop3A_550 = arith.constant 176 : index
        %parallel_loop3A_551 = tpu.vector_load %arg8[%parallel_loop3A_549, %parallel_loop3A_550] {strides = array<i32>} : memref<32x1408xf32, #tpu.memory_space<vmem>>, vector<16xf32>,
        tpu.vector_store %arg8[%parallel_loop3A_549, %parallel_loop3A_550], %parallel_loop3A_548 {strides = array<i32>} : memref<32x1408xf32, #tpu.memory_space<vmem>>, vector<16xf32>,
        %parallel_loop3A_552 = vector.broadcast %parallel_loop3A_479 : i32 to vector<16xi32>
        %parallel_loop3A_553 = arith.addi %get3A_88, %parallel_loop3A_552 : vector<16xi32>
        %parallel_loop3A_554 = tpu.vector_load_idx %arg6[%broadcast_in_dim3A_1, %parallel_loop3A_553] : memref<32x128xf32, #tpu.memory_space<vmem>>[vector<16xi32>, vector<16xi32>], vector<16xf32>,
        %parallel_loop3A_555 = arith.index_cast %parallel_loop3A_477 : i32 to index
        %parallel_loop3A_556 = arith.constant 192 : index
        %parallel_loop3A_557 = tpu.vector_load %arg8[%parallel_loop3A_555, %parallel_loop3A_556] {strides = array<i32>} : memref<32x1408xf32, #tpu.memory_space<vmem>>, vector<16xf32>,
        tpu.vector_store %arg8[%parallel_loop3A_555, %parallel_loop3A_556], %parallel_loop3A_554 {strides = array<i32>} : memref<32x1408xf32, #tpu.memory_space<vmem>>, vector<16xf32>,
        %parallel_loop3A_558 = vector.broadcast %parallel_loop3A_479 : i32 to vector<16xi32>
        %parallel_loop3A_559 = arith.addi %get3A_90, %parallel_loop3A_558 : vector<16xi32>
        %parallel_loop3A_560 = tpu.vector_load_idx %arg6[%broadcast_in_dim3A_1, %parallel_loop3A_559] : memref<32x128xf32, #tpu.memory_space<vmem>>[vector<16xi32>, vector<16xi32>], vector<16xf32>,
        %parallel_loop3A_561 = arith.index_cast %parallel_loop3A_477 : i32 to index
        %parallel_loop3A_562 = arith.constant 208 : index
        %parallel_loop3A_563 = tpu.vector_load %arg8[%parallel_loop3A_561, %parallel_loop3A_562] {strides = array<i32>} : memref<32x1408xf32, #tpu.memory_space<vmem>>, vector<16xf32>,
        tpu.vector_store %arg8[%parallel_loop3A_561, %parallel_loop3A_562], %parallel_loop3A_560 {strides = array<i32>} : memref<32x1408xf32, #tpu.memory_space<vmem>>, vector<16xf32>,
        %parallel_loop3A_564 = vector.broadcast %parallel_loop3A_479 : i32 to vector<16xi32>
        %parallel_loop3A_565 = arith.addi %get3A_92, %parallel_loop3A_564 : vector<16xi32>
        %parallel_loop3A_566 = tpu.vector_load_idx %arg6[%broadcast_in_dim3A_1, %parallel_loop3A_565] : memref<32x128xf32, #tpu.memory_space<vmem>>[vector<16xi32>, vector<16xi32>], vector<16xf32>,
        %parallel_loop3A_567 = arith.index_cast %parallel_loop3A_477 : i32 to index
        %parallel_loop3A_568 = arith.constant 224 : index
        %parallel_loop3A_569 = tpu.vector_load %arg8[%parallel_loop3A_567, %parallel_loop3A_568] {strides = array<i32>} : memref<32x1408xf32, #tpu.memory_space<vmem>>, vector<16xf32>,
        tpu.vector_store %arg8[%parallel_loop3A_567, %parallel_loop3A_568], %parallel_loop3A_566 {strides = array<i32>} : memref<32x1408xf32, #tpu.memory_space<vmem>>, vector<16xf32>,
        %parallel_loop3A_570 = vector.broadcast %parallel_loop3A_479 : i32 to vector<16xi32>
        %parallel_loop3A_571 = arith.addi %get3A_94, %parallel_loop3A_570 : vector<16xi32>
        %parallel_loop3A_572 = tpu.vector_load_idx %arg6[%broadcast_in_dim3A_1, %parallel_loop3A_571] : memref<32x128xf32, #tpu.memory_space<vmem>>[vector<16xi32>, vector<16xi32>], vector<16xf32>,
        %parallel_loop3A_573 = arith.index_cast %parallel_loop3A_477 : i32 to index
        %parallel_loop3A_574 = arith.constant 240 : index
        %parallel_loop3A_575 = tpu.vector_load %arg8[%parallel_loop3A_573, %parallel_loop3A_574] {strides = array<i32>} : memref<32x1408xf32, #tpu.memory_space<vmem>>, vector<16xf32>,
        tpu.vector_store %arg8[%parallel_loop3A_573, %parallel_loop3A_574], %parallel_loop3A_572 {strides = array<i32>} : memref<32x1408xf32, #tpu.memory_space<vmem>>, vector<16xf32>,
        %parallel_loop3A_576 = vector.broadcast %parallel_loop3A_479 : i32 to vector<16xi32>
        %parallel_loop3A_577 = arith.addi %get3A_96, %parallel_loop3A_576 : vector<16xi32>
        %parallel_loop3A_578 = tpu.vector_load_idx %arg6[%broadcast_in_dim3A_1, %parallel_loop3A_577] : memref<32x128xf32, #tpu.memory_space<vmem>>[vector<16xi32>, vector<16xi32>], vector<16xf32>,
        %parallel_loop3A_579 = arith.index_cast %parallel_loop3A_477 : i32 to index
        %parallel_loop3A_580 = arith.constant 256 : index
        %parallel_loop3A_581 = tpu.vector_load %arg8[%parallel_loop3A_579, %parallel_loop3A_580] {strides = array<i32>} : memref<32x1408xf32, #tpu.memory_space<vmem>>, vector<16xf32>,
        tpu.vector_store %arg8[%parallel_loop3A_579, %parallel_loop3A_580], %parallel_loop3A_578 {strides = array<i32>} : memref<32x1408xf32, #tpu.memory_space<vmem>>, vector<16xf32>,
        %parallel_loop3A_582 = vector.broadcast %parallel_loop3A_479 : i32 to vector<16xi32>
        %parallel_loop3A_583 = arith.addi %get3A_98, %parallel_loop3A_582 : vector<16xi32>
        %parallel_loop3A_584 = tpu.vector_load_idx %arg6[%broadcast_in_dim3A_1, %parallel_loop3A_583] : memref<32x128xf32, #tpu.memory_space<vmem>>[vector<16xi32>, vector<16xi32>], vector<16xf32>,
        %parallel_loop3A_585 = arith.index_cast %parallel_loop3A_477 : i32 to index
        %parallel_loop3A_586 = arith.constant 272 : index
        %parallel_loop3A_587 = tpu.vector_load %arg8[%parallel_loop3A_585, %parallel_loop3A_586] {strides = array<i32>} : memref<32x1408xf32, #tpu.memory_space<vmem>>, vector<16xf32>,
        tpu.vector_store %arg8[%parallel_loop3A_585, %parallel_loop3A_586], %parallel_loop3A_584 {strides = array<i32>} : memref<32x1408xf32, #tpu.memory_space<vmem>>, vector<16xf32>,
        %parallel_loop3A_588 = vector.broadcast %parallel_loop3A_479 : i32 to vector<16xi32>
        %parallel_loop3A_589 = arith.addi %get3A_100, %parallel_loop3A_588 : vector<16xi32>
        %parallel_loop3A_590 = tpu.vector_load_idx %arg6[%broadcast_in_dim3A_1, %parallel_loop3A_589] : memref<32x128xf32, #tpu.memory_space<vmem>>[vector<16xi32>, vector<16xi32>], vector<16xf32>,
        %parallel_loop3A_591 = arith.index_cast %parallel_loop3A_477 : i32 to index
        %parallel_loop3A_592 = arith.constant 288 : index
        %parallel_loop3A_593 = tpu.vector_load %arg8[%parallel_loop3A_591, %parallel_loop3A_592] {strides = array<i32>} : memref<32x1408xf32, #tpu.memory_space<vmem>>, vector<16xf32>,
        tpu.vector_store %arg8[%parallel_loop3A_591, %parallel_loop3A_592], %parallel_loop3A_590 {strides = array<i32>} : memref<32x1408xf32, #tpu.memory_space<vmem>>, vector<16xf32>,
        %parallel_loop3A_594 = vector.broadcast %parallel_loop3A_479 : i32 to vector<16xi32>
        %parallel_loop3A_595 = arith.addi %get3A_102, %parallel_loop3A_594 : vector<16xi32>
        %parallel_loop3A_596 = tpu.vector_load_idx %arg6[%broadcast_in_dim3A_1, %parallel_loop3A_595] : memref<32x128xf32, #tpu.memory_space<vmem>>[vector<16xi32>, vector<16xi32>], vector<16xf32>,
        %parallel_loop3A_597 = arith.index_cast %parallel_loop3A_477 : i32 to index
        %parallel_loop3A_598 = arith.constant 304 : index
        %parallel_loop3A_599 = tpu.vector_load %arg8[%parallel_loop3A_597, %parallel_loop3A_598] {strides = array<i32>} : memref<32x1408xf32, #tpu.memory_space<vmem>>, vector<16xf32>,
        tpu.vector_store %arg8[%parallel_loop3A_597, %parallel_loop3A_598], %parallel_loop3A_596 {strides = array<i32>} : memref<32x1408xf32, #tpu.memory_space<vmem>>, vector<16xf32>,
        %parallel_loop3A_600 = vector.broadcast %parallel_loop3A_479 : i32 to vector<16xi32>
        %parallel_loop3A_601 = arith.addi %get3A_104, %parallel_loop3A_600 : vector<16xi32>
        %parallel_loop3A_602 = tpu.vector_load_idx %arg6[%broadcast_in_dim3A_1, %parallel_loop3A_601] : memref<32x128xf32, #tpu.memory_space<vmem>>[vector<16xi32>, vector<16xi32>], vector<16xf32>,
        %parallel_loop3A_603 = arith.index_cast %parallel_loop3A_477 : i32 to index
        %parallel_loop3A_604 = arith.constant 320 : index
        %parallel_loop3A_605 = tpu.vector_load %arg8[%parallel_loop3A_603, %parallel_loop3A_604] {strides = array<i32>} : memref<32x1408xf32, #tpu.memory_space<vmem>>, vector<16xf32>,
        tpu.vector_store %arg8[%parallel_loop3A_603, %parallel_loop3A_604], %parallel_loop3A_602 {strides = array<i32>} : memref<32x1408xf32, #tpu.memory_space<vmem>>, vector<16xf32>,
        %parallel_loop3A_606 = vector.broadcast %parallel_loop3A_479 : i32 to vector<16xi32>
        %parallel_loop3A_607 = arith.addi %get3A_106, %parallel_loop3A_606 : vector<16xi32>
        %parallel_loop3A_608 = tpu.vector_load_idx %arg6[%broadcast_in_dim3A_1, %parallel_loop3A_607] : memref<32x128xf32, #tpu.memory_space<vmem>>[vector<16xi32>, vector<16xi32>], vector<16xf32>,
        %parallel_loop3A_609 = arith.index_cast %parallel_loop3A_477 : i32 to index
        %parallel_loop3A_610 = arith.constant 336 : index
        %parallel_loop3A_611 = tpu.vector_load %arg8[%parallel_loop3A_609, %parallel_loop3A_610] {strides = array<i32>} : memref<32x1408xf32, #tpu.memory_space<vmem>>, vector<16xf32>,
        tpu.vector_store %arg8[%parallel_loop3A_609, %parallel_loop3A_610], %parallel_loop3A_608 {strides = array<i32>} : memref<32x1408xf32, #tpu.memory_space<vmem>>, vector<16xf32>,
        %parallel_loop3A_612 = vector.broadcast %parallel_loop3A_479 : i32 to vector<16xi32>
        %parallel_loop3A_613 = arith.addi %get3A_108, %parallel_loop3A_612 : vector<16xi32>
        %parallel_loop3A_614 = tpu.vector_load_idx %arg6[%broadcast_in_dim3A_1, %parallel_loop3A_613] : memref<32x128xf32, #tpu.memory_space<vmem>>[vector<16xi32>, vector<16xi32>], vector<16xf32>,
        %parallel_loop3A_615 = arith.index_cast %parallel_loop3A_477 : i32 to index
        %parallel_loop3A_616 = arith.constant 352 : index
        %parallel_loop3A_617 = tpu.vector_load %arg8[%parallel_loop3A_615, %parallel_loop3A_616] {strides = array<i32>} : memref<32x1408xf32, #tpu.memory_space<vmem>>, vector<16xf32>,
        tpu.vector_store %arg8[%parallel_loop3A_615, %parallel_loop3A_616], %parallel_loop3A_614 {strides = array<i32>} : memref<32x1408xf32, #tpu.memory_space<vmem>>, vector<16xf32>,
        %parallel_loop3A_618 = vector.broadcast %parallel_loop3A_479 : i32 to vector<16xi32>
        %parallel_loop3A_619 = arith.addi %get3A_110, %parallel_loop3A_618 : vector<16xi32>
        %parallel_loop3A_620 = tpu.vector_load_idx %arg6[%broadcast_in_dim3A_1, %parallel_loop3A_619] : memref<32x128xf32, #tpu.memory_space<vmem>>[vector<16xi32>, vector<16xi32>], vector<16xf32>,
        %parallel_loop3A_621 = arith.index_cast %parallel_loop3A_477 : i32 to index
        %parallel_loop3A_622 = arith.constant 368 : index
        %parallel_loop3A_623 = tpu.vector_load %arg8[%parallel_loop3A_621, %parallel_loop3A_622] {strides = array<i32>} : memref<32x1408xf32, #tpu.memory_space<vmem>>, vector<16xf32>,
        tpu.vector_store %arg8[%parallel_loop3A_621, %parallel_loop3A_622], %parallel_loop3A_620 {strides = array<i32>} : memref<32x1408xf32, #tpu.memory_space<vmem>>, vector<16xf32>,
        %parallel_loop3A_624 = vector.broadcast %parallel_loop3A_479 : i32 to vector<16xi32>
        %parallel_loop3A_625 = arith.addi %get3A_112, %parallel_loop3A_624 : vector<16xi32>
        %parallel_loop3A_626 = tpu.vector_load_idx %arg6[%broadcast_in_dim3A_1, %parallel_loop3A_625] : memref<32x128xf32, #tpu.memory_space<vmem>>[vector<16xi32>, vector<16xi32>], vector<16xf32>,
        %parallel_loop3A_627 = arith.index_cast %parallel_loop3A_477 : i32 to index
        %parallel_loop3A_628 = arith.constant 384 : index
        %parallel_loop3A_629 = tpu.vector_load %arg8[%parallel_loop3A_627, %parallel_loop3A_628] {strides = array<i32>} : memref<32x1408xf32, #tpu.memory_space<vmem>>, vector<16xf32>,
        tpu.vector_store %arg8[%parallel_loop3A_627, %parallel_loop3A_628], %parallel_loop3A_626 {strides = array<i32>} : memref<32x1408xf32, #tpu.memory_space<vmem>>, vector<16xf32>,
        %parallel_loop3A_630 = vector.broadcast %parallel_loop3A_479 : i32 to vector<16xi32>
        %parallel_loop3A_631 = arith.addi %get3A_114, %parallel_loop3A_630 : vector<16xi32>
        %parallel_loop3A_632 = tpu.vector_load_idx %arg6[%broadcast_in_dim3A_1, %parallel_loop3A_631] : memref<32x128xf32, #tpu.memory_space<vmem>>[vector<16xi32>, vector<16xi32>], vector<16xf32>,
        %parallel_loop3A_633 = arith.index_cast %parallel_loop3A_477 : i32 to index
        %parallel_loop3A_634 = arith.constant 400 : index
        %parallel_loop3A_635 = tpu.vector_load %arg8[%parallel_loop3A_633, %parallel_loop3A_634] {strides = array<i32>} : memref<32x1408xf32, #tpu.memory_space<vmem>>, vector<16xf32>,
        tpu.vector_store %arg8[%parallel_loop3A_633, %parallel_loop3A_634], %parallel_loop3A_632 {strides = array<i32>} : memref<32x1408xf32, #tpu.memory_space<vmem>>, vector<16xf32>,
        %parallel_loop3A_636 = vector.broadcast %parallel_loop3A_479 : i32 to vector<16xi32>
        %parallel_loop3A_637 = arith.addi %get3A_116, %parallel_loop3A_636 : vector<16xi32>
        %parallel_loop3A_638 = tpu.vector_load_idx %arg6[%broadcast_in_dim3A_1, %parallel_loop3A_637] : memref<32x128xf32, #tpu.memory_space<vmem>>[vector<16xi32>, vector<16xi32>], vector<16xf32>,
        %parallel_loop3A_639 = arith.index_cast %parallel_loop3A_477 : i32 to index
        %parallel_loop3A_640 = arith.constant 416 : index
        %parallel_loop3A_641 = tpu.vector_load %arg8[%parallel_loop3A_639, %parallel_loop3A_640] {strides = array<i32>} : memref<32x1408xf32, #tpu.memory_space<vmem>>, vector<16xf32>,
        tpu.vector_store %arg8[%parallel_loop3A_639, %parallel_loop3A_640], %parallel_loop3A_638 {strides = array<i32>} : memref<32x1408xf32, #tpu.memory_space<vmem>>, vector<16xf32>,
        %parallel_loop3A_642 = vector.broadcast %parallel_loop3A_479 : i32 to vector<16xi32>
        %parallel_loop3A_643 = arith.addi %get3A_118, %parallel_loop3A_642 : vector<16xi32>
        %parallel_loop3A_644 = tpu.vector_load_idx %arg6[%broadcast_in_dim3A_1, %parallel_loop3A_643] : memref<32x128xf32, #tpu.memory_space<vmem>>[vector<16xi32>, vector<16xi32>], vector<16xf32>,
        %parallel_loop3A_645 = arith.index_cast %parallel_loop3A_477 : i32 to index
        %parallel_loop3A_646 = arith.constant 432 : index
        %parallel_loop3A_647 = tpu.vector_load %arg8[%parallel_loop3A_645, %parallel_loop3A_646] {strides = array<i32>} : memref<32x1408xf32, #tpu.memory_space<vmem>>, vector<16xf32>,
        tpu.vector_store %arg8[%parallel_loop3A_645, %parallel_loop3A_646], %parallel_loop3A_644 {strides = array<i32>} : memref<32x1408xf32, #tpu.memory_space<vmem>>, vector<16xf32>,
        %parallel_loop3A_648 = vector.broadcast %parallel_loop3A_479 : i32 to vector<16xi32>
        %parallel_loop3A_649 = arith.addi %get3A_120, %parallel_loop3A_648 : vector<16xi32>
        %parallel_loop3A_650 = tpu.vector_load_idx %arg6[%broadcast_in_dim3A_1, %parallel_loop3A_649] : memref<32x128xf32, #tpu.memory_space<vmem>>[vector<16xi32>, vector<16xi32>], vector<16xf32>,
        %parallel_loop3A_651 = arith.index_cast %parallel_loop3A_477 : i32 to index
        %parallel_loop3A_652 = arith.constant 448 : index
        %parallel_loop3A_653 = tpu.vector_load %arg8[%parallel_loop3A_651, %parallel_loop3A_652] {strides = array<i32>} : memref<32x1408xf32, #tpu.memory_space<vmem>>, vector<16xf32>,
        tpu.vector_store %arg8[%parallel_loop3A_651, %parallel_loop3A_652], %parallel_loop3A_650 {strides = array<i32>} : memref<32x1408xf32, #tpu.memory_space<vmem>>, vector<16xf32>,
        %parallel_loop3A_654 = vector.broadcast %parallel_loop3A_479 : i32 to vector<16xi32>
        %parallel_loop3A_655 = arith.addi %get3A_122, %parallel_loop3A_654 : vector<16xi32>
        %parallel_loop3A_656 = tpu.vector_load_idx %arg6[%broadcast_in_dim3A_1, %parallel_loop3A_655] : memref<32x128xf32, #tpu.memory_space<vmem>>[vector<16xi32>, vector<16xi32>], vector<16xf32>,
        %parallel_loop3A_657 = arith.index_cast %parallel_loop3A_477 : i32 to index
        %parallel_loop3A_658 = arith.constant 464 : index
        %parallel_loop3A_659 = tpu.vector_load %arg8[%parallel_loop3A_657, %parallel_loop3A_658] {strides = array<i32>} : memref<32x1408xf32, #tpu.memory_space<vmem>>, vector<16xf32>,
        tpu.vector_store %arg8[%parallel_loop3A_657, %parallel_loop3A_658], %parallel_loop3A_656 {strides = array<i32>} : memref<32x1408xf32, #tpu.memory_space<vmem>>, vector<16xf32>,
        %parallel_loop3A_660 = vector.broadcast %parallel_loop3A_479 : i32 to vector<16xi32>
        %parallel_loop3A_661 = arith.addi %get3A_124, %parallel_loop3A_660 : vector<16xi32>
        %parallel_loop3A_662 = tpu.vector_load_idx %arg6[%broadcast_in_dim3A_1, %parallel_loop3A_661] : memref<32x128xf32, #tpu.memory_space<vmem>>[vector<16xi32>, vector<16xi32>], vector<16xf32>,
        %parallel_loop3A_663 = arith.index_cast %parallel_loop3A_477 : i32 to index
        %parallel_loop3A_664 = arith.constant 480 : index
        %parallel_loop3A_665 = tpu.vector_load %arg8[%parallel_loop3A_663, %parallel_loop3A_664] {strides = array<i32>} : memref<32x1408xf32, #tpu.memory_space<vmem>>, vector<16xf32>,
        tpu.vector_store %arg8[%parallel_loop3A_663, %parallel_loop3A_664], %parallel_loop3A_662 {strides = array<i32>} : memref<32x1408xf32, #tpu.memory_space<vmem>>, vector<16xf32>,
        %parallel_loop3A_666 = vector.broadcast %parallel_loop3A_479 : i32 to vector<16xi32>
        %parallel_loop3A_667 = arith.addi %get3A_126, %parallel_loop3A_666 : vector<16xi32>
        %parallel_loop3A_668 = tpu.vector_load_idx %arg6[%broadcast_in_dim3A_1, %parallel_loop3A_667] : memref<32x128xf32, #tpu.memory_space<vmem>>[vector<16xi32>, vector<16xi32>], vector<16xf32>,
        %parallel_loop3A_669 = arith.index_cast %parallel_loop3A_477 : i32 to index
        %parallel_loop3A_670 = arith.constant 496 : index
        %parallel_loop3A_671 = tpu.vector_load %arg8[%parallel_loop3A_669, %parallel_loop3A_670] {strides = array<i32>} : memref<32x1408xf32, #tpu.memory_space<vmem>>, vector<16xf32>,
        tpu.vector_store %arg8[%parallel_loop3A_669, %parallel_loop3A_670], %parallel_loop3A_668 {strides = array<i32>} : memref<32x1408xf32, #tpu.memory_space<vmem>>, vector<16xf32>,
      } {sc.loop_unroll_factor = 1 : i64, sc.parallel_access}
      %get3A_129 = arith.constant 512 : index
      %get3A_130 = tpu.vector_load %arg5[%get3A_129] {strides = array<i32>} : memref<1408xi32, #tpu.memory_space<vmem>>, vector<16xi32>,
      %get3A_131 = arith.constant 528 : index
      %get3A_132 = tpu.vector_load %arg5[%get3A_131] {strides = array<i32>} : memref<1408xi32, #tpu.memory_space<vmem>>, vector<16xi32>,
      %get3A_133 = arith.constant 544 : index
      %get3A_134 = tpu.vector_load %arg5[%get3A_133] {strides = array<i32>} : memref<1408xi32, #tpu.memory_space<vmem>>, vector<16xi32>,
      %get3A_135 = arith.constant 560 : index
      %get3A_136 = tpu.vector_load %arg5[%get3A_135] {strides = array<i32>} : memref<1408xi32, #tpu.memory_space<vmem>>, vector<16xi32>,
      %get3A_137 = arith.constant 576 : index
      %get3A_138 = tpu.vector_load %arg5[%get3A_137] {strides = array<i32>} : memref<1408xi32, #tpu.memory_space<vmem>>, vector<16xi32>,
      %get3A_139 = arith.constant 592 : index
      %get3A_140 = tpu.vector_load %arg5[%get3A_139] {strides = array<i32>} : memref<1408xi32, #tpu.memory_space<vmem>>, vector<16xi32>,
      %get3A_141 = arith.constant 608 : index
      %get3A_142 = tpu.vector_load %arg5[%get3A_141] {strides = array<i32>} : memref<1408xi32, #tpu.memory_space<vmem>>, vector<16xi32>,
      %get3A_143 = arith.constant 624 : index
      %get3A_144 = tpu.vector_load %arg5[%get3A_143] {strides = array<i32>} : memref<1408xi32, #tpu.memory_space<vmem>>, vector<16xi32>,
      %get3A_145 = arith.constant 640 : index
      %get3A_146 = tpu.vector_load %arg5[%get3A_145] {strides = array<i32>} : memref<1408xi32, #tpu.memory_space<vmem>>, vector<16xi32>,
      %get3A_147 = arith.constant 656 : index
      %get3A_148 = tpu.vector_load %arg5[%get3A_147] {strides = array<i32>} : memref<1408xi32, #tpu.memory_space<vmem>>, vector<16xi32>,
      %get3A_149 = arith.constant 672 : index
      %get3A_150 = tpu.vector_load %arg5[%get3A_149] {strides = array<i32>} : memref<1408xi32, #tpu.memory_space<vmem>>, vector<16xi32>,
      %get3A_151 = arith.constant 688 : index
      %get3A_152 = tpu.vector_load %arg5[%get3A_151] {strides = array<i32>} : memref<1408xi32, #tpu.memory_space<vmem>>, vector<16xi32>,
      %get3A_153 = arith.constant 704 : index
      %get3A_154 = tpu.vector_load %arg5[%get3A_153] {strides = array<i32>} : memref<1408xi32, #tpu.memory_space<vmem>>, vector<16xi32>,
      %get3A_155 = arith.constant 720 : index
      %get3A_156 = tpu.vector_load %arg5[%get3A_155] {strides = array<i32>} : memref<1408xi32, #tpu.memory_space<vmem>>, vector<16xi32>,
      %get3A_157 = arith.constant 736 : index
      %get3A_158 = tpu.vector_load %arg5[%get3A_157] {strides = array<i32>} : memref<1408xi32, #tpu.memory_space<vmem>>, vector<16xi32>,
      %get3A_159 = arith.constant 752 : index
      %get3A_160 = tpu.vector_load %arg5[%get3A_159] {strides = array<i32>} : memref<1408xi32, #tpu.memory_space<vmem>>, vector<16xi32>,
      %get3A_161 = arith.constant 768 : index
      %get3A_162 = tpu.vector_load %arg5[%get3A_161] {strides = array<i32>} : memref<1408xi32, #tpu.memory_space<vmem>>, vector<16xi32>,
      %get3A_163 = arith.constant 784 : index
      %get3A_164 = tpu.vector_load %arg5[%get3A_163] {strides = array<i32>} : memref<1408xi32, #tpu.memory_space<vmem>>, vector<16xi32>,
      %get3A_165 = arith.constant 800 : index
      %get3A_166 = tpu.vector_load %arg5[%get3A_165] {strides = array<i32>} : memref<1408xi32, #tpu.memory_space<vmem>>, vector<16xi32>,
      %get3A_167 = arith.constant 816 : index
      %get3A_168 = tpu.vector_load %arg5[%get3A_167] {strides = array<i32>} : memref<1408xi32, #tpu.memory_space<vmem>>, vector<16xi32>,
      %get3A_169 = arith.constant 832 : index
      %get3A_170 = tpu.vector_load %arg5[%get3A_169] {strides = array<i32>} : memref<1408xi32, #tpu.memory_space<vmem>>, vector<16xi32>,
      %get3A_171 = arith.constant 848 : index
      %get3A_172 = tpu.vector_load %arg5[%get3A_171] {strides = array<i32>} : memref<1408xi32, #tpu.memory_space<vmem>>, vector<16xi32>,
      %get3A_173 = arith.constant 864 : index
      %get3A_174 = tpu.vector_load %arg5[%get3A_173] {strides = array<i32>} : memref<1408xi32, #tpu.memory_space<vmem>>, vector<16xi32>,
      %get3A_175 = arith.constant 880 : index
      %get3A_176 = tpu.vector_load %arg5[%get3A_175] {strides = array<i32>} : memref<1408xi32, #tpu.memory_space<vmem>>, vector<16xi32>,
      %get3A_177 = arith.constant 896 : index
      %get3A_178 = tpu.vector_load %arg5[%get3A_177] {strides = array<i32>} : memref<1408xi32, #tpu.memory_space<vmem>>, vector<16xi32>,
      %get3A_179 = arith.constant 912 : index
      %get3A_180 = tpu.vector_load %arg5[%get3A_179] {strides = array<i32>} : memref<1408xi32, #tpu.memory_space<vmem>>, vector<16xi32>,
      %get3A_181 = arith.constant 928 : index
      %get3A_182 = tpu.vector_load %arg5[%get3A_181] {strides = array<i32>} : memref<1408xi32, #tpu.memory_space<vmem>>, vector<16xi32>,
      %get3A_183 = arith.constant 944 : index
      %get3A_184 = tpu.vector_load %arg5[%get3A_183] {strides = array<i32>} : memref<1408xi32, #tpu.memory_space<vmem>>, vector<16xi32>,
      %get3A_185 = arith.constant 960 : index
      %get3A_186 = tpu.vector_load %arg5[%get3A_185] {strides = array<i32>} : memref<1408xi32, #tpu.memory_space<vmem>>, vector<16xi32>,
      %get3A_187 = arith.constant 976 : index
      %get3A_188 = tpu.vector_load %arg5[%get3A_187] {strides = array<i32>} : memref<1408xi32, #tpu.memory_space<vmem>>, vector<16xi32>,
      %get3A_189 = arith.constant 992 : index
      %get3A_190 = tpu.vector_load %arg5[%get3A_189] {strides = array<i32>} : memref<1408xi32, #tpu.memory_space<vmem>>, vector<16xi32>,
      %get3A_191 = arith.constant 1008 : index
      %get3A_192 = tpu.vector_load %arg5[%get3A_191] {strides = array<i32>} : memref<1408xi32, #tpu.memory_space<vmem>>, vector<16xi32>,
      %parallel_loop3A_193 = arith.constant 0 : i32
      %parallel_loop3A_194 = arith.constant 32 : i32
      %parallel_loop3A_195 = arith.constant 1 : i32
      scf.for %parallel_loop3A_477 = %parallel_loop3A_193 to %parallel_loop3A_194 step %parallel_loop3A_195  : i32 {
        %parallel_loop3A_478 = arith.constant 128 : i32
        %parallel_loop3A_479 = arith.muli %parallel_loop3A_477, %parallel_loop3A_478 : i32
        %parallel_loop3A_480 = vector.broadcast %parallel_loop3A_479 : i32 to vector<16xi32>
        %parallel_loop3A_481 = arith.addi %get3A_130, %parallel_loop3A_480 : vector<16xi32>
        %parallel_loop3A_482 = tpu.vector_load_idx %arg6[%broadcast_in_dim3A_1, %parallel_loop3A_481] : memref<32x128xf32, #tpu.memory_space<vmem>>[vector<16xi32>, vector<16xi32>], vector<16xf32>,
        %parallel_loop3A_483 = arith.index_cast %parallel_loop3A_477 : i32 to index
        %parallel_loop3A_484 = arith.constant 512 : index
        %parallel_loop3A_485 = tpu.vector_load %arg8[%parallel_loop3A_483, %parallel_loop3A_484] {strides = array<i32>} : memref<32x1408xf32, #tpu.memory_space<vmem>>, vector<16xf32>,
        tpu.vector_store %arg8[%parallel_loop3A_483, %parallel_loop3A_484], %parallel_loop3A_482 {strides = array<i32>} : memref<32x1408xf32, #tpu.memory_space<vmem>>, vector<16xf32>,
        %parallel_loop3A_486 = vector.broadcast %parallel_loop3A_479 : i32 to vector<16xi32>
        %parallel_loop3A_487 = arith.addi %get3A_132, %parallel_loop3A_486 : vector<16xi32>
        %parallel_loop3A_488 = tpu.vector_load_idx %arg6[%broadcast_in_dim3A_1, %parallel_loop3A_487] : memref<32x128xf32, #tpu.memory_space<vmem>>[vector<16xi32>, vector<16xi32>], vector<16xf32>,
        %parallel_loop3A_489 = arith.index_cast %parallel_loop3A_477 : i32 to index
        %parallel_loop3A_490 = arith.constant 528 : index
        %parallel_loop3A_491 = tpu.vector_load %arg8[%parallel_loop3A_489, %parallel_loop3A_490] {strides = array<i32>} : memref<32x1408xf32, #tpu.memory_space<vmem>>, vector<16xf32>,
        tpu.vector_store %arg8[%parallel_loop3A_489, %parallel_loop3A_490], %parallel_loop3A_488 {strides = array<i32>} : memref<32x1408xf32, #tpu.memory_space<vmem>>, vector<16xf32>,
        %parallel_loop3A_492 = vector.broadcast %parallel_loop3A_479 : i32 to vector<16xi32>
        %parallel_loop3A_493 = arith.addi %get3A_134, %parallel_loop3A_492 : vector<16xi32>
        %parallel_loop3A_494 = tpu.vector_load_idx %arg6[%broadcast_in_dim3A_1, %parallel_loop3A_493] : memref<32x128xf32, #tpu.memory_space<vmem>>[vector<16xi32>, vector<16xi32>], vector<16xf32>,
        %parallel_loop3A_495 = arith.index_cast %parallel_loop3A_477 : i32 to index
        %parallel_loop3A_496 = arith.constant 544 : index
        %parallel_loop3A_497 = tpu.vector_load %arg8[%parallel_loop3A_495, %parallel_loop3A_496] {strides = array<i32>} : memref<32x1408xf32, #tpu.memory_space<vmem>>, vector<16xf32>,
        tpu.vector_store %arg8[%parallel_loop3A_495, %parallel_loop3A_496], %parallel_loop3A_494 {strides = array<i32>} : memref<32x1408xf32, #tpu.memory_space<vmem>>, vector<16xf32>,
        %parallel_loop3A_498 = vector.broadcast %parallel_loop3A_479 : i32 to vector<16xi32>
        %parallel_loop3A_499 = arith.addi %get3A_136, %parallel_loop3A_498 : vector<16xi32>
        %parallel_loop3A_500 = tpu.vector_load_idx %arg6[%broadcast_in_dim3A_1, %parallel_loop3A_499] : memref<32x128xf32, #tpu.memory_space<vmem>>[vector<16xi32>, vector<16xi32>], vector<16xf32>,
        %parallel_loop3A_501 = arith.index_cast %parallel_loop3A_477 : i32 to index
        %parallel_loop3A_502 = arith.constant 560 : index
        %parallel_loop3A_503 = tpu.vector_load %arg8[%parallel_loop3A_501, %parallel_loop3A_502] {strides = array<i32>} : memref<32x1408xf32, #tpu.memory_space<vmem>>, vector<16xf32>,
        tpu.vector_store %arg8[%parallel_loop3A_501, %parallel_loop3A_502], %parallel_loop3A_500 {strides = array<i32>} : memref<32x1408xf32, #tpu.memory_space<vmem>>, vector<16xf32>,
        %parallel_loop3A_504 = vector.broadcast %parallel_loop3A_479 : i32 to vector<16xi32>
        %parallel_loop3A_505 = arith.addi %get3A_138, %parallel_loop3A_504 : vector<16xi32>
        %parallel_loop3A_506 = tpu.vector_load_idx %arg6[%broadcast_in_dim3A_1, %parallel_loop3A_505] : memref<32x128xf32, #tpu.memory_space<vmem>>[vector<16xi32>, vector<16xi32>], vector<16xf32>,
        %parallel_loop3A_507 = arith.index_cast %parallel_loop3A_477 : i32 to index
        %parallel_loop3A_508 = arith.constant 576 : index
        %parallel_loop3A_509 = tpu.vector_load %arg8[%parallel_loop3A_507, %parallel_loop3A_508] {strides = array<i32>} : memref<32x1408xf32, #tpu.memory_space<vmem>>, vector<16xf32>,
        tpu.vector_store %arg8[%parallel_loop3A_507, %parallel_loop3A_508], %parallel_loop3A_506 {strides = array<i32>} : memref<32x1408xf32, #tpu.memory_space<vmem>>, vector<16xf32>,
        %parallel_loop3A_510 = vector.broadcast %parallel_loop3A_479 : i32 to vector<16xi32>
        %parallel_loop3A_511 = arith.addi %get3A_140, %parallel_loop3A_510 : vector<16xi32>
        %parallel_loop3A_512 = tpu.vector_load_idx %arg6[%broadcast_in_dim3A_1, %parallel_loop3A_511] : memref<32x128xf32, #tpu.memory_space<vmem>>[vector<16xi32>, vector<16xi32>], vector<16xf32>,
        %parallel_loop3A_513 = arith.index_cast %parallel_loop3A_477 : i32 to index
        %parallel_loop3A_514 = arith.constant 592 : index
        %parallel_loop3A_515 = tpu.vector_load %arg8[%parallel_loop3A_513, %parallel_loop3A_514] {strides = array<i32>} : memref<32x1408xf32, #tpu.memory_space<vmem>>, vector<16xf32>,
        tpu.vector_store %arg8[%parallel_loop3A_513, %parallel_loop3A_514], %parallel_loop3A_512 {strides = array<i32>} : memref<32x1408xf32, #tpu.memory_space<vmem>>, vector<16xf32>,
        %parallel_loop3A_516 = vector.broadcast %parallel_loop3A_479 : i32 to vector<16xi32>
        %parallel_loop3A_517 = arith.addi %get3A_142, %parallel_loop3A_516 : vector<16xi32>
        %parallel_loop3A_518 = tpu.vector_load_idx %arg6[%broadcast_in_dim3A_1, %parallel_loop3A_517] : memref<32x128xf32, #tpu.memory_space<vmem>>[vector<16xi32>, vector<16xi32>], vector<16xf32>,
        %parallel_loop3A_519 = arith.index_cast %parallel_loop3A_477 : i32 to index
        %parallel_loop3A_520 = arith.constant 608 : index
        %parallel_loop3A_521 = tpu.vector_load %arg8[%parallel_loop3A_519, %parallel_loop3A_520] {strides = array<i32>} : memref<32x1408xf32, #tpu.memory_space<vmem>>, vector<16xf32>,
        tpu.vector_store %arg8[%parallel_loop3A_519, %parallel_loop3A_520], %parallel_loop3A_518 {strides = array<i32>} : memref<32x1408xf32, #tpu.memory_space<vmem>>, vector<16xf32>,
        %parallel_loop3A_522 = vector.broadcast %parallel_loop3A_479 : i32 to vector<16xi32>
        %parallel_loop3A_523 = arith.addi %get3A_144, %parallel_loop3A_522 : vector<16xi32>
        %parallel_loop3A_524 = tpu.vector_load_idx %arg6[%broadcast_in_dim3A_1, %parallel_loop3A_523] : memref<32x128xf32, #tpu.memory_space<vmem>>[vector<16xi32>, vector<16xi32>], vector<16xf32>,
        %parallel_loop3A_525 = arith.index_cast %parallel_loop3A_477 : i32 to index
        %parallel_loop3A_526 = arith.constant 624 : index
        %parallel_loop3A_527 = tpu.vector_load %arg8[%parallel_loop3A_525, %parallel_loop3A_526] {strides = array<i32>} : memref<32x1408xf32, #tpu.memory_space<vmem>>, vector<16xf32>,
        tpu.vector_store %arg8[%parallel_loop3A_525, %parallel_loop3A_526], %parallel_loop3A_524 {strides = array<i32>} : memref<32x1408xf32, #tpu.memory_space<vmem>>, vector<16xf32>,
        %parallel_loop3A_528 = vector.broadcast %parallel_loop3A_479 : i32 to vector<16xi32>
        %parallel_loop3A_529 = arith.addi %get3A_146, %parallel_loop3A_528 : vector<16xi32>
        %parallel_loop3A_530 = tpu.vector_load_idx %arg6[%broadcast_in_dim3A_1, %parallel_loop3A_529] : memref<32x128xf32, #tpu.memory_space<vmem>>[vector<16xi32>, vector<16xi32>], vector<16xf32>,
        %parallel_loop3A_531 = arith.index_cast %parallel_loop3A_477 : i32 to index
        %parallel_loop3A_532 = arith.constant 640 : index
        %parallel_loop3A_533 = tpu.vector_load %arg8[%parallel_loop3A_531, %parallel_loop3A_532] {strides = array<i32>} : memref<32x1408xf32, #tpu.memory_space<vmem>>, vector<16xf32>,
        tpu.vector_store %arg8[%parallel_loop3A_531, %parallel_loop3A_532], %parallel_loop3A_530 {strides = array<i32>} : memref<32x1408xf32, #tpu.memory_space<vmem>>, vector<16xf32>,
        %parallel_loop3A_534 = vector.broadcast %parallel_loop3A_479 : i32 to vector<16xi32>
        %parallel_loop3A_535 = arith.addi %get3A_148, %parallel_loop3A_534 : vector<16xi32>
        %parallel_loop3A_536 = tpu.vector_load_idx %arg6[%broadcast_in_dim3A_1, %parallel_loop3A_535] : memref<32x128xf32, #tpu.memory_space<vmem>>[vector<16xi32>, vector<16xi32>], vector<16xf32>,
        %parallel_loop3A_537 = arith.index_cast %parallel_loop3A_477 : i32 to index
        %parallel_loop3A_538 = arith.constant 656 : index
        %parallel_loop3A_539 = tpu.vector_load %arg8[%parallel_loop3A_537, %parallel_loop3A_538] {strides = array<i32>} : memref<32x1408xf32, #tpu.memory_space<vmem>>, vector<16xf32>,
        tpu.vector_store %arg8[%parallel_loop3A_537, %parallel_loop3A_538], %parallel_loop3A_536 {strides = array<i32>} : memref<32x1408xf32, #tpu.memory_space<vmem>>, vector<16xf32>,
        %parallel_loop3A_540 = vector.broadcast %parallel_loop3A_479 : i32 to vector<16xi32>
        %parallel_loop3A_541 = arith.addi %get3A_150, %parallel_loop3A_540 : vector<16xi32>
        %parallel_loop3A_542 = tpu.vector_load_idx %arg6[%broadcast_in_dim3A_1, %parallel_loop3A_541] : memref<32x128xf32, #tpu.memory_space<vmem>>[vector<16xi32>, vector<16xi32>], vector<16xf32>,
        %parallel_loop3A_543 = arith.index_cast %parallel_loop3A_477 : i32 to index
        %parallel_loop3A_544 = arith.constant 672 : index
        %parallel_loop3A_545 = tpu.vector_load %arg8[%parallel_loop3A_543, %parallel_loop3A_544] {strides = array<i32>} : memref<32x1408xf32, #tpu.memory_space<vmem>>, vector<16xf32>,
        tpu.vector_store %arg8[%parallel_loop3A_543, %parallel_loop3A_544], %parallel_loop3A_542 {strides = array<i32>} : memref<32x1408xf32, #tpu.memory_space<vmem>>, vector<16xf32>,
        %parallel_loop3A_546 = vector.broadcast %parallel_loop3A_479 : i32 to vector<16xi32>
        %parallel_loop3A_547 = arith.addi %get3A_152, %parallel_loop3A_546 : vector<16xi32>
        %parallel_loop3A_548 = tpu.vector_load_idx %arg6[%broadcast_in_dim3A_1, %parallel_loop3A_547] : memref<32x128xf32, #tpu.memory_space<vmem>>[vector<16xi32>, vector<16xi32>], vector<16xf32>,
        %parallel_loop3A_549 = arith.index_cast %parallel_loop3A_477 : i32 to index
        %parallel_loop3A_550 = arith.constant 688 : index
        %parallel_loop3A_551 = tpu.vector_load %arg8[%parallel_loop3A_549, %parallel_loop3A_550] {strides = array<i32>} : memref<32x1408xf32, #tpu.memory_space<vmem>>, vector<16xf32>,
        tpu.vector_store %arg8[%parallel_loop3A_549, %parallel_loop3A_550], %parallel_loop3A_548 {strides = array<i32>} : memref<32x1408xf32, #tpu.memory_space<vmem>>, vector<16xf32>,
        %parallel_loop3A_552 = vector.broadcast %parallel_loop3A_479 : i32 to vector<16xi32>
        %parallel_loop3A_553 = arith.addi %get3A_154, %parallel_loop3A_552 : vector<16xi32>
        %parallel_loop3A_554 = tpu.vector_load_idx %arg6[%broadcast_in_dim3A_1, %parallel_loop3A_553] : memref<32x128xf32, #tpu.memory_space<vmem>>[vector<16xi32>, vector<16xi32>], vector<16xf32>,
        %parallel_loop3A_555 = arith.index_cast %parallel_loop3A_477 : i32 to index
        %parallel_loop3A_556 = arith.constant 704 : index
        %parallel_loop3A_557 = tpu.vector_load %arg8[%parallel_loop3A_555, %parallel_loop3A_556] {strides = array<i32>} : memref<32x1408xf32, #tpu.memory_space<vmem>>, vector<16xf32>,
        tpu.vector_store %arg8[%parallel_loop3A_555, %parallel_loop3A_556], %parallel_loop3A_554 {strides = array<i32>} : memref<32x1408xf32, #tpu.memory_space<vmem>>, vector<16xf32>,
        %parallel_loop3A_558 = vector.broadcast %parallel_loop3A_479 : i32 to vector<16xi32>
        %parallel_loop3A_559 = arith.addi %get3A_156, %parallel_loop3A_558 : vector<16xi32>
        %parallel_loop3A_560 = tpu.vector_load_idx %arg6[%broadcast_in_dim3A_1, %parallel_loop3A_559] : memref<32x128xf32, #tpu.memory_space<vmem>>[vector<16xi32>, vector<16xi32>], vector<16xf32>,
        %parallel_loop3A_561 = arith.index_cast %parallel_loop3A_477 : i32 to index
        %parallel_loop3A_562 = arith.constant 720 : index
        %parallel_loop3A_563 = tpu.vector_load %arg8[%parallel_loop3A_561, %parallel_loop3A_562] {strides = array<i32>} : memref<32x1408xf32, #tpu.memory_space<vmem>>, vector<16xf32>,
        tpu.vector_store %arg8[%parallel_loop3A_561, %parallel_loop3A_562], %parallel_loop3A_560 {strides = array<i32>} : memref<32x1408xf32, #tpu.memory_space<vmem>>, vector<16xf32>,
        %parallel_loop3A_564 = vector.broadcast %parallel_loop3A_479 : i32 to vector<16xi32>
        %parallel_loop3A_565 = arith.addi %get3A_158, %parallel_loop3A_564 : vector<16xi32>
        %parallel_loop3A_566 = tpu.vector_load_idx %arg6[%broadcast_in_dim3A_1, %parallel_loop3A_565] : memref<32x128xf32, #tpu.memory_space<vmem>>[vector<16xi32>, vector<16xi32>], vector<16xf32>,
        %parallel_loop3A_567 = arith.index_cast %parallel_loop3A_477 : i32 to index
        %parallel_loop3A_568 = arith.constant 736 : index
        %parallel_loop3A_569 = tpu.vector_load %arg8[%parallel_loop3A_567, %parallel_loop3A_568] {strides = array<i32>} : memref<32x1408xf32, #tpu.memory_space<vmem>>, vector<16xf32>,
        tpu.vector_store %arg8[%parallel_loop3A_567, %parallel_loop3A_568], %parallel_loop3A_566 {strides = array<i32>} : memref<32x1408xf32, #tpu.memory_space<vmem>>, vector<16xf32>,
        %parallel_loop3A_570 = vector.broadcast %parallel_loop3A_479 : i32 to vector<16xi32>
        %parallel_loop3A_571 = arith.addi %get3A_160, %parallel_loop3A_570 : vector<16xi32>
        %parallel_loop3A_572 = tpu.vector_load_idx %arg6[%broadcast_in_dim3A_1, %parallel_loop3A_571] : memref<32x128xf32, #tpu.memory_space<vmem>>[vector<16xi32>, vector<16xi32>], vector<16xf32>,
        %parallel_loop3A_573 = arith.index_cast %parallel_loop3A_477 : i32 to index
        %parallel_loop3A_574 = arith.constant 752 : index
        %parallel_loop3A_575 = tpu.vector_load %arg8[%parallel_loop3A_573, %parallel_loop3A_574] {strides = array<i32>} : memref<32x1408xf32, #tpu.memory_space<vmem>>, vector<16xf32>,
        tpu.vector_store %arg8[%parallel_loop3A_573, %parallel_loop3A_574], %parallel_loop3A_572 {strides = array<i32>} : memref<32x1408xf32, #tpu.memory_space<vmem>>, vector<16xf32>,
        %parallel_loop3A_576 = vector.broadcast %parallel_loop3A_479 : i32 to vector<16xi32>
        %parallel_loop3A_577 = arith.addi %get3A_162, %parallel_loop3A_576 : vector<16xi32>
        %parallel_loop3A_578 = tpu.vector_load_idx %arg6[%broadcast_in_dim3A_1, %parallel_loop3A_577] : memref<32x128xf32, #tpu.memory_space<vmem>>[vector<16xi32>, vector<16xi32>], vector<16xf32>,
        %parallel_loop3A_579 = arith.index_cast %parallel_loop3A_477 : i32 to index
        %parallel_loop3A_580 = arith.constant 768 : index
        %parallel_loop3A_581 = tpu.vector_load %arg8[%parallel_loop3A_579, %parallel_loop3A_580] {strides = array<i32>} : memref<32x1408xf32, #tpu.memory_space<vmem>>, vector<16xf32>,
        tpu.vector_store %arg8[%parallel_loop3A_579, %parallel_loop3A_580], %parallel_loop3A_578 {strides = array<i32>} : memref<32x1408xf32, #tpu.memory_space<vmem>>, vector<16xf32>,
        %parallel_loop3A_582 = vector.broadcast %parallel_loop3A_479 : i32 to vector<16xi32>
        %parallel_loop3A_583 = arith.addi %get3A_164, %parallel_loop3A_582 : vector<16xi32>
        %parallel_loop3A_584 = tpu.vector_load_idx %arg6[%broadcast_in_dim3A_1, %parallel_loop3A_583] : memref<32x128xf32, #tpu.memory_space<vmem>>[vector<16xi32>, vector<16xi32>], vector<16xf32>,
        %parallel_loop3A_585 = arith.index_cast %parallel_loop3A_477 : i32 to index
        %parallel_loop3A_586 = arith.constant 784 : index
        %parallel_loop3A_587 = tpu.vector_load %arg8[%parallel_loop3A_585, %parallel_loop3A_586] {strides = array<i32>} : memref<32x1408xf32, #tpu.memory_space<vmem>>, vector<16xf32>,
        tpu.vector_store %arg8[%parallel_loop3A_585, %parallel_loop3A_586], %parallel_loop3A_584 {strides = array<i32>} : memref<32x1408xf32, #tpu.memory_space<vmem>>, vector<16xf32>,
        %parallel_loop3A_588 = vector.broadcast %parallel_loop3A_479 : i32 to vector<16xi32>
        %parallel_loop3A_589 = arith.addi %get3A_166, %parallel_loop3A_588 : vector<16xi32>
        %parallel_loop3A_590 = tpu.vector_load_idx %arg6[%broadcast_in_dim3A_1, %parallel_loop3A_589] : memref<32x128xf32, #tpu.memory_space<vmem>>[vector<16xi32>, vector<16xi32>], vector<16xf32>,
        %parallel_loop3A_591 = arith.index_cast %parallel_loop3A_477 : i32 to index
        %parallel_loop3A_592 = arith.constant 800 : index
        %parallel_loop3A_593 = tpu.vector_load %arg8[%parallel_loop3A_591, %parallel_loop3A_592] {strides = array<i32>} : memref<32x1408xf32, #tpu.memory_space<vmem>>, vector<16xf32>,
        tpu.vector_store %arg8[%parallel_loop3A_591, %parallel_loop3A_592], %parallel_loop3A_590 {strides = array<i32>} : memref<32x1408xf32, #tpu.memory_space<vmem>>, vector<16xf32>,
        %parallel_loop3A_594 = vector.broadcast %parallel_loop3A_479 : i32 to vector<16xi32>
        %parallel_loop3A_595 = arith.addi %get3A_168, %parallel_loop3A_594 : vector<16xi32>
        %parallel_loop3A_596 = tpu.vector_load_idx %arg6[%broadcast_in_dim3A_1, %parallel_loop3A_595] : memref<32x128xf32, #tpu.memory_space<vmem>>[vector<16xi32>, vector<16xi32>], vector<16xf32>,
        %parallel_loop3A_597 = arith.index_cast %parallel_loop3A_477 : i32 to index
        %parallel_loop3A_598 = arith.constant 816 : index
        %parallel_loop3A_599 = tpu.vector_load %arg8[%parallel_loop3A_597, %parallel_loop3A_598] {strides = array<i32>} : memref<32x1408xf32, #tpu.memory_space<vmem>>, vector<16xf32>,
        tpu.vector_store %arg8[%parallel_loop3A_597, %parallel_loop3A_598], %parallel_loop3A_596 {strides = array<i32>} : memref<32x1408xf32, #tpu.memory_space<vmem>>, vector<16xf32>,
        %parallel_loop3A_600 = vector.broadcast %parallel_loop3A_479 : i32 to vector<16xi32>
        %parallel_loop3A_601 = arith.addi %get3A_170, %parallel_loop3A_600 : vector<16xi32>
        %parallel_loop3A_602 = tpu.vector_load_idx %arg6[%broadcast_in_dim3A_1, %parallel_loop3A_601] : memref<32x128xf32, #tpu.memory_space<vmem>>[vector<16xi32>, vector<16xi32>], vector<16xf32>,
        %parallel_loop3A_603 = arith.index_cast %parallel_loop3A_477 : i32 to index
        %parallel_loop3A_604 = arith.constant 832 : index
        %parallel_loop3A_605 = tpu.vector_load %arg8[%parallel_loop3A_603, %parallel_loop3A_604] {strides = array<i32>} : memref<32x1408xf32, #tpu.memory_space<vmem>>, vector<16xf32>,
        tpu.vector_store %arg8[%parallel_loop3A_603, %parallel_loop3A_604], %parallel_loop3A_602 {strides = array<i32>} : memref<32x1408xf32, #tpu.memory_space<vmem>>, vector<16xf32>,
        %parallel_loop3A_606 = vector.broadcast %parallel_loop3A_479 : i32 to vector<16xi32>
        %parallel_loop3A_607 = arith.addi %get3A_172, %parallel_loop3A_606 : vector<16xi32>
        %parallel_loop3A_608 = tpu.vector_load_idx %arg6[%broadcast_in_dim3A_1, %parallel_loop3A_607] : memref<32x128xf32, #tpu.memory_space<vmem>>[vector<16xi32>, vector<16xi32>], vector<16xf32>,
        %parallel_loop3A_609 = arith.index_cast %parallel_loop3A_477 : i32 to index
        %parallel_loop3A_610 = arith.constant 848 : index
        %parallel_loop3A_611 = tpu.vector_load %arg8[%parallel_loop3A_609, %parallel_loop3A_610] {strides = array<i32>} : memref<32x1408xf32, #tpu.memory_space<vmem>>, vector<16xf32>,
        tpu.vector_store %arg8[%parallel_loop3A_609, %parallel_loop3A_610], %parallel_loop3A_608 {strides = array<i32>} : memref<32x1408xf32, #tpu.memory_space<vmem>>, vector<16xf32>,
        %parallel_loop3A_612 = vector.broadcast %parallel_loop3A_479 : i32 to vector<16xi32>
        %parallel_loop3A_613 = arith.addi %get3A_174, %parallel_loop3A_612 : vector<16xi32>
        %parallel_loop3A_614 = tpu.vector_load_idx %arg6[%broadcast_in_dim3A_1, %parallel_loop3A_613] : memref<32x128xf32, #tpu.memory_space<vmem>>[vector<16xi32>, vector<16xi32>], vector<16xf32>,
        %parallel_loop3A_615 = arith.index_cast %parallel_loop3A_477 : i32 to index
        %parallel_loop3A_616 = arith.constant 864 : index
        %parallel_loop3A_617 = tpu.vector_load %arg8[%parallel_loop3A_615, %parallel_loop3A_616] {strides = array<i32>} : memref<32x1408xf32, #tpu.memory_space<vmem>>, vector<16xf32>,
        tpu.vector_store %arg8[%parallel_loop3A_615, %parallel_loop3A_616], %parallel_loop3A_614 {strides = array<i32>} : memref<32x1408xf32, #tpu.memory_space<vmem>>, vector<16xf32>,
        %parallel_loop3A_618 = vector.broadcast %parallel_loop3A_479 : i32 to vector<16xi32>
        %parallel_loop3A_619 = arith.addi %get3A_176, %parallel_loop3A_618 : vector<16xi32>
        %parallel_loop3A_620 = tpu.vector_load_idx %arg6[%broadcast_in_dim3A_1, %parallel_loop3A_619] : memref<32x128xf32, #tpu.memory_space<vmem>>[vector<16xi32>, vector<16xi32>], vector<16xf32>,
        %parallel_loop3A_621 = arith.index_cast %parallel_loop3A_477 : i32 to index
        %parallel_loop3A_622 = arith.constant 880 : index
        %parallel_loop3A_623 = tpu.vector_load %arg8[%parallel_loop3A_621, %parallel_loop3A_622] {strides = array<i32>} : memref<32x1408xf32, #tpu.memory_space<vmem>>, vector<16xf32>,
        tpu.vector_store %arg8[%parallel_loop3A_621, %parallel_loop3A_622], %parallel_loop3A_620 {strides = array<i32>} : memref<32x1408xf32, #tpu.memory_space<vmem>>, vector<16xf32>,
        %parallel_loop3A_624 = vector.broadcast %parallel_loop3A_479 : i32 to vector<16xi32>
        %parallel_loop3A_625 = arith.addi %get3A_178, %parallel_loop3A_624 : vector<16xi32>
        %parallel_loop3A_626 = tpu.vector_load_idx %arg6[%broadcast_in_dim3A_1, %parallel_loop3A_625] : memref<32x128xf32, #tpu.memory_space<vmem>>[vector<16xi32>, vector<16xi32>], vector<16xf32>,
        %parallel_loop3A_627 = arith.index_cast %parallel_loop3A_477 : i32 to index
        %parallel_loop3A_628 = arith.constant 896 : index
        %parallel_loop3A_629 = tpu.vector_load %arg8[%parallel_loop3A_627, %parallel_loop3A_628] {strides = array<i32>} : memref<32x1408xf32, #tpu.memory_space<vmem>>, vector<16xf32>,
        tpu.vector_store %arg8[%parallel_loop3A_627, %parallel_loop3A_628], %parallel_loop3A_626 {strides = array<i32>} : memref<32x1408xf32, #tpu.memory_space<vmem>>, vector<16xf32>,
        %parallel_loop3A_630 = vector.broadcast %parallel_loop3A_479 : i32 to vector<16xi32>
        %parallel_loop3A_631 = arith.addi %get3A_180, %parallel_loop3A_630 : vector<16xi32>
        %parallel_loop3A_632 = tpu.vector_load_idx %arg6[%broadcast_in_dim3A_1, %parallel_loop3A_631] : memref<32x128xf32, #tpu.memory_space<vmem>>[vector<16xi32>, vector<16xi32>], vector<16xf32>,
        %parallel_loop3A_633 = arith.index_cast %parallel_loop3A_477 : i32 to index
        %parallel_loop3A_634 = arith.constant 912 : index
        %parallel_loop3A_635 = tpu.vector_load %arg8[%parallel_loop3A_633, %parallel_loop3A_634] {strides = array<i32>} : memref<32x1408xf32, #tpu.memory_space<vmem>>, vector<16xf32>,
        tpu.vector_store %arg8[%parallel_loop3A_633, %parallel_loop3A_634], %parallel_loop3A_632 {strides = array<i32>} : memref<32x1408xf32, #tpu.memory_space<vmem>>, vector<16xf32>,
        %parallel_loop3A_636 = vector.broadcast %parallel_loop3A_479 : i32 to vector<16xi32>
        %parallel_loop3A_637 = arith.addi %get3A_182, %parallel_loop3A_636 : vector<16xi32>
        %parallel_loop3A_638 = tpu.vector_load_idx %arg6[%broadcast_in_dim3A_1, %parallel_loop3A_637] : memref<32x128xf32, #tpu.memory_space<vmem>>[vector<16xi32>, vector<16xi32>], vector<16xf32>,
        %parallel_loop3A_639 = arith.index_cast %parallel_loop3A_477 : i32 to index
        %parallel_loop3A_640 = arith.constant 928 : index
        %parallel_loop3A_641 = tpu.vector_load %arg8[%parallel_loop3A_639, %parallel_loop3A_640] {strides = array<i32>} : memref<32x1408xf32, #tpu.memory_space<vmem>>, vector<16xf32>,
        tpu.vector_store %arg8[%parallel_loop3A_639, %parallel_loop3A_640], %parallel_loop3A_638 {strides = array<i32>} : memref<32x1408xf32, #tpu.memory_space<vmem>>, vector<16xf32>,
        %parallel_loop3A_642 = vector.broadcast %parallel_loop3A_479 : i32 to vector<16xi32>
        %parallel_loop3A_643 = arith.addi %get3A_184, %parallel_loop3A_642 : vector<16xi32>
        %parallel_loop3A_644 = tpu.vector_load_idx %arg6[%broadcast_in_dim3A_1, %parallel_loop3A_643] : memref<32x128xf32, #tpu.memory_space<vmem>>[vector<16xi32>, vector<16xi32>], vector<16xf32>,
        %parallel_loop3A_645 = arith.index_cast %parallel_loop3A_477 : i32 to index
        %parallel_loop3A_646 = arith.constant 944 : index
        %parallel_loop3A_647 = tpu.vector_load %arg8[%parallel_loop3A_645, %parallel_loop3A_646] {strides = array<i32>} : memref<32x1408xf32, #tpu.memory_space<vmem>>, vector<16xf32>,
        tpu.vector_store %arg8[%parallel_loop3A_645, %parallel_loop3A_646], %parallel_loop3A_644 {strides = array<i32>} : memref<32x1408xf32, #tpu.memory_space<vmem>>, vector<16xf32>,
        %parallel_loop3A_648 = vector.broadcast %parallel_loop3A_479 : i32 to vector<16xi32>
        %parallel_loop3A_649 = arith.addi %get3A_186, %parallel_loop3A_648 : vector<16xi32>
        %parallel_loop3A_650 = tpu.vector_load_idx %arg6[%broadcast_in_dim3A_1, %parallel_loop3A_649] : memref<32x128xf32, #tpu.memory_space<vmem>>[vector<16xi32>, vector<16xi32>], vector<16xf32>,
        %parallel_loop3A_651 = arith.index_cast %parallel_loop3A_477 : i32 to index
        %parallel_loop3A_652 = arith.constant 960 : index
        %parallel_loop3A_653 = tpu.vector_load %arg8[%parallel_loop3A_651, %parallel_loop3A_652] {strides = array<i32>} : memref<32x1408xf32, #tpu.memory_space<vmem>>, vector<16xf32>,
        tpu.vector_store %arg8[%parallel_loop3A_651, %parallel_loop3A_652], %parallel_loop3A_650 {strides = array<i32>} : memref<32x1408xf32, #tpu.memory_space<vmem>>, vector<16xf32>,
        %parallel_loop3A_654 = vector.broadcast %parallel_loop3A_479 : i32 to vector<16xi32>
        %parallel_loop3A_655 = arith.addi %get3A_188, %parallel_loop3A_654 : vector<16xi32>
        %parallel_loop3A_656 = tpu.vector_load_idx %arg6[%broadcast_in_dim3A_1, %parallel_loop3A_655] : memref<32x128xf32, #tpu.memory_space<vmem>>[vector<16xi32>, vector<16xi32>], vector<16xf32>,
        %parallel_loop3A_657 = arith.index_cast %parallel_loop3A_477 : i32 to index
        %parallel_loop3A_658 = arith.constant 976 : index
        %parallel_loop3A_659 = tpu.vector_load %arg8[%parallel_loop3A_657, %parallel_loop3A_658] {strides = array<i32>} : memref<32x1408xf32, #tpu.memory_space<vmem>>, vector<16xf32>,
        tpu.vector_store %arg8[%parallel_loop3A_657, %parallel_loop3A_658], %parallel_loop3A_656 {strides = array<i32>} : memref<32x1408xf32, #tpu.memory_space<vmem>>, vector<16xf32>,
        %parallel_loop3A_660 = vector.broadcast %parallel_loop3A_479 : i32 to vector<16xi32>
        %parallel_loop3A_661 = arith.addi %get3A_190, %parallel_loop3A_660 : vector<16xi32>
        %parallel_loop3A_662 = tpu.vector_load_idx %arg6[%broadcast_in_dim3A_1, %parallel_loop3A_661] : memref<32x128xf32, #tpu.memory_space<vmem>>[vector<16xi32>, vector<16xi32>], vector<16xf32>,
        %parallel_loop3A_663 = arith.index_cast %parallel_loop3A_477 : i32 to index
        %parallel_loop3A_664 = arith.constant 992 : index
        %parallel_loop3A_665 = tpu.vector_load %arg8[%parallel_loop3A_663, %parallel_loop3A_664] {strides = array<i32>} : memref<32x1408xf32, #tpu.memory_space<vmem>>, vector<16xf32>,
        tpu.vector_store %arg8[%parallel_loop3A_663, %parallel_loop3A_664], %parallel_loop3A_662 {strides = array<i32>} : memref<32x1408xf32, #tpu.memory_space<vmem>>, vector<16xf32>,
        %parallel_loop3A_666 = vector.broadcast %parallel_loop3A_479 : i32 to vector<16xi32>
        %parallel_loop3A_667 = arith.addi %get3A_192, %parallel_loop3A_666 : vector<16xi32>
        %parallel_loop3A_668 = tpu.vector_load_idx %arg6[%broadcast_in_dim3A_1, %parallel_loop3A_667] : memref<32x128xf32, #tpu.memory_space<vmem>>[vector<16xi32>, vector<16xi32>], vector<16xf32>,
        %parallel_loop3A_669 = arith.index_cast %parallel_loop3A_477 : i32 to index
        %parallel_loop3A_670 = arith.constant 1008 : index
        %parallel_loop3A_671 = tpu.vector_load %arg8[%parallel_loop3A_669, %parallel_loop3A_670] {strides = array<i32>} : memref<32x1408xf32, #tpu.memory_space<vmem>>, vector<16xf32>,
        tpu.vector_store %arg8[%parallel_loop3A_669, %parallel_loop3A_670], %parallel_loop3A_668 {strides = array<i32>} : memref<32x1408xf32, #tpu.memory_space<vmem>>, vector<16xf32>,
      } {sc.loop_unroll_factor = 1 : i64, sc.parallel_access}
      %get3A_196 = arith.constant 1024 : index
      %get3A_197 = tpu.vector_load %arg5[%get3A_196] {strides = array<i32>} : memref<1408xi32, #tpu.memory_space<vmem>>, vector<16xi32>,
      %get3A_198 = arith.constant 1040 : index
      %get3A_199 = tpu.vector_load %arg5[%get3A_198] {strides = array<i32>} : memref<1408xi32, #tpu.memory_space<vmem>>, vector<16xi32>,
      %get3A_200 = arith.constant 1056 : index
      %get3A_201 = tpu.vector_load %arg5[%get3A_200] {strides = array<i32>} : memref<1408xi32, #tpu.memory_space<vmem>>, vector<16xi32>,
      %get3A_202 = arith.constant 1072 : index
      %get3A_203 = tpu.vector_load %arg5[%get3A_202] {strides = array<i32>} : memref<1408xi32, #tpu.memory_space<vmem>>, vector<16xi32>,
      %get3A_204 = arith.constant 1088 : index
      %get3A_205 = tpu.vector_load %arg5[%get3A_204] {strides = array<i32>} : memref<1408xi32, #tpu.memory_space<vmem>>, vector<16xi32>,
      %get3A_206 = arith.constant 1104 : index
      %get3A_207 = tpu.vector_load %arg5[%get3A_206] {strides = array<i32>} : memref<1408xi32, #tpu.memory_space<vmem>>, vector<16xi32>,
      %get3A_208 = arith.constant 1120 : index
      %get3A_209 = tpu.vector_load %arg5[%get3A_208] {strides = array<i32>} : memref<1408xi32, #tpu.memory_space<vmem>>, vector<16xi32>,
      %get3A_210 = arith.constant 1136 : index
      %get3A_211 = tpu.vector_load %arg5[%get3A_210] {strides = array<i32>} : memref<1408xi32, #tpu.memory_space<vmem>>, vector<16xi32>,
      %get3A_212 = arith.constant 1152 : index
      %get3A_213 = tpu.vector_load %arg5[%get3A_212] {strides = array<i32>} : memref<1408xi32, #tpu.memory_space<vmem>>, vector<16xi32>,
      %get3A_214 = arith.constant 1168 : index
      %get3A_215 = tpu.vector_load %arg5[%get3A_214] {strides = array<i32>} : memref<1408xi32, #tpu.memory_space<vmem>>, vector<16xi32>,
      %get3A_216 = arith.constant 1184 : index
      %get3A_217 = tpu.vector_load %arg5[%get3A_216] {strides = array<i32>} : memref<1408xi32, #tpu.memory_space<vmem>>, vector<16xi32>,
      %get3A_218 = arith.constant 1200 : index
      %get3A_219 = tpu.vector_load %arg5[%get3A_218] {strides = array<i32>} : memref<1408xi32, #tpu.memory_space<vmem>>, vector<16xi32>,
      %get3A_220 = arith.constant 1216 : index
      %get3A_221 = tpu.vector_load %arg5[%get3A_220] {strides = array<i32>} : memref<1408xi32, #tpu.memory_space<vmem>>, vector<16xi32>,
      %get3A_222 = arith.constant 1232 : index
      %get3A_223 = tpu.vector_load %arg5[%get3A_222] {strides = array<i32>} : memref<1408xi32, #tpu.memory_space<vmem>>, vector<16xi32>,
      %get3A_224 = arith.constant 1248 : index
      %get3A_225 = tpu.vector_load %arg5[%get3A_224] {strides = array<i32>} : memref<1408xi32, #tpu.memory_space<vmem>>, vector<16xi32>,
      %get3A_226 = arith.constant 1264 : index
      %get3A_227 = tpu.vector_load %arg5[%get3A_226] {strides = array<i32>} : memref<1408xi32, #tpu.memory_space<vmem>>, vector<16xi32>,
      %get3A_228 = arith.constant 1280 : index
      %get3A_229 = tpu.vector_load %arg5[%get3A_228] {strides = array<i32>} : memref<1408xi32, #tpu.memory_space<vmem>>, vector<16xi32>,
      %get3A_230 = arith.constant 1296 : index
      %get3A_231 = tpu.vector_load %arg5[%get3A_230] {strides = array<i32>} : memref<1408xi32, #tpu.memory_space<vmem>>, vector<16xi32>,
      %get3A_232 = arith.constant 1312 : index
      %get3A_233 = tpu.vector_load %arg5[%get3A_232] {strides = array<i32>} : memref<1408xi32, #tpu.memory_space<vmem>>, vector<16xi32>,
      %get3A_234 = arith.constant 1328 : index
      %get3A_235 = tpu.vector_load %arg5[%get3A_234] {strides = array<i32>} : memref<1408xi32, #tpu.memory_space<vmem>>, vector<16xi32>,
      %get3A_236 = arith.constant 1344 : index
      %get3A_237 = tpu.vector_load %arg5[%get3A_236] {strides = array<i32>} : memref<1408xi32, #tpu.memory_space<vmem>>, vector<16xi32>,
      %get3A_238 = arith.constant 1360 : index
      %get3A_239 = tpu.vector_load %arg5[%get3A_238] {strides = array<i32>} : memref<1408xi32, #tpu.memory_space<vmem>>, vector<16xi32>,
      %get3A_240 = arith.constant 1376 : index
      %get3A_241 = tpu.vector_load %arg5[%get3A_240] {strides = array<i32>} : memref<1408xi32, #tpu.memory_space<vmem>>, vector<16xi32>,
      %get3A_242 = arith.constant 1392 : index
      %get3A_243 = tpu.vector_load %arg5[%get3A_242] {strides = array<i32>} : memref<1408xi32, #tpu.memory_space<vmem>>, vector<16xi32>,
      %parallel_loop3A_244 = arith.constant 0 : i32
      %parallel_loop3A_245 = arith.constant 32 : i32
      %parallel_loop3A_246 = arith.constant 1 : i32
      scf.for %parallel_loop3A_477 = %parallel_loop3A_244 to %parallel_loop3A_245 step %parallel_loop3A_246  : i32 {
        %parallel_loop3A_478 = arith.constant 128 : i32
        %parallel_loop3A_479 = arith.muli %parallel_loop3A_477, %parallel_loop3A_478 : i32
        %parallel_loop3A_480 = vector.broadcast %parallel_loop3A_479 : i32 to vector<16xi32>
        %parallel_loop3A_481 = arith.addi %get3A_197, %parallel_loop3A_480 : vector<16xi32>
        %parallel_loop3A_482 = tpu.vector_load_idx %arg6[%broadcast_in_dim3A_1, %parallel_loop3A_481] : memref<32x128xf32, #tpu.memory_space<vmem>>[vector<16xi32>, vector<16xi32>], vector<16xf32>,
        %parallel_loop3A_483 = arith.index_cast %parallel_loop3A_477 : i32 to index
        %parallel_loop3A_484 = arith.constant 1024 : index
        %parallel_loop3A_485 = tpu.vector_load %arg8[%parallel_loop3A_483, %parallel_loop3A_484] {strides = array<i32>} : memref<32x1408xf32, #tpu.memory_space<vmem>>, vector<16xf32>,
        tpu.vector_store %arg8[%parallel_loop3A_483, %parallel_loop3A_484], %parallel_loop3A_482 {strides = array<i32>} : memref<32x1408xf32, #tpu.memory_space<vmem>>, vector<16xf32>,
        %parallel_loop3A_486 = vector.broadcast %parallel_loop3A_479 : i32 to vector<16xi32>
        %parallel_loop3A_487 = arith.addi %get3A_199, %parallel_loop3A_486 : vector<16xi32>
        %parallel_loop3A_488 = tpu.vector_load_idx %arg6[%broadcast_in_dim3A_1, %parallel_loop3A_487] : memref<32x128xf32, #tpu.memory_space<vmem>>[vector<16xi32>, vector<16xi32>], vector<16xf32>,
        %parallel_loop3A_489 = arith.index_cast %parallel_loop3A_477 : i32 to index
        %parallel_loop3A_490 = arith.constant 1040 : index
        %parallel_loop3A_491 = tpu.vector_load %arg8[%parallel_loop3A_489, %parallel_loop3A_490] {strides = array<i32>} : memref<32x1408xf32, #tpu.memory_space<vmem>>, vector<16xf32>,
        tpu.vector_store %arg8[%parallel_loop3A_489, %parallel_loop3A_490], %parallel_loop3A_488 {strides = array<i32>} : memref<32x1408xf32, #tpu.memory_space<vmem>>, vector<16xf32>,
        %parallel_loop3A_492 = vector.broadcast %parallel_loop3A_479 : i32 to vector<16xi32>
        %parallel_loop3A_493 = arith.addi %get3A_201, %parallel_loop3A_492 : vector<16xi32>
        %parallel_loop3A_494 = tpu.vector_load_idx %arg6[%broadcast_in_dim3A_1, %parallel_loop3A_493] : memref<32x128xf32, #tpu.memory_space<vmem>>[vector<16xi32>, vector<16xi32>], vector<16xf32>,
        %parallel_loop3A_495 = arith.index_cast %parallel_loop3A_477 : i32 to index
        %parallel_loop3A_496 = arith.constant 1056 : index
        %parallel_loop3A_497 = tpu.vector_load %arg8[%parallel_loop3A_495, %parallel_loop3A_496] {strides = array<i32>} : memref<32x1408xf32, #tpu.memory_space<vmem>>, vector<16xf32>,
        tpu.vector_store %arg8[%parallel_loop3A_495, %parallel_loop3A_496], %parallel_loop3A_494 {strides = array<i32>} : memref<32x1408xf32, #tpu.memory_space<vmem>>, vector<16xf32>,
        %parallel_loop3A_498 = vector.broadcast %parallel_loop3A_479 : i32 to vector<16xi32>
        %parallel_loop3A_499 = arith.addi %get3A_203, %parallel_loop3A_498 : vector<16xi32>
        %parallel_loop3A_500 = tpu.vector_load_idx %arg6[%broadcast_in_dim3A_1, %parallel_loop3A_499] : memref<32x128xf32, #tpu.memory_space<vmem>>[vector<16xi32>, vector<16xi32>], vector<16xf32>,
        %parallel_loop3A_501 = arith.index_cast %parallel_loop3A_477 : i32 to index
        %parallel_loop3A_502 = arith.constant 1072 : index
        %parallel_loop3A_503 = tpu.vector_load %arg8[%parallel_loop3A_501, %parallel_loop3A_502] {strides = array<i32>} : memref<32x1408xf32, #tpu.memory_space<vmem>>, vector<16xf32>,
        tpu.vector_store %arg8[%parallel_loop3A_501, %parallel_loop3A_502], %parallel_loop3A_500 {strides = array<i32>} : memref<32x1408xf32, #tpu.memory_space<vmem>>, vector<16xf32>,
        %parallel_loop3A_504 = vector.broadcast %parallel_loop3A_479 : i32 to vector<16xi32>
        %parallel_loop3A_505 = arith.addi %get3A_205, %parallel_loop3A_504 : vector<16xi32>
        %parallel_loop3A_506 = tpu.vector_load_idx %arg6[%broadcast_in_dim3A_1, %parallel_loop3A_505] : memref<32x128xf32, #tpu.memory_space<vmem>>[vector<16xi32>, vector<16xi32>], vector<16xf32>,
        %parallel_loop3A_507 = arith.index_cast %parallel_loop3A_477 : i32 to index
        %parallel_loop3A_508 = arith.constant 1088 : index
        %parallel_loop3A_509 = tpu.vector_load %arg8[%parallel_loop3A_507, %parallel_loop3A_508] {strides = array<i32>} : memref<32x1408xf32, #tpu.memory_space<vmem>>, vector<16xf32>,
        tpu.vector_store %arg8[%parallel_loop3A_507, %parallel_loop3A_508], %parallel_loop3A_506 {strides = array<i32>} : memref<32x1408xf32, #tpu.memory_space<vmem>>, vector<16xf32>,
        %parallel_loop3A_510 = vector.broadcast %parallel_loop3A_479 : i32 to vector<16xi32>
        %parallel_loop3A_511 = arith.addi %get3A_207, %parallel_loop3A_510 : vector<16xi32>
        %parallel_loop3A_512 = tpu.vector_load_idx %arg6[%broadcast_in_dim3A_1, %parallel_loop3A_511] : memref<32x128xf32, #tpu.memory_space<vmem>>[vector<16xi32>, vector<16xi32>], vector<16xf32>,
        %parallel_loop3A_513 = arith.index_cast %parallel_loop3A_477 : i32 to index
        %parallel_loop3A_514 = arith.constant 1104 : index
        %parallel_loop3A_515 = tpu.vector_load %arg8[%parallel_loop3A_513, %parallel_loop3A_514] {strides = array<i32>} : memref<32x1408xf32, #tpu.memory_space<vmem>>, vector<16xf32>,
        tpu.vector_store %arg8[%parallel_loop3A_513, %parallel_loop3A_514], %parallel_loop3A_512 {strides = array<i32>} : memref<32x1408xf32, #tpu.memory_space<vmem>>, vector<16xf32>,
        %parallel_loop3A_516 = vector.broadcast %parallel_loop3A_479 : i32 to vector<16xi32>
        %parallel_loop3A_517 = arith.addi %get3A_209, %parallel_loop3A_516 : vector<16xi32>
        %parallel_loop3A_518 = tpu.vector_load_idx %arg6[%broadcast_in_dim3A_1, %parallel_loop3A_517] : memref<32x128xf32, #tpu.memory_space<vmem>>[vector<16xi32>, vector<16xi32>], vector<16xf32>,
        %parallel_loop3A_519 = arith.index_cast %parallel_loop3A_477 : i32 to index
        %parallel_loop3A_520 = arith.constant 1120 : index
        %parallel_loop3A_521 = tpu.vector_load %arg8[%parallel_loop3A_519, %parallel_loop3A_520] {strides = array<i32>} : memref<32x1408xf32, #tpu.memory_space<vmem>>, vector<16xf32>,
        tpu.vector_store %arg8[%parallel_loop3A_519, %parallel_loop3A_520], %parallel_loop3A_518 {strides = array<i32>} : memref<32x1408xf32, #tpu.memory_space<vmem>>, vector<16xf32>,
        %parallel_loop3A_522 = vector.broadcast %parallel_loop3A_479 : i32 to vector<16xi32>
        %parallel_loop3A_523 = arith.addi %get3A_211, %parallel_loop3A_522 : vector<16xi32>
        %parallel_loop3A_524 = tpu.vector_load_idx %arg6[%broadcast_in_dim3A_1, %parallel_loop3A_523] : memref<32x128xf32, #tpu.memory_space<vmem>>[vector<16xi32>, vector<16xi32>], vector<16xf32>,
        %parallel_loop3A_525 = arith.index_cast %parallel_loop3A_477 : i32 to index
        %parallel_loop3A_526 = arith.constant 1136 : index
        %parallel_loop3A_527 = tpu.vector_load %arg8[%parallel_loop3A_525, %parallel_loop3A_526] {strides = array<i32>} : memref<32x1408xf32, #tpu.memory_space<vmem>>, vector<16xf32>,
        tpu.vector_store %arg8[%parallel_loop3A_525, %parallel_loop3A_526], %parallel_loop3A_524 {strides = array<i32>} : memref<32x1408xf32, #tpu.memory_space<vmem>>, vector<16xf32>,
        %parallel_loop3A_528 = vector.broadcast %parallel_loop3A_479 : i32 to vector<16xi32>
        %parallel_loop3A_529 = arith.addi %get3A_213, %parallel_loop3A_528 : vector<16xi32>
        %parallel_loop3A_530 = tpu.vector_load_idx %arg6[%broadcast_in_dim3A_1, %parallel_loop3A_529] : memref<32x128xf32, #tpu.memory_space<vmem>>[vector<16xi32>, vector<16xi32>], vector<16xf32>,
        %parallel_loop3A_531 = arith.index_cast %parallel_loop3A_477 : i32 to index
        %parallel_loop3A_532 = arith.constant 1152 : index
        %parallel_loop3A_533 = tpu.vector_load %arg8[%parallel_loop3A_531, %parallel_loop3A_532] {strides = array<i32>} : memref<32x1408xf32, #tpu.memory_space<vmem>>, vector<16xf32>,
        tpu.vector_store %arg8[%parallel_loop3A_531, %parallel_loop3A_532], %parallel_loop3A_530 {strides = array<i32>} : memref<32x1408xf32, #tpu.memory_space<vmem>>, vector<16xf32>,
        %parallel_loop3A_534 = vector.broadcast %parallel_loop3A_479 : i32 to vector<16xi32>
        %parallel_loop3A_535 = arith.addi %get3A_215, %parallel_loop3A_534 : vector<16xi32>
        %parallel_loop3A_536 = tpu.vector_load_idx %arg6[%broadcast_in_dim3A_1, %parallel_loop3A_535] : memref<32x128xf32, #tpu.memory_space<vmem>>[vector<16xi32>, vector<16xi32>], vector<16xf32>,
        %parallel_loop3A_537 = arith.index_cast %parallel_loop3A_477 : i32 to index
        %parallel_loop3A_538 = arith.constant 1168 : index
        %parallel_loop3A_539 = tpu.vector_load %arg8[%parallel_loop3A_537, %parallel_loop3A_538] {strides = array<i32>} : memref<32x1408xf32, #tpu.memory_space<vmem>>, vector<16xf32>,
        tpu.vector_store %arg8[%parallel_loop3A_537, %parallel_loop3A_538], %parallel_loop3A_536 {strides = array<i32>} : memref<32x1408xf32, #tpu.memory_space<vmem>>, vector<16xf32>,
        %parallel_loop3A_540 = vector.broadcast %parallel_loop3A_479 : i32 to vector<16xi32>
        %parallel_loop3A_541 = arith.addi %get3A_217, %parallel_loop3A_540 : vector<16xi32>
        %parallel_loop3A_542 = tpu.vector_load_idx %arg6[%broadcast_in_dim3A_1, %parallel_loop3A_541] : memref<32x128xf32, #tpu.memory_space<vmem>>[vector<16xi32>, vector<16xi32>], vector<16xf32>,
        %parallel_loop3A_543 = arith.index_cast %parallel_loop3A_477 : i32 to index
        %parallel_loop3A_544 = arith.constant 1184 : index
        %parallel_loop3A_545 = tpu.vector_load %arg8[%parallel_loop3A_543, %parallel_loop3A_544] {strides = array<i32>} : memref<32x1408xf32, #tpu.memory_space<vmem>>, vector<16xf32>,
        tpu.vector_store %arg8[%parallel_loop3A_543, %parallel_loop3A_544], %parallel_loop3A_542 {strides = array<i32>} : memref<32x1408xf32, #tpu.memory_space<vmem>>, vector<16xf32>,
        %parallel_loop3A_546 = vector.broadcast %parallel_loop3A_479 : i32 to vector<16xi32>
        %parallel_loop3A_547 = arith.addi %get3A_219, %parallel_loop3A_546 : vector<16xi32>
        %parallel_loop3A_548 = tpu.vector_load_idx %arg6[%broadcast_in_dim3A_1, %parallel_loop3A_547] : memref<32x128xf32, #tpu.memory_space<vmem>>[vector<16xi32>, vector<16xi32>], vector<16xf32>,
        %parallel_loop3A_549 = arith.index_cast %parallel_loop3A_477 : i32 to index
        %parallel_loop3A_550 = arith.constant 1200 : index
        %parallel_loop3A_551 = tpu.vector_load %arg8[%parallel_loop3A_549, %parallel_loop3A_550] {strides = array<i32>} : memref<32x1408xf32, #tpu.memory_space<vmem>>, vector<16xf32>,
        tpu.vector_store %arg8[%parallel_loop3A_549, %parallel_loop3A_550], %parallel_loop3A_548 {strides = array<i32>} : memref<32x1408xf32, #tpu.memory_space<vmem>>, vector<16xf32>,
        %parallel_loop3A_552 = vector.broadcast %parallel_loop3A_479 : i32 to vector<16xi32>
        %parallel_loop3A_553 = arith.addi %get3A_221, %parallel_loop3A_552 : vector<16xi32>
        %parallel_loop3A_554 = tpu.vector_load_idx %arg6[%broadcast_in_dim3A_1, %parallel_loop3A_553] : memref<32x128xf32, #tpu.memory_space<vmem>>[vector<16xi32>, vector<16xi32>], vector<16xf32>,
        %parallel_loop3A_555 = arith.index_cast %parallel_loop3A_477 : i32 to index
        %parallel_loop3A_556 = arith.constant 1216 : index
        %parallel_loop3A_557 = tpu.vector_load %arg8[%parallel_loop3A_555, %parallel_loop3A_556] {strides = array<i32>} : memref<32x1408xf32, #tpu.memory_space<vmem>>, vector<16xf32>,
        tpu.vector_store %arg8[%parallel_loop3A_555, %parallel_loop3A_556], %parallel_loop3A_554 {strides = array<i32>} : memref<32x1408xf32, #tpu.memory_space<vmem>>, vector<16xf32>,
        %parallel_loop3A_558 = vector.broadcast %parallel_loop3A_479 : i32 to vector<16xi32>
        %parallel_loop3A_559 = arith.addi %get3A_223, %parallel_loop3A_558 : vector<16xi32>
        %parallel_loop3A_560 = tpu.vector_load_idx %arg6[%broadcast_in_dim3A_1, %parallel_loop3A_559] : memref<32x128xf32, #tpu.memory_space<vmem>>[vector<16xi32>, vector<16xi32>], vector<16xf32>,
        %parallel_loop3A_561 = arith.index_cast %parallel_loop3A_477 : i32 to index
        %parallel_loop3A_562 = arith.constant 1232 : index
        %parallel_loop3A_563 = tpu.vector_load %arg8[%parallel_loop3A_561, %parallel_loop3A_562] {strides = array<i32>} : memref<32x1408xf32, #tpu.memory_space<vmem>>, vector<16xf32>,
        tpu.vector_store %arg8[%parallel_loop3A_561, %parallel_loop3A_562], %parallel_loop3A_560 {strides = array<i32>} : memref<32x1408xf32, #tpu.memory_space<vmem>>, vector<16xf32>,
        %parallel_loop3A_564 = vector.broadcast %parallel_loop3A_479 : i32 to vector<16xi32>
        %parallel_loop3A_565 = arith.addi %get3A_225, %parallel_loop3A_564 : vector<16xi32>
        %parallel_loop3A_566 = tpu.vector_load_idx %arg6[%broadcast_in_dim3A_1, %parallel_loop3A_565] : memref<32x128xf32, #tpu.memory_space<vmem>>[vector<16xi32>, vector<16xi32>], vector<16xf32>,
        %parallel_loop3A_567 = arith.index_cast %parallel_loop3A_477 : i32 to index
        %parallel_loop3A_568 = arith.constant 1248 : index
        %parallel_loop3A_569 = tpu.vector_load %arg8[%parallel_loop3A_567, %parallel_loop3A_568] {strides = array<i32>} : memref<32x1408xf32, #tpu.memory_space<vmem>>, vector<16xf32>,
        tpu.vector_store %arg8[%parallel_loop3A_567, %parallel_loop3A_568], %parallel_loop3A_566 {strides = array<i32>} : memref<32x1408xf32, #tpu.memory_space<vmem>>, vector<16xf32>,
        %parallel_loop3A_570 = vector.broadcast %parallel_loop3A_479 : i32 to vector<16xi32>
        %parallel_loop3A_571 = arith.addi %get3A_227, %parallel_loop3A_570 : vector<16xi32>
        %parallel_loop3A_572 = tpu.vector_load_idx %arg6[%broadcast_in_dim3A_1, %parallel_loop3A_571] : memref<32x128xf32, #tpu.memory_space<vmem>>[vector<16xi32>, vector<16xi32>], vector<16xf32>,
        %parallel_loop3A_573 = arith.index_cast %parallel_loop3A_477 : i32 to index
        %parallel_loop3A_574 = arith.constant 1264 : index
        %parallel_loop3A_575 = tpu.vector_load %arg8[%parallel_loop3A_573, %parallel_loop3A_574] {strides = array<i32>} : memref<32x1408xf32, #tpu.memory_space<vmem>>, vector<16xf32>,
        tpu.vector_store %arg8[%parallel_loop3A_573, %parallel_loop3A_574], %parallel_loop3A_572 {strides = array<i32>} : memref<32x1408xf32, #tpu.memory_space<vmem>>, vector<16xf32>,
        %parallel_loop3A_576 = vector.broadcast %parallel_loop3A_479 : i32 to vector<16xi32>
        %parallel_loop3A_577 = arith.addi %get3A_229, %parallel_loop3A_576 : vector<16xi32>
        %parallel_loop3A_578 = tpu.vector_load_idx %arg6[%broadcast_in_dim3A_1, %parallel_loop3A_577] : memref<32x128xf32, #tpu.memory_space<vmem>>[vector<16xi32>, vector<16xi32>], vector<16xf32>,
        %parallel_loop3A_579 = arith.index_cast %parallel_loop3A_477 : i32 to index
        %parallel_loop3A_580 = arith.constant 1280 : index
        %parallel_loop3A_581 = tpu.vector_load %arg8[%parallel_loop3A_579, %parallel_loop3A_580] {strides = array<i32>} : memref<32x1408xf32, #tpu.memory_space<vmem>>, vector<16xf32>,
        tpu.vector_store %arg8[%parallel_loop3A_579, %parallel_loop3A_580], %parallel_loop3A_578 {strides = array<i32>} : memref<32x1408xf32, #tpu.memory_space<vmem>>, vector<16xf32>,
        %parallel_loop3A_582 = vector.broadcast %parallel_loop3A_479 : i32 to vector<16xi32>
        %parallel_loop3A_583 = arith.addi %get3A_231, %parallel_loop3A_582 : vector<16xi32>
        %parallel_loop3A_584 = tpu.vector_load_idx %arg6[%broadcast_in_dim3A_1, %parallel_loop3A_583] : memref<32x128xf32, #tpu.memory_space<vmem>>[vector<16xi32>, vector<16xi32>], vector<16xf32>,
        %parallel_loop3A_585 = arith.index_cast %parallel_loop3A_477 : i32 to index
        %parallel_loop3A_586 = arith.constant 1296 : index
        %parallel_loop3A_587 = tpu.vector_load %arg8[%parallel_loop3A_585, %parallel_loop3A_586] {strides = array<i32>} : memref<32x1408xf32, #tpu.memory_space<vmem>>, vector<16xf32>,
        tpu.vector_store %arg8[%parallel_loop3A_585, %parallel_loop3A_586], %parallel_loop3A_584 {strides = array<i32>} : memref<32x1408xf32, #tpu.memory_space<vmem>>, vector<16xf32>,
        %parallel_loop3A_588 = vector.broadcast %parallel_loop3A_479 : i32 to vector<16xi32>
        %parallel_loop3A_589 = arith.addi %get3A_233, %parallel_loop3A_588 : vector<16xi32>
        %parallel_loop3A_590 = tpu.vector_load_idx %arg6[%broadcast_in_dim3A_1, %parallel_loop3A_589] : memref<32x128xf32, #tpu.memory_space<vmem>>[vector<16xi32>, vector<16xi32>], vector<16xf32>,
        %parallel_loop3A_591 = arith.index_cast %parallel_loop3A_477 : i32 to index
        %parallel_loop3A_592 = arith.constant 1312 : index
        %parallel_loop3A_593 = tpu.vector_load %arg8[%parallel_loop3A_591, %parallel_loop3A_592] {strides = array<i32>} : memref<32x1408xf32, #tpu.memory_space<vmem>>, vector<16xf32>,
        tpu.vector_store %arg8[%parallel_loop3A_591, %parallel_loop3A_592], %parallel_loop3A_590 {strides = array<i32>} : memref<32x1408xf32, #tpu.memory_space<vmem>>, vector<16xf32>,
        %parallel_loop3A_594 = vector.broadcast %parallel_loop3A_479 : i32 to vector<16xi32>
        %parallel_loop3A_595 = arith.addi %get3A_235, %parallel_loop3A_594 : vector<16xi32>
        %parallel_loop3A_596 = tpu.vector_load_idx %arg6[%broadcast_in_dim3A_1, %parallel_loop3A_595] : memref<32x128xf32, #tpu.memory_space<vmem>>[vector<16xi32>, vector<16xi32>], vector<16xf32>,
        %parallel_loop3A_597 = arith.index_cast %parallel_loop3A_477 : i32 to index
        %parallel_loop3A_598 = arith.constant 1328 : index
        %parallel_loop3A_599 = tpu.vector_load %arg8[%parallel_loop3A_597, %parallel_loop3A_598] {strides = array<i32>} : memref<32x1408xf32, #tpu.memory_space<vmem>>, vector<16xf32>,
        tpu.vector_store %arg8[%parallel_loop3A_597, %parallel_loop3A_598], %parallel_loop3A_596 {strides = array<i32>} : memref<32x1408xf32, #tpu.memory_space<vmem>>, vector<16xf32>,
        %parallel_loop3A_600 = vector.broadcast %parallel_loop3A_479 : i32 to vector<16xi32>
        %parallel_loop3A_601 = arith.addi %get3A_237, %parallel_loop3A_600 : vector<16xi32>
        %parallel_loop3A_602 = tpu.vector_load_idx %arg6[%broadcast_in_dim3A_1, %parallel_loop3A_601] : memref<32x128xf32, #tpu.memory_space<vmem>>[vector<16xi32>, vector<16xi32>], vector<16xf32>,
        %parallel_loop3A_603 = arith.index_cast %parallel_loop3A_477 : i32 to index
        %parallel_loop3A_604 = arith.constant 1344 : index
        %parallel_loop3A_605 = tpu.vector_load %arg8[%parallel_loop3A_603, %parallel_loop3A_604] {strides = array<i32>} : memref<32x1408xf32, #tpu.memory_space<vmem>>, vector<16xf32>,
        tpu.vector_store %arg8[%parallel_loop3A_603, %parallel_loop3A_604], %parallel_loop3A_602 {strides = array<i32>} : memref<32x1408xf32, #tpu.memory_space<vmem>>, vector<16xf32>,
        %parallel_loop3A_606 = vector.broadcast %parallel_loop3A_479 : i32 to vector<16xi32>
        %parallel_loop3A_607 = arith.addi %get3A_239, %parallel_loop3A_606 : vector<16xi32>
        %parallel_loop3A_608 = tpu.vector_load_idx %arg6[%broadcast_in_dim3A_1, %parallel_loop3A_607] : memref<32x128xf32, #tpu.memory_space<vmem>>[vector<16xi32>, vector<16xi32>], vector<16xf32>,
        %parallel_loop3A_609 = arith.index_cast %parallel_loop3A_477 : i32 to index
        %parallel_loop3A_610 = arith.constant 1360 : index
        %parallel_loop3A_611 = tpu.vector_load %arg8[%parallel_loop3A_609, %parallel_loop3A_610] {strides = array<i32>} : memref<32x1408xf32, #tpu.memory_space<vmem>>, vector<16xf32>,
        tpu.vector_store %arg8[%parallel_loop3A_609, %parallel_loop3A_610], %parallel_loop3A_608 {strides = array<i32>} : memref<32x1408xf32, #tpu.memory_space<vmem>>, vector<16xf32>,
        %parallel_loop3A_612 = vector.broadcast %parallel_loop3A_479 : i32 to vector<16xi32>
        %parallel_loop3A_613 = arith.addi %get3A_241, %parallel_loop3A_612 : vector<16xi32>
        %parallel_loop3A_614 = tpu.vector_load_idx %arg6[%broadcast_in_dim3A_1, %parallel_loop3A_613] : memref<32x128xf32, #tpu.memory_space<vmem>>[vector<16xi32>, vector<16xi32>], vector<16xf32>,
        %parallel_loop3A_615 = arith.index_cast %parallel_loop3A_477 : i32 to index
        %parallel_loop3A_616 = arith.constant 1376 : index
        %parallel_loop3A_617 = tpu.vector_load %arg8[%parallel_loop3A_615, %parallel_loop3A_616] {strides = array<i32>} : memref<32x1408xf32, #tpu.memory_space<vmem>>, vector<16xf32>,
        tpu.vector_store %arg8[%parallel_loop3A_615, %parallel_loop3A_616], %parallel_loop3A_614 {strides = array<i32>} : memref<32x1408xf32, #tpu.memory_space<vmem>>, vector<16xf32>,
        %parallel_loop3A_618 = vector.broadcast %parallel_loop3A_479 : i32 to vector<16xi32>
        %parallel_loop3A_619 = arith.addi %get3A_243, %parallel_loop3A_618 : vector<16xi32>
        %parallel_loop3A_620 = tpu.vector_load_idx %arg6[%broadcast_in_dim3A_1, %parallel_loop3A_619] : memref<32x128xf32, #tpu.memory_space<vmem>>[vector<16xi32>, vector<16xi32>], vector<16xf32>,
        %parallel_loop3A_621 = arith.index_cast %parallel_loop3A_477 : i32 to index
        %parallel_loop3A_622 = arith.constant 1392 : index
        %parallel_loop3A_623 = tpu.vector_load %arg8[%parallel_loop3A_621, %parallel_loop3A_622] {strides = array<i32>} : memref<32x1408xf32, #tpu.memory_space<vmem>>, vector<16xf32>,
        tpu.vector_store %arg8[%parallel_loop3A_621, %parallel_loop3A_622], %parallel_loop3A_620 {strides = array<i32>} : memref<32x1408xf32, #tpu.memory_space<vmem>>, vector<16xf32>,
      } {sc.loop_unroll_factor = 1 : i64, sc.parallel_access}
      %mul3A_247 = arith.constant 16 : i32
      %mul3A_248 = arith.muli %add3A, %mul3A_247 : i32
      %add3A_249 = arith.addi %mul3A_248, %add3A_52 : i32
      %mul3A_250 = arith.constant 32 : i32
      %mul3A_251 = arith.muli %add3A_249, %mul3A_250 : i32
      %dma_start3A_252 = arith.constant 0 : i32
      %dma_start3A_253 = tpu.memref_slice %arg4[%mul3A_251, %dma_start3A_252] : memref<16384x1408xf32, #tpu.memory_space<hbm>> -> memref<32x1408xf32, #tpu.memory_space<hbm>>
      %dma_start3A_254 = arith.constant 0 : i32
      %dma_start3A_255 = tpu.memref_slice %arg4[%mul3A_251, %dma_start3A_254] : memref<16384x1408xf32, #tpu.memory_space<hbm>> -> memref<32x1408xf32, #tpu.memory_space<hbm>>
      tpu.enqueue_dma source(%arg8 : memref<32x1408xf32, #tpu.memory_space<vmem>>) target(%dma_start3A_255 : memref<32x1408xf32, #tpu.memory_space<hbm>>) target_semaphore(%arg12 : memref<!tpu.dma_semaphore, #tpu.memory_space<semaphore_mem>>)
      %lt3A = arith.constant 7 : i32
      %lt3A_256 = arith.cmpi slt, %add3A_48, %lt3A : i32
      %convert_element_type3A_257 = arith.extui %lt3A_256 : i1 to i32
      %cond3A_258 = arith.constant 0 : i32
      %cond3A_259 = arith.cmpi ne, %convert_element_type3A_257, %cond3A_258 : i32
      scf.if %cond3A_259 {
        %add3A_477 = arith.constant 2 : i32
        %add3A_478 = arith.addi %add3A_52, %add3A_477 : i32
        %mul3A_479 = arith.constant 16 : i32
        %mul3A_480 = arith.muli %add3A, %mul3A_479 : i32
        %add3A_481 = arith.addi %mul3A_480, %add3A_478 : i32
        %mul3A_482 = arith.constant 32 : i32
        %mul3A_483 = arith.muli %add3A_481, %mul3A_482 : i32
        %dma_start3A_484 = arith.constant 0 : i32
        %dma_start3A_485 = tpu.memref_slice %arg2[%mul3A_483, %dma_start3A_484] : memref<16384x128xf32, #tpu.memory_space<hbm>> -> memref<32x128xf32, #tpu.memory_space<hbm>>
        %dma_start3A_486 = arith.constant 0 : i32
        %dma_start3A_487 = tpu.memref_slice %arg2[%mul3A_483, %dma_start3A_486] : memref<16384x128xf32, #tpu.memory_space<hbm>> -> memref<32x128xf32, #tpu.memory_space<hbm>>
        tpu.enqueue_dma source(%dma_start3A_487 : memref<32x128xf32, #tpu.memory_space<hbm>>) target(%arg6 : memref<32x128xf32, #tpu.memory_space<vmem>>) target_semaphore(%arg10 : memref<!tpu.dma_semaphore, #tpu.memory_space<semaphore_mem>>)
      } else {
      }
      %mul3A_260 = arith.constant 2 : i32
      %mul3A_261 = arith.muli %mul3A_260, %add3A_48 : i32
      %add3A_262 = arith.constant 1 : i32
      %add3A_263 = arith.addi %mul3A_261, %add3A_262 : i32
      %mul3A_264 = arith.constant 16 : i32
      %mul3A_265 = arith.muli %add3A, %mul3A_264 : i32
      %add3A_266 = arith.addi %mul3A_265, %add3A_263 : i32
      %mul3A_267 = arith.constant 32 : i32
      %mul3A_268 = arith.muli %add3A_266, %mul3A_267 : i32
      %dma_wait3A_269 = arith.constant 0 : i32
      %dma_wait3A_270 = tpu.memref_slice %arg2[%mul3A_268, %dma_wait3A_269] : memref<16384x128xf32, #tpu.memory_space<hbm>> -> memref<32x128xf32, #tpu.memory_space<hbm>>
      %dma_wait3A_271 = arith.constant 0 : i32
      %dma_wait3A_272 = tpu.memref_slice %arg2[%mul3A_268, %dma_wait3A_271] : memref<16384x128xf32, #tpu.memory_space<hbm>> -> memref<32x128xf32, #tpu.memory_space<hbm>>
      tpu.wait_dma2 semaphore(%arg11 : memref<!tpu.dma_semaphore, #tpu.memory_space<semaphore_mem>>) src(%dma_wait3A_272 : memref<32x128xf32, #tpu.memory_space<hbm>>) dst(%arg7 : memref<32x128xf32, #tpu.memory_space<vmem>>)
      %gt3A_273 = arith.constant 0 : i32
      %gt3A_274 = arith.cmpi sgt, %add3A_48, %gt3A_273 : i32
      %convert_element_type3A_275 = arith.extui %gt3A_274 : i1 to i32
      %cond3A_276 = arith.constant 0 : i32
      %cond3A_277 = arith.cmpi ne, %convert_element_type3A_275, %cond3A_276 : i32
      scf.if %cond3A_277 {
        %sub3A = arith.constant 2 : i32
        %sub3A_477 = arith.subi %add3A_263, %sub3A : i32
        %mul3A_478 = arith.constant 16 : i32
        %mul3A_479 = arith.muli %add3A, %mul3A_478 : i32
        %add3A_480 = arith.addi %mul3A_479, %sub3A_477 : i32
        %mul3A_481 = arith.constant 32 : i32
        %mul3A_482 = arith.muli %add3A_480, %mul3A_481 : i32
        %dma_wait3A_483 = arith.constant 0 : i32
        %dma_wait3A_484 = tpu.memref_slice %arg4[%mul3A_482, %dma_wait3A_483] : memref<16384x1408xf32, #tpu.memory_space<hbm>> -> memref<32x1408xf32, #tpu.memory_space<hbm>>
        %dma_wait3A_485 = arith.constant 0 : i32
        %dma_wait3A_486 = tpu.memref_slice %arg4[%mul3A_482, %dma_wait3A_485] : memref<16384x1408xf32, #tpu.memory_space<hbm>> -> memref<32x1408xf32, #tpu.memory_space<hbm>>
        tpu.wait_dma2 semaphore(%arg13 : memref<!tpu.dma_semaphore, #tpu.memory_space<semaphore_mem>>) src(%arg9 : memref<32x1408xf32, #tpu.memory_space<vmem>>) dst(%dma_wait3A_486 : memref<32x1408xf32, #tpu.memory_space<hbm>>)
      } else {
      }
      %get3A_278 = arith.constant 0 : index
      %get3A_279 = tpu.vector_load %arg5[%get3A_278] {strides = array<i32>} : memref<1408xi32, #tpu.memory_space<vmem>>, vector<16xi32>,
      %get3A_280 = arith.constant 16 : index
      %get3A_281 = tpu.vector_load %arg5[%get3A_280] {strides = array<i32>} : memref<1408xi32, #tpu.memory_space<vmem>>, vector<16xi32>,
      %get3A_282 = arith.constant 32 : index
      %get3A_283 = tpu.vector_load %arg5[%get3A_282] {strides = array<i32>} : memref<1408xi32, #tpu.memory_space<vmem>>, vector<16xi32>,
      %get3A_284 = arith.constant 48 : index
      %get3A_285 = tpu.vector_load %arg5[%get3A_284] {strides = array<i32>} : memref<1408xi32, #tpu.memory_space<vmem>>, vector<16xi32>,
      %get3A_286 = arith.constant 64 : index
      %get3A_287 = tpu.vector_load %arg5[%get3A_286] {strides = array<i32>} : memref<1408xi32, #tpu.memory_space<vmem>>, vector<16xi32>,
      %get3A_288 = arith.constant 80 : index
      %get3A_289 = tpu.vector_load %arg5[%get3A_288] {strides = array<i32>} : memref<1408xi32, #tpu.memory_space<vmem>>, vector<16xi32>,
      %get3A_290 = arith.constant 96 : index
      %get3A_291 = tpu.vector_load %arg5[%get3A_290] {strides = array<i32>} : memref<1408xi32, #tpu.memory_space<vmem>>, vector<16xi32>,
      %get3A_292 = arith.constant 112 : index
      %get3A_293 = tpu.vector_load %arg5[%get3A_292] {strides = array<i32>} : memref<1408xi32, #tpu.memory_space<vmem>>, vector<16xi32>,
      %get3A_294 = arith.constant 128 : index
      %get3A_295 = tpu.vector_load %arg5[%get3A_294] {strides = array<i32>} : memref<1408xi32, #tpu.memory_space<vmem>>, vector<16xi32>,
      %get3A_296 = arith.constant 144 : index
      %get3A_297 = tpu.vector_load %arg5[%get3A_296] {strides = array<i32>} : memref<1408xi32, #tpu.memory_space<vmem>>, vector<16xi32>,
      %get3A_298 = arith.constant 160 : index
      %get3A_299 = tpu.vector_load %arg5[%get3A_298] {strides = array<i32>} : memref<1408xi32, #tpu.memory_space<vmem>>, vector<16xi32>,
      %get3A_300 = arith.constant 176 : index
      %get3A_301 = tpu.vector_load %arg5[%get3A_300] {strides = array<i32>} : memref<1408xi32, #tpu.memory_space<vmem>>, vector<16xi32>,
      %get3A_302 = arith.constant 192 : index
      %get3A_303 = tpu.vector_load %arg5[%get3A_302] {strides = array<i32>} : memref<1408xi32, #tpu.memory_space<vmem>>, vector<16xi32>,
      %get3A_304 = arith.constant 208 : index
      %get3A_305 = tpu.vector_load %arg5[%get3A_304] {strides = array<i32>} : memref<1408xi32, #tpu.memory_space<vmem>>, vector<16xi32>,
      %get3A_306 = arith.constant 224 : index
      %get3A_307 = tpu.vector_load %arg5[%get3A_306] {strides = array<i32>} : memref<1408xi32, #tpu.memory_space<vmem>>, vector<16xi32>,
      %get3A_308 = arith.constant 240 : index
      %get3A_309 = tpu.vector_load %arg5[%get3A_308] {strides = array<i32>} : memref<1408xi32, #tpu.memory_space<vmem>>, vector<16xi32>,
      %get3A_310 = arith.constant 256 : index
      %get3A_311 = tpu.vector_load %arg5[%get3A_310] {strides = array<i32>} : memref<1408xi32, #tpu.memory_space<vmem>>, vector<16xi32>,
      %get3A_312 = arith.constant 272 : index
      %get3A_313 = tpu.vector_load %arg5[%get3A_312] {strides = array<i32>} : memref<1408xi32, #tpu.memory_space<vmem>>, vector<16xi32>,
      %get3A_314 = arith.constant 288 : index
      %get3A_315 = tpu.vector_load %arg5[%get3A_314] {strides = array<i32>} : memref<1408xi32, #tpu.memory_space<vmem>>, vector<16xi32>,
      %get3A_316 = arith.constant 304 : index
      %get3A_317 = tpu.vector_load %arg5[%get3A_316] {strides = array<i32>} : memref<1408xi32, #tpu.memory_space<vmem>>, vector<16xi32>,
      %get3A_318 = arith.constant 320 : index
      %get3A_319 = tpu.vector_load %arg5[%get3A_318] {strides = array<i32>} : memref<1408xi32, #tpu.memory_space<vmem>>, vector<16xi32>,
      %get3A_320 = arith.constant 336 : index
      %get3A_321 = tpu.vector_load %arg5[%get3A_320] {strides = array<i32>} : memref<1408xi32, #tpu.memory_space<vmem>>, vector<16xi32>,
      %get3A_322 = arith.constant 352 : index
      %get3A_323 = tpu.vector_load %arg5[%get3A_322] {strides = array<i32>} : memref<1408xi32, #tpu.memory_space<vmem>>, vector<16xi32>,
      %get3A_324 = arith.constant 368 : index
      %get3A_325 = tpu.vector_load %arg5[%get3A_324] {strides = array<i32>} : memref<1408xi32, #tpu.memory_space<vmem>>, vector<16xi32>,
      %get3A_326 = arith.constant 384 : index
      %get3A_327 = tpu.vector_load %arg5[%get3A_326] {strides = array<i32>} : memref<1408xi32, #tpu.memory_space<vmem>>, vector<16xi32>,
      %get3A_328 = arith.constant 400 : index
      %get3A_329 = tpu.vector_load %arg5[%get3A_328] {strides = array<i32>} : memref<1408xi32, #tpu.memory_space<vmem>>, vector<16xi32>,
      %get3A_330 = arith.constant 416 : index
      %get3A_331 = tpu.vector_load %arg5[%get3A_330] {strides = array<i32>} : memref<1408xi32, #tpu.memory_space<vmem>>, vector<16xi32>,
      %get3A_332 = arith.constant 432 : index
      %get3A_333 = tpu.vector_load %arg5[%get3A_332] {strides = array<i32>} : memref<1408xi32, #tpu.memory_space<vmem>>, vector<16xi32>,
      %get3A_334 = arith.constant 448 : index
      %get3A_335 = tpu.vector_load %arg5[%get3A_334] {strides = array<i32>} : memref<1408xi32, #tpu.memory_space<vmem>>, vector<16xi32>,
      %get3A_336 = arith.constant 464 : index
      %get3A_337 = tpu.vector_load %arg5[%get3A_336] {strides = array<i32>} : memref<1408xi32, #tpu.memory_space<vmem>>, vector<16xi32>,
      %get3A_338 = arith.constant 480 : index
      %get3A_339 = tpu.vector_load %arg5[%get3A_338] {strides = array<i32>} : memref<1408xi32, #tpu.memory_space<vmem>>, vector<16xi32>,
      %get3A_340 = arith.constant 496 : index
      %get3A_341 = tpu.vector_load %arg5[%get3A_340] {strides = array<i32>} : memref<1408xi32, #tpu.memory_space<vmem>>, vector<16xi32>,
      %parallel_loop3A_342 = arith.constant 0 : i32
      %parallel_loop3A_343 = arith.constant 32 : i32
      %parallel_loop3A_344 = arith.constant 1 : i32
      scf.for %parallel_loop3A_477 = %parallel_loop3A_342 to %parallel_loop3A_343 step %parallel_loop3A_344  : i32 {
        %parallel_loop3A_478 = arith.constant 128 : i32
        %parallel_loop3A_479 = arith.muli %parallel_loop3A_477, %parallel_loop3A_478 : i32
        %parallel_loop3A_480 = vector.broadcast %parallel_loop3A_479 : i32 to vector<16xi32>
        %parallel_loop3A_481 = arith.addi %get3A_279, %parallel_loop3A_480 : vector<16xi32>
        %parallel_loop3A_482 = tpu.vector_load_idx %arg7[%broadcast_in_dim3A_1, %parallel_loop3A_481] : memref<32x128xf32, #tpu.memory_space<vmem>>[vector<16xi32>, vector<16xi32>], vector<16xf32>,
        %parallel_loop3A_483 = arith.index_cast %parallel_loop3A_477 : i32 to index
        %parallel_loop3A_484 = arith.constant 0 : index
        %parallel_loop3A_485 = tpu.vector_load %arg9[%parallel_loop3A_483, %parallel_loop3A_484] {strides = array<i32>} : memref<32x1408xf32, #tpu.memory_space<vmem>>, vector<16xf32>,
        tpu.vector_store %arg9[%parallel_loop3A_483, %parallel_loop3A_484], %parallel_loop3A_482 {strides = array<i32>} : memref<32x1408xf32, #tpu.memory_space<vmem>>, vector<16xf32>,
        %parallel_loop3A_486 = vector.broadcast %parallel_loop3A_479 : i32 to vector<16xi32>
        %parallel_loop3A_487 = arith.addi %get3A_281, %parallel_loop3A_486 : vector<16xi32>
        %parallel_loop3A_488 = tpu.vector_load_idx %arg7[%broadcast_in_dim3A_1, %parallel_loop3A_487] : memref<32x128xf32, #tpu.memory_space<vmem>>[vector<16xi32>, vector<16xi32>], vector<16xf32>,
        %parallel_loop3A_489 = arith.index_cast %parallel_loop3A_477 : i32 to index
        %parallel_loop3A_490 = arith.constant 16 : index
        %parallel_loop3A_491 = tpu.vector_load %arg9[%parallel_loop3A_489, %parallel_loop3A_490] {strides = array<i32>} : memref<32x1408xf32, #tpu.memory_space<vmem>>, vector<16xf32>,
        tpu.vector_store %arg9[%parallel_loop3A_489, %parallel_loop3A_490], %parallel_loop3A_488 {strides = array<i32>} : memref<32x1408xf32, #tpu.memory_space<vmem>>, vector<16xf32>,
        %parallel_loop3A_492 = vector.broadcast %parallel_loop3A_479 : i32 to vector<16xi32>
        %parallel_loop3A_493 = arith.addi %get3A_283, %parallel_loop3A_492 : vector<16xi32>
        %parallel_loop3A_494 = tpu.vector_load_idx %arg7[%broadcast_in_dim3A_1, %parallel_loop3A_493] : memref<32x128xf32, #tpu.memory_space<vmem>>[vector<16xi32>, vector<16xi32>], vector<16xf32>,
        %parallel_loop3A_495 = arith.index_cast %parallel_loop3A_477 : i32 to index
        %parallel_loop3A_496 = arith.constant 32 : index
        %parallel_loop3A_497 = tpu.vector_load %arg9[%parallel_loop3A_495, %parallel_loop3A_496] {strides = array<i32>} : memref<32x1408xf32, #tpu.memory_space<vmem>>, vector<16xf32>,
        tpu.vector_store %arg9[%parallel_loop3A_495, %parallel_loop3A_496], %parallel_loop3A_494 {strides = array<i32>} : memref<32x1408xf32, #tpu.memory_space<vmem>>, vector<16xf32>,
        %parallel_loop3A_498 = vector.broadcast %parallel_loop3A_479 : i32 to vector<16xi32>
        %parallel_loop3A_499 = arith.addi %get3A_285, %parallel_loop3A_498 : vector<16xi32>
        %parallel_loop3A_500 = tpu.vector_load_idx %arg7[%broadcast_in_dim3A_1, %parallel_loop3A_499] : memref<32x128xf32, #tpu.memory_space<vmem>>[vector<16xi32>, vector<16xi32>], vector<16xf32>,
        %parallel_loop3A_501 = arith.index_cast %parallel_loop3A_477 : i32 to index
        %parallel_loop3A_502 = arith.constant 48 : index
        %parallel_loop3A_503 = tpu.vector_load %arg9[%parallel_loop3A_501, %parallel_loop3A_502] {strides = array<i32>} : memref<32x1408xf32, #tpu.memory_space<vmem>>, vector<16xf32>,
        tpu.vector_store %arg9[%parallel_loop3A_501, %parallel_loop3A_502], %parallel_loop3A_500 {strides = array<i32>} : memref<32x1408xf32, #tpu.memory_space<vmem>>, vector<16xf32>,
        %parallel_loop3A_504 = vector.broadcast %parallel_loop3A_479 : i32 to vector<16xi32>
        %parallel_loop3A_505 = arith.addi %get3A_287, %parallel_loop3A_504 : vector<16xi32>
        %parallel_loop3A_506 = tpu.vector_load_idx %arg7[%broadcast_in_dim3A_1, %parallel_loop3A_505] : memref<32x128xf32, #tpu.memory_space<vmem>>[vector<16xi32>, vector<16xi32>], vector<16xf32>,
        %parallel_loop3A_507 = arith.index_cast %parallel_loop3A_477 : i32 to index
        %parallel_loop3A_508 = arith.constant 64 : index
        %parallel_loop3A_509 = tpu.vector_load %arg9[%parallel_loop3A_507, %parallel_loop3A_508] {strides = array<i32>} : memref<32x1408xf32, #tpu.memory_space<vmem>>, vector<16xf32>,
        tpu.vector_store %arg9[%parallel_loop3A_507, %parallel_loop3A_508], %parallel_loop3A_506 {strides = array<i32>} : memref<32x1408xf32, #tpu.memory_space<vmem>>, vector<16xf32>,
        %parallel_loop3A_510 = vector.broadcast %parallel_loop3A_479 : i32 to vector<16xi32>
        %parallel_loop3A_511 = arith.addi %get3A_289, %parallel_loop3A_510 : vector<16xi32>
        %parallel_loop3A_512 = tpu.vector_load_idx %arg7[%broadcast_in_dim3A_1, %parallel_loop3A_511] : memref<32x128xf32, #tpu.memory_space<vmem>>[vector<16xi32>, vector<16xi32>], vector<16xf32>,
        %parallel_loop3A_513 = arith.index_cast %parallel_loop3A_477 : i32 to index
        %parallel_loop3A_514 = arith.constant 80 : index
        %parallel_loop3A_515 = tpu.vector_load %arg9[%parallel_loop3A_513, %parallel_loop3A_514] {strides = array<i32>} : memref<32x1408xf32, #tpu.memory_space<vmem>>, vector<16xf32>,
        tpu.vector_store %arg9[%parallel_loop3A_513, %parallel_loop3A_514], %parallel_loop3A_512 {strides = array<i32>} : memref<32x1408xf32, #tpu.memory_space<vmem>>, vector<16xf32>,
        %parallel_loop3A_516 = vector.broadcast %parallel_loop3A_479 : i32 to vector<16xi32>
        %parallel_loop3A_517 = arith.addi %get3A_291, %parallel_loop3A_516 : vector<16xi32>
        %parallel_loop3A_518 = tpu.vector_load_idx %arg7[%broadcast_in_dim3A_1, %parallel_loop3A_517] : memref<32x128xf32, #tpu.memory_space<vmem>>[vector<16xi32>, vector<16xi32>], vector<16xf32>,
        %parallel_loop3A_519 = arith.index_cast %parallel_loop3A_477 : i32 to index
        %parallel_loop3A_520 = arith.constant 96 : index
        %parallel_loop3A_521 = tpu.vector_load %arg9[%parallel_loop3A_519, %parallel_loop3A_520] {strides = array<i32>} : memref<32x1408xf32, #tpu.memory_space<vmem>>, vector<16xf32>,
        tpu.vector_store %arg9[%parallel_loop3A_519, %parallel_loop3A_520], %parallel_loop3A_518 {strides = array<i32>} : memref<32x1408xf32, #tpu.memory_space<vmem>>, vector<16xf32>,
        %parallel_loop3A_522 = vector.broadcast %parallel_loop3A_479 : i32 to vector<16xi32>
        %parallel_loop3A_523 = arith.addi %get3A_293, %parallel_loop3A_522 : vector<16xi32>
        %parallel_loop3A_524 = tpu.vector_load_idx %arg7[%broadcast_in_dim3A_1, %parallel_loop3A_523] : memref<32x128xf32, #tpu.memory_space<vmem>>[vector<16xi32>, vector<16xi32>], vector<16xf32>,
        %parallel_loop3A_525 = arith.index_cast %parallel_loop3A_477 : i32 to index
        %parallel_loop3A_526 = arith.constant 112 : index
        %parallel_loop3A_527 = tpu.vector_load %arg9[%parallel_loop3A_525, %parallel_loop3A_526] {strides = array<i32>} : memref<32x1408xf32, #tpu.memory_space<vmem>>, vector<16xf32>,
        tpu.vector_store %arg9[%parallel_loop3A_525, %parallel_loop3A_526], %parallel_loop3A_524 {strides = array<i32>} : memref<32x1408xf32, #tpu.memory_space<vmem>>, vector<16xf32>,
        %parallel_loop3A_528 = vector.broadcast %parallel_loop3A_479 : i32 to vector<16xi32>
        %parallel_loop3A_529 = arith.addi %get3A_295, %parallel_loop3A_528 : vector<16xi32>
        %parallel_loop3A_530 = tpu.vector_load_idx %arg7[%broadcast_in_dim3A_1, %parallel_loop3A_529] : memref<32x128xf32, #tpu.memory_space<vmem>>[vector<16xi32>, vector<16xi32>], vector<16xf32>,
        %parallel_loop3A_531 = arith.index_cast %parallel_loop3A_477 : i32 to index
        %parallel_loop3A_532 = arith.constant 128 : index
        %parallel_loop3A_533 = tpu.vector_load %arg9[%parallel_loop3A_531, %parallel_loop3A_532] {strides = array<i32>} : memref<32x1408xf32, #tpu.memory_space<vmem>>, vector<16xf32>,
        tpu.vector_store %arg9[%parallel_loop3A_531, %parallel_loop3A_532], %parallel_loop3A_530 {strides = array<i32>} : memref<32x1408xf32, #tpu.memory_space<vmem>>, vector<16xf32>,
        %parallel_loop3A_534 = vector.broadcast %parallel_loop3A_479 : i32 to vector<16xi32>
        %parallel_loop3A_535 = arith.addi %get3A_297, %parallel_loop3A_534 : vector<16xi32>
        %parallel_loop3A_536 = tpu.vector_load_idx %arg7[%broadcast_in_dim3A_1, %parallel_loop3A_535] : memref<32x128xf32, #tpu.memory_space<vmem>>[vector<16xi32>, vector<16xi32>], vector<16xf32>,
        %parallel_loop3A_537 = arith.index_cast %parallel_loop3A_477 : i32 to index
        %parallel_loop3A_538 = arith.constant 144 : index
        %parallel_loop3A_539 = tpu.vector_load %arg9[%parallel_loop3A_537, %parallel_loop3A_538] {strides = array<i32>} : memref<32x1408xf32, #tpu.memory_space<vmem>>, vector<16xf32>,
        tpu.vector_store %arg9[%parallel_loop3A_537, %parallel_loop3A_538], %parallel_loop3A_536 {strides = array<i32>} : memref<32x1408xf32, #tpu.memory_space<vmem>>, vector<16xf32>,
        %parallel_loop3A_540 = vector.broadcast %parallel_loop3A_479 : i32 to vector<16xi32>
        %parallel_loop3A_541 = arith.addi %get3A_299, %parallel_loop3A_540 : vector<16xi32>
        %parallel_loop3A_542 = tpu.vector_load_idx %arg7[%broadcast_in_dim3A_1, %parallel_loop3A_541] : memref<32x128xf32, #tpu.memory_space<vmem>>[vector<16xi32>, vector<16xi32>], vector<16xf32>,
        %parallel_loop3A_543 = arith.index_cast %parallel_loop3A_477 : i32 to index
        %parallel_loop3A_544 = arith.constant 160 : index
        %parallel_loop3A_545 = tpu.vector_load %arg9[%parallel_loop3A_543, %parallel_loop3A_544] {strides = array<i32>} : memref<32x1408xf32, #tpu.memory_space<vmem>>, vector<16xf32>,
        tpu.vector_store %arg9[%parallel_loop3A_543, %parallel_loop3A_544], %parallel_loop3A_542 {strides = array<i32>} : memref<32x1408xf32, #tpu.memory_space<vmem>>, vector<16xf32>,
        %parallel_loop3A_546 = vector.broadcast %parallel_loop3A_479 : i32 to vector<16xi32>
        %parallel_loop3A_547 = arith.addi %get3A_301, %parallel_loop3A_546 : vector<16xi32>
        %parallel_loop3A_548 = tpu.vector_load_idx %arg7[%broadcast_in_dim3A_1, %parallel_loop3A_547] : memref<32x128xf32, #tpu.memory_space<vmem>>[vector<16xi32>, vector<16xi32>], vector<16xf32>,
        %parallel_loop3A_549 = arith.index_cast %parallel_loop3A_477 : i32 to index
        %parallel_loop3A_550 = arith.constant 176 : index
        %parallel_loop3A_551 = tpu.vector_load %arg9[%parallel_loop3A_549, %parallel_loop3A_550] {strides = array<i32>} : memref<32x1408xf32, #tpu.memory_space<vmem>>, vector<16xf32>,
        tpu.vector_store %arg9[%parallel_loop3A_549, %parallel_loop3A_550], %parallel_loop3A_548 {strides = array<i32>} : memref<32x1408xf32, #tpu.memory_space<vmem>>, vector<16xf32>,
        %parallel_loop3A_552 = vector.broadcast %parallel_loop3A_479 : i32 to vector<16xi32>
        %parallel_loop3A_553 = arith.addi %get3A_303, %parallel_loop3A_552 : vector<16xi32>
        %parallel_loop3A_554 = tpu.vector_load_idx %arg7[%broadcast_in_dim3A_1, %parallel_loop3A_553] : memref<32x128xf32, #tpu.memory_space<vmem>>[vector<16xi32>, vector<16xi32>], vector<16xf32>,
        %parallel_loop3A_555 = arith.index_cast %parallel_loop3A_477 : i32 to index
        %parallel_loop3A_556 = arith.constant 192 : index
        %parallel_loop3A_557 = tpu.vector_load %arg9[%parallel_loop3A_555, %parallel_loop3A_556] {strides = array<i32>} : memref<32x1408xf32, #tpu.memory_space<vmem>>, vector<16xf32>,
        tpu.vector_store %arg9[%parallel_loop3A_555, %parallel_loop3A_556], %parallel_loop3A_554 {strides = array<i32>} : memref<32x1408xf32, #tpu.memory_space<vmem>>, vector<16xf32>,
        %parallel_loop3A_558 = vector.broadcast %parallel_loop3A_479 : i32 to vector<16xi32>
        %parallel_loop3A_559 = arith.addi %get3A_305, %parallel_loop3A_558 : vector<16xi32>
        %parallel_loop3A_560 = tpu.vector_load_idx %arg7[%broadcast_in_dim3A_1, %parallel_loop3A_559] : memref<32x128xf32, #tpu.memory_space<vmem>>[vector<16xi32>, vector<16xi32>], vector<16xf32>,
        %parallel_loop3A_561 = arith.index_cast %parallel_loop3A_477 : i32 to index
        %parallel_loop3A_562 = arith.constant 208 : index
        %parallel_loop3A_563 = tpu.vector_load %arg9[%parallel_loop3A_561, %parallel_loop3A_562] {strides = array<i32>} : memref<32x1408xf32, #tpu.memory_space<vmem>>, vector<16xf32>,
        tpu.vector_store %arg9[%parallel_loop3A_561, %parallel_loop3A_562], %parallel_loop3A_560 {strides = array<i32>} : memref<32x1408xf32, #tpu.memory_space<vmem>>, vector<16xf32>,
        %parallel_loop3A_564 = vector.broadcast %parallel_loop3A_479 : i32 to vector<16xi32>
        %parallel_loop3A_565 = arith.addi %get3A_307, %parallel_loop3A_564 : vector<16xi32>
        %parallel_loop3A_566 = tpu.vector_load_idx %arg7[%broadcast_in_dim3A_1, %parallel_loop3A_565] : memref<32x128xf32, #tpu.memory_space<vmem>>[vector<16xi32>, vector<16xi32>], vector<16xf32>,
        %parallel_loop3A_567 = arith.index_cast %parallel_loop3A_477 : i32 to index
        %parallel_loop3A_568 = arith.constant 224 : index
        %parallel_loop3A_569 = tpu.vector_load %arg9[%parallel_loop3A_567, %parallel_loop3A_568] {strides = array<i32>} : memref<32x1408xf32, #tpu.memory_space<vmem>>, vector<16xf32>,
        tpu.vector_store %arg9[%parallel_loop3A_567, %parallel_loop3A_568], %parallel_loop3A_566 {strides = array<i32>} : memref<32x1408xf32, #tpu.memory_space<vmem>>, vector<16xf32>,
        %parallel_loop3A_570 = vector.broadcast %parallel_loop3A_479 : i32 to vector<16xi32>
        %parallel_loop3A_571 = arith.addi %get3A_309, %parallel_loop3A_570 : vector<16xi32>
        %parallel_loop3A_572 = tpu.vector_load_idx %arg7[%broadcast_in_dim3A_1, %parallel_loop3A_571] : memref<32x128xf32, #tpu.memory_space<vmem>>[vector<16xi32>, vector<16xi32>], vector<16xf32>,
        %parallel_loop3A_573 = arith.index_cast %parallel_loop3A_477 : i32 to index
        %parallel_loop3A_574 = arith.constant 240 : index
        %parallel_loop3A_575 = tpu.vector_load %arg9[%parallel_loop3A_573, %parallel_loop3A_574] {strides = array<i32>} : memref<32x1408xf32, #tpu.memory_space<vmem>>, vector<16xf32>,
        tpu.vector_store %arg9[%parallel_loop3A_573, %parallel_loop3A_574], %parallel_loop3A_572 {strides = array<i32>} : memref<32x1408xf32, #tpu.memory_space<vmem>>, vector<16xf32>,
        %parallel_loop3A_576 = vector.broadcast %parallel_loop3A_479 : i32 to vector<16xi32>
        %parallel_loop3A_577 = arith.addi %get3A_311, %parallel_loop3A_576 : vector<16xi32>
        %parallel_loop3A_578 = tpu.vector_load_idx %arg7[%broadcast_in_dim3A_1, %parallel_loop3A_577] : memref<32x128xf32, #tpu.memory_space<vmem>>[vector<16xi32>, vector<16xi32>], vector<16xf32>,
        %parallel_loop3A_579 = arith.index_cast %parallel_loop3A_477 : i32 to index
        %parallel_loop3A_580 = arith.constant 256 : index
        %parallel_loop3A_581 = tpu.vector_load %arg9[%parallel_loop3A_579, %parallel_loop3A_580] {strides = array<i32>} : memref<32x1408xf32, #tpu.memory_space<vmem>>, vector<16xf32>,
        tpu.vector_store %arg9[%parallel_loop3A_579, %parallel_loop3A_580], %parallel_loop3A_578 {strides = array<i32>} : memref<32x1408xf32, #tpu.memory_space<vmem>>, vector<16xf32>,
        %parallel_loop3A_582 = vector.broadcast %parallel_loop3A_479 : i32 to vector<16xi32>
        %parallel_loop3A_583 = arith.addi %get3A_313, %parallel_loop3A_582 : vector<16xi32>
        %parallel_loop3A_584 = tpu.vector_load_idx %arg7[%broadcast_in_dim3A_1, %parallel_loop3A_583] : memref<32x128xf32, #tpu.memory_space<vmem>>[vector<16xi32>, vector<16xi32>], vector<16xf32>,
        %parallel_loop3A_585 = arith.index_cast %parallel_loop3A_477 : i32 to index
        %parallel_loop3A_586 = arith.constant 272 : index
        %parallel_loop3A_587 = tpu.vector_load %arg9[%parallel_loop3A_585, %parallel_loop3A_586] {strides = array<i32>} : memref<32x1408xf32, #tpu.memory_space<vmem>>, vector<16xf32>,
        tpu.vector_store %arg9[%parallel_loop3A_585, %parallel_loop3A_586], %parallel_loop3A_584 {strides = array<i32>} : memref<32x1408xf32, #tpu.memory_space<vmem>>, vector<16xf32>,
        %parallel_loop3A_588 = vector.broadcast %parallel_loop3A_479 : i32 to vector<16xi32>
        %parallel_loop3A_589 = arith.addi %get3A_315, %parallel_loop3A_588 : vector<16xi32>
        %parallel_loop3A_590 = tpu.vector_load_idx %arg7[%broadcast_in_dim3A_1, %parallel_loop3A_589] : memref<32x128xf32, #tpu.memory_space<vmem>>[vector<16xi32>, vector<16xi32>], vector<16xf32>,
        %parallel_loop3A_591 = arith.index_cast %parallel_loop3A_477 : i32 to index
        %parallel_loop3A_592 = arith.constant 288 : index
        %parallel_loop3A_593 = tpu.vector_load %arg9[%parallel_loop3A_591, %parallel_loop3A_592] {strides = array<i32>} : memref<32x1408xf32, #tpu.memory_space<vmem>>, vector<16xf32>,
        tpu.vector_store %arg9[%parallel_loop3A_591, %parallel_loop3A_592], %parallel_loop3A_590 {strides = array<i32>} : memref<32x1408xf32, #tpu.memory_space<vmem>>, vector<16xf32>,
        %parallel_loop3A_594 = vector.broadcast %parallel_loop3A_479 : i32 to vector<16xi32>
        %parallel_loop3A_595 = arith.addi %get3A_317, %parallel_loop3A_594 : vector<16xi32>
        %parallel_loop3A_596 = tpu.vector_load_idx %arg7[%broadcast_in_dim3A_1, %parallel_loop3A_595] : memref<32x128xf32, #tpu.memory_space<vmem>>[vector<16xi32>, vector<16xi32>], vector<16xf32>,
        %parallel_loop3A_597 = arith.index_cast %parallel_loop3A_477 : i32 to index
        %parallel_loop3A_598 = arith.constant 304 : index
        %parallel_loop3A_599 = tpu.vector_load %arg9[%parallel_loop3A_597, %parallel_loop3A_598] {strides = array<i32>} : memref<32x1408xf32, #tpu.memory_space<vmem>>, vector<16xf32>,
        tpu.vector_store %arg9[%parallel_loop3A_597, %parallel_loop3A_598], %parallel_loop3A_596 {strides = array<i32>} : memref<32x1408xf32, #tpu.memory_space<vmem>>, vector<16xf32>,
        %parallel_loop3A_600 = vector.broadcast %parallel_loop3A_479 : i32 to vector<16xi32>
        %parallel_loop3A_601 = arith.addi %get3A_319, %parallel_loop3A_600 : vector<16xi32>
        %parallel_loop3A_602 = tpu.vector_load_idx %arg7[%broadcast_in_dim3A_1, %parallel_loop3A_601] : memref<32x128xf32, #tpu.memory_space<vmem>>[vector<16xi32>, vector<16xi32>], vector<16xf32>,
        %parallel_loop3A_603 = arith.index_cast %parallel_loop3A_477 : i32 to index
        %parallel_loop3A_604 = arith.constant 320 : index
        %parallel_loop3A_605 = tpu.vector_load %arg9[%parallel_loop3A_603, %parallel_loop3A_604] {strides = array<i32>} : memref<32x1408xf32, #tpu.memory_space<vmem>>, vector<16xf32>,
        tpu.vector_store %arg9[%parallel_loop3A_603, %parallel_loop3A_604], %parallel_loop3A_602 {strides = array<i32>} : memref<32x1408xf32, #tpu.memory_space<vmem>>, vector<16xf32>,
        %parallel_loop3A_606 = vector.broadcast %parallel_loop3A_479 : i32 to vector<16xi32>
        %parallel_loop3A_607 = arith.addi %get3A_321, %parallel_loop3A_606 : vector<16xi32>
        %parallel_loop3A_608 = tpu.vector_load_idx %arg7[%broadcast_in_dim3A_1, %parallel_loop3A_607] : memref<32x128xf32, #tpu.memory_space<vmem>>[vector<16xi32>, vector<16xi32>], vector<16xf32>,
        %parallel_loop3A_609 = arith.index_cast %parallel_loop3A_477 : i32 to index
        %parallel_loop3A_610 = arith.constant 336 : index
        %parallel_loop3A_611 = tpu.vector_load %arg9[%parallel_loop3A_609, %parallel_loop3A_610] {strides = array<i32>} : memref<32x1408xf32, #tpu.memory_space<vmem>>, vector<16xf32>,
        tpu.vector_store %arg9[%parallel_loop3A_609, %parallel_loop3A_610], %parallel_loop3A_608 {strides = array<i32>} : memref<32x1408xf32, #tpu.memory_space<vmem>>, vector<16xf32>,
        %parallel_loop3A_612 = vector.broadcast %parallel_loop3A_479 : i32 to vector<16xi32>
        %parallel_loop3A_613 = arith.addi %get3A_323, %parallel_loop3A_612 : vector<16xi32>
        %parallel_loop3A_614 = tpu.vector_load_idx %arg7[%broadcast_in_dim3A_1, %parallel_loop3A_613] : memref<32x128xf32, #tpu.memory_space<vmem>>[vector<16xi32>, vector<16xi32>], vector<16xf32>,
        %parallel_loop3A_615 = arith.index_cast %parallel_loop3A_477 : i32 to index
        %parallel_loop3A_616 = arith.constant 352 : index
        %parallel_loop3A_617 = tpu.vector_load %arg9[%parallel_loop3A_615, %parallel_loop3A_616] {strides = array<i32>} : memref<32x1408xf32, #tpu.memory_space<vmem>>, vector<16xf32>,
        tpu.vector_store %arg9[%parallel_loop3A_615, %parallel_loop3A_616], %parallel_loop3A_614 {strides = array<i32>} : memref<32x1408xf32, #tpu.memory_space<vmem>>, vector<16xf32>,
        %parallel_loop3A_618 = vector.broadcast %parallel_loop3A_479 : i32 to vector<16xi32>
        %parallel_loop3A_619 = arith.addi %get3A_325, %parallel_loop3A_618 : vector<16xi32>
        %parallel_loop3A_620 = tpu.vector_load_idx %arg7[%broadcast_in_dim3A_1, %parallel_loop3A_619] : memref<32x128xf32, #tpu.memory_space<vmem>>[vector<16xi32>, vector<16xi32>], vector<16xf32>,
        %parallel_loop3A_621 = arith.index_cast %parallel_loop3A_477 : i32 to index
        %parallel_loop3A_622 = arith.constant 368 : index
        %parallel_loop3A_623 = tpu.vector_load %arg9[%parallel_loop3A_621, %parallel_loop3A_622] {strides = array<i32>} : memref<32x1408xf32, #tpu.memory_space<vmem>>, vector<16xf32>,
        tpu.vector_store %arg9[%parallel_loop3A_621, %parallel_loop3A_622], %parallel_loop3A_620 {strides = array<i32>} : memref<32x1408xf32, #tpu.memory_space<vmem>>, vector<16xf32>,
        %parallel_loop3A_624 = vector.broadcast %parallel_loop3A_479 : i32 to vector<16xi32>
        %parallel_loop3A_625 = arith.addi %get3A_327, %parallel_loop3A_624 : vector<16xi32>
        %parallel_loop3A_626 = tpu.vector_load_idx %arg7[%broadcast_in_dim3A_1, %parallel_loop3A_625] : memref<32x128xf32, #tpu.memory_space<vmem>>[vector<16xi32>, vector<16xi32>], vector<16xf32>,
        %parallel_loop3A_627 = arith.index_cast %parallel_loop3A_477 : i32 to index
        %parallel_loop3A_628 = arith.constant 384 : index
        %parallel_loop3A_629 = tpu.vector_load %arg9[%parallel_loop3A_627, %parallel_loop3A_628] {strides = array<i32>} : memref<32x1408xf32, #tpu.memory_space<vmem>>, vector<16xf32>,
        tpu.vector_store %arg9[%parallel_loop3A_627, %parallel_loop3A_628], %parallel_loop3A_626 {strides = array<i32>} : memref<32x1408xf32, #tpu.memory_space<vmem>>, vector<16xf32>,
        %parallel_loop3A_630 = vector.broadcast %parallel_loop3A_479 : i32 to vector<16xi32>
        %parallel_loop3A_631 = arith.addi %get3A_329, %parallel_loop3A_630 : vector<16xi32>
        %parallel_loop3A_632 = tpu.vector_load_idx %arg7[%broadcast_in_dim3A_1, %parallel_loop3A_631] : memref<32x128xf32, #tpu.memory_space<vmem>>[vector<16xi32>, vector<16xi32>], vector<16xf32>,
        %parallel_loop3A_633 = arith.index_cast %parallel_loop3A_477 : i32 to index
        %parallel_loop3A_634 = arith.constant 400 : index
        %parallel_loop3A_635 = tpu.vector_load %arg9[%parallel_loop3A_633, %parallel_loop3A_634] {strides = array<i32>} : memref<32x1408xf32, #tpu.memory_space<vmem>>, vector<16xf32>,
        tpu.vector_store %arg9[%parallel_loop3A_633, %parallel_loop3A_634], %parallel_loop3A_632 {strides = array<i32>} : memref<32x1408xf32, #tpu.memory_space<vmem>>, vector<16xf32>,
        %parallel_loop3A_636 = vector.broadcast %parallel_loop3A_479 : i32 to vector<16xi32>
        %parallel_loop3A_637 = arith.addi %get3A_331, %parallel_loop3A_636 : vector<16xi32>
        %parallel_loop3A_638 = tpu.vector_load_idx %arg7[%broadcast_in_dim3A_1, %parallel_loop3A_637] : memref<32x128xf32, #tpu.memory_space<vmem>>[vector<16xi32>, vector<16xi32>], vector<16xf32>,
        %parallel_loop3A_639 = arith.index_cast %parallel_loop3A_477 : i32 to index
        %parallel_loop3A_640 = arith.constant 416 : index
        %parallel_loop3A_641 = tpu.vector_load %arg9[%parallel_loop3A_639, %parallel_loop3A_640] {strides = array<i32>} : memref<32x1408xf32, #tpu.memory_space<vmem>>, vector<16xf32>,
        tpu.vector_store %arg9[%parallel_loop3A_639, %parallel_loop3A_640], %parallel_loop3A_638 {strides = array<i32>} : memref<32x1408xf32, #tpu.memory_space<vmem>>, vector<16xf32>,
        %parallel_loop3A_642 = vector.broadcast %parallel_loop3A_479 : i32 to vector<16xi32>
        %parallel_loop3A_643 = arith.addi %get3A_333, %parallel_loop3A_642 : vector<16xi32>
        %parallel_loop3A_644 = tpu.vector_load_idx %arg7[%broadcast_in_dim3A_1, %parallel_loop3A_643] : memref<32x128xf32, #tpu.memory_space<vmem>>[vector<16xi32>, vector<16xi32>], vector<16xf32>,
        %parallel_loop3A_645 = arith.index_cast %parallel_loop3A_477 : i32 to index
        %parallel_loop3A_646 = arith.constant 432 : index
        %parallel_loop3A_647 = tpu.vector_load %arg9[%parallel_loop3A_645, %parallel_loop3A_646] {strides = array<i32>} : memref<32x1408xf32, #tpu.memory_space<vmem>>, vector<16xf32>,
        tpu.vector_store %arg9[%parallel_loop3A_645, %parallel_loop3A_646], %parallel_loop3A_644 {strides = array<i32>} : memref<32x1408xf32, #tpu.memory_space<vmem>>, vector<16xf32>,
        %parallel_loop3A_648 = vector.broadcast %parallel_loop3A_479 : i32 to vector<16xi32>
        %parallel_loop3A_649 = arith.addi %get3A_335, %parallel_loop3A_648 : vector<16xi32>
        %parallel_loop3A_650 = tpu.vector_load_idx %arg7[%broadcast_in_dim3A_1, %parallel_loop3A_649] : memref<32x128xf32, #tpu.memory_space<vmem>>[vector<16xi32>, vector<16xi32>], vector<16xf32>,
        %parallel_loop3A_651 = arith.index_cast %parallel_loop3A_477 : i32 to index
        %parallel_loop3A_652 = arith.constant 448 : index
        %parallel_loop3A_653 = tpu.vector_load %arg9[%parallel_loop3A_651, %parallel_loop3A_652] {strides = array<i32>} : memref<32x1408xf32, #tpu.memory_space<vmem>>, vector<16xf32>,
        tpu.vector_store %arg9[%parallel_loop3A_651, %parallel_loop3A_652], %parallel_loop3A_650 {strides = array<i32>} : memref<32x1408xf32, #tpu.memory_space<vmem>>, vector<16xf32>,
        %parallel_loop3A_654 = vector.broadcast %parallel_loop3A_479 : i32 to vector<16xi32>
        %parallel_loop3A_655 = arith.addi %get3A_337, %parallel_loop3A_654 : vector<16xi32>
        %parallel_loop3A_656 = tpu.vector_load_idx %arg7[%broadcast_in_dim3A_1, %parallel_loop3A_655] : memref<32x128xf32, #tpu.memory_space<vmem>>[vector<16xi32>, vector<16xi32>], vector<16xf32>,
        %parallel_loop3A_657 = arith.index_cast %parallel_loop3A_477 : i32 to index
        %parallel_loop3A_658 = arith.constant 464 : index
        %parallel_loop3A_659 = tpu.vector_load %arg9[%parallel_loop3A_657, %parallel_loop3A_658] {strides = array<i32>} : memref<32x1408xf32, #tpu.memory_space<vmem>>, vector<16xf32>,
        tpu.vector_store %arg9[%parallel_loop3A_657, %parallel_loop3A_658], %parallel_loop3A_656 {strides = array<i32>} : memref<32x1408xf32, #tpu.memory_space<vmem>>, vector<16xf32>,
        %parallel_loop3A_660 = vector.broadcast %parallel_loop3A_479 : i32 to vector<16xi32>
        %parallel_loop3A_661 = arith.addi %get3A_339, %parallel_loop3A_660 : vector<16xi32>
        %parallel_loop3A_662 = tpu.vector_load_idx %arg7[%broadcast_in_dim3A_1, %parallel_loop3A_661] : memref<32x128xf32, #tpu.memory_space<vmem>>[vector<16xi32>, vector<16xi32>], vector<16xf32>,
        %parallel_loop3A_663 = arith.index_cast %parallel_loop3A_477 : i32 to index
        %parallel_loop3A_664 = arith.constant 480 : index
        %parallel_loop3A_665 = tpu.vector_load %arg9[%parallel_loop3A_663, %parallel_loop3A_664] {strides = array<i32>} : memref<32x1408xf32, #tpu.memory_space<vmem>>, vector<16xf32>,
        tpu.vector_store %arg9[%parallel_loop3A_663, %parallel_loop3A_664], %parallel_loop3A_662 {strides = array<i32>} : memref<32x1408xf32, #tpu.memory_space<vmem>>, vector<16xf32>,
        %parallel_loop3A_666 = vector.broadcast %parallel_loop3A_479 : i32 to vector<16xi32>
        %parallel_loop3A_667 = arith.addi %get3A_341, %parallel_loop3A_666 : vector<16xi32>
        %parallel_loop3A_668 = tpu.vector_load_idx %arg7[%broadcast_in_dim3A_1, %parallel_loop3A_667] : memref<32x128xf32, #tpu.memory_space<vmem>>[vector<16xi32>, vector<16xi32>], vector<16xf32>,
        %parallel_loop3A_669 = arith.index_cast %parallel_loop3A_477 : i32 to index
        %parallel_loop3A_670 = arith.constant 496 : index
        %parallel_loop3A_671 = tpu.vector_load %arg9[%parallel_loop3A_669, %parallel_loop3A_670] {strides = array<i32>} : memref<32x1408xf32, #tpu.memory_space<vmem>>, vector<16xf32>,
        tpu.vector_store %arg9[%parallel_loop3A_669, %parallel_loop3A_670], %parallel_loop3A_668 {strides = array<i32>} : memref<32x1408xf32, #tpu.memory_space<vmem>>, vector<16xf32>,
      } {sc.loop_unroll_factor = 1 : i64, sc.parallel_access}
      %get3A_345 = arith.constant 512 : index
      %get3A_346 = tpu.vector_load %arg5[%get3A_345] {strides = array<i32>} : memref<1408xi32, #tpu.memory_space<vmem>>, vector<16xi32>,
      %get3A_347 = arith.constant 528 : index
      %get3A_348 = tpu.vector_load %arg5[%get3A_347] {strides = array<i32>} : memref<1408xi32, #tpu.memory_space<vmem>>, vector<16xi32>,
      %get3A_349 = arith.constant 544 : index
      %get3A_350 = tpu.vector_load %arg5[%get3A_349] {strides = array<i32>} : memref<1408xi32, #tpu.memory_space<vmem>>, vector<16xi32>,
      %get3A_351 = arith.constant 560 : index
      %get3A_352 = tpu.vector_load %arg5[%get3A_351] {strides = array<i32>} : memref<1408xi32, #tpu.memory_space<vmem>>, vector<16xi32>,
      %get3A_353 = arith.constant 576 : index
      %get3A_354 = tpu.vector_load %arg5[%get3A_353] {strides = array<i32>} : memref<1408xi32, #tpu.memory_space<vmem>>, vector<16xi32>,
      %get3A_355 = arith.constant 592 : index
      %get3A_356 = tpu.vector_load %arg5[%get3A_355] {strides = array<i32>} : memref<1408xi32, #tpu.memory_space<vmem>>, vector<16xi32>,
      %get3A_357 = arith.constant 608 : index
      %get3A_358 = tpu.vector_load %arg5[%get3A_357] {strides = array<i32>} : memref<1408xi32, #tpu.memory_space<vmem>>, vector<16xi32>,
      %get3A_359 = arith.constant 624 : index
      %get3A_360 = tpu.vector_load %arg5[%get3A_359] {strides = array<i32>} : memref<1408xi32, #tpu.memory_space<vmem>>, vector<16xi32>,
      %get3A_361 = arith.constant 640 : index
      %get3A_362 = tpu.vector_load %arg5[%get3A_361] {strides = array<i32>} : memref<1408xi32, #tpu.memory_space<vmem>>, vector<16xi32>,
      %get3A_363 = arith.constant 656 : index
      %get3A_364 = tpu.vector_load %arg5[%get3A_363] {strides = array<i32>} : memref<1408xi32, #tpu.memory_space<vmem>>, vector<16xi32>,
      %get3A_365 = arith.constant 672 : index
      %get3A_366 = tpu.vector_load %arg5[%get3A_365] {strides = array<i32>} : memref<1408xi32, #tpu.memory_space<vmem>>, vector<16xi32>,
      %get3A_367 = arith.constant 688 : index
      %get3A_368 = tpu.vector_load %arg5[%get3A_367] {strides = array<i32>} : memref<1408xi32, #tpu.memory_space<vmem>>, vector<16xi32>,
      %get3A_369 = arith.constant 704 : index
      %get3A_370 = tpu.vector_load %arg5[%get3A_369] {strides = array<i32>} : memref<1408xi32, #tpu.memory_space<vmem>>, vector<16xi32>,
      %get3A_371 = arith.constant 720 : index
      %get3A_372 = tpu.vector_load %arg5[%get3A_371] {strides = array<i32>} : memref<1408xi32, #tpu.memory_space<vmem>>, vector<16xi32>,
      %get3A_373 = arith.constant 736 : index
      %get3A_374 = tpu.vector_load %arg5[%get3A_373] {strides = array<i32>} : memref<1408xi32, #tpu.memory_space<vmem>>, vector<16xi32>,
      %get3A_375 = arith.constant 752 : index
      %get3A_376 = tpu.vector_load %arg5[%get3A_375] {strides = array<i32>} : memref<1408xi32, #tpu.memory_space<vmem>>, vector<16xi32>,
      %get3A_377 = arith.constant 768 : index
      %get3A_378 = tpu.vector_load %arg5[%get3A_377] {strides = array<i32>} : memref<1408xi32, #tpu.memory_space<vmem>>, vector<16xi32>,
      %get3A_379 = arith.constant 784 : index
      %get3A_380 = tpu.vector_load %arg5[%get3A_379] {strides = array<i32>} : memref<1408xi32, #tpu.memory_space<vmem>>, vector<16xi32>,
      %get3A_381 = arith.constant 800 : index
      %get3A_382 = tpu.vector_load %arg5[%get3A_381] {strides = array<i32>} : memref<1408xi32, #tpu.memory_space<vmem>>, vector<16xi32>,
      %get3A_383 = arith.constant 816 : index
      %get3A_384 = tpu.vector_load %arg5[%get3A_383] {strides = array<i32>} : memref<1408xi32, #tpu.memory_space<vmem>>, vector<16xi32>,
      %get3A_385 = arith.constant 832 : index
      %get3A_386 = tpu.vector_load %arg5[%get3A_385] {strides = array<i32>} : memref<1408xi32, #tpu.memory_space<vmem>>, vector<16xi32>,
      %get3A_387 = arith.constant 848 : index
      %get3A_388 = tpu.vector_load %arg5[%get3A_387] {strides = array<i32>} : memref<1408xi32, #tpu.memory_space<vmem>>, vector<16xi32>,
      %get3A_389 = arith.constant 864 : index
      %get3A_390 = tpu.vector_load %arg5[%get3A_389] {strides = array<i32>} : memref<1408xi32, #tpu.memory_space<vmem>>, vector<16xi32>,
      %get3A_391 = arith.constant 880 : index
      %get3A_392 = tpu.vector_load %arg5[%get3A_391] {strides = array<i32>} : memref<1408xi32, #tpu.memory_space<vmem>>, vector<16xi32>,
      %get3A_393 = arith.constant 896 : index
      %get3A_394 = tpu.vector_load %arg5[%get3A_393] {strides = array<i32>} : memref<1408xi32, #tpu.memory_space<vmem>>, vector<16xi32>,
      %get3A_395 = arith.constant 912 : index
      %get3A_396 = tpu.vector_load %arg5[%get3A_395] {strides = array<i32>} : memref<1408xi32, #tpu.memory_space<vmem>>, vector<16xi32>,
      %get3A_397 = arith.constant 928 : index
      %get3A_398 = tpu.vector_load %arg5[%get3A_397] {strides = array<i32>} : memref<1408xi32, #tpu.memory_space<vmem>>, vector<16xi32>,
      %get3A_399 = arith.constant 944 : index
      %get3A_400 = tpu.vector_load %arg5[%get3A_399] {strides = array<i32>} : memref<1408xi32, #tpu.memory_space<vmem>>, vector<16xi32>,
      %get3A_401 = arith.constant 960 : index
      %get3A_402 = tpu.vector_load %arg5[%get3A_401] {strides = array<i32>} : memref<1408xi32, #tpu.memory_space<vmem>>, vector<16xi32>,
      %get3A_403 = arith.constant 976 : index
      %get3A_404 = tpu.vector_load %arg5[%get3A_403] {strides = array<i32>} : memref<1408xi32, #tpu.memory_space<vmem>>, vector<16xi32>,
      %get3A_405 = arith.constant 992 : index
      %get3A_406 = tpu.vector_load %arg5[%get3A_405] {strides = array<i32>} : memref<1408xi32, #tpu.memory_space<vmem>>, vector<16xi32>,
      %get3A_407 = arith.constant 1008 : index
      %get3A_408 = tpu.vector_load %arg5[%get3A_407] {strides = array<i32>} : memref<1408xi32, #tpu.memory_space<vmem>>, vector<16xi32>,
      %parallel_loop3A_409 = arith.constant 0 : i32
      %parallel_loop3A_410 = arith.constant 32 : i32
      %parallel_loop3A_411 = arith.constant 1 : i32
      scf.for %parallel_loop3A_477 = %parallel_loop3A_409 to %parallel_loop3A_410 step %parallel_loop3A_411  : i32 {
        %parallel_loop3A_478 = arith.constant 128 : i32
        %parallel_loop3A_479 = arith.muli %parallel_loop3A_477, %parallel_loop3A_478 : i32
        %parallel_loop3A_480 = vector.broadcast %parallel_loop3A_479 : i32 to vector<16xi32>
        %parallel_loop3A_481 = arith.addi %get3A_346, %parallel_loop3A_480 : vector<16xi32>
        %parallel_loop3A_482 = tpu.vector_load_idx %arg7[%broadcast_in_dim3A_1, %parallel_loop3A_481] : memref<32x128xf32, #tpu.memory_space<vmem>>[vector<16xi32>, vector<16xi32>], vector<16xf32>,
        %parallel_loop3A_483 = arith.index_cast %parallel_loop3A_477 : i32 to index
        %parallel_loop3A_484 = arith.constant 512 : index
        %parallel_loop3A_485 = tpu.vector_load %arg9[%parallel_loop3A_483, %parallel_loop3A_484] {strides = array<i32>} : memref<32x1408xf32, #tpu.memory_space<vmem>>, vector<16xf32>,
        tpu.vector_store %arg9[%parallel_loop3A_483, %parallel_loop3A_484], %parallel_loop3A_482 {strides = array<i32>} : memref<32x1408xf32, #tpu.memory_space<vmem>>, vector<16xf32>,
        %parallel_loop3A_486 = vector.broadcast %parallel_loop3A_479 : i32 to vector<16xi32>
        %parallel_loop3A_487 = arith.addi %get3A_348, %parallel_loop3A_486 : vector<16xi32>
        %parallel_loop3A_488 = tpu.vector_load_idx %arg7[%broadcast_in_dim3A_1, %parallel_loop3A_487] : memref<32x128xf32, #tpu.memory_space<vmem>>[vector<16xi32>, vector<16xi32>], vector<16xf32>,
        %parallel_loop3A_489 = arith.index_cast %parallel_loop3A_477 : i32 to index
        %parallel_loop3A_490 = arith.constant 528 : index
        %parallel_loop3A_491 = tpu.vector_load %arg9[%parallel_loop3A_489, %parallel_loop3A_490] {strides = array<i32>} : memref<32x1408xf32, #tpu.memory_space<vmem>>, vector<16xf32>,
        tpu.vector_store %arg9[%parallel_loop3A_489, %parallel_loop3A_490], %parallel_loop3A_488 {strides = array<i32>} : memref<32x1408xf32, #tpu.memory_space<vmem>>, vector<16xf32>,
        %parallel_loop3A_492 = vector.broadcast %parallel_loop3A_479 : i32 to vector<16xi32>
        %parallel_loop3A_493 = arith.addi %get3A_350, %parallel_loop3A_492 : vector<16xi32>
        %parallel_loop3A_494 = tpu.vector_load_idx %arg7[%broadcast_in_dim3A_1, %parallel_loop3A_493] : memref<32x128xf32, #tpu.memory_space<vmem>>[vector<16xi32>, vector<16xi32>], vector<16xf32>,
        %parallel_loop3A_495 = arith.index_cast %parallel_loop3A_477 : i32 to index
        %parallel_loop3A_496 = arith.constant 544 : index
        %parallel_loop3A_497 = tpu.vector_load %arg9[%parallel_loop3A_495, %parallel_loop3A_496] {strides = array<i32>} : memref<32x1408xf32, #tpu.memory_space<vmem>>, vector<16xf32>,
        tpu.vector_store %arg9[%parallel_loop3A_495, %parallel_loop3A_496], %parallel_loop3A_494 {strides = array<i32>} : memref<32x1408xf32, #tpu.memory_space<vmem>>, vector<16xf32>,
        %parallel_loop3A_498 = vector.broadcast %parallel_loop3A_479 : i32 to vector<16xi32>
        %parallel_loop3A_499 = arith.addi %get3A_352, %parallel_loop3A_498 : vector<16xi32>
        %parallel_loop3A_500 = tpu.vector_load_idx %arg7[%broadcast_in_dim3A_1, %parallel_loop3A_499] : memref<32x128xf32, #tpu.memory_space<vmem>>[vector<16xi32>, vector<16xi32>], vector<16xf32>,
        %parallel_loop3A_501 = arith.index_cast %parallel_loop3A_477 : i32 to index
        %parallel_loop3A_502 = arith.constant 560 : index
        %parallel_loop3A_503 = tpu.vector_load %arg9[%parallel_loop3A_501, %parallel_loop3A_502] {strides = array<i32>} : memref<32x1408xf32, #tpu.memory_space<vmem>>, vector<16xf32>,
        tpu.vector_store %arg9[%parallel_loop3A_501, %parallel_loop3A_502], %parallel_loop3A_500 {strides = array<i32>} : memref<32x1408xf32, #tpu.memory_space<vmem>>, vector<16xf32>,
        %parallel_loop3A_504 = vector.broadcast %parallel_loop3A_479 : i32 to vector<16xi32>
        %parallel_loop3A_505 = arith.addi %get3A_354, %parallel_loop3A_504 : vector<16xi32>
        %parallel_loop3A_506 = tpu.vector_load_idx %arg7[%broadcast_in_dim3A_1, %parallel_loop3A_505] : memref<32x128xf32, #tpu.memory_space<vmem>>[vector<16xi32>, vector<16xi32>], vector<16xf32>,
        %parallel_loop3A_507 = arith.index_cast %parallel_loop3A_477 : i32 to index
        %parallel_loop3A_508 = arith.constant 576 : index
        %parallel_loop3A_509 = tpu.vector_load %arg9[%parallel_loop3A_507, %parallel_loop3A_508] {strides = array<i32>} : memref<32x1408xf32, #tpu.memory_space<vmem>>, vector<16xf32>,
        tpu.vector_store %arg9[%parallel_loop3A_507, %parallel_loop3A_508], %parallel_loop3A_506 {strides = array<i32>} : memref<32x1408xf32, #tpu.memory_space<vmem>>, vector<16xf32>,
        %parallel_loop3A_510 = vector.broadcast %parallel_loop3A_479 : i32 to vector<16xi32>
        %parallel_loop3A_511 = arith.addi %get3A_356, %parallel_loop3A_510 : vector<16xi32>
        %parallel_loop3A_512 = tpu.vector_load_idx %arg7[%broadcast_in_dim3A_1, %parallel_loop3A_511] : memref<32x128xf32, #tpu.memory_space<vmem>>[vector<16xi32>, vector<16xi32>], vector<16xf32>,
        %parallel_loop3A_513 = arith.index_cast %parallel_loop3A_477 : i32 to index
        %parallel_loop3A_514 = arith.constant 592 : index
        %parallel_loop3A_515 = tpu.vector_load %arg9[%parallel_loop3A_513, %parallel_loop3A_514] {strides = array<i32>} : memref<32x1408xf32, #tpu.memory_space<vmem>>, vector<16xf32>,
        tpu.vector_store %arg9[%parallel_loop3A_513, %parallel_loop3A_514], %parallel_loop3A_512 {strides = array<i32>} : memref<32x1408xf32, #tpu.memory_space<vmem>>, vector<16xf32>,
        %parallel_loop3A_516 = vector.broadcast %parallel_loop3A_479 : i32 to vector<16xi32>
        %parallel_loop3A_517 = arith.addi %get3A_358, %parallel_loop3A_516 : vector<16xi32>
        %parallel_loop3A_518 = tpu.vector_load_idx %arg7[%broadcast_in_dim3A_1, %parallel_loop3A_517] : memref<32x128xf32, #tpu.memory_space<vmem>>[vector<16xi32>, vector<16xi32>], vector<16xf32>,
        %parallel_loop3A_519 = arith.index_cast %parallel_loop3A_477 : i32 to index
        %parallel_loop3A_520 = arith.constant 608 : index
        %parallel_loop3A_521 = tpu.vector_load %arg9[%parallel_loop3A_519, %parallel_loop3A_520] {strides = array<i32>} : memref<32x1408xf32, #tpu.memory_space<vmem>>, vector<16xf32>,
        tpu.vector_store %arg9[%parallel_loop3A_519, %parallel_loop3A_520], %parallel_loop3A_518 {strides = array<i32>} : memref<32x1408xf32, #tpu.memory_space<vmem>>, vector<16xf32>,
        %parallel_loop3A_522 = vector.broadcast %parallel_loop3A_479 : i32 to vector<16xi32>
        %parallel_loop3A_523 = arith.addi %get3A_360, %parallel_loop3A_522 : vector<16xi32>
        %parallel_loop3A_524 = tpu.vector_load_idx %arg7[%broadcast_in_dim3A_1, %parallel_loop3A_523] : memref<32x128xf32, #tpu.memory_space<vmem>>[vector<16xi32>, vector<16xi32>], vector<16xf32>,
        %parallel_loop3A_525 = arith.index_cast %parallel_loop3A_477 : i32 to index
        %parallel_loop3A_526 = arith.constant 624 : index
        %parallel_loop3A_527 = tpu.vector_load %arg9[%parallel_loop3A_525, %parallel_loop3A_526] {strides = array<i32>} : memref<32x1408xf32, #tpu.memory_space<vmem>>, vector<16xf32>,
        tpu.vector_store %arg9[%parallel_loop3A_525, %parallel_loop3A_526], %parallel_loop3A_524 {strides = array<i32>} : memref<32x1408xf32, #tpu.memory_space<vmem>>, vector<16xf32>,
        %parallel_loop3A_528 = vector.broadcast %parallel_loop3A_479 : i32 to vector<16xi32>
        %parallel_loop3A_529 = arith.addi %get3A_362, %parallel_loop3A_528 : vector<16xi32>
        %parallel_loop3A_530 = tpu.vector_load_idx %arg7[%broadcast_in_dim3A_1, %parallel_loop3A_529] : memref<32x128xf32, #tpu.memory_space<vmem>>[vector<16xi32>, vector<16xi32>], vector<16xf32>,
        %parallel_loop3A_531 = arith.index_cast %parallel_loop3A_477 : i32 to index
        %parallel_loop3A_532 = arith.constant 640 : index
        %parallel_loop3A_533 = tpu.vector_load %arg9[%parallel_loop3A_531, %parallel_loop3A_532] {strides = array<i32>} : memref<32x1408xf32, #tpu.memory_space<vmem>>, vector<16xf32>,
        tpu.vector_store %arg9[%parallel_loop3A_531, %parallel_loop3A_532], %parallel_loop3A_530 {strides = array<i32>} : memref<32x1408xf32, #tpu.memory_space<vmem>>, vector<16xf32>,
        %parallel_loop3A_534 = vector.broadcast %parallel_loop3A_479 : i32 to vector<16xi32>
        %parallel_loop3A_535 = arith.addi %get3A_364, %parallel_loop3A_534 : vector<16xi32>
        %parallel_loop3A_536 = tpu.vector_load_idx %arg7[%broadcast_in_dim3A_1, %parallel_loop3A_535] : memref<32x128xf32, #tpu.memory_space<vmem>>[vector<16xi32>, vector<16xi32>], vector<16xf32>,
        %parallel_loop3A_537 = arith.index_cast %parallel_loop3A_477 : i32 to index
        %parallel_loop3A_538 = arith.constant 656 : index
        %parallel_loop3A_539 = tpu.vector_load %arg9[%parallel_loop3A_537, %parallel_loop3A_538] {strides = array<i32>} : memref<32x1408xf32, #tpu.memory_space<vmem>>, vector<16xf32>,
        tpu.vector_store %arg9[%parallel_loop3A_537, %parallel_loop3A_538], %parallel_loop3A_536 {strides = array<i32>} : memref<32x1408xf32, #tpu.memory_space<vmem>>, vector<16xf32>,
        %parallel_loop3A_540 = vector.broadcast %parallel_loop3A_479 : i32 to vector<16xi32>
        %parallel_loop3A_541 = arith.addi %get3A_366, %parallel_loop3A_540 : vector<16xi32>
        %parallel_loop3A_542 = tpu.vector_load_idx %arg7[%broadcast_in_dim3A_1, %parallel_loop3A_541] : memref<32x128xf32, #tpu.memory_space<vmem>>[vector<16xi32>, vector<16xi32>], vector<16xf32>,
        %parallel_loop3A_543 = arith.index_cast %parallel_loop3A_477 : i32 to index
        %parallel_loop3A_544 = arith.constant 672 : index
        %parallel_loop3A_545 = tpu.vector_load %arg9[%parallel_loop3A_543, %parallel_loop3A_544] {strides = array<i32>} : memref<32x1408xf32, #tpu.memory_space<vmem>>, vector<16xf32>,
        tpu.vector_store %arg9[%parallel_loop3A_543, %parallel_loop3A_544], %parallel_loop3A_542 {strides = array<i32>} : memref<32x1408xf32, #tpu.memory_space<vmem>>, vector<16xf32>,
        %parallel_loop3A_546 = vector.broadcast %parallel_loop3A_479 : i32 to vector<16xi32>
        %parallel_loop3A_547 = arith.addi %get3A_368, %parallel_loop3A_546 : vector<16xi32>
        %parallel_loop3A_548 = tpu.vector_load_idx %arg7[%broadcast_in_dim3A_1, %parallel_loop3A_547] : memref<32x128xf32, #tpu.memory_space<vmem>>[vector<16xi32>, vector<16xi32>], vector<16xf32>,
        %parallel_loop3A_549 = arith.index_cast %parallel_loop3A_477 : i32 to index
        %parallel_loop3A_550 = arith.constant 688 : index
        %parallel_loop3A_551 = tpu.vector_load %arg9[%parallel_loop3A_549, %parallel_loop3A_550] {strides = array<i32>} : memref<32x1408xf32, #tpu.memory_space<vmem>>, vector<16xf32>,
        tpu.vector_store %arg9[%parallel_loop3A_549, %parallel_loop3A_550], %parallel_loop3A_548 {strides = array<i32>} : memref<32x1408xf32, #tpu.memory_space<vmem>>, vector<16xf32>,
        %parallel_loop3A_552 = vector.broadcast %parallel_loop3A_479 : i32 to vector<16xi32>
        %parallel_loop3A_553 = arith.addi %get3A_370, %parallel_loop3A_552 : vector<16xi32>
        %parallel_loop3A_554 = tpu.vector_load_idx %arg7[%broadcast_in_dim3A_1, %parallel_loop3A_553] : memref<32x128xf32, #tpu.memory_space<vmem>>[vector<16xi32>, vector<16xi32>], vector<16xf32>,
        %parallel_loop3A_555 = arith.index_cast %parallel_loop3A_477 : i32 to index
        %parallel_loop3A_556 = arith.constant 704 : index
        %parallel_loop3A_557 = tpu.vector_load %arg9[%parallel_loop3A_555, %parallel_loop3A_556] {strides = array<i32>} : memref<32x1408xf32, #tpu.memory_space<vmem>>, vector<16xf32>,
        tpu.vector_store %arg9[%parallel_loop3A_555, %parallel_loop3A_556], %parallel_loop3A_554 {strides = array<i32>} : memref<32x1408xf32, #tpu.memory_space<vmem>>, vector<16xf32>,
        %parallel_loop3A_558 = vector.broadcast %parallel_loop3A_479 : i32 to vector<16xi32>
        %parallel_loop3A_559 = arith.addi %get3A_372, %parallel_loop3A_558 : vector<16xi32>
        %parallel_loop3A_560 = tpu.vector_load_idx %arg7[%broadcast_in_dim3A_1, %parallel_loop3A_559] : memref<32x128xf32, #tpu.memory_space<vmem>>[vector<16xi32>, vector<16xi32>], vector<16xf32>,
        %parallel_loop3A_561 = arith.index_cast %parallel_loop3A_477 : i32 to index
        %parallel_loop3A_562 = arith.constant 720 : index
        %parallel_loop3A_563 = tpu.vector_load %arg9[%parallel_loop3A_561, %parallel_loop3A_562] {strides = array<i32>} : memref<32x1408xf32, #tpu.memory_space<vmem>>, vector<16xf32>,
        tpu.vector_store %arg9[%parallel_loop3A_561, %parallel_loop3A_562], %parallel_loop3A_560 {strides = array<i32>} : memref<32x1408xf32, #tpu.memory_space<vmem>>, vector<16xf32>,
        %parallel_loop3A_564 = vector.broadcast %parallel_loop3A_479 : i32 to vector<16xi32>
        %parallel_loop3A_565 = arith.addi %get3A_374, %parallel_loop3A_564 : vector<16xi32>
        %parallel_loop3A_566 = tpu.vector_load_idx %arg7[%broadcast_in_dim3A_1, %parallel_loop3A_565] : memref<32x128xf32, #tpu.memory_space<vmem>>[vector<16xi32>, vector<16xi32>], vector<16xf32>,
        %parallel_loop3A_567 = arith.index_cast %parallel_loop3A_477 : i32 to index
        %parallel_loop3A_568 = arith.constant 736 : index
        %parallel_loop3A_569 = tpu.vector_load %arg9[%parallel_loop3A_567, %parallel_loop3A_568] {strides = array<i32>} : memref<32x1408xf32, #tpu.memory_space<vmem>>, vector<16xf32>,
        tpu.vector_store %arg9[%parallel_loop3A_567, %parallel_loop3A_568], %parallel_loop3A_566 {strides = array<i32>} : memref<32x1408xf32, #tpu.memory_space<vmem>>, vector<16xf32>,
        %parallel_loop3A_570 = vector.broadcast %parallel_loop3A_479 : i32 to vector<16xi32>
        %parallel_loop3A_571 = arith.addi %get3A_376, %parallel_loop3A_570 : vector<16xi32>
        %parallel_loop3A_572 = tpu.vector_load_idx %arg7[%broadcast_in_dim3A_1, %parallel_loop3A_571] : memref<32x128xf32, #tpu.memory_space<vmem>>[vector<16xi32>, vector<16xi32>], vector<16xf32>,
        %parallel_loop3A_573 = arith.index_cast %parallel_loop3A_477 : i32 to index
        %parallel_loop3A_574 = arith.constant 752 : index
        %parallel_loop3A_575 = tpu.vector_load %arg9[%parallel_loop3A_573, %parallel_loop3A_574] {strides = array<i32>} : memref<32x1408xf32, #tpu.memory_space<vmem>>, vector<16xf32>,
        tpu.vector_store %arg9[%parallel_loop3A_573, %parallel_loop3A_574], %parallel_loop3A_572 {strides = array<i32>} : memref<32x1408xf32, #tpu.memory_space<vmem>>, vector<16xf32>,
        %parallel_loop3A_576 = vector.broadcast %parallel_loop3A_479 : i32 to vector<16xi32>
        %parallel_loop3A_577 = arith.addi %get3A_378, %parallel_loop3A_576 : vector<16xi32>
        %parallel_loop3A_578 = tpu.vector_load_idx %arg7[%broadcast_in_dim3A_1, %parallel_loop3A_577] : memref<32x128xf32, #tpu.memory_space<vmem>>[vector<16xi32>, vector<16xi32>], vector<16xf32>,
        %parallel_loop3A_579 = arith.index_cast %parallel_loop3A_477 : i32 to index
        %parallel_loop3A_580 = arith.constant 768 : index
        %parallel_loop3A_581 = tpu.vector_load %arg9[%parallel_loop3A_579, %parallel_loop3A_580] {strides = array<i32>} : memref<32x1408xf32, #tpu.memory_space<vmem>>, vector<16xf32>,
        tpu.vector_store %arg9[%parallel_loop3A_579, %parallel_loop3A_580], %parallel_loop3A_578 {strides = array<i32>} : memref<32x1408xf32, #tpu.memory_space<vmem>>, vector<16xf32>,
        %parallel_loop3A_582 = vector.broadcast %parallel_loop3A_479 : i32 to vector<16xi32>
        %parallel_loop3A_583 = arith.addi %get3A_380, %parallel_loop3A_582 : vector<16xi32>
        %parallel_loop3A_584 = tpu.vector_load_idx %arg7[%broadcast_in_dim3A_1, %parallel_loop3A_583] : memref<32x128xf32, #tpu.memory_space<vmem>>[vector<16xi32>, vector<16xi32>], vector<16xf32>,
        %parallel_loop3A_585 = arith.index_cast %parallel_loop3A_477 : i32 to index
        %parallel_loop3A_586 = arith.constant 784 : index
        %parallel_loop3A_587 = tpu.vector_load %arg9[%parallel_loop3A_585, %parallel_loop3A_586] {strides = array<i32>} : memref<32x1408xf32, #tpu.memory_space<vmem>>, vector<16xf32>,
        tpu.vector_store %arg9[%parallel_loop3A_585, %parallel_loop3A_586], %parallel_loop3A_584 {strides = array<i32>} : memref<32x1408xf32, #tpu.memory_space<vmem>>, vector<16xf32>,
        %parallel_loop3A_588 = vector.broadcast %parallel_loop3A_479 : i32 to vector<16xi32>
        %parallel_loop3A_589 = arith.addi %get3A_382, %parallel_loop3A_588 : vector<16xi32>
        %parallel_loop3A_590 = tpu.vector_load_idx %arg7[%broadcast_in_dim3A_1, %parallel_loop3A_589] : memref<32x128xf32, #tpu.memory_space<vmem>>[vector<16xi32>, vector<16xi32>], vector<16xf32>,
        %parallel_loop3A_591 = arith.index_cast %parallel_loop3A_477 : i32 to index
        %parallel_loop3A_592 = arith.constant 800 : index
        %parallel_loop3A_593 = tpu.vector_load %arg9[%parallel_loop3A_591, %parallel_loop3A_592] {strides = array<i32>} : memref<32x1408xf32, #tpu.memory_space<vmem>>, vector<16xf32>,
        tpu.vector_store %arg9[%parallel_loop3A_591, %parallel_loop3A_592], %parallel_loop3A_590 {strides = array<i32>} : memref<32x1408xf32, #tpu.memory_space<vmem>>, vector<16xf32>,
        %parallel_loop3A_594 = vector.broadcast %parallel_loop3A_479 : i32 to vector<16xi32>
        %parallel_loop3A_595 = arith.addi %get3A_384, %parallel_loop3A_594 : vector<16xi32>
        %parallel_loop3A_596 = tpu.vector_load_idx %arg7[%broadcast_in_dim3A_1, %parallel_loop3A_595] : memref<32x128xf32, #tpu.memory_space<vmem>>[vector<16xi32>, vector<16xi32>], vector<16xf32>,
        %parallel_loop3A_597 = arith.index_cast %parallel_loop3A_477 : i32 to index
        %parallel_loop3A_598 = arith.constant 816 : index
        %parallel_loop3A_599 = tpu.vector_load %arg9[%parallel_loop3A_597, %parallel_loop3A_598] {strides = array<i32>} : memref<32x1408xf32, #tpu.memory_space<vmem>>, vector<16xf32>,
        tpu.vector_store %arg9[%parallel_loop3A_597, %parallel_loop3A_598], %parallel_loop3A_596 {strides = array<i32>} : memref<32x1408xf32, #tpu.memory_space<vmem>>, vector<16xf32>,
        %parallel_loop3A_600 = vector.broadcast %parallel_loop3A_479 : i32 to vector<16xi32>
        %parallel_loop3A_601 = arith.addi %get3A_386, %parallel_loop3A_600 : vector<16xi32>
        %parallel_loop3A_602 = tpu.vector_load_idx %arg7[%broadcast_in_dim3A_1, %parallel_loop3A_601] : memref<32x128xf32, #tpu.memory_space<vmem>>[vector<16xi32>, vector<16xi32>], vector<16xf32>,
        %parallel_loop3A_603 = arith.index_cast %parallel_loop3A_477 : i32 to index
        %parallel_loop3A_604 = arith.constant 832 : index
        %parallel_loop3A_605 = tpu.vector_load %arg9[%parallel_loop3A_603, %parallel_loop3A_604] {strides = array<i32>} : memref<32x1408xf32, #tpu.memory_space<vmem>>, vector<16xf32>,
        tpu.vector_store %arg9[%parallel_loop3A_603, %parallel_loop3A_604], %parallel_loop3A_602 {strides = array<i32>} : memref<32x1408xf32, #tpu.memory_space<vmem>>, vector<16xf32>,
        %parallel_loop3A_606 = vector.broadcast %parallel_loop3A_479 : i32 to vector<16xi32>
        %parallel_loop3A_607 = arith.addi %get3A_388, %parallel_loop3A_606 : vector<16xi32>
        %parallel_loop3A_608 = tpu.vector_load_idx %arg7[%broadcast_in_dim3A_1, %parallel_loop3A_607] : memref<32x128xf32, #tpu.memory_space<vmem>>[vector<16xi32>, vector<16xi32>], vector<16xf32>,
        %parallel_loop3A_609 = arith.index_cast %parallel_loop3A_477 : i32 to index
        %parallel_loop3A_610 = arith.constant 848 : index
        %parallel_loop3A_611 = tpu.vector_load %arg9[%parallel_loop3A_609, %parallel_loop3A_610] {strides = array<i32>} : memref<32x1408xf32, #tpu.memory_space<vmem>>, vector<16xf32>,
        tpu.vector_store %arg9[%parallel_loop3A_609, %parallel_loop3A_610], %parallel_loop3A_608 {strides = array<i32>} : memref<32x1408xf32, #tpu.memory_space<vmem>>, vector<16xf32>,
        %parallel_loop3A_612 = vector.broadcast %parallel_loop3A_479 : i32 to vector<16xi32>
        %parallel_loop3A_613 = arith.addi %get3A_390, %parallel_loop3A_612 : vector<16xi32>
        %parallel_loop3A_614 = tpu.vector_load_idx %arg7[%broadcast_in_dim3A_1, %parallel_loop3A_613] : memref<32x128xf32, #tpu.memory_space<vmem>>[vector<16xi32>, vector<16xi32>], vector<16xf32>,
        %parallel_loop3A_615 = arith.index_cast %parallel_loop3A_477 : i32 to index
        %parallel_loop3A_616 = arith.constant 864 : index
        %parallel_loop3A_617 = tpu.vector_load %arg9[%parallel_loop3A_615, %parallel_loop3A_616] {strides = array<i32>} : memref<32x1408xf32, #tpu.memory_space<vmem>>, vector<16xf32>,
        tpu.vector_store %arg9[%parallel_loop3A_615, %parallel_loop3A_616], %parallel_loop3A_614 {strides = array<i32>} : memref<32x1408xf32, #tpu.memory_space<vmem>>, vector<16xf32>,
        %parallel_loop3A_618 = vector.broadcast %parallel_loop3A_479 : i32 to vector<16xi32>
        %parallel_loop3A_619 = arith.addi %get3A_392, %parallel_loop3A_618 : vector<16xi32>
        %parallel_loop3A_620 = tpu.vector_load_idx %arg7[%broadcast_in_dim3A_1, %parallel_loop3A_619] : memref<32x128xf32, #tpu.memory_space<vmem>>[vector<16xi32>, vector<16xi32>], vector<16xf32>,
        %parallel_loop3A_621 = arith.index_cast %parallel_loop3A_477 : i32 to index
        %parallel_loop3A_622 = arith.constant 880 : index
        %parallel_loop3A_623 = tpu.vector_load %arg9[%parallel_loop3A_621, %parallel_loop3A_622] {strides = array<i32>} : memref<32x1408xf32, #tpu.memory_space<vmem>>, vector<16xf32>,
        tpu.vector_store %arg9[%parallel_loop3A_621, %parallel_loop3A_622], %parallel_loop3A_620 {strides = array<i32>} : memref<32x1408xf32, #tpu.memory_space<vmem>>, vector<16xf32>,
        %parallel_loop3A_624 = vector.broadcast %parallel_loop3A_479 : i32 to vector<16xi32>
        %parallel_loop3A_625 = arith.addi %get3A_394, %parallel_loop3A_624 : vector<16xi32>
        %parallel_loop3A_626 = tpu.vector_load_idx %arg7[%broadcast_in_dim3A_1, %parallel_loop3A_625] : memref<32x128xf32, #tpu.memory_space<vmem>>[vector<16xi32>, vector<16xi32>], vector<16xf32>,
        %parallel_loop3A_627 = arith.index_cast %parallel_loop3A_477 : i32 to index
        %parallel_loop3A_628 = arith.constant 896 : index
        %parallel_loop3A_629 = tpu.vector_load %arg9[%parallel_loop3A_627, %parallel_loop3A_628] {strides = array<i32>} : memref<32x1408xf32, #tpu.memory_space<vmem>>, vector<16xf32>,
        tpu.vector_store %arg9[%parallel_loop3A_627, %parallel_loop3A_628], %parallel_loop3A_626 {strides = array<i32>} : memref<32x1408xf32, #tpu.memory_space<vmem>>, vector<16xf32>,
        %parallel_loop3A_630 = vector.broadcast %parallel_loop3A_479 : i32 to vector<16xi32>
        %parallel_loop3A_631 = arith.addi %get3A_396, %parallel_loop3A_630 : vector<16xi32>
        %parallel_loop3A_632 = tpu.vector_load_idx %arg7[%broadcast_in_dim3A_1, %parallel_loop3A_631] : memref<32x128xf32, #tpu.memory_space<vmem>>[vector<16xi32>, vector<16xi32>], vector<16xf32>,
        %parallel_loop3A_633 = arith.index_cast %parallel_loop3A_477 : i32 to index
        %parallel_loop3A_634 = arith.constant 912 : index
        %parallel_loop3A_635 = tpu.vector_load %arg9[%parallel_loop3A_633, %parallel_loop3A_634] {strides = array<i32>} : memref<32x1408xf32, #tpu.memory_space<vmem>>, vector<16xf32>,
        tpu.vector_store %arg9[%parallel_loop3A_633, %parallel_loop3A_634], %parallel_loop3A_632 {strides = array<i32>} : memref<32x1408xf32, #tpu.memory_space<vmem>>, vector<16xf32>,
        %parallel_loop3A_636 = vector.broadcast %parallel_loop3A_479 : i32 to vector<16xi32>
        %parallel_loop3A_637 = arith.addi %get3A_398, %parallel_loop3A_636 : vector<16xi32>
        %parallel_loop3A_638 = tpu.vector_load_idx %arg7[%broadcast_in_dim3A_1, %parallel_loop3A_637] : memref<32x128xf32, #tpu.memory_space<vmem>>[vector<16xi32>, vector<16xi32>], vector<16xf32>,
        %parallel_loop3A_639 = arith.index_cast %parallel_loop3A_477 : i32 to index
        %parallel_loop3A_640 = arith.constant 928 : index
        %parallel_loop3A_641 = tpu.vector_load %arg9[%parallel_loop3A_639, %parallel_loop3A_640] {strides = array<i32>} : memref<32x1408xf32, #tpu.memory_space<vmem>>, vector<16xf32>,
        tpu.vector_store %arg9[%parallel_loop3A_639, %parallel_loop3A_640], %parallel_loop3A_638 {strides = array<i32>} : memref<32x1408xf32, #tpu.memory_space<vmem>>, vector<16xf32>,
        %parallel_loop3A_642 = vector.broadcast %parallel_loop3A_479 : i32 to vector<16xi32>
        %parallel_loop3A_643 = arith.addi %get3A_400, %parallel_loop3A_642 : vector<16xi32>
        %parallel_loop3A_644 = tpu.vector_load_idx %arg7[%broadcast_in_dim3A_1, %parallel_loop3A_643] : memref<32x128xf32, #tpu.memory_space<vmem>>[vector<16xi32>, vector<16xi32>], vector<16xf32>,
        %parallel_loop3A_645 = arith.index_cast %parallel_loop3A_477 : i32 to index
        %parallel_loop3A_646 = arith.constant 944 : index
        %parallel_loop3A_647 = tpu.vector_load %arg9[%parallel_loop3A_645, %parallel_loop3A_646] {strides = array<i32>} : memref<32x1408xf32, #tpu.memory_space<vmem>>, vector<16xf32>,
        tpu.vector_store %arg9[%parallel_loop3A_645, %parallel_loop3A_646], %parallel_loop3A_644 {strides = array<i32>} : memref<32x1408xf32, #tpu.memory_space<vmem>>, vector<16xf32>,
        %parallel_loop3A_648 = vector.broadcast %parallel_loop3A_479 : i32 to vector<16xi32>
        %parallel_loop3A_649 = arith.addi %get3A_402, %parallel_loop3A_648 : vector<16xi32>
        %parallel_loop3A_650 = tpu.vector_load_idx %arg7[%broadcast_in_dim3A_1, %parallel_loop3A_649] : memref<32x128xf32, #tpu.memory_space<vmem>>[vector<16xi32>, vector<16xi32>], vector<16xf32>,
        %parallel_loop3A_651 = arith.index_cast %parallel_loop3A_477 : i32 to index
        %parallel_loop3A_652 = arith.constant 960 : index
        %parallel_loop3A_653 = tpu.vector_load %arg9[%parallel_loop3A_651, %parallel_loop3A_652] {strides = array<i32>} : memref<32x1408xf32, #tpu.memory_space<vmem>>, vector<16xf32>,
        tpu.vector_store %arg9[%parallel_loop3A_651, %parallel_loop3A_652], %parallel_loop3A_650 {strides = array<i32>} : memref<32x1408xf32, #tpu.memory_space<vmem>>, vector<16xf32>,
        %parallel_loop3A_654 = vector.broadcast %parallel_loop3A_479 : i32 to vector<16xi32>
        %parallel_loop3A_655 = arith.addi %get3A_404, %parallel_loop3A_654 : vector<16xi32>
        %parallel_loop3A_656 = tpu.vector_load_idx %arg7[%broadcast_in_dim3A_1, %parallel_loop3A_655] : memref<32x128xf32, #tpu.memory_space<vmem>>[vector<16xi32>, vector<16xi32>], vector<16xf32>,
        %parallel_loop3A_657 = arith.index_cast %parallel_loop3A_477 : i32 to index
        %parallel_loop3A_658 = arith.constant 976 : index
        %parallel_loop3A_659 = tpu.vector_load %arg9[%parallel_loop3A_657, %parallel_loop3A_658] {strides = array<i32>} : memref<32x1408xf32, #tpu.memory_space<vmem>>, vector<16xf32>,
        tpu.vector_store %arg9[%parallel_loop3A_657, %parallel_loop3A_658], %parallel_loop3A_656 {strides = array<i32>} : memref<32x1408xf32, #tpu.memory_space<vmem>>, vector<16xf32>,
        %parallel_loop3A_660 = vector.broadcast %parallel_loop3A_479 : i32 to vector<16xi32>
        %parallel_loop3A_661 = arith.addi %get3A_406, %parallel_loop3A_660 : vector<16xi32>
        %parallel_loop3A_662 = tpu.vector_load_idx %arg7[%broadcast_in_dim3A_1, %parallel_loop3A_661] : memref<32x128xf32, #tpu.memory_space<vmem>>[vector<16xi32>, vector<16xi32>], vector<16xf32>,
        %parallel_loop3A_663 = arith.index_cast %parallel_loop3A_477 : i32 to index
        %parallel_loop3A_664 = arith.constant 992 : index
        %parallel_loop3A_665 = tpu.vector_load %arg9[%parallel_loop3A_663, %parallel_loop3A_664] {strides = array<i32>} : memref<32x1408xf32, #tpu.memory_space<vmem>>, vector<16xf32>,
        tpu.vector_store %arg9[%parallel_loop3A_663, %parallel_loop3A_664], %parallel_loop3A_662 {strides = array<i32>} : memref<32x1408xf32, #tpu.memory_space<vmem>>, vector<16xf32>,
        %parallel_loop3A_666 = vector.broadcast %parallel_loop3A_479 : i32 to vector<16xi32>
        %parallel_loop3A_667 = arith.addi %get3A_408, %parallel_loop3A_666 : vector<16xi32>
        %parallel_loop3A_668 = tpu.vector_load_idx %arg7[%broadcast_in_dim3A_1, %parallel_loop3A_667] : memref<32x128xf32, #tpu.memory_space<vmem>>[vector<16xi32>, vector<16xi32>], vector<16xf32>,
        %parallel_loop3A_669 = arith.index_cast %parallel_loop3A_477 : i32 to index
        %parallel_loop3A_670 = arith.constant 1008 : index
        %parallel_loop3A_671 = tpu.vector_load %arg9[%parallel_loop3A_669, %parallel_loop3A_670] {strides = array<i32>} : memref<32x1408xf32, #tpu.memory_space<vmem>>, vector<16xf32>,
        tpu.vector_store %arg9[%parallel_loop3A_669, %parallel_loop3A_670], %parallel_loop3A_668 {strides = array<i32>} : memref<32x1408xf32, #tpu.memory_space<vmem>>, vector<16xf32>,
      } {sc.loop_unroll_factor = 1 : i64, sc.parallel_access}
      %get3A_412 = arith.constant 1024 : index
      %get3A_413 = tpu.vector_load %arg5[%get3A_412] {strides = array<i32>} : memref<1408xi32, #tpu.memory_space<vmem>>, vector<16xi32>,
      %get3A_414 = arith.constant 1040 : index
      %get3A_415 = tpu.vector_load %arg5[%get3A_414] {strides = array<i32>} : memref<1408xi32, #tpu.memory_space<vmem>>, vector<16xi32>,
      %get3A_416 = arith.constant 1056 : index
      %get3A_417 = tpu.vector_load %arg5[%get3A_416] {strides = array<i32>} : memref<1408xi32, #tpu.memory_space<vmem>>, vector<16xi32>,
      %get3A_418 = arith.constant 1072 : index
      %get3A_419 = tpu.vector_load %arg5[%get3A_418] {strides = array<i32>} : memref<1408xi32, #tpu.memory_space<vmem>>, vector<16xi32>,
      %get3A_420 = arith.constant 1088 : index
      %get3A_421 = tpu.vector_load %arg5[%get3A_420] {strides = array<i32>} : memref<1408xi32, #tpu.memory_space<vmem>>, vector<16xi32>,
      %get3A_422 = arith.constant 1104 : index
      %get3A_423 = tpu.vector_load %arg5[%get3A_422] {strides = array<i32>} : memref<1408xi32, #tpu.memory_space<vmem>>, vector<16xi32>,
      %get3A_424 = arith.constant 1120 : index
      %get3A_425 = tpu.vector_load %arg5[%get3A_424] {strides = array<i32>} : memref<1408xi32, #tpu.memory_space<vmem>>, vector<16xi32>,
      %get3A_426 = arith.constant 1136 : index
      %get3A_427 = tpu.vector_load %arg5[%get3A_426] {strides = array<i32>} : memref<1408xi32, #tpu.memory_space<vmem>>, vector<16xi32>,
      %get3A_428 = arith.constant 1152 : index
      %get3A_429 = tpu.vector_load %arg5[%get3A_428] {strides = array<i32>} : memref<1408xi32, #tpu.memory_space<vmem>>, vector<16xi32>,
      %get3A_430 = arith.constant 1168 : index
      %get3A_431 = tpu.vector_load %arg5[%get3A_430] {strides = array<i32>} : memref<1408xi32, #tpu.memory_space<vmem>>, vector<16xi32>,
      %get3A_432 = arith.constant 1184 : index
      %get3A_433 = tpu.vector_load %arg5[%get3A_432] {strides = array<i32>} : memref<1408xi32, #tpu.memory_space<vmem>>, vector<16xi32>,
      %get3A_434 = arith.constant 1200 : index
      %get3A_435 = tpu.vector_load %arg5[%get3A_434] {strides = array<i32>} : memref<1408xi32, #tpu.memory_space<vmem>>, vector<16xi32>,
      %get3A_436 = arith.constant 1216 : index
      %get3A_437 = tpu.vector_load %arg5[%get3A_436] {strides = array<i32>} : memref<1408xi32, #tpu.memory_space<vmem>>, vector<16xi32>,
      %get3A_438 = arith.constant 1232 : index
      %get3A_439 = tpu.vector_load %arg5[%get3A_438] {strides = array<i32>} : memref<1408xi32, #tpu.memory_space<vmem>>, vector<16xi32>,
      %get3A_440 = arith.constant 1248 : index
      %get3A_441 = tpu.vector_load %arg5[%get3A_440] {strides = array<i32>} : memref<1408xi32, #tpu.memory_space<vmem>>, vector<16xi32>,
      %get3A_442 = arith.constant 1264 : index
      %get3A_443 = tpu.vector_load %arg5[%get3A_442] {strides = array<i32>} : memref<1408xi32, #tpu.memory_space<vmem>>, vector<16xi32>,
      %get3A_444 = arith.constant 1280 : index
      %get3A_445 = tpu.vector_load %arg5[%get3A_444] {strides = array<i32>} : memref<1408xi32, #tpu.memory_space<vmem>>, vector<16xi32>,
      %get3A_446 = arith.constant 1296 : index
      %get3A_447 = tpu.vector_load %arg5[%get3A_446] {strides = array<i32>} : memref<1408xi32, #tpu.memory_space<vmem>>, vector<16xi32>,
      %get3A_448 = arith.constant 1312 : index
      %get3A_449 = tpu.vector_load %arg5[%get3A_448] {strides = array<i32>} : memref<1408xi32, #tpu.memory_space<vmem>>, vector<16xi32>,
      %get3A_450 = arith.constant 1328 : index
      %get3A_451 = tpu.vector_load %arg5[%get3A_450] {strides = array<i32>} : memref<1408xi32, #tpu.memory_space<vmem>>, vector<16xi32>,
      %get3A_452 = arith.constant 1344 : index
      %get3A_453 = tpu.vector_load %arg5[%get3A_452] {strides = array<i32>} : memref<1408xi32, #tpu.memory_space<vmem>>, vector<16xi32>,
      %get3A_454 = arith.constant 1360 : index
      %get3A_455 = tpu.vector_load %arg5[%get3A_454] {strides = array<i32>} : memref<1408xi32, #tpu.memory_space<vmem>>, vector<16xi32>,
      %get3A_456 = arith.constant 1376 : index
      %get3A_457 = tpu.vector_load %arg5[%get3A_456] {strides = array<i32>} : memref<1408xi32, #tpu.memory_space<vmem>>, vector<16xi32>,
      %get3A_458 = arith.constant 1392 : index
      %get3A_459 = tpu.vector_load %arg5[%get3A_458] {strides = array<i32>} : memref<1408xi32, #tpu.memory_space<vmem>>, vector<16xi32>,
      %parallel_loop3A_460 = arith.constant 0 : i32
      %parallel_loop3A_461 = arith.constant 32 : i32
      %parallel_loop3A_462 = arith.constant 1 : i32
      scf.for %parallel_loop3A_477 = %parallel_loop3A_460 to %parallel_loop3A_461 step %parallel_loop3A_462  : i32 {
        %parallel_loop3A_478 = arith.constant 128 : i32
        %parallel_loop3A_479 = arith.muli %parallel_loop3A_477, %parallel_loop3A_478 : i32
        %parallel_loop3A_480 = vector.broadcast %parallel_loop3A_479 : i32 to vector<16xi32>
        %parallel_loop3A_481 = arith.addi %get3A_413, %parallel_loop3A_480 : vector<16xi32>
        %parallel_loop3A_482 = tpu.vector_load_idx %arg7[%broadcast_in_dim3A_1, %parallel_loop3A_481] : memref<32x128xf32, #tpu.memory_space<vmem>>[vector<16xi32>, vector<16xi32>], vector<16xf32>,
        %parallel_loop3A_483 = arith.index_cast %parallel_loop3A_477 : i32 to index
        %parallel_loop3A_484 = arith.constant 1024 : index
        %parallel_loop3A_485 = tpu.vector_load %arg9[%parallel_loop3A_483, %parallel_loop3A_484] {strides = array<i32>} : memref<32x1408xf32, #tpu.memory_space<vmem>>, vector<16xf32>,
        tpu.vector_store %arg9[%parallel_loop3A_483, %parallel_loop3A_484], %parallel_loop3A_482 {strides = array<i32>} : memref<32x1408xf32, #tpu.memory_space<vmem>>, vector<16xf32>,
        %parallel_loop3A_486 = vector.broadcast %parallel_loop3A_479 : i32 to vector<16xi32>
        %parallel_loop3A_487 = arith.addi %get3A_415, %parallel_loop3A_486 : vector<16xi32>
        %parallel_loop3A_488 = tpu.vector_load_idx %arg7[%broadcast_in_dim3A_1, %parallel_loop3A_487] : memref<32x128xf32, #tpu.memory_space<vmem>>[vector<16xi32>, vector<16xi32>], vector<16xf32>,
        %parallel_loop3A_489 = arith.index_cast %parallel_loop3A_477 : i32 to index
        %parallel_loop3A_490 = arith.constant 1040 : index
        %parallel_loop3A_491 = tpu.vector_load %arg9[%parallel_loop3A_489, %parallel_loop3A_490] {strides = array<i32>} : memref<32x1408xf32, #tpu.memory_space<vmem>>, vector<16xf32>,
        tpu.vector_store %arg9[%parallel_loop3A_489, %parallel_loop3A_490], %parallel_loop3A_488 {strides = array<i32>} : memref<32x1408xf32, #tpu.memory_space<vmem>>, vector<16xf32>,
        %parallel_loop3A_492 = vector.broadcast %parallel_loop3A_479 : i32 to vector<16xi32>
        %parallel_loop3A_493 = arith.addi %get3A_417, %parallel_loop3A_492 : vector<16xi32>
        %parallel_loop3A_494 = tpu.vector_load_idx %arg7[%broadcast_in_dim3A_1, %parallel_loop3A_493] : memref<32x128xf32, #tpu.memory_space<vmem>>[vector<16xi32>, vector<16xi32>], vector<16xf32>,
        %parallel_loop3A_495 = arith.index_cast %parallel_loop3A_477 : i32 to index
        %parallel_loop3A_496 = arith.constant 1056 : index
        %parallel_loop3A_497 = tpu.vector_load %arg9[%parallel_loop3A_495, %parallel_loop3A_496] {strides = array<i32>} : memref<32x1408xf32, #tpu.memory_space<vmem>>, vector<16xf32>,
        tpu.vector_store %arg9[%parallel_loop3A_495, %parallel_loop3A_496], %parallel_loop3A_494 {strides = array<i32>} : memref<32x1408xf32, #tpu.memory_space<vmem>>, vector<16xf32>,
        %parallel_loop3A_498 = vector.broadcast %parallel_loop3A_479 : i32 to vector<16xi32>
        %parallel_loop3A_499 = arith.addi %get3A_419, %parallel_loop3A_498 : vector<16xi32>
        %parallel_loop3A_500 = tpu.vector_load_idx %arg7[%broadcast_in_dim3A_1, %parallel_loop3A_499] : memref<32x128xf32, #tpu.memory_space<vmem>>[vector<16xi32>, vector<16xi32>], vector<16xf32>,
        %parallel_loop3A_501 = arith.index_cast %parallel_loop3A_477 : i32 to index
        %parallel_loop3A_502 = arith.constant 1072 : index
        %parallel_loop3A_503 = tpu.vector_load %arg9[%parallel_loop3A_501, %parallel_loop3A_502] {strides = array<i32>} : memref<32x1408xf32, #tpu.memory_space<vmem>>, vector<16xf32>,
        tpu.vector_store %arg9[%parallel_loop3A_501, %parallel_loop3A_502], %parallel_loop3A_500 {strides = array<i32>} : memref<32x1408xf32, #tpu.memory_space<vmem>>, vector<16xf32>,
        %parallel_loop3A_504 = vector.broadcast %parallel_loop3A_479 : i32 to vector<16xi32>
        %parallel_loop3A_505 = arith.addi %get3A_421, %parallel_loop3A_504 : vector<16xi32>
        %parallel_loop3A_506 = tpu.vector_load_idx %arg7[%broadcast_in_dim3A_1, %parallel_loop3A_505] : memref<32x128xf32, #tpu.memory_space<vmem>>[vector<16xi32>, vector<16xi32>], vector<16xf32>,
        %parallel_loop3A_507 = arith.index_cast %parallel_loop3A_477 : i32 to index
        %parallel_loop3A_508 = arith.constant 1088 : index
        %parallel_loop3A_509 = tpu.vector_load %arg9[%parallel_loop3A_507, %parallel_loop3A_508] {strides = array<i32>} : memref<32x1408xf32, #tpu.memory_space<vmem>>, vector<16xf32>,
        tpu.vector_store %arg9[%parallel_loop3A_507, %parallel_loop3A_508], %parallel_loop3A_506 {strides = array<i32>} : memref<32x1408xf32, #tpu.memory_space<vmem>>, vector<16xf32>,
        %parallel_loop3A_510 = vector.broadcast %parallel_loop3A_479 : i32 to vector<16xi32>
        %parallel_loop3A_511 = arith.addi %get3A_423, %parallel_loop3A_510 : vector<16xi32>
        %parallel_loop3A_512 = tpu.vector_load_idx %arg7[%broadcast_in_dim3A_1, %parallel_loop3A_511] : memref<32x128xf32, #tpu.memory_space<vmem>>[vector<16xi32>, vector<16xi32>], vector<16xf32>,
        %parallel_loop3A_513 = arith.index_cast %parallel_loop3A_477 : i32 to index
        %parallel_loop3A_514 = arith.constant 1104 : index
        %parallel_loop3A_515 = tpu.vector_load %arg9[%parallel_loop3A_513, %parallel_loop3A_514] {strides = array<i32>} : memref<32x1408xf32, #tpu.memory_space<vmem>>, vector<16xf32>,
        tpu.vector_store %arg9[%parallel_loop3A_513, %parallel_loop3A_514], %parallel_loop3A_512 {strides = array<i32>} : memref<32x1408xf32, #tpu.memory_space<vmem>>, vector<16xf32>,
        %parallel_loop3A_516 = vector.broadcast %parallel_loop3A_479 : i32 to vector<16xi32>
        %parallel_loop3A_517 = arith.addi %get3A_425, %parallel_loop3A_516 : vector<16xi32>
        %parallel_loop3A_518 = tpu.vector_load_idx %arg7[%broadcast_in_dim3A_1, %parallel_loop3A_517] : memref<32x128xf32, #tpu.memory_space<vmem>>[vector<16xi32>, vector<16xi32>], vector<16xf32>,
        %parallel_loop3A_519 = arith.index_cast %parallel_loop3A_477 : i32 to index
        %parallel_loop3A_520 = arith.constant 1120 : index
        %parallel_loop3A_521 = tpu.vector_load %arg9[%parallel_loop3A_519, %parallel_loop3A_520] {strides = array<i32>} : memref<32x1408xf32, #tpu.memory_space<vmem>>, vector<16xf32>,
        tpu.vector_store %arg9[%parallel_loop3A_519, %parallel_loop3A_520], %parallel_loop3A_518 {strides = array<i32>} : memref<32x1408xf32, #tpu.memory_space<vmem>>, vector<16xf32>,
        %parallel_loop3A_522 = vector.broadcast %parallel_loop3A_479 : i32 to vector<16xi32>
        %parallel_loop3A_523 = arith.addi %get3A_427, %parallel_loop3A_522 : vector<16xi32>
        %parallel_loop3A_524 = tpu.vector_load_idx %arg7[%broadcast_in_dim3A_1, %parallel_loop3A_523] : memref<32x128xf32, #tpu.memory_space<vmem>>[vector<16xi32>, vector<16xi32>], vector<16xf32>,
        %parallel_loop3A_525 = arith.index_cast %parallel_loop3A_477 : i32 to index
        %parallel_loop3A_526 = arith.constant 1136 : index
        %parallel_loop3A_527 = tpu.vector_load %arg9[%parallel_loop3A_525, %parallel_loop3A_526] {strides = array<i32>} : memref<32x1408xf32, #tpu.memory_space<vmem>>, vector<16xf32>,
        tpu.vector_store %arg9[%parallel_loop3A_525, %parallel_loop3A_526], %parallel_loop3A_524 {strides = array<i32>} : memref<32x1408xf32, #tpu.memory_space<vmem>>, vector<16xf32>,
        %parallel_loop3A_528 = vector.broadcast %parallel_loop3A_479 : i32 to vector<16xi32>
        %parallel_loop3A_529 = arith.addi %get3A_429, %parallel_loop3A_528 : vector<16xi32>
        %parallel_loop3A_530 = tpu.vector_load_idx %arg7[%broadcast_in_dim3A_1, %parallel_loop3A_529] : memref<32x128xf32, #tpu.memory_space<vmem>>[vector<16xi32>, vector<16xi32>], vector<16xf32>,
        %parallel_loop3A_531 = arith.index_cast %parallel_loop3A_477 : i32 to index
        %parallel_loop3A_532 = arith.constant 1152 : index
        %parallel_loop3A_533 = tpu.vector_load %arg9[%parallel_loop3A_531, %parallel_loop3A_532] {strides = array<i32>} : memref<32x1408xf32, #tpu.memory_space<vmem>>, vector<16xf32>,
        tpu.vector_store %arg9[%parallel_loop3A_531, %parallel_loop3A_532], %parallel_loop3A_530 {strides = array<i32>} : memref<32x1408xf32, #tpu.memory_space<vmem>>, vector<16xf32>,
        %parallel_loop3A_534 = vector.broadcast %parallel_loop3A_479 : i32 to vector<16xi32>
        %parallel_loop3A_535 = arith.addi %get3A_431, %parallel_loop3A_534 : vector<16xi32>
        %parallel_loop3A_536 = tpu.vector_load_idx %arg7[%broadcast_in_dim3A_1, %parallel_loop3A_535] : memref<32x128xf32, #tpu.memory_space<vmem>>[vector<16xi32>, vector<16xi32>], vector<16xf32>,
        %parallel_loop3A_537 = arith.index_cast %parallel_loop3A_477 : i32 to index
        %parallel_loop3A_538 = arith.constant 1168 : index
        %parallel_loop3A_539 = tpu.vector_load %arg9[%parallel_loop3A_537, %parallel_loop3A_538] {strides = array<i32>} : memref<32x1408xf32, #tpu.memory_space<vmem>>, vector<16xf32>,
        tpu.vector_store %arg9[%parallel_loop3A_537, %parallel_loop3A_538], %parallel_loop3A_536 {strides = array<i32>} : memref<32x1408xf32, #tpu.memory_space<vmem>>, vector<16xf32>,
        %parallel_loop3A_540 = vector.broadcast %parallel_loop3A_479 : i32 to vector<16xi32>
        %parallel_loop3A_541 = arith.addi %get3A_433, %parallel_loop3A_540 : vector<16xi32>
        %parallel_loop3A_542 = tpu.vector_load_idx %arg7[%broadcast_in_dim3A_1, %parallel_loop3A_541] : memref<32x128xf32, #tpu.memory_space<vmem>>[vector<16xi32>, vector<16xi32>], vector<16xf32>,
        %parallel_loop3A_543 = arith.index_cast %parallel_loop3A_477 : i32 to index
        %parallel_loop3A_544 = arith.constant 1184 : index
        %parallel_loop3A_545 = tpu.vector_load %arg9[%parallel_loop3A_543, %parallel_loop3A_544] {strides = array<i32>} : memref<32x1408xf32, #tpu.memory_space<vmem>>, vector<16xf32>,
        tpu.vector_store %arg9[%parallel_loop3A_543, %parallel_loop3A_544], %parallel_loop3A_542 {strides = array<i32>} : memref<32x1408xf32, #tpu.memory_space<vmem>>, vector<16xf32>,
        %parallel_loop3A_546 = vector.broadcast %parallel_loop3A_479 : i32 to vector<16xi32>
        %parallel_loop3A_547 = arith.addi %get3A_435, %parallel_loop3A_546 : vector<16xi32>
        %parallel_loop3A_548 = tpu.vector_load_idx %arg7[%broadcast_in_dim3A_1, %parallel_loop3A_547] : memref<32x128xf32, #tpu.memory_space<vmem>>[vector<16xi32>, vector<16xi32>], vector<16xf32>,
        %parallel_loop3A_549 = arith.index_cast %parallel_loop3A_477 : i32 to index
        %parallel_loop3A_550 = arith.constant 1200 : index
        %parallel_loop3A_551 = tpu.vector_load %arg9[%parallel_loop3A_549, %parallel_loop3A_550] {strides = array<i32>} : memref<32x1408xf32, #tpu.memory_space<vmem>>, vector<16xf32>,
        tpu.vector_store %arg9[%parallel_loop3A_549, %parallel_loop3A_550], %parallel_loop3A_548 {strides = array<i32>} : memref<32x1408xf32, #tpu.memory_space<vmem>>, vector<16xf32>,
        %parallel_loop3A_552 = vector.broadcast %parallel_loop3A_479 : i32 to vector<16xi32>
        %parallel_loop3A_553 = arith.addi %get3A_437, %parallel_loop3A_552 : vector<16xi32>
        %parallel_loop3A_554 = tpu.vector_load_idx %arg7[%broadcast_in_dim3A_1, %parallel_loop3A_553] : memref<32x128xf32, #tpu.memory_space<vmem>>[vector<16xi32>, vector<16xi32>], vector<16xf32>,
        %parallel_loop3A_555 = arith.index_cast %parallel_loop3A_477 : i32 to index
        %parallel_loop3A_556 = arith.constant 1216 : index
        %parallel_loop3A_557 = tpu.vector_load %arg9[%parallel_loop3A_555, %parallel_loop3A_556] {strides = array<i32>} : memref<32x1408xf32, #tpu.memory_space<vmem>>, vector<16xf32>,
        tpu.vector_store %arg9[%parallel_loop3A_555, %parallel_loop3A_556], %parallel_loop3A_554 {strides = array<i32>} : memref<32x1408xf32, #tpu.memory_space<vmem>>, vector<16xf32>,
        %parallel_loop3A_558 = vector.broadcast %parallel_loop3A_479 : i32 to vector<16xi32>
        %parallel_loop3A_559 = arith.addi %get3A_439, %parallel_loop3A_558 : vector<16xi32>
        %parallel_loop3A_560 = tpu.vector_load_idx %arg7[%broadcast_in_dim3A_1, %parallel_loop3A_559] : memref<32x128xf32, #tpu.memory_space<vmem>>[vector<16xi32>, vector<16xi32>], vector<16xf32>,
        %parallel_loop3A_561 = arith.index_cast %parallel_loop3A_477 : i32 to index
        %parallel_loop3A_562 = arith.constant 1232 : index
        %parallel_loop3A_563 = tpu.vector_load %arg9[%parallel_loop3A_561, %parallel_loop3A_562] {strides = array<i32>} : memref<32x1408xf32, #tpu.memory_space<vmem>>, vector<16xf32>,
        tpu.vector_store %arg9[%parallel_loop3A_561, %parallel_loop3A_562], %parallel_loop3A_560 {strides = array<i32>} : memref<32x1408xf32, #tpu.memory_space<vmem>>, vector<16xf32>,
        %parallel_loop3A_564 = vector.broadcast %parallel_loop3A_479 : i32 to vector<16xi32>
        %parallel_loop3A_565 = arith.addi %get3A_441, %parallel_loop3A_564 : vector<16xi32>
        %parallel_loop3A_566 = tpu.vector_load_idx %arg7[%broadcast_in_dim3A_1, %parallel_loop3A_565] : memref<32x128xf32, #tpu.memory_space<vmem>>[vector<16xi32>, vector<16xi32>], vector<16xf32>,
        %parallel_loop3A_567 = arith.index_cast %parallel_loop3A_477 : i32 to index
        %parallel_loop3A_568 = arith.constant 1248 : index
        %parallel_loop3A_569 = tpu.vector_load %arg9[%parallel_loop3A_567, %parallel_loop3A_568] {strides = array<i32>} : memref<32x1408xf32, #tpu.memory_space<vmem>>, vector<16xf32>,
        tpu.vector_store %arg9[%parallel_loop3A_567, %parallel_loop3A_568], %parallel_loop3A_566 {strides = array<i32>} : memref<32x1408xf32, #tpu.memory_space<vmem>>, vector<16xf32>,
        %parallel_loop3A_570 = vector.broadcast %parallel_loop3A_479 : i32 to vector<16xi32>
        %parallel_loop3A_571 = arith.addi %get3A_443, %parallel_loop3A_570 : vector<16xi32>
        %parallel_loop3A_572 = tpu.vector_load_idx %arg7[%broadcast_in_dim3A_1, %parallel_loop3A_571] : memref<32x128xf32, #tpu.memory_space<vmem>>[vector<16xi32>, vector<16xi32>], vector<16xf32>,
        %parallel_loop3A_573 = arith.index_cast %parallel_loop3A_477 : i32 to index
        %parallel_loop3A_574 = arith.constant 1264 : index
        %parallel_loop3A_575 = tpu.vector_load %arg9[%parallel_loop3A_573, %parallel_loop3A_574] {strides = array<i32>} : memref<32x1408xf32, #tpu.memory_space<vmem>>, vector<16xf32>,
        tpu.vector_store %arg9[%parallel_loop3A_573, %parallel_loop3A_574], %parallel_loop3A_572 {strides = array<i32>} : memref<32x1408xf32, #tpu.memory_space<vmem>>, vector<16xf32>,
        %parallel_loop3A_576 = vector.broadcast %parallel_loop3A_479 : i32 to vector<16xi32>
        %parallel_loop3A_577 = arith.addi %get3A_445, %parallel_loop3A_576 : vector<16xi32>
        %parallel_loop3A_578 = tpu.vector_load_idx %arg7[%broadcast_in_dim3A_1, %parallel_loop3A_577] : memref<32x128xf32, #tpu.memory_space<vmem>>[vector<16xi32>, vector<16xi32>], vector<16xf32>,
        %parallel_loop3A_579 = arith.index_cast %parallel_loop3A_477 : i32 to index
        %parallel_loop3A_580 = arith.constant 1280 : index
        %parallel_loop3A_581 = tpu.vector_load %arg9[%parallel_loop3A_579, %parallel_loop3A_580] {strides = array<i32>} : memref<32x1408xf32, #tpu.memory_space<vmem>>, vector<16xf32>,
        tpu.vector_store %arg9[%parallel_loop3A_579, %parallel_loop3A_580], %parallel_loop3A_578 {strides = array<i32>} : memref<32x1408xf32, #tpu.memory_space<vmem>>, vector<16xf32>,
        %parallel_loop3A_582 = vector.broadcast %parallel_loop3A_479 : i32 to vector<16xi32>
        %parallel_loop3A_583 = arith.addi %get3A_447, %parallel_loop3A_582 : vector<16xi32>
        %parallel_loop3A_584 = tpu.vector_load_idx %arg7[%broadcast_in_dim3A_1, %parallel_loop3A_583] : memref<32x128xf32, #tpu.memory_space<vmem>>[vector<16xi32>, vector<16xi32>], vector<16xf32>,
        %parallel_loop3A_585 = arith.index_cast %parallel_loop3A_477 : i32 to index
        %parallel_loop3A_586 = arith.constant 1296 : index
        %parallel_loop3A_587 = tpu.vector_load %arg9[%parallel_loop3A_585, %parallel_loop3A_586] {strides = array<i32>} : memref<32x1408xf32, #tpu.memory_space<vmem>>, vector<16xf32>,
        tpu.vector_store %arg9[%parallel_loop3A_585, %parallel_loop3A_586], %parallel_loop3A_584 {strides = array<i32>} : memref<32x1408xf32, #tpu.memory_space<vmem>>, vector<16xf32>,
        %parallel_loop3A_588 = vector.broadcast %parallel_loop3A_479 : i32 to vector<16xi32>
        %parallel_loop3A_589 = arith.addi %get3A_449, %parallel_loop3A_588 : vector<16xi32>
        %parallel_loop3A_590 = tpu.vector_load_idx %arg7[%broadcast_in_dim3A_1, %parallel_loop3A_589] : memref<32x128xf32, #tpu.memory_space<vmem>>[vector<16xi32>, vector<16xi32>], vector<16xf32>,
        %parallel_loop3A_591 = arith.index_cast %parallel_loop3A_477 : i32 to index
        %parallel_loop3A_592 = arith.constant 1312 : index
        %parallel_loop3A_593 = tpu.vector_load %arg9[%parallel_loop3A_591, %parallel_loop3A_592] {strides = array<i32>} : memref<32x1408xf32, #tpu.memory_space<vmem>>, vector<16xf32>,
        tpu.vector_store %arg9[%parallel_loop3A_591, %parallel_loop3A_592], %parallel_loop3A_590 {strides = array<i32>} : memref<32x1408xf32, #tpu.memory_space<vmem>>, vector<16xf32>,
        %parallel_loop3A_594 = vector.broadcast %parallel_loop3A_479 : i32 to vector<16xi32>
        %parallel_loop3A_595 = arith.addi %get3A_451, %parallel_loop3A_594 : vector<16xi32>
        %parallel_loop3A_596 = tpu.vector_load_idx %arg7[%broadcast_in_dim3A_1, %parallel_loop3A_595] : memref<32x128xf32, #tpu.memory_space<vmem>>[vector<16xi32>, vector<16xi32>], vector<16xf32>,
        %parallel_loop3A_597 = arith.index_cast %parallel_loop3A_477 : i32 to index
        %parallel_loop3A_598 = arith.constant 1328 : index
        %parallel_loop3A_599 = tpu.vector_load %arg9[%parallel_loop3A_597, %parallel_loop3A_598] {strides = array<i32>} : memref<32x1408xf32, #tpu.memory_space<vmem>>, vector<16xf32>,
        tpu.vector_store %arg9[%parallel_loop3A_597, %parallel_loop3A_598], %parallel_loop3A_596 {strides = array<i32>} : memref<32x1408xf32, #tpu.memory_space<vmem>>, vector<16xf32>,
        %parallel_loop3A_600 = vector.broadcast %parallel_loop3A_479 : i32 to vector<16xi32>
        %parallel_loop3A_601 = arith.addi %get3A_453, %parallel_loop3A_600 : vector<16xi32>
        %parallel_loop3A_602 = tpu.vector_load_idx %arg7[%broadcast_in_dim3A_1, %parallel_loop3A_601] : memref<32x128xf32, #tpu.memory_space<vmem>>[vector<16xi32>, vector<16xi32>], vector<16xf32>,
        %parallel_loop3A_603 = arith.index_cast %parallel_loop3A_477 : i32 to index
        %parallel_loop3A_604 = arith.constant 1344 : index
        %parallel_loop3A_605 = tpu.vector_load %arg9[%parallel_loop3A_603, %parallel_loop3A_604] {strides = array<i32>} : memref<32x1408xf32, #tpu.memory_space<vmem>>, vector<16xf32>,
        tpu.vector_store %arg9[%parallel_loop3A_603, %parallel_loop3A_604], %parallel_loop3A_602 {strides = array<i32>} : memref<32x1408xf32, #tpu.memory_space<vmem>>, vector<16xf32>,
        %parallel_loop3A_606 = vector.broadcast %parallel_loop3A_479 : i32 to vector<16xi32>
        %parallel_loop3A_607 = arith.addi %get3A_455, %parallel_loop3A_606 : vector<16xi32>
        %parallel_loop3A_608 = tpu.vector_load_idx %arg7[%broadcast_in_dim3A_1, %parallel_loop3A_607] : memref<32x128xf32, #tpu.memory_space<vmem>>[vector<16xi32>, vector<16xi32>], vector<16xf32>,
        %parallel_loop3A_609 = arith.index_cast %parallel_loop3A_477 : i32 to index
        %parallel_loop3A_610 = arith.constant 1360 : index
        %parallel_loop3A_611 = tpu.vector_load %arg9[%parallel_loop3A_609, %parallel_loop3A_610] {strides = array<i32>} : memref<32x1408xf32, #tpu.memory_space<vmem>>, vector<16xf32>,
        tpu.vector_store %arg9[%parallel_loop3A_609, %parallel_loop3A_610], %parallel_loop3A_608 {strides = array<i32>} : memref<32x1408xf32, #tpu.memory_space<vmem>>, vector<16xf32>,
        %parallel_loop3A_612 = vector.broadcast %parallel_loop3A_479 : i32 to vector<16xi32>
        %parallel_loop3A_613 = arith.addi %get3A_457, %parallel_loop3A_612 : vector<16xi32>
        %parallel_loop3A_614 = tpu.vector_load_idx %arg7[%broadcast_in_dim3A_1, %parallel_loop3A_613] : memref<32x128xf32, #tpu.memory_space<vmem>>[vector<16xi32>, vector<16xi32>], vector<16xf32>,
        %parallel_loop3A_615 = arith.index_cast %parallel_loop3A_477 : i32 to index
        %parallel_loop3A_616 = arith.constant 1376 : index
        %parallel_loop3A_617 = tpu.vector_load %arg9[%parallel_loop3A_615, %parallel_loop3A_616] {strides = array<i32>} : memref<32x1408xf32, #tpu.memory_space<vmem>>, vector<16xf32>,
        tpu.vector_store %arg9[%parallel_loop3A_615, %parallel_loop3A_616], %parallel_loop3A_614 {strides = array<i32>} : memref<32x1408xf32, #tpu.memory_space<vmem>>, vector<16xf32>,
        %parallel_loop3A_618 = vector.broadcast %parallel_loop3A_479 : i32 to vector<16xi32>
        %parallel_loop3A_619 = arith.addi %get3A_459, %parallel_loop3A_618 : vector<16xi32>
        %parallel_loop3A_620 = tpu.vector_load_idx %arg7[%broadcast_in_dim3A_1, %parallel_loop3A_619] : memref<32x128xf32, #tpu.memory_space<vmem>>[vector<16xi32>, vector<16xi32>], vector<16xf32>,
        %parallel_loop3A_621 = arith.index_cast %parallel_loop3A_477 : i32 to index
        %parallel_loop3A_622 = arith.constant 1392 : index
        %parallel_loop3A_623 = tpu.vector_load %arg9[%parallel_loop3A_621, %parallel_loop3A_622] {strides = array<i32>} : memref<32x1408xf32, #tpu.memory_space<vmem>>, vector<16xf32>,
        tpu.vector_store %arg9[%parallel_loop3A_621, %parallel_loop3A_622], %parallel_loop3A_620 {strides = array<i32>} : memref<32x1408xf32, #tpu.memory_space<vmem>>, vector<16xf32>,
      } {sc.loop_unroll_factor = 1 : i64, sc.parallel_access}
      %mul3A_463 = arith.constant 16 : i32
      %mul3A_464 = arith.muli %add3A, %mul3A_463 : i32
      %add3A_465 = arith.addi %mul3A_464, %add3A_263 : i32
      %mul3A_466 = arith.constant 32 : i32
      %mul3A_467 = arith.muli %add3A_465, %mul3A_466 : i32
      %dma_start3A_468 = arith.constant 0 : i32
      %dma_start3A_469 = tpu.memref_slice %arg4[%mul3A_467, %dma_start3A_468] : memref<16384x1408xf32, #tpu.memory_space<hbm>> -> memref<32x1408xf32, #tpu.memory_space<hbm>>
      %dma_start3A_470 = arith.constant 0 : i32
      %dma_start3A_471 = tpu.memref_slice %arg4[%mul3A_467, %dma_start3A_470] : memref<16384x1408xf32, #tpu.memory_space<hbm>> -> memref<32x1408xf32, #tpu.memory_space<hbm>>
      tpu.enqueue_dma source(%arg9 : memref<32x1408xf32, #tpu.memory_space<vmem>>) target(%dma_start3A_471 : memref<32x1408xf32, #tpu.memory_space<hbm>>) target_semaphore(%arg13 : memref<!tpu.dma_semaphore, #tpu.memory_space<semaphore_mem>>)
      %lt3A_472 = arith.constant 7 : i32
      %lt3A_473 = arith.cmpi slt, %add3A_48, %lt3A_472 : i32
      %convert_element_type3A_474 = arith.extui %lt3A_473 : i1 to i32
      %cond3A_475 = arith.constant 0 : i32
      %cond3A_476 = arith.cmpi ne, %convert_element_type3A_474, %cond3A_475 : i32
      scf.if %cond3A_476 {
        %add3A_477 = arith.constant 2 : i32
        %add3A_478 = arith.addi %add3A_263, %add3A_477 : i32
        %mul3A_479 = arith.constant 16 : i32
        %mul3A_480 = arith.muli %add3A, %mul3A_479 : i32
        %add3A_481 = arith.addi %mul3A_480, %add3A_478 : i32
        %mul3A_482 = arith.constant 32 : i32
        %mul3A_483 = arith.muli %add3A_481, %mul3A_482 : i32
        %dma_start3A_484 = arith.constant 0 : i32
        %dma_start3A_485 = tpu.memref_slice %arg2[%mul3A_483, %dma_start3A_484] : memref<16384x128xf32, #tpu.memory_space<hbm>> -> memref<32x128xf32, #tpu.memory_space<hbm>>
        %dma_start3A_486 = arith.constant 0 : i32
        %dma_start3A_487 = tpu.memref_slice %arg2[%mul3A_483, %dma_start3A_486] : memref<16384x128xf32, #tpu.memory_space<hbm>> -> memref<32x128xf32, #tpu.memory_space<hbm>>
        tpu.enqueue_dma source(%dma_start3A_487 : memref<32x128xf32, #tpu.memory_space<hbm>>) target(%arg7 : memref<32x128xf32, #tpu.memory_space<vmem>>) target_semaphore(%arg11 : memref<!tpu.dma_semaphore, #tpu.memory_space<semaphore_mem>>)
      } else {
      }
    }
    %scan3A_24 = arith.constant 8 : i32
    %mul3A_25 = arith.constant 16 : i32
    %mul3A_26 = arith.muli %add3A, %mul3A_25 : i32
    %add3A_27 = arith.constant 14 : i32
    %add3A_28 = arith.addi %mul3A_26, %add3A_27 : i32
    %mul3A_29 = arith.constant 32 : i32
    %mul3A_30 = arith.muli %add3A_28, %mul3A_29 : i32
    %dma_wait3A = arith.constant 0 : i32
    %dma_wait3A_31 = tpu.memref_slice %arg4[%mul3A_30, %dma_wait3A] : memref<16384x1408xf32, #tpu.memory_space<hbm>> -> memref<32x1408xf32, #tpu.memory_space<hbm>>
    %dma_wait3A_32 = arith.constant 0 : i32
    %dma_wait3A_33 = tpu.memref_slice %arg4[%mul3A_30, %dma_wait3A_32] : memref<16384x1408xf32, #tpu.memory_space<hbm>> -> memref<32x1408xf32, #tpu.memory_space<hbm>>
    tpu.wait_dma2 semaphore(%arg12 : memref<!tpu.dma_semaphore, #tpu.memory_space<semaphore_mem>>) src(%arg8 : memref<32x1408xf32, #tpu.memory_space<vmem>>) dst(%dma_wait3A_33 : memref<32x1408xf32, #tpu.memory_space<hbm>>)
    %mul3A_34 = arith.constant 16 : i32
    %mul3A_35 = arith.muli %add3A, %mul3A_34 : i32
    %add3A_36 = arith.constant 15 : i32
    %add3A_37 = arith.addi %mul3A_35, %add3A_36 : i32
    %mul3A_38 = arith.constant 32 : i32
    %mul3A_39 = arith.muli %add3A_37, %mul3A_38 : i32
    %dma_wait3A_40 = arith.constant 0 : i32
    %dma_wait3A_41 = tpu.memref_slice %arg4[%mul3A_39, %dma_wait3A_40] : memref<16384x1408xf32, #tpu.memory_space<hbm>> -> memref<32x1408xf32, #tpu.memory_space<hbm>>
    %dma_wait3A_42 = arith.constant 0 : i32
    %dma_wait3A_43 = tpu.memref_slice %arg4[%mul3A_39, %dma_wait3A_42] : memref<16384x1408xf32, #tpu.memory_space<hbm>> -> memref<32x1408xf32, #tpu.memory_space<hbm>>
    tpu.wait_dma2 semaphore(%arg13 : memref<!tpu.dma_semaphore, #tpu.memory_space<semaphore_mem>>) src(%arg9 : memref<32x1408xf32, #tpu.memory_space<vmem>>) dst(%dma_wait3A_43 : memref<32x1408xf32, #tpu.memory_space<hbm>>)
    return
  }
}

</mosaic_0001>

<sc_bundles>
// kernel: _run.3.cloned.1.call-start
scs
__scs_entry_jumppad:
0x0: {  	(pc) =	sbr.rel $0x88, $3  }
0x1: {  	(tag) =	ssettag $0x0;
	lr =	simm.s32 $0x1  }
0x2: {  	[smem:$0x3F9F] =	sst lr;
	_ =	strace $0xD0000000  }
0x3: {  	_ = 	snop  }
0x4: {  	_ = 	snop  }
0x5: {  	_ = 	snop  }
0x6: {  	_ = 	snop  }
0x7: {  	_ = 	snop  }
__scs_overlays_trampoline_lowered:
0x8: {  	[smem:$0x3FAE] =	sst s0  }
0x9: {  	[smem:$0x3FAF] =	sst s1  }
0xa: {  	[smem:$0x3FB0] =	sst s2  }
0xb: {  	[smem:$0x3FB1] =	sst s3  }
0xc: {  	[smem:$0x3FB2] =	sst s4  }
0xd: {  	[smem:$0x3FB3] =	sst s5  }
0xe: {  	[smem:$0x3FB4] =	sst s6  }
0xf: {  	[smem:$0x3FB5] =	sst s7  }
0x10: {  	[smem:$0x3FB6] =	sst s8  }
0x11: {  	[smem:$0x3FB7] =	sst s9;
	s0 =	simm.s32 @!p0 $0x0  }
0x12: {  	s1 =	sld [smem:$0x3F9D];
	s0 =	simm.s32 @p0 $0x1  }
0x13: {  	[smem:$0x3FB8] =	sst s0;
	s0 =	simm.s32 @!p1 $0x0  }
0x14: {  	s2 =	sld [smem:$0x3F9C];
	s0 =	simm.s32 @p1 $0x1  }
0x15: {  	[smem:$0x3FB9] =	sst s0;
	s0 =	simm.s32 @!p2 $0x0  }
0x16: {  	s3 =	sld [smem:$0x3FDB];
	s0 =	simm.s32 @p2 $0x1  }
0x17: {  	s4 =	simm.s32 $0x1BF5;
	[smem:$0x3FBB] =	sst s0  }
0x18: {  	s0 =	sld [smem:$0x3F9E];
	_ =	swait.ge [sflag:s4], $0x0  }
0x19: {  	s7 =	sld [smem:$0x3F9F]  }
0x1a: {  	s8 =	sadd.s32 $0xFFFFE003, lr  }
0x1b: {  	s9 =	sadd.s32 $0xFFFFFEF7, lr;
	s5 =	simm.s32 $0xFFFFFFFF;
	p2 =	slt.u32 s8, $0xFFFFF086  }
0x1c: {  	p1 =	slt.u32 s9, $0xF7A;
	s5 =	simm.s32 @!p2 $0x0  }
0x1d: {  	s5 =	simm.s32 @p1 $0x1;
	p0 =	seq.s32 s7, s2  }
0x1e: {  	s7 =	smul.u32 @!p0 $0xF7A, s2;
	p2 =	seq.s32 @!p0 s5, $0x0  }
0x1f: {  	s9 =	smul.u32 $0xF7A, s1;
	s8 =	simm.s32 @!p0 $0x1BF5;
	p2 =	por !p2, p0  }
0x20: {  	[sflag:s8] =	ssyncset.s32 @!p0 $0xFFFFF086;
	s6 =	sadd.s32 @!p0 s3, s7;
	s7 =	simm.s32 @!p0 $0x108  }
0x21: {  	s3 =	sadd.s32 s3, s9;
	s6 =	sadd.s32 @!p0 $0x88, s6;
	s7 =	simm.s32 @p2 $0x1082  }
0x22: {  	[simem:s7], [sflag:s8] =	dma.local @!p0 [hbm:s6], $0xF7A  }
0x23: {  	s9 =	sor.u32 $0xD0000000, s2;
	s6 =	simm.s32 $0x108;
	_ =	swait.ge @!p0 [sflag:s8], $0x0  }
0x24: {  	s3 =	sadd.s32 $0x88, s3;
	s6 =	simm.s32 @!p1 $0x1082;
	[sflag:s4] =	ssyncset.s32 $0xFFFFF086  }
0x25: {  	[simem:s6], [sflag:s4] =	dma.local [hbm:s3], $0xF7A  }
0x26: {  	[smem:$0x3F9F] =	sst s1;
	(tag) =	ssettag s2;
	_ =	strace s9  }
0x27: {  	s1 =	sld [smem:$0x3FAF]  }
0x28: {  	s2 =	sld [smem:$0x3FB0]  }
0x29: {  	s4 =	sld [smem:$0x3FB2]  }
0x2a: {  	p0 =	seq.s32 s5, $0x0;
	s5 =	sld [smem:$0x3FB3]  }
0x2b: {  	s6 =	sld [smem:$0x3FB4]  }
0x2c: {  	s7 =	sld [smem:$0x3FB5]  }
0x2d: {  	s3 =	simm.s32 $0x108;
	s8 =	sld [smem:$0x3FB6]  }
0x2e: {  	s3 =	simm.s32 @!p0 $0x1082;
	s9 =	sld [smem:$0x3FB7]  }
0x2f: {  	lr =	sadd.s32 s0, s3;
	s0 =	sld [smem:$0x3FAE]  }
0x30: {  	s3 =	sld [smem:$0x3FB1]  }
0x31: {  	[smem:$0x3FBA] =	sst s10  }
0x32: {  	s10 =	sld [smem:$0x3FB8];
	_ =	sdelay $0x3  }
0x33: {  	p0 =	seq.s32 s10, $0x1;
	s10 =	sld [smem:$0x3FBA];
	_ =	sdelay $0x3  }
0x34: {  	[smem:$0x3FBA] =	sst s10  }
0x35: {  	s10 =	sld [smem:$0x3FB9];
	_ =	sdelay $0x3  }
0x36: {  	p1 =	seq.s32 s10, $0x1;
	s10 =	sld [smem:$0x3FBA];
	_ =	sdelay $0x3  }
0x37: {  	[smem:$0x3FBA] =	sst s10  }
0x38: {  	s10 =	sld [smem:$0x3FBB]  }
0x39: {  	_ = 	snop;
	(pc) =	sbr.ind lr, $3  }
0x3a: {  	_ = 	snop  }
0x3b: {  	_ = 	snop  }
0x3c: {  	p2 =	seq.s32 s10, $0x1;
	s10 =	sld [smem:$0x3FBA]  }
0x3d: {  	_ =	shalt  }
0x3e: {  	_ =	shalt  }
0x3f: {  	_ =	shalt  }
0x40: {  	_ =	shalt  }
0x41: {  	_ =	shalt  }
0x42: {  	_ =	shalt  }
0x43: {  	_ =	shalt  }
0x44: {  	_ =	shalt  }
0x45: {  	_ =	shalt  }
0x46: {  	_ =	shalt  }
0x47: {  	_ =	shalt  }
0x48: {  	_ =	shalt  }
0x49: {  	_ =	shalt  }
0x4a: {  	_ =	shalt  }
0x4b: {  	_ =	shalt  }
0x4c: {  	_ =	shalt  }
0x4d: {  	_ =	shalt  }
0x4e: {  	_ =	shalt  }
0x4f: {  	_ =	shalt  }
0x50: {  	_ =	shalt  }
0x51: {  	_ =	shalt  }
0x52: {  	_ =	shalt  }
0x53: {  	_ =	shalt  }
0x54: {  	_ =	shalt  }
0x55: {  	_ =	shalt  }
0x56: {  	_ =	shalt  }
0x57: {  	_ =	shalt  }
0x58: {  	_ =	shalt  }
0x59: {  	_ =	shalt  }
0x5a: {  	_ =	shalt  }
0x5b: {  	_ =	shalt  }
0x5c: {  	_ =	shalt  }
0x5d: {  	_ =	shalt  }
0x5e: {  	_ =	shalt  }
0x5f: {  	_ =	shalt  }
0x60: {  	_ =	shalt  }
0x61: {  	_ =	shalt  }
0x62: {  	_ =	shalt  }
0x63: {  	_ =	shalt  }
0x64: {  	_ =	shalt  }
0x65: {  	_ =	shalt  }
0x66: {  	_ =	shalt  }
0x67: {  	_ =	shalt  }
0x68: {  	_ =	shalt  }
0x69: {  	_ =	shalt  }
0x6a: {  	_ =	shalt  }
0x6b: {  	_ =	shalt  }
0x6c: {  	_ =	shalt  }
0x6d: {  	_ =	shalt  }
0x6e: {  	_ =	shalt  }
0x6f: {  	_ =	shalt  }
0x70: {  	_ =	shalt  }
0x71: {  	_ =	shalt  }
0x72: {  	_ =	shalt  }
0x73: {  	_ =	shalt  }
0x74: {  	_ =	shalt  }
0x75: {  	_ =	shalt  }
0x76: {  	_ =	shalt  }
0x77: {  	_ =	shalt  }
0x78: {  	_ =	shalt  }
0x79: {  	_ =	shalt  }
0x7a: {  	_ =	shalt  }
0x7b: {  	_ =	shalt  }
0x7c: {  	_ =	shalt  }
0x7d: {  	_ =	shalt  }
0x7e: {  	_ =	shalt  }
0x7f: {  	_ =	shalt  }
0x80: {  	_ =	shalt  }
0x81: {  	_ =	shalt  }
0x82: {  	_ =	shalt  }
0x83: {  	_ =	shalt  }
0x84: {  	_ =	shalt  }
0x85: {  	_ =	shalt  }
0x86: {  	_ =	shalt  }
0x87: {  	_ =	shalt  }
.Lfunc_end0:
.L_simem_size_0:
called_computation_lowered:
.L_overlay_start_0:
0x88: {  	s2 =	sld [smem:$0x3FD9]  }
0x89: {  	s3 =	sld [smem:$0x3FFE];
	_ =	sdelay $0x1  }
0x8a: {  	s1 =	srdreg.scid  }
0x8b: {  	s0 =	sand.u32 $0x1, s1  }
0x8c: {  	s18 =	sshll.u32 s0, $0xA;
	s2 =	sadd.s32 s3, s2  }
0x8d: {  	s2 =	sadd.s32 s2, s18  }
0x8e: {  	[smem:$0x3FC6] =	sst s2  }
0x8f: {  	_ = 	snop  }
0x90: {  	s2 =	sld [smem:$0x3FC9]  }
0x91: {  	s19 =	sld [smem:$0x3FC8]  }
0x92: {  	s4 =	sld [smem:$0x3FD0];
	(tm) =	ssettm $0x1  }
0x93: {  	s5 =	sld [smem:$0x3FFB];
	_ =	sdelay $0x3  }
0x94: {  	_ =	strace s5  }
0x95: {  	s5 =	sld [smem:$0x3FFC];
	_ =	sdelay $0x3  }
0x96: {  	_ =	strace s5  }
0x97: {  	s5 =	sld [smem:$0x3FFD];
	_ =	sdelay $0x3  }
0x98: {  	_ =	strace s5  }
0x99: {  	_ =	strace $0x8FFFFFFF  }
0x9a: {  	s20 =	sld [smem:$0x3FDB];
	_ =	sdelay $0x1  }
0x9b: {  	s6 =	simm.s32 $_scs_section_size  }
0x9c: {  	s7 =	simm.s32 $_size__tile_overlayer_lowered;
	s8 =	simm.s32 $_tile_overlayer_lowered  }
0x9d: {  	s23 =	simm.s32 $0x1BFF;
	s22 =	sshll.u32 s8, $0x1;
	s5 =	sadd.s32 s6, s20  }
0x9e: {  	s9 =	simm.s32 $0x0;
	s21 =	sshll.u32 s7, $0x1;
	s7 =	sadd.s32 s22, s5  }
0x9f: {  	[timem:s9], [sflag:s23] =	dma.local [hbm:s7], s21  }
0xa0: {  	_ =	swait.ge [sflag:s23], s21  }
0xa1: {  	s6 =	ssub.s32 $0x0, s21;
	[sflag:s23] =	ssyncset.done $0x0  }
0xa2: {  	[sflag:s23] =	ssyncadd.s32 s6;
	_ =	sdelay $0x1  }
0xa3: {  	s24 =	simm.s32 $0x1B8B  }
0xa4: {  	_ =	swait.ge [sflag:s24], $0x1  }
0xa5: {  	[sflag:s24] =	ssyncset.done $0x0  }
0xa6: {  	s25 =	simm.s32 $0x1B8E;
	[sflag:s24] =	ssyncadd.s32 $0xFFFFFFFF  }
0xa7: {  	s26 =	simm.s32 $execute0_lowered;
	[smem:$0x3FD2] =	sst s25  }
0xa8: {  	s6 =	sshll.u32 s26, $0x1;
	_ =	strace $0x80000046;
	[dreg:$0x1] =	wrdreg $0xFFFFFFFF  }
0xa9: {  	s28 =	simm.s32 $_size_execute0_lowered;
	s5 =	sadd.s32 s5, s6;
	[dreg:$0x0] =	wrdreg $0x0  }
0xaa: {  	s6 =	sshll.u32 s28, $0x1;
	[dreg:$0x2] =	wrdreg s5  }
0xab: {  	[dreg:$0x3] =	wrdreg s6  }
0xac: {  	[dreg:$0x4] =	wrdreg $0xC0  }
0xad: {  	_ =	task [dreg:s9], $0x5FFFF  }
0xae: {  	[dreg:$0x1] =	wrdreg $0xFFFFFFFF  }
0xaf: {  	[dreg:$0x0] =	wrdreg $0x60  }
0xb0: {  	[dreg:$0x2] =	wrdreg s2  }
0xb1: {  	[dreg:$0x3] =	wrdreg s19  }
0xb2: {  	[dreg:$0x4] =	wrdreg s4  }
0xb3: {  	[dreg:$0x5] =	wrdreg $0x9  }
0xb4: {  	_ =	task.clear_ibuf [dreg:s9], $0x6FFFF;
	_ =	strace $0x90000046  }
0xb5: {  	s29 =	simm.s32 $0x9;
	_ =	strace $0x80000048  }
0xb6: {  	_ =	swait.ge [sflag:s29], $0x1  }
0xb7: {  	[sflag:s29] =	ssyncadd.s32 $0xFFFFFFFF  }
0xb8: {  	_ =	strace $0x90000048  }
0xb9: {  	_ =	sfence  }
0xba: {  	s30 =	sld [smem:$0x0];
	_ =	sdelay $0x2  }
0xbb: {  	s31 =	sshll.u32 s1, $0xD;
	s1 =	sshrl.u32 s1, $0x2  }
0xbc: {  	s3 =	sand.u32 $0x4000, s31;
	s1 =	sadd.s32 s1, s30  }
0xbd: {  	s0 =	sor.u32 s3, s0;
	s1 =	sshll.u32 s1, $0x11  }
0xbe: {  	s0 =	sor.u32 s1, s0  }
0xbf: {  	s0 =	sadd.s32 $0x8F2B, s0  }
0xc0: {  	[sflag:s0] =	ssyncadd.remote.s32 $0x1  }
0xc1: {  	_ =	sfence.sel $0xFFFF  }
0xc2: {  	[dreg:$0x0] =	wrdreg $0xFFFFFFFF;
	(pc) =	sbr.abs _section_cstart, $3  }
0xc3: {  	[dreg:$0x1] =	wrdreg $0xFFFFFFFF  }
0xc4: {  	_ =	task.clear_ibuf [dreg:s9], $0x2FFFF;
	_ =	strace $0x9FFFFFFF  }
0xc5: {  	(tm) =	ssettm $0x7FFFFFFF  }
tec
execute0_lowered:
.L_overlay_start_1:
0x0: {  	(tag) =	ssettag $0x1  }
0x1: {  	s1 =	rddreg [dreg:$0x0]  }
0x2: {  	s4 =	rddreg [dreg:$0x2]  }
0x3: {  	s0 =	srdreg.scid;
	s2 =	stileid.u32;
	s5 =	simm.s32 $0x0  }
0x4: {  	s12 =	simm.s32 $0x580;
	s13 =	simm.s32 $0x1580;
	s15 =	simm.s32 $0x1  }
0x5: {  	s0 =	sand.u32 $0x1, s0;
	s2 =	sshll.u32 s2, $0x1;
	[smem:$0x7FF] =	sst s5  }
0x6: {  	s17 =	simm.s32 $0x2;
	s2 =	sor.u32 s0, s2;
	_ =	strace $0x80000047  }
.Ltmp0:
0x7: {  	s0 =	ssub.s32 $0x2, s0;
	s3 =	sshll.u32 s2, $0xD;
	(pc) =	sbr.rel .LBB2_1-.Ltmp0, $4  }
0x8: {  	s6 =	sshrl.u32 s0, $0x1;
	s7 =	sshll.u32 s2, $0x4;
	s3 =	sadd.s32 s1, s3  }
0x9: {  	s0 =	ssub.s32 s0, s6;
	[dreg:$0x4] =	wrdreg s3;
	s31 =	sadd.s32 $0x200, s3  }
0xa: {  	s9 =	sor.u32 $0x2, s7;
	s0 =	smax.u32 s0, $0x1;
	[dreg:$0x5] =	wrdreg s31  }
0xb: {  	s10 =	sor.u32 $0x3, s7;
	s3 =	simm.s32 $0x0;
	[dreg:$0x6] =	wrdreg s0  }
.LBB2_16:
0xc: {  	s0 =	simm.s32 $0x3  }
0xd: {  	_ =	swait.ge [sflag:s0], $0xB000  }
0xe: {  	[sflag:s0] =	ssyncset.done $0x0  }
0xf: {  	s2 =	simm.s32 $0x4;
	[sflag:s0] =	ssyncadd.s32 $0xFFFF5000  }
0x10: {  	_ =	swait.ge [sflag:s2], $0xB000  }
0x11: {  	s3 =	rddreg [dreg:$0x7]  }
0x12: {  	s31 =	rddreg [dreg:$0x6];
	s3 =	sadd.s32 $0x1, s3  }
0x13: {  	p0 =	sne.s32 s3, s31  }
.Ltmp1:
0x14: {  	_ = 	snop;
	(pc) =	sbr.rel @!p0 .LBB2_17-.Ltmp1, $3  }
0x15: {  	_ =	sdelay $0x1  }
0x16: {  	[sflag:s2] =	ssyncset.done $0x0  }
0x17: {  	[sflag:s2] =	ssyncadd.s32 $0xFFFF5000  }
.LBB2_1:
0x18: {  	[dreg:$0x7] =	wrdreg s3  }
0x19: {  	s0 =	rddreg [dreg:$0x4]  }
0x1a: {  	[tilespmem:s12], [sflag:$0x1] =	stream.linear.gather [hbm4b:s0+s5], $0x1000, $0x38;
	[tilespmem:$0x18580] =	vst v63  }
0x1b: {  	s29 =	rddreg [dreg:$0x5]  }
0x1c: {  	[tilespmem:s13], [sflag:$0x2] =	stream.linear.gather [hbm4b:s29+s5], $0x1000, $0x38;
	[tilespmem:$0x18580] =	vst v63  }
0x1d: {  	s30 =	rddreg [dreg:$0x1];
	s31 =	simm.s32 $0x5  }
0x1e: {  	[tilespmem:s5], [sflag:$0x5] =	stream.linear.gather [hbm4b:s30+s5], $0x580, $0x38;
	[tilespmem:$0x18580] =	vst v63  }
0x1f: {  	_ =	swait.ge [sflag:s31], $0x580  }
0x20: {  	[sflag:s31] =	ssyncset.done $0x0  }
0x21: {  	s22 =	simm.s32 $0x0;
	[sflag:s31] =	ssyncadd.s32 $0xFFFFFA80  }
.LBB2_2:
0x22: {  	_ =	swait.ge [sflag:s15], $0x1000  }
0x23: {  	p0 =	seq.s32 s22, $0x0;
	[sflag:s15] =	ssyncset.done $0x0  }
0x24: {  	s0 =	simm.s32 @!p0 $0x3;
	[sflag:s15] =	ssyncadd.s32 $0xFFFFF000  }
0x25: {  	_ =	swait.ge @!p0 [sflag:s0], $0xB000  }
0x26: {  	[sflag:s0] =	ssyncset.done @!p0 $0x0  }
0x27: {  	[sflag:s0] =	ssyncadd.s32 @!p0 $0xFFFF5000  }
0x28: {  	v0 =	vld [tilespmem:$0x0]  }
0x29: {  	v1 =	vld [tilespmem:$0x10]  }
0x2a: {  	v2 =	vld [tilespmem:$0x20]  }
0x2b: {  	v3 =	vld [tilespmem:$0x30]  }
0x2c: {  	v4 =	vld [tilespmem:$0x40]  }
0x2d: {  	v5 =	vld [tilespmem:$0x50]  }
0x2e: {  	v7 =	vld [tilespmem:$0x60]  }
0x2f: {  	v8 =	vld [tilespmem:$0x70]  }
0x30: {  	v31 =	vld [tilespmem:$0x80]  }
0x31: {  	v33 =	vld [tilespmem:$0x90]  }
0x32: {  	v34 =	vld [tilespmem:$0xA0]  }
0x33: {  	v11 =	vld [tilespmem:$0xB0]  }
0x34: {  	v12 =	vld [tilespmem:$0xC0]  }
0x35: {  	v13 =	vld [tilespmem:$0xD0]  }
0x36: {  	v14 =	vld [tilespmem:$0xE0]  }
0x37: {  	v15 =	vld [tilespmem:$0xF0]  }
0x38: {  	v16 =	vld [tilespmem:$0x100]  }
0x39: {  	v17 =	vld [tilespmem:$0x110]  }
0x3a: {  	v18 =	vld [tilespmem:$0x120]  }
0x3b: {  	v19 =	vld [tilespmem:$0x130]  }
0x3c: {  	v21 =	vld [tilespmem:$0x140]  }
0x3d: {  	v22 =	vld [tilespmem:$0x150]  }
0x3e: {  	v23 =	vld [tilespmem:$0x160]  }
0x3f: {  	v25 =	vld [tilespmem:$0x170]  }
0x40: {  	v26 =	vld [tilespmem:$0x180]  }
0x41: {  	v28 =	vld [tilespmem:$0x190]  }
0x42: {  	v29 =	vld [tilespmem:$0x1A0]  }
0x43: {  	s6 =	simm.s32 $0x0;
	v6 =	vld.idx.msk [tilespmem:v0+s12+$0x0], $0xffff  }
0x44: {  	s0 =	smul.u32 $0xB000, s6;
	v30 =	vld [tilespmem:$0x1B0]  }
0x45: {  	s31 =	simm.s32 $0x0;
	v27 =	vld [tilespmem:$0x1C0]  }
0x46: {  	s2 =	sand.u32 $0x380, s31;
	v32 =	vld [tilespmem:$0x1D0];
	s0 =	sshra.s32 s0, $0x2  }
0x47: {  	v24 =	vld [tilespmem:$0x1E0];
	s14 =	sor.u32 s2, s0  }
0x48: {  	v20 =	vld [tilespmem:$0x1F0];
	[tilespmem:s14+$0x2580] =	vst v6  }
0x49: {  	v6 =	vld.idx.msk [tilespmem:v1+s12+$0x0], $0xffff;
	_ =	sdelay $0x4  }
0x4a: {  	[tilespmem:s14+$0x2590] =	vst v6  }
0x4b: {  	v6 =	vld.idx.msk [tilespmem:v2+s12+$0x0], $0xffff;
	_ =	sdelay $0x4  }
0x4c: {  	v10 =	vadd.s32 $0x80, v0;
	[tilespmem:s14+$0x25A0] =	vst v6  }
0x4d: {  	v0 =	vadd.s32 s31, v10;
	v6 =	vld.idx.msk [tilespmem:v3+s12+$0x0], $0xffff;
	_ =	sdelay $0x4  }
0x4e: {  	s8 =	simm.s32 $0x0;
	v9 =	vadd.s32 $0x80, v1;
	v0 =	vld.idx.msk [tilespmem:v0+s12+$0x0], $0xffff;
	[tilespmem:s14+$0x25B0] =	vst v6  }
0x4f: {  	s0 =	smul.u32 $0xB000, s8;
	v1 =	vadd.s32 s31, v9;
	v6 =	vld.idx.msk [tilespmem:v4+s12+$0x0], $0xffff  }
0x50: {  	s25 =	simm.s32 $0x80  }
0x51: {  	s11 =	sand.u32 $0x380, s25;
	s0 =	sshra.s32 s0, $0x2  }
0x52: {  	s30 =	sor.u32 s11, s0  }
0x53: {  	[tilespmem:s30+$0x2580] =	vst v0  }
0x54: {  	v0 =	vld.idx.msk [tilespmem:v1+s12+$0x0], $0xffff;
	[tilespmem:s14+$0x25C0] =	vst v6;
	v6 =	vadd.s32 $0x80, v2  }
0x55: {  	v35 =	vld.idx.msk [tilespmem:v5+s12+$0x0], $0xffff;
	v1 =	vadd.s32 s31, v6;
	_ =	sdelay $0x3  }
0x56: {  	[tilespmem:s30+$0x2590] =	vst v0  }
0x57: {  	v3 =	vadd.s32 $0x80, v3;
	[tilespmem:s14+$0x25D0] =	vst v35;
	v0 =	vld.idx.msk [tilespmem:v1+s12+$0x0], $0xffff  }
0x58: {  	v51 =	vadd.s32 s31, v3;
	v2 =	vld.idx.msk [tilespmem:v7+s12+$0x0], $0xffff;
	_ =	sdelay $0x3  }
0x59: {  	[tilespmem:s30+$0x25A0] =	vst v0  }
0x5a: {  	v1 =	vadd.s32 $0x80, v4;
	[tilespmem:s14+$0x25E0] =	vst v2;
	v0 =	vld.idx.msk [tilespmem:v51+s12+$0x0], $0xffff  }
0x5b: {  	v4 =	vadd.s32 s31, v1;
	v2 =	vld.idx.msk [tilespmem:v8+s12+$0x0], $0xffff;
	_ =	sdelay $0x1  }
0x5c: {  	v52 =	vadd.s32 s25, v10;
	_ =	sdelay $0x1  }
0x5d: {  	[tilespmem:s30+$0x25B0] =	vst v0  }
0x5e: {  	v0 =	vadd.s32 $0x80, v5;
	[tilespmem:s14+$0x25F0] =	vst v2;
	v4 =	vld.idx.msk [tilespmem:v4+s12+$0x0], $0xffff  }
0x5f: {  	v5 =	vadd.s32 s31, v0;
	v2 =	vld.idx.msk [tilespmem:v31+s12+$0x0], $0xffff  }
0x60: {  	s16 =	simm.s32 $0x0;
	v35 =	vld.idx.msk [tilespmem:v52+s12+$0x0], $0xffff  }
0x61: {  	s0 =	smul.u32 $0xB000, s16;
	v37 =	vadd.s32 s25, v9  }
0x62: {  	s28 =	simm.s32 $0x100  }
0x63: {  	s18 =	sand.u32 $0x380, s28;
	s0 =	sshra.s32 s0, $0x2;
	[tilespmem:s30+$0x25C0] =	vst v4  }
0x64: {  	s26 =	sor.u32 s18, s0;
	[tilespmem:s14+$0x2980] =	vst v2;
	v2 =	vadd.s32 $0x80, v7;
	v4 =	vld.idx.msk [tilespmem:v5+s12+$0x0], $0xffff  }
0x65: {  	[tilespmem:s26+$0x2580] =	vst v35;
	v36 =	vld.idx.msk [tilespmem:v33+s12+$0x0], $0xffff;
	v5 =	vadd.s32 s31, v2  }
0x66: {  	v35 =	vld.idx.msk [tilespmem:v37+s12+$0x0], $0xffff  }
0x67: {  	v53 =	vadd.s32 s25, v6;
	_ =	sdelay $0x1  }
0x68: {  	[tilespmem:s30+$0x25D0] =	vst v4  }
0x69: {  	v4 =	vadd.s32 $0x80, v8;
	[tilespmem:s14+$0x2990] =	vst v36;
	v5 =	vld.idx.msk [tilespmem:v5+s12+$0x0], $0xffff  }
0x6a: {  	[tilespmem:s26+$0x2590] =	vst v35;
	v8 =	vadd.s32 s31, v4;
	v7 =	vld.idx.msk [tilespmem:v34+s12+$0x0], $0xffff  }
0x6b: {  	v35 =	vld.idx.msk [tilespmem:v53+s12+$0x0], $0xffff  }
0x6c: {  	v54 =	vadd.s32 s25, v3;
	_ =	sdelay $0x1  }
0x6d: {  	[tilespmem:s30+$0x25E0] =	vst v5  }
0x6e: {  	v5 =	vadd.s32 $0x80, v31;
	[tilespmem:s14+$0x29A0] =	vst v7;
	v8 =	vld.idx.msk [tilespmem:v8+s12+$0x0], $0xffff  }
0x6f: {  	[tilespmem:s26+$0x25A0] =	vst v35;
	v31 =	vadd.s32 s31, v5;
	v7 =	vld.idx.msk [tilespmem:v11+s12+$0x0], $0xffff  }
0x70: {  	v36 =	vld.idx.msk [tilespmem:v54+s12+$0x0], $0xffff  }
0x71: {  	v56 =	vadd.s32 s25, v1;
	_ =	sdelay $0x1  }
0x72: {  	[tilespmem:s30+$0x25F0] =	vst v8  }
0x73: {  	[tilespmem:s14+$0x29B0] =	vst v7;
	v7 =	vadd.s32 $0x80, v33;
	v8 =	vld.idx.msk [tilespmem:v31+s12+$0x0], $0xffff  }
0x74: {  	[tilespmem:s26+$0x25B0] =	vst v36;
	v55 =	vld.idx.msk [tilespmem:v12+s12+$0x0], $0xffff;
	v31 =	vadd.s32 s31, v7  }
0x75: {  	v36 =	vld.idx.msk [tilespmem:v56+s12+$0x0], $0xffff  }
0x76: {  	v58 =	vadd.s32 s25, v0;
	_ =	sdelay $0x1  }
0x77: {  	[tilespmem:s30+$0x2980] =	vst v8  }
0x78: {  	v57 =	vadd.s32 s28, v10;
	v8 =	vadd.s32 $0x80, v34;
	[tilespmem:s14+$0x29C0] =	vst v55;
	v31 =	vld.idx.msk [tilespmem:v31+s12+$0x0], $0xffff  }
0x79: {  	[tilespmem:s26+$0x25C0] =	vst v36;
	v34 =	vadd.s32 s31, v8;
	v35 =	vld.idx.msk [tilespmem:v13+s12+$0x0], $0xffff  }
0x7a: {  	v37 =	vld.idx.msk [tilespmem:v58+s12+$0x0], $0xffff  }
0x7b: {  	v38 =	vadd.s32 s25, v2;
	_ =	sdelay $0x1  }
0x7c: {  	s19 =	simm.s32 $0x0;
	v33 =	vld.idx.msk [tilespmem:v57+s12+$0x0], $0xffff;
	[tilespmem:s30+$0x2990] =	vst v31  }
0x7d: {  	s20 =	smul.u32 $0xB000, s19;
	v59 =	vadd.s32 s28, v9;
	v11 =	vadd.s32 $0x80, v11;
	[tilespmem:s14+$0x29D0] =	vst v35;
	v31 =	vld.idx.msk [tilespmem:v34+s12+$0x0], $0xffff  }
0x7e: {  	s0 =	simm.s32 $0x180;
	v61 =	vadd.s32 s31, v11;
	[tilespmem:s26+$0x25D0] =	vst v37;
	v60 =	vld.idx.msk [tilespmem:v14+s12+$0x0], $0xffff  }
0x7f: {  	s2 =	sshra.s32 s20, $0x2;
	s3 =	sand.u32 $0x380, s0;
	v37 =	vld.idx.msk [tilespmem:v38+s12+$0x0], $0xffff  }
0x80: {  	s29 =	sor.u32 s3, s2;
	v63 =	vadd.s32 s25, v4  }
0x81: {  	[tilespmem:s29+$0x2580] =	vst v33  }
0x82: {  	v33 =	vld.idx.msk [tilespmem:v59+s12+$0x0], $0xffff;
	[tilespmem:s30+$0x29A0] =	vst v31  }
0x83: {  	v62 =	vadd.s32 s28, v6;
	v12 =	vadd.s32 $0x80, v12;
	[tilespmem:s14+$0x29E0] =	vst v60;
	v31 =	vld.idx.msk [tilespmem:v61+s12+$0x0], $0xffff  }
0x84: {  	v40 =	vadd.s32 s31, v12;
	[tilespmem:s26+$0x25E0] =	vst v37;
	v36 =	vld.idx.msk [tilespmem:v15+s12+$0x0], $0xffff  }
0x85: {  	v37 =	vld.idx.msk [tilespmem:v63+s12+$0x0], $0xffff  }
0x86: {  	v42 =	vadd.s32 s25, v5  }
0x87: {  	[tilespmem:s29+$0x2590] =	vst v33  }
0x88: {  	v33 =	vld.idx.msk [tilespmem:v62+s12+$0x0], $0xffff;
	[tilespmem:s30+$0x29B0] =	vst v31  }
0x89: {  	v41 =	vadd.s32 s28, v3;
	[tilespmem:s14+$0x29F0] =	vst v36;
	v31 =	vld.idx.msk [tilespmem:v40+s12+$0x0], $0xffff  }
0x8a: {  	[tilespmem:s26+$0x25F0] =	vst v37;
	v36 =	vld.idx.msk [tilespmem:v16+s12+$0x0], $0xffff  }
0x8b: {  	v37 =	vld.idx.msk [tilespmem:v42+s12+$0x0], $0xffff  }
0x8c: {  	v45 =	vadd.s32 s25, v7;
	v13 =	vadd.s32 $0x80, v13  }
0x8d: {  	v43 =	vadd.s32 s31, v13;
	[tilespmem:s29+$0x25A0] =	vst v33  }
0x8e: {  	v33 =	vld.idx.msk [tilespmem:v41+s12+$0x0], $0xffff;
	[tilespmem:s30+$0x29C0] =	vst v31;
	v31 =	vadd.s32 s0, v10  }
0x8f: {  	v44 =	vadd.s32 s28, v1;
	[tilespmem:s14+$0x2D80] =	vst v36  }
0x90: {  	[tilespmem:s26+$0x2980] =	vst v37;
	v36 =	vld.idx.msk [tilespmem:v17+s12+$0x0], $0xffff  }
0x91: {  	v38 =	vld.idx.msk [tilespmem:v45+s12+$0x0], $0xffff  }
0x92: {  	v46 =	vld.idx.msk [tilespmem:v43+s12+$0x0], $0xffff  }
0x93: {  	s21 =	simm.s32 $0x0;
	v39 =	vadd.s32 s25, v8;
	v14 =	vadd.s32 $0x80, v14;
	[tilespmem:s29+$0x25B0] =	vst v33;
	v31 =	vld.idx.msk [tilespmem:v31+s12+$0x0], $0xffff  }
0x94: {  	s2 =	smul.u32 $0xB000, s21;
	v48 =	vadd.s32 s31, v14;
	v47 =	vld.idx.msk [tilespmem:v44+s12+$0x0], $0xffff  }
0x95: {  	s3 =	simm.s32 $0x200;
	v49 =	vadd.s32 s28, v0;
	[tilespmem:s14+$0x2D90] =	vst v36  }
0x96: {  	s6 =	sand.u32 $0x380, s3;
	s2 =	sshra.s32 s2, $0x2;
	[tilespmem:s26+$0x2990] =	vst v38;
	v50 =	vld.idx.msk [tilespmem:v18+s12+$0x0], $0xffff  }
0x97: {  	s2 =	sor.u32 s6, s2;
	[tilespmem:s30+$0x29D0] =	vst v46  }
0x98: {  	v51 =	vadd.s32 s0, v9;
	[tilespmem:s2+$0x2580] =	vst v31;
	v31 =	vld.idx.msk [tilespmem:v39+s12+$0x0], $0xffff  }
0x99: {  	v57 =	vadd.s32 s25, v11;
	v15 =	vadd.s32 $0x80, v15;
	[tilespmem:s29+$0x25C0] =	vst v47;
	v52 =	vld.idx.msk [tilespmem:v48+s12+$0x0], $0xffff  }
0x9a: {  	v54 =	vadd.s32 s31, v15;
	v53 =	vld.idx.msk [tilespmem:v49+s12+$0x0], $0xffff  }
0x9b: {  	v55 =	vadd.s32 s28, v2;
	[tilespmem:s14+$0x2DA0] =	vst v50  }
0x9c: {  	v56 =	vld.idx.msk [tilespmem:v19+s12+$0x0], $0xffff  }
0x9d: {  	v33 =	vld.idx.msk [tilespmem:v51+s12+$0x0], $0xffff;
	[tilespmem:s26+$0x29A0] =	vst v31  }
0x9e: {  	v58 =	vadd.s32 s0, v6;
	[tilespmem:s30+$0x29E0] =	vst v52;
	v63 =	vld.idx.msk [tilespmem:v57+s12+$0x0], $0xffff  }
0x9f: {  	v42 =	vadd.s32 s25, v12;
	v16 =	vadd.s32 $0x80, v16;
	[tilespmem:s29+$0x25D0] =	vst v53;
	v59 =	vld.idx.msk [tilespmem:v54+s12+$0x0], $0xffff  }
0xa0: {  	v61 =	vadd.s32 s31, v16;
	v60 =	vld.idx.msk [tilespmem:v55+s12+$0x0], $0xffff  }
0xa1: {  	v62 =	vadd.s32 s28, v4;
	[tilespmem:s14+$0x2DB0] =	vst v56  }
0xa2: {  	v40 =	vadd.s32 s3, v10;
	[tilespmem:s2+$0x2590] =	vst v33;
	v31 =	vld.idx.msk [tilespmem:v21+s12+$0x0], $0xffff  }
0xa3: {  	v34 =	vld.idx.msk [tilespmem:v58+s12+$0x0], $0xffff;
	[tilespmem:s26+$0x29B0] =	vst v63  }
0xa4: {  	v43 =	vadd.s32 s0, v3;
	[tilespmem:s30+$0x29F0] =	vst v59;
	v48 =	vld.idx.msk [tilespmem:v42+s12+$0x0], $0xffff  }
0xa5: {  	v49 =	vadd.s32 s25, v13;
	v17 =	vadd.s32 $0x80, v17;
	[tilespmem:s29+$0x25E0] =	vst v60;
	v44 =	vld.idx.msk [tilespmem:v61+s12+$0x0], $0xffff  }
0xa6: {  	v46 =	vadd.s32 s31, v17;
	v45 =	vld.idx.msk [tilespmem:v62+s12+$0x0], $0xffff  }
0xa7: {  	s23 =	simm.s32 $0x0;
	v40 =	vld.idx.msk [tilespmem:v40+s12+$0x0], $0xffff;
	[tilespmem:s14+$0x2DC0] =	vst v31;
	v31 =	vadd.s32 s28, v5  }
0xa8: {  	s6 =	smul.u32 $0xB000, s23;
	v41 =	vadd.s32 s3, v9;
	[tilespmem:s2+$0x25A0] =	vst v34;
	v47 =	vld.idx.msk [tilespmem:v22+s12+$0x0], $0xffff  }
0xa9: {  	s11 =	simm.s32 $0x280;
	v35 =	vld.idx.msk [tilespmem:v43+s12+$0x0], $0xffff;
	[tilespmem:s26+$0x29C0] =	vst v48  }
0xaa: {  	s8 =	sand.u32 $0x380, s11;
	s6 =	sshra.s32 s6, $0x2;
	v50 =	vadd.s32 s0, v1;
	[tilespmem:s30+$0x2D80] =	vst v44;
	v55 =	vld.idx.msk [tilespmem:v49+s12+$0x0], $0xffff  }
0xab: {  	s8 =	sor.u32 s8, s6;
	v18 =	vadd.s32 $0x80, v18;
	[tilespmem:s29+$0x25F0] =	vst v45;
	v56 =	vadd.s32 s25, v14;
	v51 =	vld.idx.msk [tilespmem:v46+s12+$0x0], $0xffff  }
0xac: {  	[tilespmem:s8+$0x2580] =	vst v40;
	v52 =	vadd.s32 s31, v18;
	v31 =	vld.idx.msk [tilespmem:v31+s12+$0x0], $0xffff  }
0xad: {  	v53 =	vadd.s32 s28, v7;
	v40 =	vld.idx.msk [tilespmem:v41+s12+$0x0], $0xffff;
	[tilespmem:s14+$0x2DD0] =	vst v47  }
0xae: {  	[tilespmem:s2+$0x25B0] =	vst v35;
	v47 =	vadd.s32 s3, v6;
	v54 =	vld.idx.msk [tilespmem:v23+s12+$0x0], $0xffff  }
0xaf: {  	v36 =	vld.idx.msk [tilespmem:v50+s12+$0x0], $0xffff;
	[tilespmem:s26+$0x29D0] =	vst v55  }
0xb0: {  	v57 =	vadd.s32 s0, v0;
	[tilespmem:s30+$0x2D90] =	vst v51;
	v61 =	vld.idx.msk [tilespmem:v56+s12+$0x0], $0xffff  }
0xb1: {  	v62 =	vadd.s32 s25, v15;
	v19 =	vadd.s32 $0x80, v19;
	[tilespmem:s29+$0x2980] =	vst v31;
	v31 =	vld.idx.msk [tilespmem:v52+s12+$0x0], $0xffff  }
0xb2: {  	[tilespmem:s8+$0x2590] =	vst v40;
	v58 =	vadd.s32 s31, v19;
	v33 =	vld.idx.msk [tilespmem:v53+s12+$0x0], $0xffff  }
0xb3: {  	v59 =	vadd.s32 s28, v8;
	v40 =	vld.idx.msk [tilespmem:v47+s12+$0x0], $0xffff;
	[tilespmem:s14+$0x2DE0] =	vst v54  }
0xb4: {  	v55 =	vadd.s32 s3, v3;
	[tilespmem:s2+$0x25C0] =	vst v36;
	v60 =	vld.idx.msk [tilespmem:v25+s12+$0x0], $0xffff  }
0xb5: {  	v37 =	vld.idx.msk [tilespmem:v57+s12+$0x0], $0xffff;
	[tilespmem:s26+$0x29E0] =	vst v61  }
0xb6: {  	v47 =	vadd.s32 s11, v10;
	[tilespmem:s30+$0x2DA0] =	vst v31;
	v48 =	vld.idx.msk [tilespmem:v62+s12+$0x0], $0xffff  }
0xb7: {  	v21 =	vadd.s32 $0x80, v21;
	v31 =	vadd.s32 s0, v2;
	[tilespmem:s29+$0x2990] =	vst v33;
	v63 =	vld.idx.msk [tilespmem:v58+s12+$0x0], $0xffff  }
0xb8: {  	v44 =	vadd.s32 s31, v21;
	[tilespmem:s8+$0x25A0] =	vst v40;
	v34 =	vld.idx.msk [tilespmem:v59+s12+$0x0], $0xffff  }
0xb9: {  	v45 =	vadd.s32 s28, v11;
	v40 =	vld.idx.msk [tilespmem:v55+s12+$0x0], $0xffff;
	[tilespmem:s14+$0x2DF0] =	vst v60  }
0xba: {  	v61 =	vadd.s32 s3, v1;
	v46 =	vld.idx.msk [tilespmem:v26+s12+$0x0], $0xffff  }
0xbb: {  	[tilespmem:s2+$0x25D0] =	vst v37;
	v38 =	vld.idx.msk [tilespmem:v47+s12+$0x0], $0xffff  }
0xbc: {  	v49 =	vadd.s32 s25, v16;
	v31 =	vld.idx.msk [tilespmem:v31+s12+$0x0], $0xffff;
	[tilespmem:s30+$0x2DB0] =	vst v63  }
0xbd: {  	v22 =	vadd.s32 $0x80, v22;
	v50 =	vadd.s32 s0, v4;
	[tilespmem:s29+$0x29A0] =	vst v34;
	v51 =	vld.idx.msk [tilespmem:v44+s12+$0x0], $0xffff  }
0xbe: {  	v52 =	vadd.s32 s31, v22;
	[tilespmem:s8+$0x25B0] =	vst v40;
	v35 =	vld.idx.msk [tilespmem:v45+s12+$0x0], $0xffff  }
0xbf: {  	v53 =	vadd.s32 s28, v12;
	v40 =	vld.idx.msk [tilespmem:v61+s12+$0x0], $0xffff;
	[tilespmem:s14+$0x3180] =	vst v46  }
0xc0: {  	v42 =	vadd.s32 s3, v0;
	[tilespmem:s26+$0x29F0] =	vst v48;
	v54 =	vld.idx.msk [tilespmem:v28+s12+$0x0], $0xffff  }
0xc1: {  	[tilespmem:s2+$0x25E0] =	vst v31;
	v31 =	vld.idx.msk [tilespmem:v49+s12+$0x0], $0xffff  }
0xc2: {  	v56 =	vadd.s32 s25, v17;
	v33 =	vld.idx.msk [tilespmem:v50+s12+$0x0], $0xffff;
	[tilespmem:s30+$0x2DC0] =	vst v51  }
0xc3: {  	v23 =	vadd.s32 $0x80, v23;
	v57 =	vadd.s32 s0, v5;
	[tilespmem:s29+$0x29B0] =	vst v35;
	v58 =	vld.idx.msk [tilespmem:v52+s12+$0x0], $0xffff  }
0xc4: {  	v59 =	vadd.s32 s31, v23;
	[tilespmem:s8+$0x25C0] =	vst v40;
	v36 =	vld.idx.msk [tilespmem:v53+s12+$0x0], $0xffff  }
0xc5: {  	s24 =	simm.s32 $0x0;
	v60 =	vadd.s32 s28, v13;
	v40 =	vld.idx.msk [tilespmem:v42+s12+$0x0], $0xffff;
	[tilespmem:s14+$0x3190] =	vst v54  }
0xc6: {  	s6 =	smul.u32 $0xB000, s24;
	[tilespmem:s26+$0x2D80] =	vst v31;
	v54 =	vadd.s32 s11, v9;
	v31 =	vld.idx.msk [tilespmem:v29+s12+$0x0], $0xffff  }
0xc7: {  	s19 =	simm.s32 $0x300;
	v43 =	vadd.s32 s3, v2;
	[tilespmem:s2+$0x25F0] =	vst v33;
	v62 =	vld.idx.msk [tilespmem:v56+s12+$0x0], $0xffff  }
0xc8: {  	s16 =	sand.u32 $0x380, s19;
	s6 =	sshra.s32 s6, $0x2;
	v34 =	vld.idx.msk [tilespmem:v57+s12+$0x0], $0xffff;
	[tilespmem:s30+$0x2DD0] =	vst v58  }
0xc9: {  	s6 =	sor.u32 s16, s6;
	v63 =	vadd.s32 s25, v18;
	[tilespmem:s29+$0x29C0] =	vst v36;
	v46 =	vld.idx.msk [tilespmem:v59+s12+$0x0], $0xffff  }
0xca: {  	v25 =	vadd.s32 $0x80, v25;
	[tilespmem:s6+$0x2580] =	vst v38;
	v45 =	vadd.s32 s0, v7;
	v37 =	vld.idx.msk [tilespmem:v60+s12+$0x0], $0xffff  }
0xcb: {  	v48 =	vadd.s32 s31, v25;
	[tilespmem:s8+$0x25D0] =	vst v40;
	v38 =	vld.idx.msk [tilespmem:v54+s12+$0x0], $0xffff  }
0xcc: {  	v40 =	vld.idx.msk [tilespmem:v43+s12+$0x0], $0xffff;
	[tilespmem:s14+$0x31A0] =	vst v31;
	v31 =	vadd.s32 s28, v14  }
0xcd: {  	v61 =	vadd.s32 s11, v6;
	[tilespmem:s26+$0x2D90] =	vst v62;
	v49 =	vld.idx.msk [tilespmem:v30+s12+$0x0], $0xffff  }
0xce: {  	[tilespmem:s2+$0x2980] =	vst v34;
	v50 =	vld.idx.msk [tilespmem:v63+s12+$0x0], $0xffff  }
0xcf: {  	v51 =	vadd.s32 s25, v19;
	v35 =	vld.idx.msk [tilespmem:v45+s12+$0x0], $0xffff;
	[tilespmem:s30+$0x2DE0] =	vst v46  }
0xd0: {  	v52 =	vadd.s32 s0, v8;
	[tilespmem:s29+$0x29D0] =	vst v37;
	v53 =	vld.idx.msk [tilespmem:v48+s12+$0x0], $0xffff  }
0xd1: {  	v26 =	vadd.s32 $0x80, v26;
	v46 =	vadd.s32 s3, v4;
	[tilespmem:s6+$0x2590] =	vst v38;
	v31 =	vld.idx.msk [tilespmem:v31+s12+$0x0], $0xffff  }
0xd2: {  	v55 =	vadd.s32 s31, v26;
	v38 =	vld.idx.msk [tilespmem:v61+s12+$0x0], $0xffff;
	[tilespmem:s14+$0x31B0] =	vst v49  }
0xd3: {  	v56 =	vadd.s32 s28, v15;
	[tilespmem:s26+$0x2DA0] =	vst v50;
	v57 =	vld.idx.msk [tilespmem:v27+s12+$0x0], $0xffff  }
0xd4: {  	v50 =	vadd.s32 s11, v3;
	[tilespmem:s2+$0x2990] =	vst v35;
	v58 =	vld.idx.msk [tilespmem:v51+s12+$0x0], $0xffff  }
0xd5: {  	[tilespmem:s8+$0x25E0] =	vst v40;
	v36 =	vld.idx.msk [tilespmem:v52+s12+$0x0], $0xffff  }
0xd6: {  	v59 =	vadd.s32 s25, v21;
	v40 =	vld.idx.msk [tilespmem:v46+s12+$0x0], $0xffff;
	[tilespmem:s30+$0x2DF0] =	vst v53  }
0xd7: {  	v60 =	vadd.s32 s0, v11;
	[tilespmem:s29+$0x29E0] =	vst v31;
	v31 =	vld.idx.msk [tilespmem:v55+s12+$0x0], $0xffff  }
0xd8: {  	v28 =	vadd.s32 $0x80, v28;
	v54 =	vadd.s32 s3, v5;
	[tilespmem:s6+$0x25A0] =	vst v38;
	v33 =	vld.idx.msk [tilespmem:v56+s12+$0x0], $0xffff  }
0xd9: {  	v62 =	vadd.s32 s31, v28;
	v38 =	vld.idx.msk [tilespmem:v50+s12+$0x0], $0xffff;
	[tilespmem:s14+$0x31C0] =	vst v57  }
0xda: {  	v63 =	vadd.s32 s28, v16;
	[tilespmem:s26+$0x2DB0] =	vst v58;
	v45 =	vld.idx.msk [tilespmem:v32+s12+$0x0], $0xffff  }
0xdb: {  	[tilespmem:s2+$0x29A0] =	vst v36;
	v47 =	vld.idx.msk [tilespmem:v59+s12+$0x0], $0xffff  }
0xdc: {  	v48 =	vadd.s32 s25, v22;
	[tilespmem:s8+$0x25F0] =	vst v40;
	v37 =	vld.idx.msk [tilespmem:v60+s12+$0x0], $0xffff  }
0xdd: {  	v43 =	vld.idx.msk [tilespmem:v54+s12+$0x0], $0xffff;
	[tilespmem:s30+$0x3180] =	vst v31;
	v31 =	vadd.s32 s0, v12  }
0xde: {  	v29 =	vadd.s32 $0x80, v29;
	v59 =	vadd.s32 s11, v1;
	[tilespmem:s29+$0x29F0] =	vst v33;
	v49 =	vld.idx.msk [tilespmem:v62+s12+$0x0], $0xffff  }
0xdf: {  	v51 =	vadd.s32 s31, v29;
	v34 =	vld.idx.msk [tilespmem:v63+s12+$0x0], $0xffff;
	[tilespmem:s14+$0x31D0] =	vst v45  }
0xe0: {  	v52 =	vadd.s32 s28, v17;
	[tilespmem:s26+$0x2DC0] =	vst v47;
	v53 =	vld.idx.msk [tilespmem:v24+s12+$0x0], $0xffff  }
0xe1: {  	[tilespmem:s2+$0x29B0] =	vst v37;
	v55 =	vld.idx.msk [tilespmem:v48+s12+$0x0], $0xffff  }
0xe2: {  	v56 =	vadd.s32 s25, v23;
	[tilespmem:s6+$0x25B0] =	vst v38;
	v31 =	vld.idx.msk [tilespmem:v31+s12+$0x0], $0xffff  }
0xe3: {  	v57 =	vadd.s32 s0, v13;
	v35 =	vld.idx.msk [tilespmem:v59+s12+$0x0], $0xffff;
	[tilespmem:s30+$0x3190] =	vst v49  }
0xe4: {  	v30 =	vadd.s32 $0x80, v30;
	v63 =	vadd.s32 s19, v10;
	[tilespmem:s29+$0x2D80] =	vst v34;
	v58 =	vld.idx.msk [tilespmem:v51+s12+$0x0], $0xffff  }
0xe5: {  	v61 =	vadd.s32 s31, v30;
	v60 =	vld.idx.msk [tilespmem:v52+s12+$0x0], $0xffff;
	[tilespmem:s14+$0x31E0] =	vst v53  }
0xe6: {  	v62 =	vadd.s32 s28, v18;
	[tilespmem:s26+$0x2DD0] =	vst v55;
	v44 =	vld.idx.msk [tilespmem:v20+s12+$0x0], $0xffff  }
0xe7: {  	v45 =	vadd.s32 s3, v7;
	[tilespmem:s2+$0x29C0] =	vst v31;
	v46 =	vld.idx.msk [tilespmem:v56+s12+$0x0], $0xffff  }
0xe8: {  	v42 =	vadd.s32 s25, v25;
	[tilespmem:s8+$0x2980] =	vst v43;
	v37 =	vld.idx.msk [tilespmem:v57+s12+$0x0], $0xffff  }
0xe9: {  	v40 =	vadd.s32 s0, v14;
	v36 =	vld.idx.msk [tilespmem:v63+s12+$0x0], $0xffff;
	[tilespmem:s30+$0x31A0] =	vst v58  }
0xea: {  	v41 =	vadd.s32 s11, v0;
	v31 =	vadd.s32 $0x80, v27;
	[tilespmem:s29+$0x2D90] =	vst v60;
	v33 =	vld.idx.msk [tilespmem:v61+s12+$0x0], $0xffff  }
0xeb: {  	s20 =	simm.s32 $0x8;
	s23 =	sshll.u32 s22, $0x1;
	v39 =	vadd.s32 s28, v19;
	v38 =	vadd.s32 s31, v31;
	v34 =	vld.idx.msk [tilespmem:v62+s12+$0x0], $0xffff;
	[tilespmem:s14+$0x31F0] =	vst v44  }
0xec: {  	s21 =	simm.s32 $0x7;
	s24 =	sadd.s32 s7, s23;
	v24 =	vadd.s32 $0x80, v24;
	v27 =	vadd.s32 $0x80, v32;
	v32 =	vld.idx.msk [tilespmem:v45+s12+$0x0], $0xffff;
	v20 =	vadd.s32 $0x80, v20;
	[tilespmem:s26+$0x2DE0] =	vst v46;
	s14 =	simm.s32 $0x300  }
.LBB2_3:
0xed: {  	p1 =	sne.s32 s20, $0x1F;
	s21 =	sshrl.u32 s21, $0x3;
	v43 =	vadd.s32 s3, v8;
	[tilespmem:s2+$0x29D0] =	vst v37;
	v37 =	vld.idx.msk [tilespmem:v42+s12+$0x0], $0xffff;
	s16 =	smov.u32 s6  }
0xee: {  	v42 =	vadd.s32 s19, v9;
	s6 =	smul.u32 $0xB000, s21;
	[tilespmem:s16+$0x25C0] =	vst v35;
	v35 =	vld.idx.msk [tilespmem:v40+s12+$0x0], $0xffff;
	s21 =	smov.u32 s20  }
0xef: {  	s19 =	sadd.s32 $0x80, s19;
	v40 =	vld.idx.msk [tilespmem:v41+s12+$0x0], $0xffff;
	v41 =	vadd.s32 s25, v26;
	[tilespmem:s30+$0x31B0] =	vst v33  }
0xf0: {  	s18 =	sand.u32 $0x380, s19;
	v33 =	vadd.s32 s0, v15;
	s6 =	sshra.s32 s6, $0x2;
	[tilespmem:s29+$0x2DA0] =	vst v34;
	v34 =	vld.idx.msk [tilespmem:v38+s12+$0x0], $0xffff  }
0xf1: {  	v38 =	vadd.s32 s11, v2;
	s6 =	sor.u32 s18, s6;
	[tilespmem:s8+$0x2990] =	vst v32;
	v32 =	vld.idx.msk [tilespmem:v39+s12+$0x0], $0xffff  }
0xf2: {  	v39 =	vadd.s32 s31, v27;
	[tilespmem:s6+$0x2580] =	vst v36;
	v36 =	vld.idx.msk [tilespmem:v43+s12+$0x0], $0xffff  }
0xf3: {  	v43 =	vadd.s32 s28, v21;
	v42 =	vld.idx.msk [tilespmem:v42+s12+$0x0], $0xffff;
	[tilespmem:s26+$0x2DF0] =	vst v37  }
0xf4: {  	v37 =	vadd.s32 s3, v11;
	[tilespmem:s2+$0x29E0] =	vst v35;
	v35 =	vld.idx.msk [tilespmem:v41+s12+$0x0], $0xffff  }
0xf5: {  	v41 =	vadd.s32 s14, v6;
	[tilespmem:s16+$0x25D0] =	vst v40;
	v33 =	vld.idx.msk [tilespmem:v33+s12+$0x0], $0xffff  }
0xf6: {  	v40 =	vadd.s32 s25, v28;
	v38 =	vld.idx.msk [tilespmem:v38+s12+$0x0], $0xffff;
	[tilespmem:s30+$0x31C0] =	vst v34  }
0xf7: {  	v34 =	vadd.s32 s0, v16;
	[tilespmem:s29+$0x2DB0] =	vst v32;
	v32 =	vld.idx.msk [tilespmem:v39+s12+$0x0], $0xffff  }
0xf8: {  	v39 =	vadd.s32 s11, v4;
	[tilespmem:s8+$0x29A0] =	vst v36;
	v36 =	vld.idx.msk [tilespmem:v43+s12+$0x0], $0xffff  }
0xf9: {  	[tilespmem:s6+$0x2590] =	vst v42;
	v37 =	vld.idx.msk [tilespmem:v37+s12+$0x0], $0xffff;
	v42 =	vadd.s32 s31, v24  }
0xfa: {  	v43 =	vadd.s32 s28, v22;
	v41 =	vld.idx.msk [tilespmem:v41+s12+$0x0], $0xffff;
	[tilespmem:s26+$0x3180] =	vst v35  }
0xfb: {  	v35 =	vadd.s32 s3, v12;
	[tilespmem:s2+$0x29F0] =	vst v33;
	v33 =	vld.idx.msk [tilespmem:v40+s12+$0x0], $0xffff  }
0xfc: {  	v40 =	vadd.s32 s14, v3;
	[tilespmem:s16+$0x25E0] =	vst v38;
	v34 =	vld.idx.msk [tilespmem:v34+s12+$0x0], $0xffff  }
0xfd: {  	v38 =	vld.idx.msk [tilespmem:v39+s12+$0x0], $0xffff;
	v39 =	vadd.s32 s25, v29;
	[tilespmem:s30+$0x31D0] =	vst v32  }
0xfe: {  	v32 =	vadd.s32 s0, v17;
	[tilespmem:s29+$0x2DC0] =	vst v36;
	v36 =	vld.idx.msk [tilespmem:v42+s12+$0x0], $0xffff  }
0xff: {  	v42 =	vadd.s32 s11, v5;
	[tilespmem:s8+$0x29B0] =	vst v37;
	v37 =	vld.idx.msk [tilespmem:v43+s12+$0x0], $0xffff  }
0x100: {  	[tilespmem:s6+$0x25A0] =	vst v41;
	v35 =	vld.idx.msk [tilespmem:v35+s12+$0x0], $0xffff;
	v41 =	vadd.s32 s31, v20;
	s31 =	smov.u32 s25;
	s25 =	smov.u32 s28;
	s28 =	smov.u32 s0  }
0x101: {  	s0 =	smov.u32 s3;
	s3 =	smov.u32 s11;
	s11 =	smov.u32 s14;
	v40 =	vld.idx.msk [tilespmem:v40+s12+$0x0], $0xffff;
	v43 =	vadd.s32 s25, v23;
	[tilespmem:s26+$0x3190] =	vst v33  }
0x102: {  	s14 =	smov.u32 s19;
	v33 =	vadd.s32 s0, v13;
	[tilespmem:s2+$0x2D80] =	vst v34;
	v34 =	vld.idx.msk [tilespmem:v39+s12+$0x0], $0xffff  }
0x103: {  	v39 =	vadd.s32 s11, v1;
	[tilespmem:s16+$0x25F0] =	vst v38;
	v32 =	vld.idx.msk [tilespmem:v32+s12+$0x0], $0xffff  }
0x104: {  	v44 =	vadd.s32 s31, v30;
	v38 =	vld.idx.msk [tilespmem:v42+s12+$0x0], $0xffff;
	[tilespmem:s30+$0x31E0] =	vst v36  }
0x105: {  	v36 =	vadd.s32 s28, v18;
	[tilespmem:s29+$0x2DD0] =	vst v37;
	v45 =	vld.idx.msk [tilespmem:v41+s12+$0x0], $0xffff  }
0x106: {  	v46 =	vadd.s32 s3, v7;
	[tilespmem:s8+$0x29C0] =	vst v35;
	v43 =	vld.idx.msk [tilespmem:v43+s12+$0x0], $0xffff  }
0x107: {  	v47 =	vadd.s32 s19, v10;
	[tilespmem:s6+$0x25B0] =	vst v40;
	v37 =	vld.idx.msk [tilespmem:v33+s12+$0x0], $0xffff  }
.Ltmp2:
0x108: {  	v42 =	vadd.s32 s25, v25;
	v35 =	vld.idx.msk [tilespmem:v39+s12+$0x0], $0xffff;
	[tilespmem:s26+$0x31A0] =	vst v34;
	(pc) =	sbr.rel @p1 .LBB2_3-.Ltmp2, $4  }
0x109: {  	v40 =	vadd.s32 s0, v14;
	[tilespmem:s2+$0x2D90] =	vst v32;
	v33 =	vld.idx.msk [tilespmem:v44+s12+$0x0], $0xffff  }
0x10a: {  	v41 =	vadd.s32 s11, v0;
	[tilespmem:s16+$0x2980] =	vst v38;
	v34 =	vld.idx.msk [tilespmem:v36+s12+$0x0], $0xffff  }
0x10b: {  	v38 =	vadd.s32 s31, v31;
	v32 =	vld.idx.msk [tilespmem:v46+s12+$0x0], $0xffff;
	[tilespmem:s30+$0x31F0] =	vst v45;
	s30 =	smov.u32 s26;
	s26 =	smov.u32 s29;
	s29 =	smov.u32 s2  }
0x10c: {  	s20 =	sadd.s32 $0x1, s20;
	v39 =	vadd.s32 s28, v19;
	s2 =	smov.u32 s8;
	s8 =	smov.u32 s16;
	v36 =	vld.idx.msk [tilespmem:v47+s12+$0x0], $0xffff;
	[tilespmem:s26+$0x2DE0] =	vst v43  }
0x10d: {  	_ =	sdelay $0x3  }
0x10e: {  	s16 =	sshrl.u32 s21, $0x3;
	v10 =	vadd.s32 s3, v8;
	[tilespmem:s2+$0x29D0] =	vst v37;
	v62 =	vld.idx.msk [tilespmem:v42+s12+$0x0], $0xffff  }
0x10f: {  	v9 =	vadd.s32 s19, v9;
	[tilespmem:s6+$0x25C0] =	vst v35;
	s16 =	smul.u32 $0xB000, s16;
	v63 =	vld.idx.msk [tilespmem:v40+s12+$0x0], $0xffff  }
0x110: {  	s18 =	sadd.s32 $0x80, s19;
	v45 =	vadd.s32 s25, v26;
	v44 =	vld.idx.msk [tilespmem:v41+s12+$0x0], $0xffff;
	[tilespmem:s30+$0x31B0] =	vst v33  }
0x111: {  	v46 =	vadd.s32 s0, v15;
	s18 =	sand.u32 $0x380, s18;
	[tilespmem:s29+$0x2DA0] =	vst v34;
	v47 =	vld.idx.msk [tilespmem:v38+s12+$0x0], $0xffff;
	s16 =	sshra.s32 s16, $0x2  }
0x112: {  	v48 =	vadd.s32 s11, v2;
	[tilespmem:s8+$0x2990] =	vst v32;
	v49 =	vld.idx.msk [tilespmem:v39+s12+$0x0], $0xffff;
	s21 =	sor.u32 s18, s16  }
0x113: {  	v50 =	vadd.s32 s31, v27;
	[tilespmem:s21+$0x2580] =	vst v36;
	v10 =	vld.idx.msk [tilespmem:v10+s12+$0x0], $0xffff  }
0x114: {  	v51 =	vadd.s32 s28, v21;
	[tilespmem:s26+$0x2DF0] =	vst v62;
	v9 =	vld.idx.msk [tilespmem:v9+s12+$0x0], $0xffff  }
0x115: {  	v6 =	vadd.s32 s14, v6;
	[tilespmem:s2+$0x29E0] =	vst v63;
	v52 =	vld.idx.msk [tilespmem:v45+s12+$0x0], $0xffff  }
0x116: {  	v53 =	vadd.s32 s3, v11;
	[tilespmem:s6+$0x25D0] =	vst v44;
	v33 =	vld.idx.msk [tilespmem:v46+s12+$0x0], $0xffff  }
0x117: {  	v54 =	vadd.s32 s25, v28;
	v38 =	vld.idx.msk [tilespmem:v48+s12+$0x0], $0xffff;
	[tilespmem:s30+$0x31C0] =	vst v47  }
0x118: {  	v55 =	vadd.s32 s0, v16;
	[tilespmem:s29+$0x2DB0] =	vst v49;
	v56 =	vld.idx.msk [tilespmem:v50+s12+$0x0], $0xffff  }
0x119: {  	v57 =	vadd.s32 s11, v4;
	v39 =	vld.idx.msk [tilespmem:v51+s12+$0x0], $0xffff;
	[tilespmem:s21+$0x2590] =	vst v9  }
0x11a: {  	[tilespmem:s8+$0x29A0] =	vst v10;
	v9 =	vadd.s32 s31, v24;
	v6 =	vld.idx.msk [tilespmem:v6+s12+$0x0], $0xffff  }
0x11b: {  	v58 =	vadd.s32 s14, v3;
	v10 =	vld.idx.msk [tilespmem:v53+s12+$0x0], $0xffff;
	[tilespmem:s26+$0x3180] =	vst v52  }
0x11c: {  	[tilespmem:s2+$0x29F0] =	vst v33;
	v60 =	vld.idx.msk [tilespmem:v54+s12+$0x0], $0xffff  }
0x11d: {  	v59 =	vadd.s32 s28, v22;
	[tilespmem:s6+$0x25E0] =	vst v38;
	v34 =	vld.idx.msk [tilespmem:v55+s12+$0x0], $0xffff  }
0x11e: {  	v61 =	vadd.s32 s3, v12;
	v36 =	vld.idx.msk [tilespmem:v57+s12+$0x0], $0xffff;
	[tilespmem:s30+$0x31D0] =	vst v56  }
0x11f: {  	v62 =	vadd.s32 s25, v29;
	v3 =	vld.idx.msk [tilespmem:v9+s12+$0x0], $0xffff;
	[tilespmem:s21+$0x25A0] =	vst v6  }
0x120: {  	[tilespmem:s29+$0x2DC0] =	vst v39;
	v9 =	vld.idx.msk [tilespmem:v58+s12+$0x0], $0xffff  }
0x121: {  	[tilespmem:s8+$0x29B0] =	vst v10;
	v10 =	vadd.s32 s14, v1  }
0x122: {  	v6 =	vld.idx.msk [tilespmem:v59+s12+$0x0], $0xffff;
	[tilespmem:s26+$0x3190] =	vst v60  }
0x123: {  	v63 =	vld.idx.msk [tilespmem:v61+s12+$0x0], $0xffff;
	[tilespmem:s2+$0x2D80] =	vst v34  }
0x124: {  	v1 =	vld.idx.msk [tilespmem:v62+s12+$0x0], $0xffff;
	[tilespmem:s6+$0x25F0] =	vst v36  }
0x125: {  	[tilespmem:s21+$0x25B0] =	vst v9  }
0x126: {  	v9 =	vld.idx.msk [tilespmem:v10+s12+$0x0], $0xffff  }
0x127: {  	v0 =	vadd.s32 s14, v0;
	_ =	sdelay $0x3  }
0x128: {  	[tilespmem:s21+$0x25C0] =	vst v9  }
0x129: {  	v0 =	vld.idx.msk [tilespmem:v0+s12+$0x0], $0xffff  }
0x12a: {  	v2 =	vadd.s32 s14, v2;
	_ =	sdelay $0x3  }
0x12b: {  	[tilespmem:s21+$0x25D0] =	vst v0  }
0x12c: {  	v0 =	vld.idx.msk [tilespmem:v2+s12+$0x0], $0xffff  }
0x12d: {  	v2 =	vadd.s32 s14, v4;
	_ =	sdelay $0x3  }
0x12e: {  	[tilespmem:s21+$0x25E0] =	vst v0;
	v0 =	vadd.s32 s11, v5  }
0x12f: {  	v2 =	vld.idx.msk [tilespmem:v2+s12+$0x0], $0xffff  }
0x130: {  	v4 =	vadd.s32 s14, v5;
	_ =	sdelay $0x2  }
0x131: {  	v0 =	vld.idx.msk [tilespmem:v0+s12+$0x0], $0xffff  }
0x132: {  	[tilespmem:s21+$0x25F0] =	vst v2;
	v2 =	vadd.s32 s11, v7  }
0x133: {  	v4 =	vld.idx.msk [tilespmem:v4+s12+$0x0], $0xffff  }
0x134: {  	v5 =	vadd.s32 s14, v7;
	_ =	sdelay $0x1  }
0x135: {  	[tilespmem:s6+$0x2980] =	vst v0  }
0x136: {  	v0 =	vld.idx.msk [tilespmem:v2+s12+$0x0], $0xffff  }
0x137: {  	v2 =	vadd.s32 s11, v8;
	[tilespmem:s21+$0x2980] =	vst v4  }
0x138: {  	v4 =	vld.idx.msk [tilespmem:v5+s12+$0x0], $0xffff  }
0x139: {  	v5 =	vadd.s32 s14, v8;
	_ =	sdelay $0x1  }
0x13a: {  	[tilespmem:s6+$0x2990] =	vst v0  }
0x13b: {  	v0 =	vld.idx.msk [tilespmem:v2+s12+$0x0], $0xffff  }
0x13c: {  	v2 =	vadd.s32 s11, v11;
	[tilespmem:s21+$0x2990] =	vst v4  }
0x13d: {  	v4 =	vld.idx.msk [tilespmem:v5+s12+$0x0], $0xffff  }
0x13e: {  	v5 =	vadd.s32 s14, v11;
	_ =	sdelay $0x1  }
0x13f: {  	[tilespmem:s6+$0x29A0] =	vst v0  }
0x140: {  	v0 =	vld.idx.msk [tilespmem:v2+s12+$0x0], $0xffff  }
0x141: {  	v2 =	vadd.s32 s11, v12;
	[tilespmem:s21+$0x29A0] =	vst v4  }
0x142: {  	v4 =	vld.idx.msk [tilespmem:v5+s12+$0x0], $0xffff  }
0x143: {  	v5 =	vadd.s32 s14, v12;
	_ =	sdelay $0x1  }
0x144: {  	[tilespmem:s6+$0x29B0] =	vst v0  }
0x145: {  	v0 =	vadd.s32 s3, v13;
	v2 =	vld.idx.msk [tilespmem:v2+s12+$0x0], $0xffff  }
0x146: {  	[tilespmem:s21+$0x29B0] =	vst v4;
	v4 =	vadd.s32 s11, v13  }
0x147: {  	v5 =	vld.idx.msk [tilespmem:v5+s12+$0x0], $0xffff  }
0x148: {  	v7 =	vadd.s32 s14, v13  }
0x149: {  	[tilespmem:s8+$0x29C0] =	vst v63  }
0x14a: {  	v0 =	vld.idx.msk [tilespmem:v0+s12+$0x0], $0xffff;
	[tilespmem:s6+$0x29C0] =	vst v2  }
0x14b: {  	v2 =	vadd.s32 s3, v14;
	v4 =	vld.idx.msk [tilespmem:v4+s12+$0x0], $0xffff  }
0x14c: {  	[tilespmem:s21+$0x29C0] =	vst v5;
	v5 =	vadd.s32 s11, v14  }
0x14d: {  	v7 =	vld.idx.msk [tilespmem:v7+s12+$0x0], $0xffff  }
0x14e: {  	v8 =	vadd.s32 s14, v14  }
0x14f: {  	[tilespmem:s8+$0x29D0] =	vst v0  }
0x150: {  	v0 =	vld.idx.msk [tilespmem:v2+s12+$0x0], $0xffff;
	[tilespmem:s6+$0x29D0] =	vst v4  }
0x151: {  	v2 =	vadd.s32 s3, v15;
	v4 =	vld.idx.msk [tilespmem:v5+s12+$0x0], $0xffff  }
0x152: {  	v5 =	vadd.s32 s11, v15;
	[tilespmem:s21+$0x29D0] =	vst v7  }
0x153: {  	v7 =	vld.idx.msk [tilespmem:v8+s12+$0x0], $0xffff  }
0x154: {  	v8 =	vadd.s32 s14, v15  }
0x155: {  	[tilespmem:s8+$0x29E0] =	vst v0  }
0x156: {  	v0 =	vld.idx.msk [tilespmem:v2+s12+$0x0], $0xffff;
	[tilespmem:s6+$0x29E0] =	vst v4  }
0x157: {  	v2 =	vadd.s32 s3, v16;
	v4 =	vld.idx.msk [tilespmem:v5+s12+$0x0], $0xffff  }
0x158: {  	v5 =	vadd.s32 s11, v16;
	[tilespmem:s21+$0x29E0] =	vst v7  }
0x159: {  	v7 =	vld.idx.msk [tilespmem:v8+s12+$0x0], $0xffff  }
0x15a: {  	v8 =	vadd.s32 s14, v16  }
0x15b: {  	[tilespmem:s8+$0x29F0] =	vst v0;
	v0 =	vadd.s32 s0, v17  }
0x15c: {  	v2 =	vld.idx.msk [tilespmem:v2+s12+$0x0], $0xffff;
	[tilespmem:s6+$0x29F0] =	vst v4  }
0x15d: {  	v4 =	vadd.s32 s3, v17;
	v5 =	vld.idx.msk [tilespmem:v5+s12+$0x0], $0xffff  }
0x15e: {  	[tilespmem:s21+$0x29F0] =	vst v7;
	v7 =	vadd.s32 s11, v17  }
0x15f: {  	v8 =	vld.idx.msk [tilespmem:v8+s12+$0x0], $0xffff  }
0x160: {  	v9 =	vadd.s32 s14, v17;
	v0 =	vld.idx.msk [tilespmem:v0+s12+$0x0], $0xffff  }
0x161: {  	[tilespmem:s8+$0x2D80] =	vst v2;
	v2 =	vadd.s32 s0, v18  }
0x162: {  	v4 =	vld.idx.msk [tilespmem:v4+s12+$0x0], $0xffff;
	[tilespmem:s6+$0x2D80] =	vst v5  }
0x163: {  	v5 =	vadd.s32 s3, v18;
	v7 =	vld.idx.msk [tilespmem:v7+s12+$0x0], $0xffff  }
0x164: {  	[tilespmem:s21+$0x2D80] =	vst v8;
	v8 =	vadd.s32 s11, v18  }
0x165: {  	[tilespmem:s2+$0x2D90] =	vst v0;
	v9 =	vld.idx.msk [tilespmem:v9+s12+$0x0], $0xffff  }
0x166: {  	v10 =	vadd.s32 s14, v18;
	v0 =	vld.idx.msk [tilespmem:v2+s12+$0x0], $0xffff  }
0x167: {  	v2 =	vadd.s32 s0, v19;
	[tilespmem:s8+$0x2D90] =	vst v4  }
0x168: {  	v4 =	vld.idx.msk [tilespmem:v5+s12+$0x0], $0xffff;
	[tilespmem:s6+$0x2D90] =	vst v7  }
0x169: {  	v5 =	vadd.s32 s3, v19;
	v7 =	vld.idx.msk [tilespmem:v8+s12+$0x0], $0xffff  }
0x16a: {  	v8 =	vadd.s32 s11, v19;
	[tilespmem:s21+$0x2D90] =	vst v9  }
0x16b: {  	[tilespmem:s2+$0x2DA0] =	vst v0;
	v9 =	vld.idx.msk [tilespmem:v10+s12+$0x0], $0xffff  }
0x16c: {  	v10 =	vadd.s32 s14, v19;
	v0 =	vld.idx.msk [tilespmem:v2+s12+$0x0], $0xffff  }
0x16d: {  	v2 =	vadd.s32 s0, v21;
	[tilespmem:s8+$0x2DA0] =	vst v4  }
0x16e: {  	v4 =	vld.idx.msk [tilespmem:v5+s12+$0x0], $0xffff;
	[tilespmem:s6+$0x2DA0] =	vst v7  }
0x16f: {  	v5 =	vadd.s32 s3, v21;
	v7 =	vld.idx.msk [tilespmem:v8+s12+$0x0], $0xffff  }
0x170: {  	v8 =	vadd.s32 s11, v21;
	[tilespmem:s21+$0x2DA0] =	vst v9  }
0x171: {  	[tilespmem:s2+$0x2DB0] =	vst v0;
	v9 =	vld.idx.msk [tilespmem:v10+s12+$0x0], $0xffff  }
0x172: {  	v10 =	vadd.s32 s14, v21;
	v0 =	vld.idx.msk [tilespmem:v2+s12+$0x0], $0xffff  }
0x173: {  	v2 =	vadd.s32 s0, v22;
	[tilespmem:s8+$0x2DB0] =	vst v4  }
0x174: {  	v4 =	vld.idx.msk [tilespmem:v5+s12+$0x0], $0xffff;
	[tilespmem:s6+$0x2DB0] =	vst v7  }
0x175: {  	v5 =	vadd.s32 s3, v22;
	v7 =	vld.idx.msk [tilespmem:v8+s12+$0x0], $0xffff  }
0x176: {  	v8 =	vadd.s32 s11, v22;
	[tilespmem:s21+$0x2DB0] =	vst v9  }
0x177: {  	[tilespmem:s2+$0x2DC0] =	vst v0;
	v0 =	vadd.s32 s28, v23;
	v9 =	vld.idx.msk [tilespmem:v10+s12+$0x0], $0xffff  }
0x178: {  	v10 =	vadd.s32 s14, v22;
	v2 =	vld.idx.msk [tilespmem:v2+s12+$0x0], $0xffff  }
0x179: {  	[tilespmem:s8+$0x2DC0] =	vst v4;
	v4 =	vadd.s32 s0, v23  }
0x17a: {  	v5 =	vld.idx.msk [tilespmem:v5+s12+$0x0], $0xffff;
	[tilespmem:s6+$0x2DC0] =	vst v7  }
0x17b: {  	[tilespmem:s29+$0x2DD0] =	vst v6;
	v7 =	vadd.s32 s3, v23;
	v8 =	vld.idx.msk [tilespmem:v8+s12+$0x0], $0xffff  }
0x17c: {  	v0 =	vld.idx.msk [tilespmem:v0+s12+$0x0], $0xffff;
	[tilespmem:s21+$0x2DC0] =	vst v9;
	v9 =	vadd.s32 s11, v23  }
0x17d: {  	[tilespmem:s2+$0x2DD0] =	vst v2;
	v2 =	vadd.s32 s28, v25;
	v10 =	vld.idx.msk [tilespmem:v10+s12+$0x0], $0xffff  }
0x17e: {  	v6 =	vadd.s32 s14, v23;
	v4 =	vld.idx.msk [tilespmem:v4+s12+$0x0], $0xffff  }
0x17f: {  	[tilespmem:s8+$0x2DD0] =	vst v5;
	v5 =	vadd.s32 s0, v25  }
0x180: {  	v7 =	vld.idx.msk [tilespmem:v7+s12+$0x0], $0xffff;
	[tilespmem:s6+$0x2DD0] =	vst v8  }
0x181: {  	v8 =	vadd.s32 s3, v25;
	[tilespmem:s29+$0x2DE0] =	vst v0;
	v9 =	vld.idx.msk [tilespmem:v9+s12+$0x0], $0xffff  }
0x182: {  	v2 =	vld.idx.msk [tilespmem:v2+s12+$0x0], $0xffff;
	[tilespmem:s21+$0x2DD0] =	vst v10;
	v10 =	vadd.s32 s11, v25  }
0x183: {  	[tilespmem:s2+$0x2DE0] =	vst v4;
	v4 =	vadd.s32 s28, v26;
	v6 =	vld.idx.msk [tilespmem:v6+s12+$0x0], $0xffff  }
0x184: {  	v0 =	vadd.s32 s14, v25;
	v5 =	vld.idx.msk [tilespmem:v5+s12+$0x0], $0xffff  }
0x185: {  	[tilespmem:s8+$0x2DE0] =	vst v7;
	v7 =	vadd.s32 s0, v26  }
0x186: {  	v8 =	vld.idx.msk [tilespmem:v8+s12+$0x0], $0xffff;
	[tilespmem:s6+$0x2DE0] =	vst v9  }
0x187: {  	v9 =	vadd.s32 s3, v26;
	[tilespmem:s29+$0x2DF0] =	vst v2;
	v10 =	vld.idx.msk [tilespmem:v10+s12+$0x0], $0xffff  }
0x188: {  	v4 =	vld.idx.msk [tilespmem:v4+s12+$0x0], $0xffff;
	[tilespmem:s21+$0x2DE0] =	vst v6;
	v6 =	vadd.s32 s11, v26  }
0x189: {  	[tilespmem:s2+$0x2DF0] =	vst v5;
	v5 =	vadd.s32 s28, v28;
	v0 =	vld.idx.msk [tilespmem:v0+s12+$0x0], $0xffff  }
0x18a: {  	v2 =	vadd.s32 s14, v26;
	v7 =	vld.idx.msk [tilespmem:v7+s12+$0x0], $0xffff  }
0x18b: {  	[tilespmem:s8+$0x2DF0] =	vst v8  }
0x18c: {  	v8 =	vadd.s32 s0, v28;
	v9 =	vld.idx.msk [tilespmem:v9+s12+$0x0], $0xffff;
	[tilespmem:s6+$0x2DF0] =	vst v10  }
0x18d: {  	v10 =	vadd.s32 s3, v28;
	[tilespmem:s29+$0x3180] =	vst v4;
	v6 =	vld.idx.msk [tilespmem:v6+s12+$0x0], $0xffff  }
0x18e: {  	v5 =	vld.idx.msk [tilespmem:v5+s12+$0x0], $0xffff;
	[tilespmem:s21+$0x2DF0] =	vst v0;
	v0 =	vadd.s32 s11, v28  }
0x18f: {  	[tilespmem:s2+$0x3180] =	vst v7;
	v7 =	vadd.s32 s28, v29;
	v2 =	vld.idx.msk [tilespmem:v2+s12+$0x0], $0xffff  }
0x190: {  	[tilespmem:s30+$0x31E0] =	vst v3;
	v3 =	vadd.s32 s14, v28  }
0x191: {  	v4 =	vadd.s32 s31, v20;
	v8 =	vld.idx.msk [tilespmem:v8+s12+$0x0], $0xffff;
	[tilespmem:s8+$0x3180] =	vst v9  }
0x192: {  	v9 =	vadd.s32 s0, v29;
	v10 =	vld.idx.msk [tilespmem:v10+s12+$0x0], $0xffff;
	[tilespmem:s6+$0x3180] =	vst v6  }
0x193: {  	[tilespmem:s29+$0x3190] =	vst v5;
	v0 =	vld.idx.msk [tilespmem:v0+s12+$0x0], $0xffff  }
0x194: {  	v6 =	vadd.s32 s3, v29;
	v7 =	vld.idx.msk [tilespmem:v7+s12+$0x0], $0xffff;
	[tilespmem:s21+$0x3180] =	vst v2  }
0x195: {  	[tilespmem:s26+$0x31A0] =	vst v1;
	v1 =	vadd.s32 s11, v29;
	v2 =	vld.idx.msk [tilespmem:v3+s12+$0x0], $0xffff  }
0x196: {  	[tilespmem:s2+$0x3190] =	vst v8;
	v8 =	vadd.s32 s28, v30;
	v3 =	vld.idx.msk [tilespmem:v4+s12+$0x0], $0xffff  }
0x197: {  	v4 =	vadd.s32 s14, v29;
	v9 =	vld.idx.msk [tilespmem:v9+s12+$0x0], $0xffff;
	[tilespmem:s8+$0x3190] =	vst v10  }
0x198: {  	v5 =	vadd.s32 s25, v30;
	[tilespmem:s6+$0x3190] =	vst v0  }
0x199: {  	v10 =	vadd.s32 s0, v30;
	v6 =	vld.idx.msk [tilespmem:v6+s12+$0x0], $0xffff;
	[tilespmem:s29+$0x31A0] =	vst v7  }
0x19a: {  	v0 =	vadd.s32 s3, v30;
	v1 =	vld.idx.msk [tilespmem:v1+s12+$0x0], $0xffff;
	[tilespmem:s21+$0x3190] =	vst v2  }
0x19b: {  	v8 =	vld.idx.msk [tilespmem:v8+s12+$0x0], $0xffff;
	[tilespmem:s30+$0x31F0] =	vst v3;
	v2 =	vadd.s32 s11, v30  }
0x19c: {  	[tilespmem:s2+$0x31A0] =	vst v9;
	v9 =	vadd.s32 s28, v31;
	v3 =	vld.idx.msk [tilespmem:v4+s12+$0x0], $0xffff  }
0x19d: {  	v4 =	vld.idx.msk [tilespmem:v5+s12+$0x0], $0xffff;
	v5 =	vadd.s32 s14, v30  }
0x19e: {  	v7 =	vadd.s32 s25, v31;
	v10 =	vld.idx.msk [tilespmem:v10+s12+$0x0], $0xffff;
	[tilespmem:s8+$0x31A0] =	vst v6  }
0x19f: {  	v6 =	vadd.s32 s0, v31;
	v0 =	vld.idx.msk [tilespmem:v0+s12+$0x0], $0xffff;
	[tilespmem:s6+$0x31A0] =	vst v1  }
0x1a0: {  	[tilespmem:s29+$0x31B0] =	vst v8;
	v2 =	vld.idx.msk [tilespmem:v2+s12+$0x0], $0xffff  }
0x1a1: {  	v1 =	vadd.s32 s3, v31;
	v9 =	vld.idx.msk [tilespmem:v9+s12+$0x0], $0xffff;
	[tilespmem:s21+$0x31A0] =	vst v3  }
0x1a2: {  	[tilespmem:s26+$0x31B0] =	vst v4;
	v3 =	vadd.s32 s11, v31;
	v4 =	vld.idx.msk [tilespmem:v5+s12+$0x0], $0xffff  }
0x1a3: {  	[tilespmem:s2+$0x31B0] =	vst v10;
	v10 =	vadd.s32 s28, v27;
	v5 =	vld.idx.msk [tilespmem:v7+s12+$0x0], $0xffff  }
0x1a4: {  	v7 =	vadd.s32 s14, v31;
	v6 =	vld.idx.msk [tilespmem:v6+s12+$0x0], $0xffff;
	[tilespmem:s8+$0x31B0] =	vst v0  }
0x1a5: {  	v8 =	vadd.s32 s25, v27;
	[tilespmem:s6+$0x31B0] =	vst v2  }
0x1a6: {  	v0 =	vadd.s32 s0, v27;
	v1 =	vld.idx.msk [tilespmem:v1+s12+$0x0], $0xffff;
	[tilespmem:s29+$0x31C0] =	vst v9  }
0x1a7: {  	v2 =	vadd.s32 s3, v27;
	v3 =	vld.idx.msk [tilespmem:v3+s12+$0x0], $0xffff;
	[tilespmem:s21+$0x31B0] =	vst v4  }
0x1a8: {  	v10 =	vld.idx.msk [tilespmem:v10+s12+$0x0], $0xffff;
	[tilespmem:s26+$0x31C0] =	vst v5;
	v4 =	vadd.s32 s11, v27  }
0x1a9: {  	[tilespmem:s2+$0x31C0] =	vst v6;
	v6 =	vadd.s32 s28, v24;
	v5 =	vld.idx.msk [tilespmem:v7+s12+$0x0], $0xffff  }
0x1aa: {  	v7 =	vld.idx.msk [tilespmem:v8+s12+$0x0], $0xffff;
	v8 =	vadd.s32 s14, v27  }
0x1ab: {  	v9 =	vadd.s32 s25, v24;
	v0 =	vld.idx.msk [tilespmem:v0+s12+$0x0], $0xffff;
	[tilespmem:s8+$0x31C0] =	vst v1  }
0x1ac: {  	v2 =	vld.idx.msk [tilespmem:v2+s12+$0x0], $0xffff;
	[tilespmem:s6+$0x31C0] =	vst v3  }
0x1ad: {  	v1 =	vadd.s32 s0, v24;
	[tilespmem:s29+$0x31D0] =	vst v10;
	v4 =	vld.idx.msk [tilespmem:v4+s12+$0x0], $0xffff  }
0x1ae: {  	v3 =	vadd.s32 s3, v24;
	v6 =	vld.idx.msk [tilespmem:v6+s12+$0x0], $0xffff;
	[tilespmem:s21+$0x31C0] =	vst v5  }
0x1af: {  	[tilespmem:s26+$0x31D0] =	vst v7;
	v5 =	vadd.s32 s11, v24;
	v7 =	vld.idx.msk [tilespmem:v8+s12+$0x0], $0xffff  }
0x1b0: {  	[tilespmem:s2+$0x31D0] =	vst v0;
	v8 =	vld.idx.msk [tilespmem:v9+s12+$0x0], $0xffff;
	v9 =	vadd.s32 s14, v24  }
0x1b1: {  	v0 =	vadd.s32 s28, v20;
	[tilespmem:s8+$0x31D0] =	vst v2  }
0x1b2: {  	v10 =	vadd.s32 s25, v20;
	v1 =	vld.idx.msk [tilespmem:v1+s12+$0x0], $0xffff;
	[tilespmem:s6+$0x31D0] =	vst v4  }
0x1b3: {  	v2 =	vadd.s32 s0, v20;
	v3 =	vld.idx.msk [tilespmem:v3+s12+$0x0], $0xffff;
	[tilespmem:s29+$0x31E0] =	vst v6  }
0x1b4: {  	v4 =	vadd.s32 s3, v20;
	v5 =	vld.idx.msk [tilespmem:v5+s12+$0x0], $0xffff;
	[tilespmem:s21+$0x31D0] =	vst v7  }
0x1b5: {  	[tilespmem:s26+$0x31E0] =	vst v8;
	v7 =	vadd.s32 s11, v20;
	v8 =	vld.idx.msk [tilespmem:v9+s12+$0x0], $0xffff  }
0x1b6: {  	v6 =	vadd.s32 s14, v20;
	v0 =	vld.idx.msk [tilespmem:v0+s12+$0x0], $0xffff  }
0x1b7: {  	[tilespmem:s2+$0x31E0] =	vst v1;
	v9 =	vld.idx.msk [tilespmem:v10+s12+$0x0], $0xffff  }
0x1b8: {  	v1 =	vld.idx.msk [tilespmem:v2+s12+$0x0], $0xffff;
	[tilespmem:s8+$0x31E0] =	vst v3  }
0x1b9: {  	v2 =	vld.idx.msk [tilespmem:v4+s12+$0x0], $0xffff;
	[tilespmem:s6+$0x31E0] =	vst v5  }
0x1ba: {  	v3 =	vld.idx.msk [tilespmem:v7+s12+$0x0], $0xffff;
	[tilespmem:s21+$0x31E0] =	vst v8  }
0x1bb: {  	[tilespmem:s29+$0x31F0] =	vst v0;
	v4 =	vld.idx.msk [tilespmem:v6+s12+$0x0], $0xffff  }
0x1bc: {  	[tilespmem:s26+$0x31F0] =	vst v9  }
0x1bd: {  	[tilespmem:s2+$0x31F0] =	vst v1  }
0x1be: {  	[tilespmem:s8+$0x31F0] =	vst v2  }
0x1bf: {  	[tilespmem:s6+$0x31F0] =	vst v3  }
0x1c0: {  	[tilespmem:s21+$0x31F0] =	vst v4  }
0x1c1: {  	v0 =	vld [tilespmem:$0x200]  }
0x1c2: {  	v1 =	vld [tilespmem:$0x210]  }
0x1c3: {  	v2 =	vld [tilespmem:$0x220]  }
0x1c4: {  	v3 =	vld [tilespmem:$0x230]  }
0x1c5: {  	v4 =	vld [tilespmem:$0x240]  }
0x1c6: {  	v5 =	vld [tilespmem:$0x250]  }
0x1c7: {  	v6 =	vld [tilespmem:$0x260]  }
0x1c8: {  	v7 =	vld [tilespmem:$0x270]  }
0x1c9: {  	v8 =	vld [tilespmem:$0x280]  }
0x1ca: {  	v9 =	vld [tilespmem:$0x290]  }
0x1cb: {  	v10 =	vld [tilespmem:$0x2A0]  }
0x1cc: {  	v11 =	vld [tilespmem:$0x2B0]  }
0x1cd: {  	v12 =	vld [tilespmem:$0x2C0]  }
0x1ce: {  	v13 =	vld [tilespmem:$0x2D0]  }
0x1cf: {  	v14 =	vld [tilespmem:$0x2E0]  }
0x1d0: {  	v16 =	vld [tilespmem:$0x2F0]  }
0x1d1: {  	v17 =	vld [tilespmem:$0x300]  }
0x1d2: {  	v18 =	vld [tilespmem:$0x310]  }
0x1d3: {  	v20 =	vld [tilespmem:$0x320]  }
0x1d4: {  	v21 =	vld [tilespmem:$0x330]  }
0x1d5: {  	v22 =	vld [tilespmem:$0x340]  }
0x1d6: {  	v23 =	vld [tilespmem:$0x350]  }
0x1d7: {  	v24 =	vld [tilespmem:$0x360]  }
0x1d8: {  	v25 =	vld [tilespmem:$0x370]  }
0x1d9: {  	v27 =	vld [tilespmem:$0x380]  }
0x1da: {  	v28 =	vld [tilespmem:$0x390]  }
0x1db: {  	v29 =	vld [tilespmem:$0x3A0]  }
0x1dc: {  	s16 =	simm.s32 $0x0;
	v31 =	vld.idx.msk [tilespmem:v0+s12+$0x0], $0xffff  }
0x1dd: {  	s0 =	smul.u32 $0xB000, s16;
	v30 =	vld [tilespmem:$0x3B0]  }
0x1de: {  	s31 =	simm.s32 $0x0;
	v26 =	vld [tilespmem:$0x3C0]  }
0x1df: {  	s18 =	sand.u32 $0x380, s31;
	s0 =	sshra.s32 s0, $0x2;
	v32 =	vld [tilespmem:$0x3D0]  }
0x1e0: {  	s14 =	sor.u32 s18, s0;
	v19 =	vld [tilespmem:$0x3E0]  }
0x1e1: {  	v15 =	vld [tilespmem:$0x3F0];
	[tilespmem:s14+$0x3580] =	vst v31  }
0x1e2: {  	v31 =	vld.idx.msk [tilespmem:v1+s12+$0x0], $0xffff;
	_ =	sdelay $0x4  }
0x1e3: {  	[tilespmem:s14+$0x3590] =	vst v31  }
0x1e4: {  	v31 =	vld.idx.msk [tilespmem:v2+s12+$0x0], $0xffff;
	_ =	sdelay $0x4  }
0x1e5: {  	[tilespmem:s14+$0x35A0] =	vst v31  }
0x1e6: {  	v31 =	vld.idx.msk [tilespmem:v3+s12+$0x0], $0xffff;
	_ =	sdelay $0x3  }
0x1e7: {  	v0 =	vadd.s32 $0x80, v0  }
0x1e8: {  	v37 =	vadd.s32 s31, v0;
	[tilespmem:s14+$0x35B0] =	vst v31  }
0x1e9: {  	v31 =	vld.idx.msk [tilespmem:v4+s12+$0x0], $0xffff;
	_ =	sdelay $0x3  }
0x1ea: {  	s19 =	simm.s32 $0x0;
	v1 =	vadd.s32 $0x80, v1;
	v33 =	vld.idx.msk [tilespmem:v37+s12+$0x0], $0xffff  }
0x1eb: {  	s0 =	smul.u32 $0xB000, s19;
	v38 =	vadd.s32 s31, v1;
	[tilespmem:s14+$0x35C0] =	vst v31  }
0x1ec: {  	s25 =	simm.s32 $0x80;
	v31 =	vld.idx.msk [tilespmem:v5+s12+$0x0], $0xffff  }
0x1ed: {  	s20 =	sand.u32 $0x380, s25;
	s0 =	sshra.s32 s0, $0x2  }
0x1ee: {  	s30 =	sor.u32 s20, s0  }
0x1ef: {  	[tilespmem:s30+$0x3580] =	vst v33  }
0x1f0: {  	v2 =	vadd.s32 $0x80, v2;
	v33 =	vld.idx.msk [tilespmem:v38+s12+$0x0], $0xffff  }
0x1f1: {  	v39 =	vadd.s32 s31, v2;
	[tilespmem:s14+$0x35D0] =	vst v31  }
0x1f2: {  	v31 =	vld.idx.msk [tilespmem:v6+s12+$0x0], $0xffff;
	_ =	sdelay $0x2  }
0x1f3: {  	[tilespmem:s30+$0x3590] =	vst v33  }
0x1f4: {  	v3 =	vadd.s32 $0x80, v3;
	v33 =	vld.idx.msk [tilespmem:v39+s12+$0x0], $0xffff  }
0x1f5: {  	v40 =	vadd.s32 s31, v3;
	[tilespmem:s14+$0x35E0] =	vst v31  }
0x1f6: {  	v31 =	vld.idx.msk [tilespmem:v7+s12+$0x0], $0xffff;
	_ =	sdelay $0x2  }
0x1f7: {  	[tilespmem:s30+$0x35A0] =	vst v33  }
0x1f8: {  	v4 =	vadd.s32 $0x80, v4;
	v33 =	vld.idx.msk [tilespmem:v40+s12+$0x0], $0xffff  }
0x1f9: {  	v41 =	vadd.s32 s31, v4;
	[tilespmem:s14+$0x35F0] =	vst v31  }
0x1fa: {  	v31 =	vld.idx.msk [tilespmem:v8+s12+$0x0], $0xffff;
	_ =	sdelay $0x1  }
0x1fb: {  	v42 =	vadd.s32 s25, v0  }
0x1fc: {  	[tilespmem:s30+$0x35B0] =	vst v33  }
0x1fd: {  	v5 =	vadd.s32 $0x80, v5;
	v33 =	vld.idx.msk [tilespmem:v41+s12+$0x0], $0xffff  }
0x1fe: {  	v43 =	vadd.s32 s31, v5;
	[tilespmem:s14+$0x3980] =	vst v31  }
0x1ff: {  	v31 =	vld.idx.msk [tilespmem:v9+s12+$0x0], $0xffff  }
0x200: {  	s21 =	simm.s32 $0x0;
	v35 =	vld.idx.msk [tilespmem:v42+s12+$0x0], $0xffff  }
0x201: {  	s0 =	smul.u32 $0xB000, s21;
	v44 =	vadd.s32 s25, v1  }
0x202: {  	s28 =	simm.s32 $0x100;
	[tilespmem:s30+$0x35C0] =	vst v33  }
0x203: {  	s26 =	sand.u32 $0x380, s28;
	s0 =	sshra.s32 s0, $0x2;
	v6 =	vadd.s32 $0x80, v6;
	v33 =	vld.idx.msk [tilespmem:v43+s12+$0x0], $0xffff  }
0x204: {  	s26 =	sor.u32 s26, s0;
	v45 =	vadd.s32 s31, v6;
	[tilespmem:s14+$0x3990] =	vst v31  }
0x205: {  	[tilespmem:s26+$0x3580] =	vst v35;
	v31 =	vld.idx.msk [tilespmem:v10+s12+$0x0], $0xffff  }
0x206: {  	v35 =	vld.idx.msk [tilespmem:v44+s12+$0x0], $0xffff  }
0x207: {  	v46 =	vadd.s32 s25, v2  }
0x208: {  	[tilespmem:s30+$0x35D0] =	vst v33  }
0x209: {  	v7 =	vadd.s32 $0x80, v7;
	v33 =	vld.idx.msk [tilespmem:v45+s12+$0x0], $0xffff  }
0x20a: {  	v47 =	vadd.s32 s31, v7;
	[tilespmem:s14+$0x39A0] =	vst v31  }
0x20b: {  	[tilespmem:s26+$0x3590] =	vst v35;
	v31 =	vld.idx.msk [tilespmem:v11+s12+$0x0], $0xffff  }
0x20c: {  	v35 =	vld.idx.msk [tilespmem:v46+s12+$0x0], $0xffff  }
0x20d: {  	v48 =	vadd.s32 s25, v3  }
0x20e: {  	[tilespmem:s30+$0x35E0] =	vst v33  }
0x20f: {  	v8 =	vadd.s32 $0x80, v8;
	v33 =	vld.idx.msk [tilespmem:v47+s12+$0x0], $0xffff  }
0x210: {  	v49 =	vadd.s32 s31, v8;
	[tilespmem:s14+$0x39B0] =	vst v31  }
0x211: {  	[tilespmem:s26+$0x35A0] =	vst v35;
	v31 =	vld.idx.msk [tilespmem:v12+s12+$0x0], $0xffff  }
0x212: {  	v35 =	vld.idx.msk [tilespmem:v48+s12+$0x0], $0xffff  }
0x213: {  	v50 =	vadd.s32 s25, v4  }
0x214: {  	[tilespmem:s30+$0x35F0] =	vst v33  }
0x215: {  	v9 =	vadd.s32 $0x80, v9;
	v33 =	vld.idx.msk [tilespmem:v49+s12+$0x0], $0xffff  }
0x216: {  	v51 =	vadd.s32 s31, v9;
	[tilespmem:s14+$0x39C0] =	vst v31  }
0x217: {  	[tilespmem:s26+$0x35B0] =	vst v35;
	v31 =	vadd.s32 s28, v0;
	v52 =	vld.idx.msk [tilespmem:v13+s12+$0x0], $0xffff  }
0x218: {  	v36 =	vld.idx.msk [tilespmem:v50+s12+$0x0], $0xffff  }
0x219: {  	v53 =	vadd.s32 s25, v5  }
0x21a: {  	[tilespmem:s30+$0x3980] =	vst v33  }
0x21b: {  	v10 =	vadd.s32 $0x80, v10;
	v33 =	vld.idx.msk [tilespmem:v51+s12+$0x0], $0xffff  }
0x21c: {  	s3 =	simm.s32 $0x0;
	v54 =	vadd.s32 s31, v10;
	v31 =	vld.idx.msk [tilespmem:v31+s12+$0x0], $0xffff;
	[tilespmem:s14+$0x39D0] =	vst v52  }
0x21d: {  	s6 =	smul.u32 $0xB000, s3;
	v55 =	vadd.s32 s28, v1;
	[tilespmem:s26+$0x35C0] =	vst v36;
	v56 =	vld.idx.msk [tilespmem:v14+s12+$0x0], $0xffff  }
0x21e: {  	s0 =	simm.s32 $0x180;
	v37 =	vld.idx.msk [tilespmem:v53+s12+$0x0], $0xffff  }
0x21f: {  	s2 =	sshra.s32 s6, $0x2;
	s8 =	sand.u32 $0x380, s0;
	v57 =	vadd.s32 s25, v6  }
0x220: {  	s29 =	sor.u32 s8, s2;
	[tilespmem:s30+$0x3990] =	vst v33  }
0x221: {  	v11 =	vadd.s32 $0x80, v11;
	[tilespmem:s29+$0x3580] =	vst v31;
	v31 =	vld.idx.msk [tilespmem:v54+s12+$0x0], $0xffff  }
0x222: {  	v59 =	vadd.s32 s31, v11;
	v58 =	vld.idx.msk [tilespmem:v55+s12+$0x0], $0xffff;
	[tilespmem:s14+$0x39E0] =	vst v56  }
0x223: {  	v60 =	vadd.s32 s28, v2;
	[tilespmem:s26+$0x35D0] =	vst v37;
	v36 =	vld.idx.msk [tilespmem:v16+s12+$0x0], $0xffff  }
0x224: {  	v37 =	vld.idx.msk [tilespmem:v57+s12+$0x0], $0xffff  }
0x225: {  	v61 =	vadd.s32 s25, v7  }
0x226: {  	[tilespmem:s30+$0x39A0] =	vst v31  }
0x227: {  	v12 =	vadd.s32 $0x80, v12;
	[tilespmem:s29+$0x3590] =	vst v58;
	v31 =	vld.idx.msk [tilespmem:v59+s12+$0x0], $0xffff  }
0x228: {  	v62 =	vadd.s32 s31, v12;
	v33 =	vld.idx.msk [tilespmem:v60+s12+$0x0], $0xffff;
	[tilespmem:s14+$0x39F0] =	vst v36  }
0x229: {  	v63 =	vadd.s32 s28, v3;
	[tilespmem:s26+$0x35E0] =	vst v37;
	v36 =	vld.idx.msk [tilespmem:v17+s12+$0x0], $0xffff  }
0x22a: {  	v37 =	vld.idx.msk [tilespmem:v61+s12+$0x0], $0xffff  }
0x22b: {  	v40 =	vadd.s32 s25, v8  }
0x22c: {  	[tilespmem:s30+$0x39B0] =	vst v31  }
0x22d: {  	v13 =	vadd.s32 $0x80, v13;
	[tilespmem:s29+$0x35A0] =	vst v33;
	v31 =	vld.idx.msk [tilespmem:v62+s12+$0x0], $0xffff  }
0x22e: {  	v41 =	vadd.s32 s31, v13;
	v33 =	vld.idx.msk [tilespmem:v63+s12+$0x0], $0xffff;
	[tilespmem:s14+$0x3D80] =	vst v36  }
0x22f: {  	v42 =	vadd.s32 s28, v4;
	[tilespmem:s26+$0x35F0] =	vst v37;
	v36 =	vld.idx.msk [tilespmem:v18+s12+$0x0], $0xffff  }
0x230: {  	v37 =	vld.idx.msk [tilespmem:v40+s12+$0x0], $0xffff  }
0x231: {  	v43 =	vadd.s32 s25, v9  }
0x232: {  	[tilespmem:s30+$0x39C0] =	vst v31;
	v31 =	vadd.s32 s0, v0  }
0x233: {  	v14 =	vadd.s32 $0x80, v14;
	[tilespmem:s29+$0x35B0] =	vst v33;
	v44 =	vld.idx.msk [tilespmem:v41+s12+$0x0], $0xffff  }
0x234: {  	v46 =	vadd.s32 s31, v14;
	v45 =	vld.idx.msk [tilespmem:v42+s12+$0x0], $0xffff;
	[tilespmem:s14+$0x3D90] =	vst v36  }
0x235: {  	v47 =	vadd.s32 s28, v5;
	[tilespmem:s26+$0x3980] =	vst v37;
	v48 =	vld.idx.msk [tilespmem:v20+s12+$0x0], $0xffff  }
0x236: {  	v38 =	vld.idx.msk [tilespmem:v43+s12+$0x0], $0xffff  }
0x237: {  	s11 =	simm.s32 $0x0;
	v49 =	vadd.s32 s25, v10;
	v31 =	vld.idx.msk [tilespmem:v31+s12+$0x0], $0xffff  }
0x238: {  	s2 =	smul.u32 $0xB000, s11;
	v50 =	vadd.s32 s0, v1;
	[tilespmem:s30+$0x39D0] =	vst v44  }
0x239: {  	s3 =	simm.s32 $0x200;
	v16 =	vadd.s32 $0x80, v16;
	[tilespmem:s29+$0x35C0] =	vst v45;
	v51 =	vld.idx.msk [tilespmem:v46+s12+$0x0], $0xffff  }
0x23a: {  	s16 =	sand.u32 $0x380, s3;
	s2 =	sshra.s32 s2, $0x2;
	v53 =	vadd.s32 s31, v16;
	v52 =	vld.idx.msk [tilespmem:v47+s12+$0x0], $0xffff;
	[tilespmem:s14+$0x3DA0] =	vst v48  }
0x23b: {  	s2 =	sor.u32 s16, s2;
	[tilespmem:s26+$0x3990] =	vst v38;
	v54 =	vadd.s32 s28, v6;
	v55 =	vld.idx.msk [tilespmem:v21+s12+$0x0], $0xffff  }
0x23c: {  	[tilespmem:s2+$0x3580] =	vst v31;
	v31 =	vld.idx.msk [tilespmem:v49+s12+$0x0], $0xffff  }
0x23d: {  	v56 =	vadd.s32 s25, v11;
	v33 =	vld.idx.msk [tilespmem:v50+s12+$0x0], $0xffff  }
0x23e: {  	v57 =	vadd.s32 s0, v2;
	[tilespmem:s30+$0x39E0] =	vst v51  }
0x23f: {  	v17 =	vadd.s32 $0x80, v17;
	[tilespmem:s29+$0x35D0] =	vst v52;
	v58 =	vld.idx.msk [tilespmem:v53+s12+$0x0], $0xffff;
	v53 =	vadd.s32 s3, v0  }
0x240: {  	v60 =	vadd.s32 s31, v17;
	v59 =	vld.idx.msk [tilespmem:v54+s12+$0x0], $0xffff;
	[tilespmem:s14+$0x3DB0] =	vst v55  }
0x241: {  	v61 =	vadd.s32 s28, v7;
	[tilespmem:s26+$0x39A0] =	vst v31;
	v31 =	vld.idx.msk [tilespmem:v22+s12+$0x0], $0xffff  }
0x242: {  	[tilespmem:s2+$0x3590] =	vst v33;
	v62 =	vld.idx.msk [tilespmem:v56+s12+$0x0], $0xffff  }
0x243: {  	v63 =	vadd.s32 s25, v12;
	v34 =	vld.idx.msk [tilespmem:v57+s12+$0x0], $0xffff  }
0x244: {  	s18 =	simm.s32 $0x0;
	v41 =	vadd.s32 s0, v3;
	[tilespmem:s30+$0x39F0] =	vst v58;
	v40 =	vld.idx.msk [tilespmem:v53+s12+$0x0], $0xffff  }
0x245: {  	s6 =	smul.u32 $0xB000, s18;
	v18 =	vadd.s32 $0x80, v18;
	[tilespmem:s29+$0x35E0] =	vst v59;
	v42 =	vld.idx.msk [tilespmem:v60+s12+$0x0], $0xffff;
	v60 =	vadd.s32 s3, v1  }
0x246: {  	s11 =	simm.s32 $0x280;
	v44 =	vadd.s32 s31, v18;
	v43 =	vld.idx.msk [tilespmem:v61+s12+$0x0], $0xffff;
	[tilespmem:s14+$0x3DC0] =	vst v31  }
0x247: {  	s6 =	sshra.s32 s6, $0x2;
	s19 =	sand.u32 $0x380, s11;
	v31 =	vadd.s32 s28, v8;
	[tilespmem:s26+$0x39B0] =	vst v62;
	v45 =	vld.idx.msk [tilespmem:v23+s12+$0x0], $0xffff  }
0x248: {  	s8 =	sor.u32 s19, s6;
	[tilespmem:s2+$0x35A0] =	vst v34;
	v46 =	vld.idx.msk [tilespmem:v63+s12+$0x0], $0xffff  }
0x249: {  	v47 =	vadd.s32 s25, v13;
	v35 =	vld.idx.msk [tilespmem:v41+s12+$0x0], $0xffff;
	[tilespmem:s8+$0x3580] =	vst v40  }
0x24a: {  	[tilespmem:s30+$0x3D80] =	vst v42;
	v40 =	vld.idx.msk [tilespmem:v60+s12+$0x0], $0xffff  }
0x24b: {  	v20 =	vadd.s32 $0x80, v20;
	v48 =	vadd.s32 s0, v4;
	[tilespmem:s29+$0x35F0] =	vst v43;
	v49 =	vld.idx.msk [tilespmem:v44+s12+$0x0], $0xffff  }
0x24c: {  	v50 =	vadd.s32 s31, v20;
	v31 =	vld.idx.msk [tilespmem:v31+s12+$0x0], $0xffff;
	[tilespmem:s14+$0x3DD0] =	vst v45  }
0x24d: {  	v51 =	vadd.s32 s28, v9;
	[tilespmem:s26+$0x39C0] =	vst v46;
	v52 =	vld.idx.msk [tilespmem:v24+s12+$0x0], $0xffff  }
0x24e: {  	v54 =	vld.idx.msk [tilespmem:v47+s12+$0x0], $0xffff;
	v47 =	vadd.s32 s3, v2  }
0x24f: {  	[tilespmem:s2+$0x35B0] =	vst v35  }
0x250: {  	v55 =	vadd.s32 s25, v14;
	v36 =	vld.idx.msk [tilespmem:v48+s12+$0x0], $0xffff;
	[tilespmem:s30+$0x3D90] =	vst v49  }
0x251: {  	v21 =	vadd.s32 $0x80, v21;
	v56 =	vadd.s32 s0, v5;
	[tilespmem:s29+$0x3980] =	vst v31;
	v31 =	vld.idx.msk [tilespmem:v50+s12+$0x0], $0xffff  }
0x252: {  	v57 =	vadd.s32 s31, v21;
	[tilespmem:s8+$0x3590] =	vst v40;
	v33 =	vld.idx.msk [tilespmem:v51+s12+$0x0], $0xffff  }
0x253: {  	v58 =	vadd.s32 s28, v10;
	[tilespmem:s14+$0x3DE0] =	vst v52;
	v40 =	vld.idx.msk [tilespmem:v47+s12+$0x0], $0xffff  }
0x254: {  	[tilespmem:s26+$0x39D0] =	vst v54;
	v47 =	vadd.s32 s11, v0;
	v59 =	vld.idx.msk [tilespmem:v25+s12+$0x0], $0xffff  }
0x255: {  	[tilespmem:s2+$0x35C0] =	vst v36;
	v61 =	vld.idx.msk [tilespmem:v55+s12+$0x0], $0xffff;
	v55 =	vadd.s32 s3, v3  }
0x256: {  	v37 =	vld.idx.msk [tilespmem:v56+s12+$0x0], $0xffff;
	[tilespmem:s30+$0x3DA0] =	vst v31  }
0x257: {  	v62 =	vadd.s32 s25, v16;
	[tilespmem:s29+$0x3990] =	vst v33;
	v63 =	vld.idx.msk [tilespmem:v57+s12+$0x0], $0xffff  }
0x258: {  	v22 =	vadd.s32 $0x80, v22;
	v31 =	vadd.s32 s0, v6;
	v34 =	vld.idx.msk [tilespmem:v58+s12+$0x0], $0xffff;
	[tilespmem:s8+$0x35A0] =	vst v40  }
0x259: {  	s20 =	simm.s32 $0x0;
	v44 =	vadd.s32 s31, v22;
	v38 =	vld.idx.msk [tilespmem:v47+s12+$0x0], $0xffff;
	[tilespmem:s14+$0x3DF0] =	vst v59  }
0x25a: {  	s6 =	smul.u32 $0xB000, s20;
	v45 =	vadd.s32 s28, v11;
	[tilespmem:s26+$0x39E0] =	vst v61;
	v40 =	vld.idx.msk [tilespmem:v55+s12+$0x0], $0xffff  }
0x25b: {  	s19 =	simm.s32 $0x300;
	v55 =	vadd.s32 s11, v1;
	v46 =	vld.idx.msk [tilespmem:v27+s12+$0x0], $0xffff;
	[tilespmem:s2+$0x35D0] =	vst v37  }
0x25c: {  	s21 =	sand.u32 $0x380, s19;
	s6 =	sshra.s32 s6, $0x2;
	v48 =	vld.idx.msk [tilespmem:v62+s12+$0x0], $0xffff;
	[tilespmem:s30+$0x3DB0] =	vst v63  }
0x25d: {  	s6 =	sor.u32 s21, s6;
	v49 =	vadd.s32 s25, v17;
	v31 =	vld.idx.msk [tilespmem:v31+s12+$0x0], $0xffff;
	[tilespmem:s29+$0x39A0] =	vst v34  }
0x25e: {  	v61 =	vadd.s32 s3, v4;
	v51 =	vld.idx.msk [tilespmem:v44+s12+$0x0], $0xffff;
	[tilespmem:s6+$0x3580] =	vst v38  }
0x25f: {  	v23 =	vadd.s32 $0x80, v23;
	v50 =	vadd.s32 s0, v7;
	v35 =	vld.idx.msk [tilespmem:v45+s12+$0x0], $0xffff;
	[tilespmem:s8+$0x35B0] =	vst v40  }
0x260: {  	v52 =	vadd.s32 s31, v23;
	v38 =	vld.idx.msk [tilespmem:v55+s12+$0x0], $0xffff;
	[tilespmem:s14+$0x4180] =	vst v46  }
0x261: {  	v53 =	vadd.s32 s28, v12;
	[tilespmem:s26+$0x39F0] =	vst v48;
	v54 =	vld.idx.msk [tilespmem:v28+s12+$0x0], $0xffff  }
0x262: {  	[tilespmem:s2+$0x35E0] =	vst v31;
	v31 =	vld.idx.msk [tilespmem:v49+s12+$0x0], $0xffff  }
0x263: {  	v56 =	vadd.s32 s25, v18;
	v40 =	vld.idx.msk [tilespmem:v61+s12+$0x0], $0xffff  }
0x264: {  	v33 =	vld.idx.msk [tilespmem:v50+s12+$0x0], $0xffff;
	v50 =	vadd.s32 s3, v5;
	[tilespmem:s30+$0x3DC0] =	vst v51  }
0x265: {  	v24 =	vadd.s32 $0x80, v24;
	v57 =	vadd.s32 s0, v8;
	[tilespmem:s29+$0x39B0] =	vst v35;
	v58 =	vld.idx.msk [tilespmem:v52+s12+$0x0], $0xffff  }
0x266: {  	v59 =	vadd.s32 s31, v24;
	v36 =	vld.idx.msk [tilespmem:v53+s12+$0x0], $0xffff;
	[tilespmem:s14+$0x4190] =	vst v54  }
0x267: {  	v60 =	vadd.s32 s28, v13;
	[tilespmem:s26+$0x3D80] =	vst v31;
	v31 =	vld.idx.msk [tilespmem:v29+s12+$0x0], $0xffff  }
0x268: {  	[tilespmem:s8+$0x35C0] =	vst v40;
	v62 =	vld.idx.msk [tilespmem:v56+s12+$0x0], $0xffff  }
0x269: {  	v63 =	vadd.s32 s25, v20;
	[tilespmem:s2+$0x35F0] =	vst v33;
	v40 =	vld.idx.msk [tilespmem:v50+s12+$0x0], $0xffff  }
0x26a: {  	v43 =	vadd.s32 s3, v6;
	v34 =	vld.idx.msk [tilespmem:v57+s12+$0x0], $0xffff;
	[tilespmem:s30+$0x3DD0] =	vst v58  }
0x26b: {  	v25 =	vadd.s32 $0x80, v25;
	v45 =	vadd.s32 s0, v9;
	[tilespmem:s29+$0x39C0] =	vst v36;
	v46 =	vld.idx.msk [tilespmem:v59+s12+$0x0], $0xffff  }
0x26c: {  	v48 =	vadd.s32 s31, v25;
	v37 =	vld.idx.msk [tilespmem:v60+s12+$0x0], $0xffff;
	[tilespmem:s14+$0x41A0] =	vst v31  }
0x26d: {  	v31 =	vadd.s32 s28, v14;
	[tilespmem:s26+$0x3D90] =	vst v62;
	v49 =	vld.idx.msk [tilespmem:v30+s12+$0x0], $0xffff  }
0x26e: {  	v62 =	vadd.s32 s11, v2;
	[tilespmem:s8+$0x35D0] =	vst v40;
	v51 =	vld.idx.msk [tilespmem:v63+s12+$0x0], $0xffff  }
0x26f: {  	[tilespmem:s2+$0x3980] =	vst v34;
	v40 =	vld.idx.msk [tilespmem:v43+s12+$0x0], $0xffff  }
0x270: {  	v52 =	vadd.s32 s25, v21;
	v35 =	vld.idx.msk [tilespmem:v45+s12+$0x0], $0xffff;
	[tilespmem:s30+$0x3DE0] =	vst v46  }
0x271: {  	v47 =	vadd.s32 s3, v7;
	[tilespmem:s29+$0x39D0] =	vst v37;
	v54 =	vld.idx.msk [tilespmem:v48+s12+$0x0], $0xffff  }
0x272: {  	[tilespmem:s6+$0x3590] =	vst v38;
	v53 =	vadd.s32 s0, v10;
	v31 =	vld.idx.msk [tilespmem:v31+s12+$0x0], $0xffff  }
0x273: {  	v27 =	vadd.s32 $0x80, v27;
	v57 =	vadd.s32 s28, v16;
	v38 =	vld.idx.msk [tilespmem:v62+s12+$0x0], $0xffff;
	[tilespmem:s14+$0x41B0] =	vst v49  }
0x274: {  	v56 =	vadd.s32 s31, v27;
	[tilespmem:s26+$0x3DA0] =	vst v51;
	v58 =	vld.idx.msk [tilespmem:v26+s12+$0x0], $0xffff  }
0x275: {  	v51 =	vadd.s32 s11, v3;
	[tilespmem:s8+$0x35E0] =	vst v40;
	v59 =	vld.idx.msk [tilespmem:v52+s12+$0x0], $0xffff  }
0x276: {  	[tilespmem:s2+$0x3990] =	vst v35;
	v40 =	vld.idx.msk [tilespmem:v47+s12+$0x0], $0xffff  }
0x277: {  	v60 =	vadd.s32 s25, v22;
	v36 =	vld.idx.msk [tilespmem:v53+s12+$0x0], $0xffff;
	[tilespmem:s29+$0x39E0] =	vst v31  }
0x278: {  	v61 =	vadd.s32 s0, v11;
	[tilespmem:s30+$0x3DF0] =	vst v54;
	v33 =	vld.idx.msk [tilespmem:v57+s12+$0x0], $0xffff  }
0x279: {  	v28 =	vadd.s32 $0x80, v28;
	v45 =	vadd.s32 s28, v17;
	v31 =	vld.idx.msk [tilespmem:v56+s12+$0x0], $0xffff;
	[tilespmem:s6+$0x35A0] =	vst v38  }
0x27a: {  	v63 =	vadd.s32 s31, v28;
	v38 =	vld.idx.msk [tilespmem:v51+s12+$0x0], $0xffff;
	[tilespmem:s14+$0x41C0] =	vst v58  }
0x27b: {  	v47 =	vadd.s32 s19, v0;
	[tilespmem:s26+$0x3DB0] =	vst v59;
	v46 =	vld.idx.msk [tilespmem:v32+s12+$0x0], $0xffff  }
0x27c: {  	[tilespmem:s2+$0x39A0] =	vst v36;
	v48 =	vld.idx.msk [tilespmem:v60+s12+$0x0], $0xffff  }
0x27d: {  	v49 =	vadd.s32 s25, v23;
	v37 =	vld.idx.msk [tilespmem:v61+s12+$0x0], $0xffff;
	[tilespmem:s29+$0x39F0] =	vst v33  }
0x27e: {  	[tilespmem:s30+$0x4180] =	vst v31;
	v31 =	vadd.s32 s0, v12;
	v34 =	vld.idx.msk [tilespmem:v45+s12+$0x0], $0xffff  }
0x27f: {  	v29 =	vadd.s32 $0x80, v29;
	v53 =	vadd.s32 s28, v18;
	[tilespmem:s8+$0x35F0] =	vst v40;
	v50 =	vld.idx.msk [tilespmem:v63+s12+$0x0], $0xffff  }
0x280: {  	v52 =	vadd.s32 s31, v29;
	v42 =	vld.idx.msk [tilespmem:v47+s12+$0x0], $0xffff;
	[tilespmem:s14+$0x41D0] =	vst v46  }
0x281: {  	v55 =	vadd.s32 s3, v8;
	[tilespmem:s26+$0x3DC0] =	vst v48;
	v54 =	vld.idx.msk [tilespmem:v19+s12+$0x0], $0xffff  }
0x282: {  	[tilespmem:s2+$0x39B0] =	vst v37;
	v56 =	vld.idx.msk [tilespmem:v49+s12+$0x0], $0xffff  }
0x283: {  	v57 =	vadd.s32 s25, v24;
	v31 =	vld.idx.msk [tilespmem:v31+s12+$0x0], $0xffff;
	[tilespmem:s29+$0x3D80] =	vst v34  }
0x284: {  	v58 =	vadd.s32 s0, v13;
	[tilespmem:s30+$0x4190] =	vst v50;
	v35 =	vld.idx.msk [tilespmem:v53+s12+$0x0], $0xffff  }
0x285: {  	v30 =	vadd.s32 $0x80, v30;
	v60 =	vadd.s32 s11, v4;
	[tilespmem:s6+$0x35B0] =	vst v38;
	v59 =	vld.idx.msk [tilespmem:v52+s12+$0x0], $0xffff  }
0x286: {  	v62 =	vadd.s32 s31, v30;
	v61 =	vld.idx.msk [tilespmem:v55+s12+$0x0], $0xffff;
	[tilespmem:s14+$0x41E0] =	vst v54  }
0x287: {  	v63 =	vadd.s32 s28, v20;
	[tilespmem:s26+$0x3DD0] =	vst v56;
	v44 =	vld.idx.msk [tilespmem:v15+s12+$0x0], $0xffff  }
0x288: {  	v45 =	vadd.s32 s3, v9;
	[tilespmem:s2+$0x39C0] =	vst v31;
	v46 =	vld.idx.msk [tilespmem:v57+s12+$0x0], $0xffff  }
0x289: {  	v37 =	vld.idx.msk [tilespmem:v58+s12+$0x0], $0xffff;
	[tilespmem:s29+$0x3D90] =	vst v35;
	v35 =	vadd.s32 s25, v25  }
0x28a: {  	v38 =	vadd.s32 s0, v14;
	v40 =	vld.idx.msk [tilespmem:v60+s12+$0x0], $0xffff;
	[tilespmem:s30+$0x41A0] =	vst v59  }
0x28b: {  	v41 =	vadd.s32 s11, v5;
	[tilespmem:s8+$0x3980] =	vst v61;
	v31 =	vadd.s32 $0x80, v26;
	v33 =	vld.idx.msk [tilespmem:v62+s12+$0x0], $0xffff  }
0x28c: {  	v26 =	vadd.s32 $0x80, v32;
	v32 =	vadd.s32 s31, v31;
	v34 =	vld.idx.msk [tilespmem:v63+s12+$0x0], $0xffff;
	[tilespmem:s14+$0x41F0] =	vst v44  }
0x28d: {  	s20 =	simm.s32 $0x8;
	s21 =	simm.s32 $0x7;
	v36 =	vadd.s32 s28, v21;
	v19 =	vadd.s32 $0x80, v19;
	v39 =	vld.idx.msk [tilespmem:v45+s12+$0x0], $0xffff;
	v15 =	vadd.s32 $0x80, v15;
	[tilespmem:s26+$0x3DE0] =	vst v46;
	s14 =	simm.s32 $0x300  }
.LBB2_5:
0x28e: {  	p1 =	sne.s32 s20, $0x1F;
	s18 =	sshrl.u32 s21, $0x3;
	v43 =	vadd.s32 s3, v10;
	[tilespmem:s2+$0x39D0] =	vst v37;
	v35 =	vld.idx.msk [tilespmem:v35+s12+$0x0], $0xffff;
	s16 =	smov.u32 s6  }
0x28f: {  	v37 =	vadd.s32 s19, v1;
	s21 =	smov.u32 s20;
	s6 =	smul.u32 $0xB000, s18;
	[tilespmem:s16+$0x35C0] =	vst v40;
	v38 =	vld.idx.msk [tilespmem:v38+s12+$0x0], $0xffff  }
0x290: {  	s19 =	sadd.s32 $0x80, s19;
	v40 =	vld.idx.msk [tilespmem:v41+s12+$0x0], $0xffff;
	v41 =	vadd.s32 s25, v27;
	[tilespmem:s30+$0x41B0] =	vst v33  }
0x291: {  	s18 =	sand.u32 $0x380, s19;
	v33 =	vadd.s32 s0, v16;
	s6 =	sshra.s32 s6, $0x2;
	[tilespmem:s29+$0x3DA0] =	vst v34;
	v32 =	vld.idx.msk [tilespmem:v32+s12+$0x0], $0xffff  }
0x292: {  	v34 =	vadd.s32 s11, v6;
	s6 =	sor.u32 s18, s6;
	[tilespmem:s8+$0x3990] =	vst v39;
	v36 =	vld.idx.msk [tilespmem:v36+s12+$0x0], $0xffff  }
0x293: {  	[tilespmem:s6+$0x3580] =	vst v42;
	v39 =	vld.idx.msk [tilespmem:v43+s12+$0x0], $0xffff;
	v42 =	vadd.s32 s31, v26  }
0x294: {  	v43 =	vadd.s32 s28, v22;
	v37 =	vld.idx.msk [tilespmem:v37+s12+$0x0], $0xffff;
	[tilespmem:s26+$0x3DF0] =	vst v35  }
0x295: {  	v35 =	vadd.s32 s3, v11;
	[tilespmem:s2+$0x39E0] =	vst v38;
	v38 =	vld.idx.msk [tilespmem:v41+s12+$0x0], $0xffff  }
0x296: {  	v41 =	vadd.s32 s14, v2;
	[tilespmem:s16+$0x35D0] =	vst v40;
	v33 =	vld.idx.msk [tilespmem:v33+s12+$0x0], $0xffff  }
0x297: {  	v40 =	vadd.s32 s25, v28;
	v34 =	vld.idx.msk [tilespmem:v34+s12+$0x0], $0xffff;
	[tilespmem:s30+$0x41C0] =	vst v32  }
0x298: {  	v32 =	vadd.s32 s0, v17;
	[tilespmem:s29+$0x3DB0] =	vst v36;
	v36 =	vld.idx.msk [tilespmem:v42+s12+$0x0], $0xffff  }
0x299: {  	v42 =	vadd.s32 s11, v7;
	[tilespmem:s8+$0x39A0] =	vst v39;
	v39 =	vld.idx.msk [tilespmem:v43+s12+$0x0], $0xffff  }
0x29a: {  	[tilespmem:s6+$0x3590] =	vst v37;
	v35 =	vld.idx.msk [tilespmem:v35+s12+$0x0], $0xffff;
	v37 =	vadd.s32 s31, v19  }
0x29b: {  	v43 =	vadd.s32 s28, v23;
	v41 =	vld.idx.msk [tilespmem:v41+s12+$0x0], $0xffff;
	[tilespmem:s26+$0x4180] =	vst v38  }
0x29c: {  	v38 =	vadd.s32 s3, v12;
	[tilespmem:s2+$0x39F0] =	vst v33;
	v33 =	vld.idx.msk [tilespmem:v40+s12+$0x0], $0xffff  }
0x29d: {  	v40 =	vadd.s32 s14, v3;
	[tilespmem:s16+$0x35E0] =	vst v34;
	v32 =	vld.idx.msk [tilespmem:v32+s12+$0x0], $0xffff  }
0x29e: {  	v34 =	vld.idx.msk [tilespmem:v42+s12+$0x0], $0xffff;
	v42 =	vadd.s32 s25, v29;
	[tilespmem:s30+$0x41D0] =	vst v36  }
0x29f: {  	v36 =	vadd.s32 s0, v18;
	[tilespmem:s29+$0x3DC0] =	vst v39;
	v37 =	vld.idx.msk [tilespmem:v37+s12+$0x0], $0xffff  }
0x2a0: {  	v39 =	vadd.s32 s11, v8;
	[tilespmem:s8+$0x39B0] =	vst v35;
	v35 =	vld.idx.msk [tilespmem:v43+s12+$0x0], $0xffff  }
0x2a1: {  	[tilespmem:s6+$0x35A0] =	vst v41;
	v38 =	vld.idx.msk [tilespmem:v38+s12+$0x0], $0xffff;
	v41 =	vadd.s32 s31, v15;
	s31 =	smov.u32 s25;
	s25 =	smov.u32 s28;
	s28 =	smov.u32 s0  }
0x2a2: {  	s0 =	smov.u32 s3;
	s3 =	smov.u32 s11;
	s11 =	smov.u32 s14;
	v40 =	vld.idx.msk [tilespmem:v40+s12+$0x0], $0xffff;
	v43 =	vadd.s32 s25, v24;
	[tilespmem:s26+$0x4190] =	vst v33  }
0x2a3: {  	s14 =	smov.u32 s19;
	v33 =	vadd.s32 s0, v13;
	[tilespmem:s2+$0x3D80] =	vst v32;
	v32 =	vld.idx.msk [tilespmem:v42+s12+$0x0], $0xffff  }
0x2a4: {  	v42 =	vadd.s32 s11, v4;
	[tilespmem:s16+$0x35F0] =	vst v34;
	v34 =	vld.idx.msk [tilespmem:v36+s12+$0x0], $0xffff  }
0x2a5: {  	v36 =	vld.idx.msk [tilespmem:v39+s12+$0x0], $0xffff;
	v39 =	vadd.s32 s31, v30;
	[tilespmem:s30+$0x41E0] =	vst v37  }
0x2a6: {  	v44 =	vadd.s32 s28, v20;
	[tilespmem:s29+$0x3DD0] =	vst v35;
	v45 =	vld.idx.msk [tilespmem:v41+s12+$0x0], $0xffff  }
0x2a7: {  	v46 =	vadd.s32 s3, v9;
	[tilespmem:s8+$0x39C0] =	vst v38;
	v43 =	vld.idx.msk [tilespmem:v43+s12+$0x0], $0xffff  }
0x2a8: {  	v47 =	vadd.s32 s19, v0;
	[tilespmem:s6+$0x35B0] =	vst v40;
	v37 =	vld.idx.msk [tilespmem:v33+s12+$0x0], $0xffff  }
.Ltmp3:
0x2a9: {  	v35 =	vadd.s32 s25, v25;
	v40 =	vld.idx.msk [tilespmem:v42+s12+$0x0], $0xffff;
	[tilespmem:s26+$0x41A0] =	vst v32;
	(pc) =	sbr.rel @p1 .LBB2_5-.Ltmp3, $4  }
0x2aa: {  	v38 =	vadd.s32 s0, v14;
	[tilespmem:s2+$0x3D90] =	vst v34;
	v33 =	vld.idx.msk [tilespmem:v39+s12+$0x0], $0xffff  }
0x2ab: {  	v41 =	vadd.s32 s11, v5;
	[tilespmem:s16+$0x3980] =	vst v36;
	v34 =	vld.idx.msk [tilespmem:v44+s12+$0x0], $0xffff  }
0x2ac: {  	v32 =	vadd.s32 s31, v31;
	v39 =	vld.idx.msk [tilespmem:v46+s12+$0x0], $0xffff;
	[tilespmem:s30+$0x41F0] =	vst v45;
	s30 =	smov.u32 s26;
	s26 =	smov.u32 s29;
	s29 =	smov.u32 s2  }
0x2ad: {  	s20 =	sadd.s32 $0x1, s20;
	v36 =	vadd.s32 s28, v21;
	s2 =	smov.u32 s8;
	s8 =	smov.u32 s16;
	v42 =	vld.idx.msk [tilespmem:v47+s12+$0x0], $0xffff;
	[tilespmem:s26+$0x3DE0] =	vst v43  }
0x2ae: {  	s16 =	sshrl.u32 s21, $0x3  }
0x2af: {  	v0 =	vadd.s32 s19, v1;
	s16 =	smul.u32 $0xB000, s16  }
0x2b0: {  	s18 =	sadd.s32 $0x80, s19  }
0x2b1: {  	s18 =	sand.u32 $0x380, s18;
	s16 =	sshra.s32 s16, $0x2  }
0x2b2: {  	s21 =	sor.u32 s18, s16  }
0x2b3: {  	[tilespmem:s21+$0x3580] =	vst v42  }
0x2b4: {  	v0 =	vld.idx.msk [tilespmem:v0+s12+$0x0], $0xffff  }
0x2b5: {  	v1 =	vadd.s32 s14, v2;
	_ =	sdelay $0x3  }
0x2b6: {  	[tilespmem:s21+$0x3590] =	vst v0  }
0x2b7: {  	v0 =	vld.idx.msk [tilespmem:v1+s12+$0x0], $0xffff  }
0x2b8: {  	v1 =	vadd.s32 s14, v3;
	_ =	sdelay $0x3  }
0x2b9: {  	[tilespmem:s21+$0x35A0] =	vst v0  }
0x2ba: {  	v0 =	vld.idx.msk [tilespmem:v1+s12+$0x0], $0xffff  }
0x2bb: {  	v1 =	vadd.s32 s14, v4;
	_ =	sdelay $0x3  }
0x2bc: {  	[tilespmem:s21+$0x35B0] =	vst v0  }
0x2bd: {  	v0 =	vld.idx.msk [tilespmem:v1+s12+$0x0], $0xffff  }
0x2be: {  	v1 =	vadd.s32 s14, v5;
	_ =	sdelay $0x1  }
0x2bf: {  	[tilespmem:s6+$0x35C0] =	vst v40  }
0x2c0: {  	v2 =	vld.idx.msk [tilespmem:v41+s12+$0x0], $0xffff  }
0x2c1: {  	[tilespmem:s21+$0x35C0] =	vst v0;
	v0 =	vadd.s32 s11, v6  }
0x2c2: {  	v1 =	vld.idx.msk [tilespmem:v1+s12+$0x0], $0xffff  }
0x2c3: {  	v3 =	vadd.s32 s14, v6;
	_ =	sdelay $0x1  }
0x2c4: {  	[tilespmem:s6+$0x35D0] =	vst v2  }
0x2c5: {  	v0 =	vld.idx.msk [tilespmem:v0+s12+$0x0], $0xffff  }
0x2c6: {  	[tilespmem:s21+$0x35D0] =	vst v1;
	v1 =	vadd.s32 s11, v7  }
0x2c7: {  	v2 =	vld.idx.msk [tilespmem:v3+s12+$0x0], $0xffff  }
0x2c8: {  	v3 =	vadd.s32 s14, v7;
	_ =	sdelay $0x1  }
0x2c9: {  	[tilespmem:s6+$0x35E0] =	vst v0  }
0x2ca: {  	v0 =	vld.idx.msk [tilespmem:v1+s12+$0x0], $0xffff  }
0x2cb: {  	v1 =	vadd.s32 s11, v8;
	[tilespmem:s21+$0x35E0] =	vst v2  }
0x2cc: {  	v2 =	vld.idx.msk [tilespmem:v3+s12+$0x0], $0xffff  }
0x2cd: {  	v3 =	vadd.s32 s14, v8;
	_ =	sdelay $0x1  }
0x2ce: {  	[tilespmem:s6+$0x35F0] =	vst v0  }
0x2cf: {  	v0 =	vld.idx.msk [tilespmem:v1+s12+$0x0], $0xffff  }
0x2d0: {  	v1 =	vadd.s32 s11, v9;
	[tilespmem:s21+$0x35F0] =	vst v2  }
0x2d1: {  	v2 =	vld.idx.msk [tilespmem:v3+s12+$0x0], $0xffff  }
0x2d2: {  	v3 =	vadd.s32 s14, v9;
	_ =	sdelay $0x1  }
0x2d3: {  	[tilespmem:s6+$0x3980] =	vst v0  }
0x2d4: {  	v0 =	vadd.s32 s3, v10;
	v1 =	vld.idx.msk [tilespmem:v1+s12+$0x0], $0xffff  }
0x2d5: {  	[tilespmem:s21+$0x3980] =	vst v2;
	v2 =	vadd.s32 s11, v10  }
0x2d6: {  	v3 =	vld.idx.msk [tilespmem:v3+s12+$0x0], $0xffff  }
0x2d7: {  	v4 =	vadd.s32 s14, v10  }
0x2d8: {  	[tilespmem:s8+$0x3990] =	vst v39  }
0x2d9: {  	v0 =	vld.idx.msk [tilespmem:v0+s12+$0x0], $0xffff;
	[tilespmem:s6+$0x3990] =	vst v1  }
0x2da: {  	v1 =	vadd.s32 s3, v11;
	v2 =	vld.idx.msk [tilespmem:v2+s12+$0x0], $0xffff  }
0x2db: {  	[tilespmem:s21+$0x3990] =	vst v3;
	v3 =	vadd.s32 s11, v11  }
0x2dc: {  	v4 =	vld.idx.msk [tilespmem:v4+s12+$0x0], $0xffff  }
0x2dd: {  	v5 =	vadd.s32 s14, v11  }
0x2de: {  	[tilespmem:s8+$0x39A0] =	vst v0  }
0x2df: {  	v0 =	vld.idx.msk [tilespmem:v1+s12+$0x0], $0xffff;
	[tilespmem:s6+$0x39A0] =	vst v2  }
0x2e0: {  	v1 =	vadd.s32 s3, v12;
	v2 =	vld.idx.msk [tilespmem:v3+s12+$0x0], $0xffff  }
0x2e1: {  	v3 =	vadd.s32 s11, v12;
	[tilespmem:s21+$0x39A0] =	vst v4  }
0x2e2: {  	v4 =	vld.idx.msk [tilespmem:v5+s12+$0x0], $0xffff  }
0x2e3: {  	v5 =	vadd.s32 s14, v12  }
0x2e4: {  	[tilespmem:s8+$0x39B0] =	vst v0  }
0x2e5: {  	v0 =	vld.idx.msk [tilespmem:v1+s12+$0x0], $0xffff;
	[tilespmem:s6+$0x39B0] =	vst v2  }
0x2e6: {  	v1 =	vadd.s32 s3, v13;
	v2 =	vld.idx.msk [tilespmem:v3+s12+$0x0], $0xffff  }
0x2e7: {  	v3 =	vadd.s32 s11, v13;
	[tilespmem:s21+$0x39B0] =	vst v4  }
0x2e8: {  	v4 =	vld.idx.msk [tilespmem:v5+s12+$0x0], $0xffff  }
0x2e9: {  	v5 =	vadd.s32 s14, v13  }
0x2ea: {  	[tilespmem:s8+$0x39C0] =	vst v0  }
0x2eb: {  	v0 =	vld.idx.msk [tilespmem:v1+s12+$0x0], $0xffff;
	[tilespmem:s6+$0x39C0] =	vst v2  }
0x2ec: {  	v1 =	vadd.s32 s3, v14;
	v2 =	vld.idx.msk [tilespmem:v3+s12+$0x0], $0xffff  }
0x2ed: {  	v3 =	vadd.s32 s11, v14;
	[tilespmem:s21+$0x39C0] =	vst v4  }
0x2ee: {  	[tilespmem:s2+$0x39D0] =	vst v37;
	v4 =	vld.idx.msk [tilespmem:v5+s12+$0x0], $0xffff  }
0x2ef: {  	v6 =	vld.idx.msk [tilespmem:v38+s12+$0x0], $0xffff;
	v5 =	vadd.s32 s14, v14  }
0x2f0: {  	[tilespmem:s8+$0x39D0] =	vst v0;
	v0 =	vadd.s32 s0, v16  }
0x2f1: {  	v1 =	vld.idx.msk [tilespmem:v1+s12+$0x0], $0xffff;
	[tilespmem:s6+$0x39D0] =	vst v2  }
0x2f2: {  	v2 =	vadd.s32 s3, v16;
	v3 =	vld.idx.msk [tilespmem:v3+s12+$0x0], $0xffff  }
0x2f3: {  	[tilespmem:s21+$0x39D0] =	vst v4;
	v4 =	vadd.s32 s11, v16  }
0x2f4: {  	[tilespmem:s2+$0x39E0] =	vst v6;
	v5 =	vld.idx.msk [tilespmem:v5+s12+$0x0], $0xffff  }
0x2f5: {  	v7 =	vadd.s32 s14, v16;
	v0 =	vld.idx.msk [tilespmem:v0+s12+$0x0], $0xffff  }
0x2f6: {  	[tilespmem:s8+$0x39E0] =	vst v1;
	v1 =	vadd.s32 s0, v17  }
0x2f7: {  	v2 =	vld.idx.msk [tilespmem:v2+s12+$0x0], $0xffff;
	[tilespmem:s6+$0x39E0] =	vst v3  }
0x2f8: {  	v3 =	vadd.s32 s3, v17;
	v4 =	vld.idx.msk [tilespmem:v4+s12+$0x0], $0xffff  }
0x2f9: {  	[tilespmem:s21+$0x39E0] =	vst v5;
	v5 =	vadd.s32 s11, v17  }
0x2fa: {  	[tilespmem:s2+$0x39F0] =	vst v0;
	v6 =	vld.idx.msk [tilespmem:v7+s12+$0x0], $0xffff  }
0x2fb: {  	v7 =	vadd.s32 s14, v17;
	v0 =	vld.idx.msk [tilespmem:v1+s12+$0x0], $0xffff  }
0x2fc: {  	v1 =	vadd.s32 s0, v18;
	[tilespmem:s8+$0x39F0] =	vst v2  }
0x2fd: {  	v2 =	vld.idx.msk [tilespmem:v3+s12+$0x0], $0xffff;
	[tilespmem:s6+$0x39F0] =	vst v4  }
0x2fe: {  	v3 =	vadd.s32 s3, v18;
	v4 =	vld.idx.msk [tilespmem:v5+s12+$0x0], $0xffff  }
0x2ff: {  	v5 =	vadd.s32 s11, v18;
	[tilespmem:s21+$0x39F0] =	vst v6  }
0x300: {  	[tilespmem:s2+$0x3D80] =	vst v0;
	v6 =	vld.idx.msk [tilespmem:v7+s12+$0x0], $0xffff  }
0x301: {  	v7 =	vadd.s32 s14, v18;
	v0 =	vld.idx.msk [tilespmem:v1+s12+$0x0], $0xffff  }
0x302: {  	v1 =	vadd.s32 s0, v20;
	[tilespmem:s8+$0x3D80] =	vst v2  }
0x303: {  	v2 =	vld.idx.msk [tilespmem:v3+s12+$0x0], $0xffff;
	[tilespmem:s6+$0x3D80] =	vst v4  }
0x304: {  	v3 =	vadd.s32 s3, v20;
	v4 =	vld.idx.msk [tilespmem:v5+s12+$0x0], $0xffff  }
0x305: {  	v5 =	vadd.s32 s11, v20;
	[tilespmem:s21+$0x3D80] =	vst v6  }
0x306: {  	[tilespmem:s2+$0x3D90] =	vst v0;
	v6 =	vld.idx.msk [tilespmem:v7+s12+$0x0], $0xffff  }
0x307: {  	v7 =	vadd.s32 s14, v20;
	v0 =	vld.idx.msk [tilespmem:v1+s12+$0x0], $0xffff  }
0x308: {  	[tilespmem:s8+$0x3D90] =	vst v2  }
0x309: {  	v1 =	vadd.s32 s0, v21;
	v2 =	vld.idx.msk [tilespmem:v3+s12+$0x0], $0xffff;
	[tilespmem:s6+$0x3D90] =	vst v4  }
0x30a: {  	[tilespmem:s29+$0x3DA0] =	vst v34;
	v3 =	vadd.s32 s3, v21;
	v4 =	vld.idx.msk [tilespmem:v5+s12+$0x0], $0xffff  }
0x30b: {  	v9 =	vld.idx.msk [tilespmem:v36+s12+$0x0], $0xffff;
	v5 =	vadd.s32 s11, v21;
	[tilespmem:s21+$0x3D90] =	vst v6  }
0x30c: {  	[tilespmem:s2+$0x3DA0] =	vst v0;
	v0 =	vadd.s32 s28, v22;
	v6 =	vld.idx.msk [tilespmem:v7+s12+$0x0], $0xffff  }
0x30d: {  	[tilespmem:s30+$0x41B0] =	vst v33;
	v8 =	vadd.s32 s14, v21;
	v7 =	vld.idx.msk [tilespmem:v35+s12+$0x0], $0xffff  }
0x30e: {  	v1 =	vld.idx.msk [tilespmem:v1+s12+$0x0], $0xffff;
	[tilespmem:s8+$0x3DA0] =	vst v2  }
0x30f: {  	v3 =	vld.idx.msk [tilespmem:v3+s12+$0x0], $0xffff;
	[tilespmem:s6+$0x3DA0] =	vst v4  }
0x310: {  	[tilespmem:s29+$0x3DB0] =	vst v9;
	v2 =	vadd.s32 s0, v22;
	v5 =	vld.idx.msk [tilespmem:v5+s12+$0x0], $0xffff  }
0x311: {  	v4 =	vadd.s32 s3, v22;
	v0 =	vld.idx.msk [tilespmem:v0+s12+$0x0], $0xffff;
	[tilespmem:s21+$0x3DA0] =	vst v6  }
0x312: {  	[tilespmem:s26+$0x3DF0] =	vst v7;
	v6 =	vadd.s32 s11, v22;
	v7 =	vld.idx.msk [tilespmem:v8+s12+$0x0], $0xffff  }
0x313: {  	v9 =	vadd.s32 s14, v22;
	[tilespmem:s2+$0x3DB0] =	vst v1;
	v8 =	vld.idx.msk [tilespmem:v32+s12+$0x0], $0xffff  }
0x314: {  	v1 =	vadd.s32 s28, v23;
	[tilespmem:s8+$0x3DB0] =	vst v3  }
0x315: {  	v10 =	vadd.s32 s25, v27;
	v2 =	vld.idx.msk [tilespmem:v2+s12+$0x0], $0xffff;
	[tilespmem:s6+$0x3DB0] =	vst v5  }
0x316: {  	v3 =	vadd.s32 s0, v23;
	v4 =	vld.idx.msk [tilespmem:v4+s12+$0x0], $0xffff;
	[tilespmem:s29+$0x3DC0] =	vst v0  }
0x317: {  	v5 =	vadd.s32 s3, v23;
	v6 =	vld.idx.msk [tilespmem:v6+s12+$0x0], $0xffff;
	[tilespmem:s21+$0x3DB0] =	vst v7  }
0x318: {  	[tilespmem:s30+$0x41C0] =	vst v8;
	v7 =	vadd.s32 s11, v23;
	v8 =	vld.idx.msk [tilespmem:v9+s12+$0x0], $0xffff  }
0x319: {  	v0 =	vadd.s32 s14, v23;
	v1 =	vld.idx.msk [tilespmem:v1+s12+$0x0], $0xffff  }
0x31a: {  	[tilespmem:s2+$0x3DC0] =	vst v2;
	v2 =	vadd.s32 s28, v24;
	v9 =	vld.idx.msk [tilespmem:v10+s12+$0x0], $0xffff  }
0x31b: {  	v10 =	vadd.s32 s31, v26;
	v3 =	vld.idx.msk [tilespmem:v3+s12+$0x0], $0xffff;
	[tilespmem:s8+$0x3DC0] =	vst v4  }
0x31c: {  	v4 =	vadd.s32 s0, v24;
	v5 =	vld.idx.msk [tilespmem:v5+s12+$0x0], $0xffff;
	[tilespmem:s6+$0x3DC0] =	vst v6  }
0x31d: {  	v6 =	vadd.s32 s3, v24;
	v7 =	vld.idx.msk [tilespmem:v7+s12+$0x0], $0xffff;
	[tilespmem:s21+$0x3DC0] =	vst v8  }
0x31e: {  	[tilespmem:s29+$0x3DD0] =	vst v1;
	v8 =	vadd.s32 s11, v24;
	v0 =	vld.idx.msk [tilespmem:v0+s12+$0x0], $0xffff  }
0x31f: {  	v1 =	vadd.s32 s14, v24;
	v2 =	vld.idx.msk [tilespmem:v2+s12+$0x0], $0xffff;
	[tilespmem:s26+$0x4180] =	vst v9  }
0x320: {  	v9 =	vld.idx.msk [tilespmem:v10+s12+$0x0], $0xffff;
	v10 =	vadd.s32 s25, v28;
	[tilespmem:s2+$0x3DD0] =	vst v3  }
0x321: {  	v3 =	vadd.s32 s28, v25;
	v4 =	vld.idx.msk [tilespmem:v4+s12+$0x0], $0xffff;
	[tilespmem:s8+$0x3DD0] =	vst v5  }
0x322: {  	v5 =	vadd.s32 s0, v25;
	v6 =	vld.idx.msk [tilespmem:v6+s12+$0x0], $0xffff;
	[tilespmem:s6+$0x3DD0] =	vst v7  }
0x323: {  	v7 =	vadd.s32 s3, v25;
	v8 =	vld.idx.msk [tilespmem:v8+s12+$0x0], $0xffff;
	[tilespmem:s21+$0x3DD0] =	vst v0  }
0x324: {  	[tilespmem:s29+$0x3DE0] =	vst v2;
	v0 =	vadd.s32 s11, v25;
	v1 =	vld.idx.msk [tilespmem:v1+s12+$0x0], $0xffff  }
0x325: {  	v2 =	vadd.s32 s14, v25;
	[tilespmem:s30+$0x41D0] =	vst v9;
	v9 =	vld.idx.msk [tilespmem:v10+s12+$0x0], $0xffff  }
0x326: {  	v10 =	vadd.s32 s31, v19;
	v3 =	vld.idx.msk [tilespmem:v3+s12+$0x0], $0xffff;
	[tilespmem:s2+$0x3DE0] =	vst v4  }
0x327: {  	v4 =	vadd.s32 s28, v27;
	v5 =	vld.idx.msk [tilespmem:v5+s12+$0x0], $0xffff;
	[tilespmem:s8+$0x3DE0] =	vst v6  }
0x328: {  	v6 =	vadd.s32 s0, v27;
	v7 =	vld.idx.msk [tilespmem:v7+s12+$0x0], $0xffff;
	[tilespmem:s6+$0x3DE0] =	vst v8  }
0x329: {  	v8 =	vadd.s32 s3, v27;
	v0 =	vld.idx.msk [tilespmem:v0+s12+$0x0], $0xffff;
	[tilespmem:s21+$0x3DE0] =	vst v1  }
0x32a: {  	[tilespmem:s26+$0x4190] =	vst v9;
	v1 =	vadd.s32 s11, v27;
	v2 =	vld.idx.msk [tilespmem:v2+s12+$0x0], $0xffff  }
0x32b: {  	v9 =	vld.idx.msk [tilespmem:v10+s12+$0x0], $0xffff;
	[tilespmem:s29+$0x3DF0] =	vst v3;
	v3 =	vadd.s32 s14, v27  }
0x32c: {  	v10 =	vadd.s32 s25, v29;
	v4 =	vld.idx.msk [tilespmem:v4+s12+$0x0], $0xffff;
	[tilespmem:s2+$0x3DF0] =	vst v5  }
0x32d: {  	v5 =	vadd.s32 s28, v28;
	v6 =	vld.idx.msk [tilespmem:v6+s12+$0x0], $0xffff;
	[tilespmem:s8+$0x3DF0] =	vst v7  }
0x32e: {  	v7 =	vadd.s32 s0, v28;
	v8 =	vld.idx.msk [tilespmem:v8+s12+$0x0], $0xffff;
	[tilespmem:s6+$0x3DF0] =	vst v0  }
0x32f: {  	v0 =	vadd.s32 s3, v28;
	v1 =	vld.idx.msk [tilespmem:v1+s12+$0x0], $0xffff;
	[tilespmem:s21+$0x3DF0] =	vst v2  }
0x330: {  	[tilespmem:s30+$0x41E0] =	vst v9;
	v2 =	vadd.s32 s11, v28;
	v3 =	vld.idx.msk [tilespmem:v3+s12+$0x0], $0xffff  }
0x331: {  	v9 =	vld.idx.msk [tilespmem:v10+s12+$0x0], $0xffff;
	[tilespmem:s29+$0x4180] =	vst v4;
	v4 =	vadd.s32 s14, v28  }
0x332: {  	v10 =	vadd.s32 s31, v15;
	v5 =	vld.idx.msk [tilespmem:v5+s12+$0x0], $0xffff;
	[tilespmem:s2+$0x4180] =	vst v6  }
0x333: {  	v6 =	vadd.s32 s28, v29;
	v7 =	vld.idx.msk [tilespmem:v7+s12+$0x0], $0xffff;
	[tilespmem:s8+$0x4180] =	vst v8  }
0x334: {  	v8 =	vadd.s32 s0, v29;
	v0 =	vld.idx.msk [tilespmem:v0+s12+$0x0], $0xffff;
	[tilespmem:s6+$0x4180] =	vst v1  }
0x335: {  	v1 =	vadd.s32 s3, v29;
	v2 =	vld.idx.msk [tilespmem:v2+s12+$0x0], $0xffff;
	[tilespmem:s21+$0x4180] =	vst v3  }
0x336: {  	[tilespmem:s26+$0x41A0] =	vst v9;
	v3 =	vadd.s32 s11, v29;
	v4 =	vld.idx.msk [tilespmem:v4+s12+$0x0], $0xffff  }
0x337: {  	v9 =	vld.idx.msk [tilespmem:v10+s12+$0x0], $0xffff;
	[tilespmem:s29+$0x4190] =	vst v5;
	v5 =	vadd.s32 s14, v29  }
0x338: {  	v10 =	vadd.s32 s25, v30;
	v6 =	vld.idx.msk [tilespmem:v6+s12+$0x0], $0xffff;
	[tilespmem:s2+$0x4190] =	vst v7  }
0x339: {  	v7 =	vadd.s32 s28, v30;
	v8 =	vld.idx.msk [tilespmem:v8+s12+$0x0], $0xffff;
	[tilespmem:s8+$0x4190] =	vst v0  }
0x33a: {  	v0 =	vadd.s32 s0, v30;
	v1 =	vld.idx.msk [tilespmem:v1+s12+$0x0], $0xffff;
	[tilespmem:s6+$0x4190] =	vst v2  }
0x33b: {  	v2 =	vadd.s32 s3, v30;
	v3 =	vld.idx.msk [tilespmem:v3+s12+$0x0], $0xffff;
	[tilespmem:s21+$0x4190] =	vst v4  }
0x33c: {  	[tilespmem:s30+$0x41F0] =	vst v9;
	v4 =	vadd.s32 s11, v30;
	v5 =	vld.idx.msk [tilespmem:v5+s12+$0x0], $0xffff  }
0x33d: {  	v9 =	vld.idx.msk [tilespmem:v10+s12+$0x0], $0xffff;
	[tilespmem:s29+$0x41A0] =	vst v6;
	v6 =	vadd.s32 s14, v30  }
0x33e: {  	v10 =	vadd.s32 s25, v31;
	v7 =	vld.idx.msk [tilespmem:v7+s12+$0x0], $0xffff;
	[tilespmem:s2+$0x41A0] =	vst v8  }
0x33f: {  	v8 =	vadd.s32 s28, v31;
	v0 =	vld.idx.msk [tilespmem:v0+s12+$0x0], $0xffff;
	[tilespmem:s8+$0x41A0] =	vst v1  }
0x340: {  	v1 =	vadd.s32 s0, v31;
	v2 =	vld.idx.msk [tilespmem:v2+s12+$0x0], $0xffff;
	[tilespmem:s6+$0x41A0] =	vst v3  }
0x341: {  	v3 =	vadd.s32 s3, v31;
	v4 =	vld.idx.msk [tilespmem:v4+s12+$0x0], $0xffff;
	[tilespmem:s21+$0x41A0] =	vst v5  }
0x342: {  	[tilespmem:s26+$0x41B0] =	vst v9;
	v5 =	vadd.s32 s11, v31;
	v6 =	vld.idx.msk [tilespmem:v6+s12+$0x0], $0xffff  }
0x343: {  	v9 =	vld.idx.msk [tilespmem:v10+s12+$0x0], $0xffff;
	[tilespmem:s29+$0x41B0] =	vst v7;
	v7 =	vadd.s32 s14, v31  }
0x344: {  	v10 =	vadd.s32 s25, v26;
	v8 =	vld.idx.msk [tilespmem:v8+s12+$0x0], $0xffff;
	[tilespmem:s2+$0x41B0] =	vst v0  }
0x345: {  	v0 =	vadd.s32 s28, v26;
	v1 =	vld.idx.msk [tilespmem:v1+s12+$0x0], $0xffff;
	[tilespmem:s8+$0x41B0] =	vst v2  }
0x346: {  	v2 =	vadd.s32 s0, v26;
	v3 =	vld.idx.msk [tilespmem:v3+s12+$0x0], $0xffff;
	[tilespmem:s6+$0x41B0] =	vst v4  }
0x347: {  	v4 =	vadd.s32 s3, v26;
	v5 =	vld.idx.msk [tilespmem:v5+s12+$0x0], $0xffff;
	[tilespmem:s21+$0x41B0] =	vst v6  }
0x348: {  	[tilespmem:s26+$0x41C0] =	vst v9;
	v6 =	vadd.s32 s11, v26;
	v7 =	vld.idx.msk [tilespmem:v7+s12+$0x0], $0xffff  }
0x349: {  	v9 =	vld.idx.msk [tilespmem:v10+s12+$0x0], $0xffff;
	[tilespmem:s29+$0x41C0] =	vst v8;
	v8 =	vadd.s32 s14, v26  }
0x34a: {  	v10 =	vadd.s32 s25, v19;
	v0 =	vld.idx.msk [tilespmem:v0+s12+$0x0], $0xffff;
	[tilespmem:s2+$0x41C0] =	vst v1  }
0x34b: {  	v1 =	vadd.s32 s28, v19;
	v2 =	vld.idx.msk [tilespmem:v2+s12+$0x0], $0xffff;
	[tilespmem:s8+$0x41C0] =	vst v3  }
0x34c: {  	v3 =	vadd.s32 s0, v19;
	v4 =	vld.idx.msk [tilespmem:v4+s12+$0x0], $0xffff;
	[tilespmem:s6+$0x41C0] =	vst v5  }
0x34d: {  	v5 =	vadd.s32 s3, v19;
	v6 =	vld.idx.msk [tilespmem:v6+s12+$0x0], $0xffff;
	[tilespmem:s21+$0x41C0] =	vst v7  }
0x34e: {  	[tilespmem:s26+$0x41D0] =	vst v9;
	v7 =	vadd.s32 s11, v19;
	v8 =	vld.idx.msk [tilespmem:v8+s12+$0x0], $0xffff  }
0x34f: {  	v9 =	vld.idx.msk [tilespmem:v10+s12+$0x0], $0xffff;
	[tilespmem:s29+$0x41D0] =	vst v0;
	v0 =	vadd.s32 s14, v19  }
0x350: {  	v10 =	vadd.s32 s25, v15;
	v1 =	vld.idx.msk [tilespmem:v1+s12+$0x0], $0xffff;
	[tilespmem:s2+$0x41D0] =	vst v2  }
0x351: {  	v2 =	vadd.s32 s28, v15;
	v3 =	vld.idx.msk [tilespmem:v3+s12+$0x0], $0xffff;
	[tilespmem:s8+$0x41D0] =	vst v4  }
0x352: {  	v4 =	vadd.s32 s0, v15;
	v5 =	vld.idx.msk [tilespmem:v5+s12+$0x0], $0xffff;
	[tilespmem:s6+$0x41D0] =	vst v6  }
0x353: {  	v6 =	vadd.s32 s3, v15;
	v7 =	vld.idx.msk [tilespmem:v7+s12+$0x0], $0xffff;
	[tilespmem:s21+$0x41D0] =	vst v8  }
0x354: {  	[tilespmem:s26+$0x41E0] =	vst v9;
	v8 =	vadd.s32 s11, v15;
	v0 =	vld.idx.msk [tilespmem:v0+s12+$0x0], $0xffff  }
0x355: {  	v9 =	vld.idx.msk [tilespmem:v10+s12+$0x0], $0xffff;
	[tilespmem:s29+$0x41E0] =	vst v1;
	v1 =	vadd.s32 s14, v15  }
0x356: {  	v2 =	vld.idx.msk [tilespmem:v2+s12+$0x0], $0xffff;
	[tilespmem:s2+$0x41E0] =	vst v3  }
0x357: {  	v3 =	vld.idx.msk [tilespmem:v4+s12+$0x0], $0xffff;
	[tilespmem:s8+$0x41E0] =	vst v5  }
0x358: {  	v4 =	vld.idx.msk [tilespmem:v6+s12+$0x0], $0xffff;
	[tilespmem:s6+$0x41E0] =	vst v7  }
0x359: {  	v5 =	vld.idx.msk [tilespmem:v8+s12+$0x0], $0xffff;
	[tilespmem:s21+$0x41E0] =	vst v0  }
0x35a: {  	[tilespmem:s26+$0x41F0] =	vst v9;
	v0 =	vld.idx.msk [tilespmem:v1+s12+$0x0], $0xffff  }
0x35b: {  	[tilespmem:s29+$0x41F0] =	vst v2  }
0x35c: {  	[tilespmem:s2+$0x41F0] =	vst v3  }
0x35d: {  	[tilespmem:s8+$0x41F0] =	vst v4  }
0x35e: {  	[tilespmem:s6+$0x41F0] =	vst v5  }
0x35f: {  	[tilespmem:s21+$0x41F0] =	vst v0  }
0x360: {  	v0 =	vld [tilespmem:$0x400]  }
0x361: {  	v1 =	vld [tilespmem:$0x410]  }
0x362: {  	v2 =	vld [tilespmem:$0x420]  }
0x363: {  	v3 =	vld [tilespmem:$0x430]  }
0x364: {  	v4 =	vld [tilespmem:$0x440]  }
0x365: {  	v5 =	vld [tilespmem:$0x450]  }
0x366: {  	v6 =	vld [tilespmem:$0x460]  }
0x367: {  	v7 =	vld [tilespmem:$0x470]  }
0x368: {  	v8 =	vld [tilespmem:$0x480]  }
0x369: {  	v9 =	vld [tilespmem:$0x490]  }
0x36a: {  	v10 =	vld [tilespmem:$0x4A0]  }
0x36b: {  	v11 =	vld [tilespmem:$0x4B0]  }
0x36c: {  	v12 =	vld [tilespmem:$0x4C0]  }
0x36d: {  	v13 =	vld [tilespmem:$0x4D0]  }
0x36e: {  	v15 =	vld [tilespmem:$0x4E0]  }
0x36f: {  	v16 =	vld [tilespmem:$0x4F0]  }
0x370: {  	v17 =	vld [tilespmem:$0x500]  }
0x371: {  	v18 =	vld [tilespmem:$0x510]  }
0x372: {  	v19 =	vld [tilespmem:$0x520]  }
0x373: {  	s25 =	simm.s32 $0x0;
	v24 =	vld.idx.msk [tilespmem:v0+s12+$0x0], $0xffff  }
0x374: {  	s0 =	smul.u32 $0xB000, s25;
	v21 =	vld [tilespmem:$0x530]  }
0x375: {  	s25 =	simm.s32 $0x0;
	v22 =	vld [tilespmem:$0x540]  }
0x376: {  	s0 =	sshra.s32 s0, $0x2;
	s26 =	sand.u32 $0x380, s25;
	v23 =	vld [tilespmem:$0x550]  }
0x377: {  	s19 =	sor.u32 s26, s0;
	v20 =	vld [tilespmem:$0x560]  }
0x378: {  	v14 =	vld [tilespmem:$0x570];
	[tilespmem:s19+$0x4580] =	vst v24  }
0x379: {  	v24 =	vld.idx.msk [tilespmem:v1+s12+$0x0], $0xffff;
	_ =	sdelay $0x4  }
0x37a: {  	[tilespmem:s19+$0x4590] =	vst v24  }
0x37b: {  	v24 =	vld.idx.msk [tilespmem:v2+s12+$0x0], $0xffff;
	_ =	sdelay $0x2  }
0x37c: {  	v0 =	vadd.s32 $0x80, v0  }
0x37d: {  	v25 =	vadd.s32 s25, v0  }
0x37e: {  	[tilespmem:s19+$0x45A0] =	vst v24  }
0x37f: {  	v24 =	vld.idx.msk [tilespmem:v3+s12+$0x0], $0xffff;
	_ =	sdelay $0x2  }
0x380: {  	s2 =	simm.s32 $0x0;
	v1 =	vadd.s32 $0x80, v1;
	v25 =	vld.idx.msk [tilespmem:v25+s12+$0x0], $0xffff  }
0x381: {  	s3 =	smul.u32 $0xB000, s2;
	v26 =	vadd.s32 s25, v1  }
0x382: {  	s0 =	simm.s32 $0x80;
	[tilespmem:s19+$0x45B0] =	vst v24  }
0x383: {  	s2 =	sshra.s32 s3, $0x2;
	s6 =	sand.u32 $0x380, s0;
	v24 =	vld.idx.msk [tilespmem:v4+s12+$0x0], $0xffff  }
0x384: {  	s11 =	sor.u32 s6, s2  }
0x385: {  	[tilespmem:s11+$0x4580] =	vst v25  }
0x386: {  	v2 =	vadd.s32 $0x80, v2;
	v25 =	vld.idx.msk [tilespmem:v26+s12+$0x0], $0xffff  }
0x387: {  	v26 =	vadd.s32 s25, v2  }
0x388: {  	[tilespmem:s19+$0x45C0] =	vst v24  }
0x389: {  	v24 =	vld.idx.msk [tilespmem:v5+s12+$0x0], $0xffff;
	_ =	sdelay $0x1  }
0x38a: {  	[tilespmem:s11+$0x4590] =	vst v25  }
0x38b: {  	v3 =	vadd.s32 $0x80, v3;
	v25 =	vld.idx.msk [tilespmem:v26+s12+$0x0], $0xffff  }
0x38c: {  	v26 =	vadd.s32 s25, v3  }
0x38d: {  	[tilespmem:s19+$0x45D0] =	vst v24  }
0x38e: {  	v27 =	vadd.s32 s0, v0;
	v24 =	vld.idx.msk [tilespmem:v6+s12+$0x0], $0xffff;
	_ =	sdelay $0x1  }
0x38f: {  	[tilespmem:s11+$0x45A0] =	vst v25  }
0x390: {  	v4 =	vadd.s32 $0x80, v4;
	v25 =	vld.idx.msk [tilespmem:v26+s12+$0x0], $0xffff  }
0x391: {  	v26 =	vadd.s32 s25, v4  }
0x392: {  	s8 =	simm.s32 $0x0;
	v27 =	vld.idx.msk [tilespmem:v27+s12+$0x0], $0xffff;
	[tilespmem:s19+$0x45E0] =	vst v24  }
0x393: {  	s2 =	smul.u32 $0xB000, s8;
	v28 =	vadd.s32 s0, v1;
	v24 =	vld.idx.msk [tilespmem:v7+s12+$0x0], $0xffff  }
0x394: {  	s3 =	simm.s32 $0x100  }
0x395: {  	s14 =	sand.u32 $0x380, s3;
	s2 =	sshra.s32 s2, $0x2;
	[tilespmem:s11+$0x45B0] =	vst v25  }
0x396: {  	s2 =	sor.u32 s14, s2;
	v5 =	vadd.s32 $0x80, v5;
	v25 =	vld.idx.msk [tilespmem:v26+s12+$0x0], $0xffff  }
0x397: {  	[tilespmem:s2+$0x4580] =	vst v27;
	v26 =	vadd.s32 s25, v5  }
0x398: {  	v27 =	vld.idx.msk [tilespmem:v28+s12+$0x0], $0xffff;
	[tilespmem:s19+$0x45F0] =	vst v24  }
0x399: {  	v28 =	vadd.s32 s0, v2;
	v24 =	vld.idx.msk [tilespmem:v8+s12+$0x0], $0xffff;
	_ =	sdelay $0x1  }
0x39a: {  	[tilespmem:s11+$0x45C0] =	vst v25  }
0x39b: {  	v6 =	vadd.s32 $0x80, v6;
	v25 =	vld.idx.msk [tilespmem:v26+s12+$0x0], $0xffff  }
0x39c: {  	[tilespmem:s2+$0x4590] =	vst v27;
	v26 =	vadd.s32 s25, v6  }
0x39d: {  	v27 =	vld.idx.msk [tilespmem:v28+s12+$0x0], $0xffff;
	[tilespmem:s19+$0x4980] =	vst v24  }
0x39e: {  	v28 =	vadd.s32 s0, v3;
	v24 =	vld.idx.msk [tilespmem:v9+s12+$0x0], $0xffff;
	_ =	sdelay $0x1  }
0x39f: {  	[tilespmem:s11+$0x45D0] =	vst v25  }
0x3a0: {  	v7 =	vadd.s32 $0x80, v7;
	v25 =	vld.idx.msk [tilespmem:v26+s12+$0x0], $0xffff;
	v26 =	vadd.s32 s3, v0  }
0x3a1: {  	[tilespmem:s2+$0x45A0] =	vst v27;
	v27 =	vadd.s32 s25, v7  }
0x3a2: {  	v28 =	vld.idx.msk [tilespmem:v28+s12+$0x0], $0xffff;
	[tilespmem:s19+$0x4990] =	vst v24  }
0x3a3: {  	v29 =	vadd.s32 s0, v4;
	v24 =	vld.idx.msk [tilespmem:v10+s12+$0x0], $0xffff;
	_ =	sdelay $0x1  }
0x3a4: {  	s16 =	simm.s32 $0x0;
	v26 =	vld.idx.msk [tilespmem:v26+s12+$0x0], $0xffff;
	[tilespmem:s11+$0x45E0] =	vst v25  }
0x3a5: {  	s6 =	smul.u32 $0xB000, s16;
	v8 =	vadd.s32 $0x80, v8;
	v25 =	vld.idx.msk [tilespmem:v27+s12+$0x0], $0xffff;
	v27 =	vadd.s32 s3, v1  }
0x3a6: {  	s26 =	simm.s32 $0x180;
	[tilespmem:s2+$0x45B0] =	vst v28;
	v28 =	vadd.s32 s25, v8  }
0x3a7: {  	s18 =	sand.u32 $0x380, s26;
	s6 =	sshra.s32 s6, $0x2;
	v29 =	vld.idx.msk [tilespmem:v29+s12+$0x0], $0xffff;
	[tilespmem:s19+$0x49A0] =	vst v24  }
0x3a8: {  	s8 =	sor.u32 s18, s6;
	v30 =	vadd.s32 s0, v5;
	v24 =	vld.idx.msk [tilespmem:v11+s12+$0x0], $0xffff  }
0x3a9: {  	[tilespmem:s8+$0x4580] =	vst v26  }
0x3aa: {  	v26 =	vld.idx.msk [tilespmem:v27+s12+$0x0], $0xffff;
	[tilespmem:s11+$0x45F0] =	vst v25  }
0x3ab: {  	v27 =	vadd.s32 s3, v2;
	v9 =	vadd.s32 $0x80, v9;
	v25 =	vld.idx.msk [tilespmem:v28+s12+$0x0], $0xffff  }
0x3ac: {  	[tilespmem:s2+$0x45C0] =	vst v29;
	v28 =	vadd.s32 s25, v9  }
0x3ad: {  	v29 =	vld.idx.msk [tilespmem:v30+s12+$0x0], $0xffff;
	[tilespmem:s19+$0x49B0] =	vst v24  }
0x3ae: {  	v30 =	vadd.s32 s0, v6;
	v24 =	vld.idx.msk [tilespmem:v12+s12+$0x0], $0xffff  }
0x3af: {  	[tilespmem:s8+$0x4590] =	vst v26  }
0x3b0: {  	v26 =	vld.idx.msk [tilespmem:v27+s12+$0x0], $0xffff;
	[tilespmem:s11+$0x4980] =	vst v25  }
0x3b1: {  	v27 =	vadd.s32 s3, v3;
	v10 =	vadd.s32 $0x80, v10;
	v25 =	vld.idx.msk [tilespmem:v28+s12+$0x0], $0xffff  }
0x3b2: {  	[tilespmem:s2+$0x45D0] =	vst v29;
	v28 =	vadd.s32 s25, v10  }
0x3b3: {  	v29 =	vld.idx.msk [tilespmem:v30+s12+$0x0], $0xffff;
	[tilespmem:s19+$0x49C0] =	vst v24;
	v24 =	vadd.s32 s26, v0  }
0x3b4: {  	v31 =	vadd.s32 s0, v7;
	v30 =	vld.idx.msk [tilespmem:v13+s12+$0x0], $0xffff  }
0x3b5: {  	[tilespmem:s8+$0x45A0] =	vst v26  }
0x3b6: {  	v26 =	vld.idx.msk [tilespmem:v27+s12+$0x0], $0xffff;
	[tilespmem:s11+$0x4990] =	vst v25  }
0x3b7: {  	v27 =	vadd.s32 s3, v4;
	v11 =	vadd.s32 $0x80, v11;
	v25 =	vld.idx.msk [tilespmem:v28+s12+$0x0], $0xffff  }
0x3b8: {  	s20 =	simm.s32 $0x0;
	[tilespmem:s2+$0x45E0] =	vst v29;
	v28 =	vadd.s32 s25, v11;
	v24 =	vld.idx.msk [tilespmem:v24+s12+$0x0], $0xffff  }
0x3b9: {  	s6 =	smul.u32 $0xB000, s20;
	v29 =	vld.idx.msk [tilespmem:v31+s12+$0x0], $0xffff;
	[tilespmem:s19+$0x49D0] =	vst v30;
	v30 =	vadd.s32 s26, v1  }
0x3ba: {  	s28 =	simm.s32 $0x200;
	v43 =	vadd.s32 s0, v8;
	v31 =	vld.idx.msk [tilespmem:v15+s12+$0x0], $0xffff  }
0x3bb: {  	s30 =	simm.s32 $0x280;
	s21 =	sand.u32 $0x380, s28;
	s6 =	sshra.s32 s6, $0x2;
	[tilespmem:s8+$0x45B0] =	vst v26  }
0x3bc: {  	s6 =	sor.u32 s21, s6;
	v52 =	vadd.s32 s30, v0;
	v26 =	vld.idx.msk [tilespmem:v27+s12+$0x0], $0xffff;
	[tilespmem:s11+$0x49A0] =	vst v25  }
0x3bd: {  	s16 =	simm.s32 $0x0;
	v12 =	vadd.s32 $0x80, v12;
	v25 =	vld.idx.msk [tilespmem:v28+s12+$0x0], $0xffff;
	[tilespmem:s6+$0x4580] =	vst v24;
	v24 =	vadd.s32 s3, v5  }
0x3be: {  	s14 =	smul.u32 $0xB000, s16;
	[tilespmem:s2+$0x45F0] =	vst v29;
	v28 =	vadd.s32 s25, v12;
	v27 =	vld.idx.msk [tilespmem:v30+s12+$0x0], $0xffff  }
0x3bf: {  	v29 =	vld.idx.msk [tilespmem:v43+s12+$0x0], $0xffff;
	v30 =	vadd.s32 s26, v2;
	[tilespmem:s19+$0x49E0] =	vst v31  }
0x3c0: {  	s18 =	sand.u32 $0x380, s30;
	s20 =	simm.s32 $0x0;
	s14 =	sshra.s32 s14, $0x2;
	v44 =	vadd.s32 s0, v9;
	v31 =	vld.idx.msk [tilespmem:v16+s12+$0x0], $0xffff  }
0x3c1: {  	s29 =	sor.u32 s18, s14;
	s14 =	smul.u32 $0xB000, s20;
	s20 =	simm.s32 $0x300;
	v32 =	vld.idx.msk [tilespmem:v52+s12+$0x0], $0xffff;
	[tilespmem:s8+$0x45C0] =	vst v26  }
0x3c2: {  	v63 =	vadd.s32 s20, v0;
	[tilespmem:s11+$0x49B0] =	vst v25;
	v24 =	vld.idx.msk [tilespmem:v24+s12+$0x0], $0xffff  }
0x3c3: {  	v26 =	vadd.s32 s3, v6;
	v13 =	vadd.s32 $0x80, v13;
	v25 =	vld.idx.msk [tilespmem:v28+s12+$0x0], $0xffff;
	[tilespmem:s6+$0x4590] =	vst v27  }
0x3c4: {  	[tilespmem:s2+$0x4980] =	vst v29;
	v28 =	vadd.s32 s25, v13;
	v27 =	vld.idx.msk [tilespmem:v30+s12+$0x0], $0xffff  }
0x3c5: {  	v29 =	vld.idx.msk [tilespmem:v44+s12+$0x0], $0xffff;
	v30 =	vadd.s32 s26, v3;
	[tilespmem:s19+$0x49F0] =	vst v31  }
0x3c6: {  	v45 =	vadd.s32 s0, v10;
	v31 =	vld.idx.msk [tilespmem:v17+s12+$0x0], $0xffff  }
0x3c7: {  	v34 =	vld.idx.msk [tilespmem:v63+s12+$0x0], $0xffff;
	[tilespmem:s8+$0x45D0] =	vst v24  }
0x3c8: {  	[tilespmem:s11+$0x49C0] =	vst v25;
	v25 =	vadd.s32 s28, v0;
	v24 =	vld.idx.msk [tilespmem:v26+s12+$0x0], $0xffff  }
0x3c9: {  	v15 =	vadd.s32 $0x80, v15;
	v26 =	vld.idx.msk [tilespmem:v28+s12+$0x0], $0xffff;
	[tilespmem:s6+$0x45A0] =	vst v27;
	v27 =	vadd.s32 s3, v7  }
0x3ca: {  	s21 =	sand.u32 $0x380, s20;
	s14 =	sshra.s32 s14, $0x2;
	[tilespmem:s2+$0x4990] =	vst v29;
	v29 =	vadd.s32 s25, v15;
	v28 =	vld.idx.msk [tilespmem:v30+s12+$0x0], $0xffff  }
0x3cb: {  	s14 =	sor.u32 s21, s14;
	v30 =	vld.idx.msk [tilespmem:v45+s12+$0x0], $0xffff;
	[tilespmem:s19+$0x4D80] =	vst v31;
	v31 =	vadd.s32 s26, v4  }
0x3cc: {  	[tilespmem:s14+$0x4580] =	vst v32;
	v47 =	vadd.s32 s0, v11;
	v46 =	vld.idx.msk [tilespmem:v18+s12+$0x0], $0xffff  }
0x3cd: {  	v25 =	vld.idx.msk [tilespmem:v25+s12+$0x0], $0xffff;
	[tilespmem:s8+$0x45E0] =	vst v24  }
0x3ce: {  	[tilespmem:s11+$0x49D0] =	vst v26;
	v26 =	vadd.s32 s28, v1;
	v24 =	vld.idx.msk [tilespmem:v27+s12+$0x0], $0xffff  }
0x3cf: {  	v16 =	vadd.s32 $0x80, v16;
	v27 =	vld.idx.msk [tilespmem:v29+s12+$0x0], $0xffff;
	[tilespmem:s6+$0x45B0] =	vst v28;
	v28 =	vadd.s32 s3, v8  }
0x3d0: {  	[tilespmem:s2+$0x49A0] =	vst v30;
	v30 =	vadd.s32 s25, v16;
	v29 =	vld.idx.msk [tilespmem:v31+s12+$0x0], $0xffff  }
0x3d1: {  	v48 =	vadd.s32 s26, v5;
	v31 =	vld.idx.msk [tilespmem:v47+s12+$0x0], $0xffff;
	[tilespmem:s19+$0x4D90] =	vst v46  }
0x3d2: {  	v49 =	vadd.s32 s0, v12;
	[tilespmem:s29+$0x4580] =	vst v25;
	v25 =	vld.idx.msk [tilespmem:v19+s12+$0x0], $0xffff  }
0x3d3: {  	v26 =	vld.idx.msk [tilespmem:v26+s12+$0x0], $0xffff;
	[tilespmem:s8+$0x45F0] =	vst v24  }
0x3d4: {  	[tilespmem:s11+$0x49E0] =	vst v27;
	v27 =	vadd.s32 s28, v2;
	v24 =	vld.idx.msk [tilespmem:v28+s12+$0x0], $0xffff  }
0x3d5: {  	v28 =	vld.idx.msk [tilespmem:v30+s12+$0x0], $0xffff;
	[tilespmem:s6+$0x45C0] =	vst v29;
	v29 =	vadd.s32 s3, v9  }
0x3d6: {  	v54 =	vadd.s32 s30, v1;
	v17 =	vadd.s32 $0x80, v17;
	[tilespmem:s2+$0x49B0] =	vst v31;
	v30 =	vld.idx.msk [tilespmem:v48+s12+$0x0], $0xffff  }
0x3d7: {  	v31 =	vadd.s32 s25, v17;
	v50 =	vld.idx.msk [tilespmem:v49+s12+$0x0], $0xffff;
	[tilespmem:s19+$0x4DA0] =	vst v25  }
0x3d8: {  	v25 =	vadd.s32 s26, v6;
	[tilespmem:s29+$0x4590] =	vst v26;
	v26 =	vld.idx.msk [tilespmem:v21+s12+$0x0], $0xffff  }
0x3d9: {  	v51 =	vadd.s32 s0, v13;
	v27 =	vld.idx.msk [tilespmem:v27+s12+$0x0], $0xffff;
	[tilespmem:s8+$0x4980] =	vst v24  }
0x3da: {  	[tilespmem:s11+$0x49F0] =	vst v28;
	v24 =	vld.idx.msk [tilespmem:v29+s12+$0x0], $0xffff  }
0x3db: {  	v56 =	vld.idx.msk [tilespmem:v54+s12+$0x0], $0xffff;
	v28 =	vadd.s32 s28, v3;
	[tilespmem:s6+$0x45D0] =	vst v30  }
0x3dc: {  	v18 =	vadd.s32 $0x80, v18;
	v29 =	vld.idx.msk [tilespmem:v31+s12+$0x0], $0xffff;
	v30 =	vadd.s32 s3, v10;
	[tilespmem:s2+$0x49C0] =	vst v50  }
0x3dd: {  	v31 =	vadd.s32 s25, v18;
	v25 =	vld.idx.msk [tilespmem:v25+s12+$0x0], $0xffff;
	[tilespmem:s19+$0x4DB0] =	vst v26  }
0x3de: {  	v33 =	vld.idx.msk [tilespmem:v51+s12+$0x0], $0xffff;
	[tilespmem:s29+$0x45A0] =	vst v27;
	v26 =	vadd.s32 s26, v7  }
0x3df: {  	v27 =	vld.idx.msk [tilespmem:v22+s12+$0x0], $0xffff;
	[tilespmem:s8+$0x4990] =	vst v24;
	v24 =	vadd.s32 s0, v15  }
0x3e0: {  	[tilespmem:s14+$0x4590] =	vst v56;
	v28 =	vld.idx.msk [tilespmem:v28+s12+$0x0], $0xffff  }
0x3e1: {  	[tilespmem:s11+$0x4D80] =	vst v29;
	v29 =	vadd.s32 s28, v4;
	v30 =	vld.idx.msk [tilespmem:v30+s12+$0x0], $0xffff  }
0x3e2: {  	v31 =	vld.idx.msk [tilespmem:v31+s12+$0x0], $0xffff;
	[tilespmem:s6+$0x45E0] =	vst v25;
	v25 =	vadd.s32 s3, v11  }
0x3e3: {  	v57 =	vadd.s32 s30, v2;
	v19 =	vadd.s32 $0x80, v19;
	[tilespmem:s2+$0x49D0] =	vst v33;
	v26 =	vld.idx.msk [tilespmem:v26+s12+$0x0], $0xffff  }
0x3e4: {  	v53 =	vadd.s32 s25, v19;
	[tilespmem:s19+$0x4DC0] =	vst v27;
	v24 =	vld.idx.msk [tilespmem:v24+s12+$0x0], $0xffff  }
0x3e5: {  	[tilespmem:s29+$0x45B0] =	vst v28;
	v27 =	vadd.s32 s26, v8;
	v28 =	vld.idx.msk [tilespmem:v23+s12+$0x0], $0xffff  }
0x3e6: {  	v29 =	vld.idx.msk [tilespmem:v29+s12+$0x0], $0xffff;
	[tilespmem:s8+$0x49A0] =	vst v30;
	v30 =	vadd.s32 s0, v16  }
0x3e7: {  	[tilespmem:s11+$0x4D90] =	vst v31;
	v25 =	vld.idx.msk [tilespmem:v25+s12+$0x0], $0xffff  }
0x3e8: {  	v33 =	vld.idx.msk [tilespmem:v57+s12+$0x0], $0xffff;
	v31 =	vadd.s32 s28, v5;
	[tilespmem:s6+$0x45F0] =	vst v26  }
0x3e9: {  	v21 =	vadd.s32 $0x80, v21;
	v55 =	vld.idx.msk [tilespmem:v53+s12+$0x0], $0xffff;
	v26 =	vadd.s32 s3, v12;
	[tilespmem:s2+$0x49E0] =	vst v24  }
0x3ea: {  	v27 =	vld.idx.msk [tilespmem:v27+s12+$0x0], $0xffff;
	v24 =	vadd.s32 s25, v21;
	[tilespmem:s19+$0x4DD0] =	vst v28  }
0x3eb: {  	[tilespmem:s29+$0x45C0] =	vst v29;
	v28 =	vadd.s32 s26, v9;
	v30 =	vld.idx.msk [tilespmem:v30+s12+$0x0], $0xffff  }
0x3ec: {  	v29 =	vld.idx.msk [tilespmem:v20+s12+$0x0], $0xffff;
	[tilespmem:s8+$0x49B0] =	vst v25;
	v25 =	vadd.s32 s0, v17  }
0x3ed: {  	[tilespmem:s14+$0x45A0] =	vst v33;
	v31 =	vld.idx.msk [tilespmem:v31+s12+$0x0], $0xffff  }
0x3ee: {  	v58 =	vadd.s32 s28, v6;
	[tilespmem:s11+$0x4DA0] =	vst v55;
	v26 =	vld.idx.msk [tilespmem:v26+s12+$0x0], $0xffff  }
0x3ef: {  	v22 =	vadd.s32 $0x80, v22;
	[tilespmem:s6+$0x4980] =	vst v27;
	v27 =	vadd.s32 s3, v13;
	v24 =	vld.idx.msk [tilespmem:v24+s12+$0x0], $0xffff  }
0x3f0: {  	v28 =	vld.idx.msk [tilespmem:v28+s12+$0x0], $0xffff;
	[tilespmem:s2+$0x49F0] =	vst v30;
	v30 =	vadd.s32 s25, v22  }
0x3f1: {  	v59 =	vadd.s32 s30, v3;
	[tilespmem:s19+$0x4DE0] =	vst v29;
	v25 =	vld.idx.msk [tilespmem:v25+s12+$0x0], $0xffff  }
0x3f2: {  	[tilespmem:s29+$0x45D0] =	vst v31;
	v29 =	vadd.s32 s26, v10;
	v60 =	vld.idx.msk [tilespmem:v14+s12+$0x0], $0xffff  }
0x3f3: {  	v62 =	vadd.s32 s0, v18;
	v61 =	vld.idx.msk [tilespmem:v58+s12+$0x0], $0xffff;
	[tilespmem:s8+$0x49C0] =	vst v26  }
0x3f4: {  	v31 =	vadd.s32 s28, v7;
	v27 =	vld.idx.msk [tilespmem:v27+s12+$0x0], $0xffff;
	[tilespmem:s11+$0x4DB0] =	vst v24  }
0x3f5: {  	v23 =	vadd.s32 $0x80, v23;
	[tilespmem:s6+$0x4990] =	vst v28;
	v28 =	vadd.s32 s3, v15;
	v26 =	vld.idx.msk [tilespmem:v30+s12+$0x0], $0xffff  }
0x3f6: {  	v32 =	vld.idx.msk [tilespmem:v59+s12+$0x0], $0xffff;
	[tilespmem:s2+$0x4D80] =	vst v25;
	v25 =	vadd.s32 s25, v23  }
0x3f7: {  	v33 =	vadd.s32 s30, v4;
	v29 =	vld.idx.msk [tilespmem:v29+s12+$0x0], $0xffff;
	[tilespmem:s19+$0x4DF0] =	vst v60  }
0x3f8: {  	s31 =	simm.s32 $0x300;
	s16 =	simm.s32 $0x8;
	v20 =	vadd.s32 $0x80, v20;
	v14 =	vadd.s32 $0x80, v14;
	v30 =	vadd.s32 s26, v11;
	s19 =	simm.s32 $0x7;
	[tilespmem:s29+$0x45E0] =	vst v61;
	v24 =	vld.idx.msk [tilespmem:v62+s12+$0x0], $0xffff  }
.LBB2_7:
0x3f9: {  	p1 =	sne.s32 s16, $0x1F;
	s18 =	sshrl.u32 s19, $0x3;
	v31 =	vld.idx.msk [tilespmem:v31+s12+$0x0], $0xffff;
	[tilespmem:s8+$0x49D0] =	vst v27;
	v27 =	vadd.s32 s0, v19;
	s21 =	smov.u32 s14  }
0x3fa: {  	v35 =	vadd.s32 s20, v1;
	s19 =	smov.u32 s16;
	s14 =	smul.u32 $0xB000, s18;
	v28 =	vld.idx.msk [tilespmem:v28+s12+$0x0], $0xffff;
	[tilespmem:s11+$0x4DC0] =	vst v26  }
0x3fb: {  	s20 =	sadd.s32 $0x80, s20;
	v26 =	vadd.s32 s28, v8;
	[tilespmem:s21+$0x45B0] =	vst v32;
	v25 =	vld.idx.msk [tilespmem:v25+s12+$0x0], $0xffff  }
0x3fc: {  	s18 =	sand.u32 $0x380, s20;
	s14 =	sshra.s32 s14, $0x2;
	v32 =	vld.idx.msk [tilespmem:v33+s12+$0x0], $0xffff;
	[tilespmem:s6+$0x49A0] =	vst v29;
	v29 =	vadd.s32 s3, v16  }
0x3fd: {  	s14 =	sor.u32 s18, s14;
	v30 =	vld.idx.msk [tilespmem:v30+s12+$0x0], $0xffff;
	[tilespmem:s2+$0x4D90] =	vst v24;
	v24 =	vadd.s32 s25, v20  }
0x3fe: {  	v33 =	vadd.s32 s30, v5;
	[tilespmem:s14+$0x4580] =	vst v34;
	v27 =	vld.idx.msk [tilespmem:v27+s12+$0x0], $0xffff  }
0x3ff: {  	v34 =	vld.idx.msk [tilespmem:v35+s12+$0x0], $0xffff;
	[tilespmem:s29+$0x45F0] =	vst v31;
	v31 =	vadd.s32 s26, v12  }
0x400: {  	v26 =	vld.idx.msk [tilespmem:v26+s12+$0x0], $0xffff;
	[tilespmem:s8+$0x49E0] =	vst v28;
	v28 =	vadd.s32 s0, v21  }
0x401: {  	v35 =	vadd.s32 s31, v2;
	v29 =	vld.idx.msk [tilespmem:v29+s12+$0x0], $0xffff;
	[tilespmem:s11+$0x4DD0] =	vst v25  }
0x402: {  	v25 =	vadd.s32 s28, v9;
	[tilespmem:s21+$0x45C0] =	vst v32;
	v24 =	vld.idx.msk [tilespmem:v24+s12+$0x0], $0xffff  }
0x403: {  	v32 =	vld.idx.msk [tilespmem:v33+s12+$0x0], $0xffff;
	[tilespmem:s6+$0x49B0] =	vst v30;
	v30 =	vadd.s32 s3, v17  }
0x404: {  	v31 =	vld.idx.msk [tilespmem:v31+s12+$0x0], $0xffff;
	[tilespmem:s2+$0x4DA0] =	vst v27;
	v27 =	vadd.s32 s25, v14;
	s25 =	smov.u32 s0;
	s0 =	smov.u32 s3;
	s3 =	smov.u32 s26  }
0x405: {  	v33 =	vadd.s32 s30, v6;
	s26 =	smov.u32 s28;
	s28 =	smov.u32 s30;
	s30 =	smov.u32 s31;
	[tilespmem:s14+$0x4590] =	vst v34;
	v28 =	vld.idx.msk [tilespmem:v28+s12+$0x0], $0xffff  }
0x406: {  	s31 =	smov.u32 s20;
	v34 =	vld.idx.msk [tilespmem:v35+s12+$0x0], $0xffff;
	[tilespmem:s29+$0x4980] =	vst v26;
	v26 =	vadd.s32 s3, v13  }
0x407: {  	v25 =	vld.idx.msk [tilespmem:v25+s12+$0x0], $0xffff;
	[tilespmem:s8+$0x49F0] =	vst v29;
	v29 =	vadd.s32 s25, v22  }
0x408: {  	v35 =	vadd.s32 s30, v3;
	v30 =	vld.idx.msk [tilespmem:v30+s12+$0x0], $0xffff;
	[tilespmem:s11+$0x4DE0] =	vst v24  }
0x409: {  	v24 =	vadd.s32 s26, v10;
	[tilespmem:s21+$0x45D0] =	vst v32;
	v36 =	vld.idx.msk [tilespmem:v27+s12+$0x0], $0xffff  }
0x40a: {  	v38 =	vadd.s32 s0, v18;
	v37 =	vld.idx.msk [tilespmem:v33+s12+$0x0], $0xffff;
	[tilespmem:s6+$0x49C0] =	vst v31  }
0x40b: {  	v39 =	vadd.s32 s20, v0;
	v27 =	vld.idx.msk [tilespmem:v26+s12+$0x0], $0xffff;
	[tilespmem:s2+$0x4DB0] =	vst v28  }
.Ltmp4:
0x40c: {  	v31 =	vadd.s32 s28, v7;
	[tilespmem:s14+$0x45A0] =	vst v34;
	v26 =	vld.idx.msk [tilespmem:v29+s12+$0x0], $0xffff;
	(pc) =	sbr.rel @p1 .LBB2_7-.Ltmp4, $4  }
0x40d: {  	v28 =	vadd.s32 s3, v15;
	v32 =	vld.idx.msk [tilespmem:v35+s12+$0x0], $0xffff;
	[tilespmem:s29+$0x4990] =	vst v25  }
0x40e: {  	v25 =	vadd.s32 s25, v23;
	v29 =	vld.idx.msk [tilespmem:v24+s12+$0x0], $0xffff;
	[tilespmem:s8+$0x4D80] =	vst v30  }
0x40f: {  	v33 =	vadd.s32 s30, v4;
	v24 =	vld.idx.msk [tilespmem:v38+s12+$0x0], $0xffff;
	[tilespmem:s11+$0x4DF0] =	vst v36;
	s11 =	smov.u32 s2;
	s2 =	smov.u32 s8;
	s8 =	smov.u32 s6  }
0x410: {  	s16 =	sadd.s32 $0x1, s16;
	v30 =	vadd.s32 s26, v11;
	s6 =	smov.u32 s29;
	s29 =	smov.u32 s21;
	v34 =	vld.idx.msk [tilespmem:v39+s12+$0x0], $0xffff;
	[tilespmem:s21+$0x45E0] =	vst v37  }
0x411: {  	s16 =	sshrl.u32 s19, $0x3  }
0x412: {  	v0 =	vadd.s32 s20, v1;
	s16 =	smul.u32 $0xB000, s16  }
0x413: {  	s18 =	sadd.s32 $0x80, s20  }
0x414: {  	s18 =	sand.u32 $0x380, s18;
	s16 =	sshra.s32 s16, $0x2  }
0x415: {  	s21 =	sor.u32 s18, s16  }
0x416: {  	[tilespmem:s21+$0x4580] =	vst v34  }
0x417: {  	v0 =	vld.idx.msk [tilespmem:v0+s12+$0x0], $0xffff  }
0x418: {  	v1 =	vadd.s32 s31, v2;
	_ =	sdelay $0x3  }
0x419: {  	[tilespmem:s21+$0x4590] =	vst v0  }
0x41a: {  	v0 =	vld.idx.msk [tilespmem:v1+s12+$0x0], $0xffff  }
0x41b: {  	v1 =	vadd.s32 s31, v3;
	_ =	sdelay $0x3  }
0x41c: {  	[tilespmem:s21+$0x45A0] =	vst v0  }
0x41d: {  	v0 =	vld.idx.msk [tilespmem:v1+s12+$0x0], $0xffff  }
0x41e: {  	v1 =	vadd.s32 s31, v4;
	_ =	sdelay $0x2  }
0x41f: {  	[tilespmem:s14+$0x45B0] =	vst v32  }
0x420: {  	v2 =	vld.idx.msk [tilespmem:v33+s12+$0x0], $0xffff;
	[tilespmem:s21+$0x45B0] =	vst v0  }
0x421: {  	v0 =	vadd.s32 s30, v5;
	v1 =	vld.idx.msk [tilespmem:v1+s12+$0x0], $0xffff  }
0x422: {  	v3 =	vadd.s32 s31, v5;
	_ =	sdelay $0x2  }
0x423: {  	[tilespmem:s14+$0x45C0] =	vst v2  }
0x424: {  	v0 =	vld.idx.msk [tilespmem:v0+s12+$0x0], $0xffff;
	[tilespmem:s21+$0x45C0] =	vst v1  }
0x425: {  	v1 =	vadd.s32 s30, v6;
	v2 =	vld.idx.msk [tilespmem:v3+s12+$0x0], $0xffff  }
0x426: {  	v3 =	vadd.s32 s31, v6;
	_ =	sdelay $0x2  }
0x427: {  	[tilespmem:s14+$0x45D0] =	vst v0  }
0x428: {  	v0 =	vld.idx.msk [tilespmem:v1+s12+$0x0], $0xffff;
	[tilespmem:s21+$0x45D0] =	vst v2  }
0x429: {  	v1 =	vadd.s32 s30, v7;
	v2 =	vld.idx.msk [tilespmem:v3+s12+$0x0], $0xffff  }
0x42a: {  	v3 =	vadd.s32 s31, v7;
	_ =	sdelay $0x2  }
0x42b: {  	v4 =	vld.idx.msk [tilespmem:v31+s12+$0x0], $0xffff;
	[tilespmem:s14+$0x45E0] =	vst v0  }
0x42c: {  	v0 =	vadd.s32 s28, v8;
	v1 =	vld.idx.msk [tilespmem:v1+s12+$0x0], $0xffff;
	[tilespmem:s21+$0x45E0] =	vst v2  }
0x42d: {  	v2 =	vadd.s32 s30, v8;
	v3 =	vld.idx.msk [tilespmem:v3+s12+$0x0], $0xffff  }
0x42e: {  	v5 =	vadd.s32 s31, v8;
	_ =	sdelay $0x1  }
0x42f: {  	[tilespmem:s29+$0x45F0] =	vst v4  }
0x430: {  	v0 =	vld.idx.msk [tilespmem:v0+s12+$0x0], $0xffff;
	[tilespmem:s14+$0x45F0] =	vst v1  }
0x431: {  	v1 =	vadd.s32 s28, v9;
	v2 =	vld.idx.msk [tilespmem:v2+s12+$0x0], $0xffff;
	[tilespmem:s21+$0x45F0] =	vst v3  }
0x432: {  	v3 =	vadd.s32 s30, v9;
	v4 =	vld.idx.msk [tilespmem:v5+s12+$0x0], $0xffff  }
0x433: {  	v5 =	vadd.s32 s31, v9;
	_ =	sdelay $0x1  }
0x434: {  	[tilespmem:s29+$0x4980] =	vst v0  }
0x435: {  	v0 =	vld.idx.msk [tilespmem:v1+s12+$0x0], $0xffff;
	[tilespmem:s14+$0x4980] =	vst v2  }
0x436: {  	v1 =	vadd.s32 s28, v10;
	v2 =	vld.idx.msk [tilespmem:v3+s12+$0x0], $0xffff;
	[tilespmem:s21+$0x4980] =	vst v4  }
0x437: {  	v3 =	vadd.s32 s30, v10;
	v4 =	vld.idx.msk [tilespmem:v5+s12+$0x0], $0xffff  }
0x438: {  	v5 =	vadd.s32 s31, v10;
	_ =	sdelay $0x1  }
0x439: {  	[tilespmem:s29+$0x4990] =	vst v0  }
0x43a: {  	v0 =	vld.idx.msk [tilespmem:v1+s12+$0x0], $0xffff;
	[tilespmem:s14+$0x4990] =	vst v2  }
0x43b: {  	v1 =	vadd.s32 s28, v11;
	v2 =	vld.idx.msk [tilespmem:v3+s12+$0x0], $0xffff;
	[tilespmem:s21+$0x4990] =	vst v4  }
0x43c: {  	v3 =	vadd.s32 s30, v11;
	v4 =	vld.idx.msk [tilespmem:v5+s12+$0x0], $0xffff  }
0x43d: {  	v5 =	vadd.s32 s31, v11  }
0x43e: {  	[tilespmem:s6+$0x49A0] =	vst v29  }
0x43f: {  	v6 =	vld.idx.msk [tilespmem:v30+s12+$0x0], $0xffff;
	[tilespmem:s29+$0x49A0] =	vst v0  }
0x440: {  	v0 =	vadd.s32 s26, v12;
	v1 =	vld.idx.msk [tilespmem:v1+s12+$0x0], $0xffff;
	[tilespmem:s14+$0x49A0] =	vst v2  }
0x441: {  	v2 =	vadd.s32 s28, v12;
	v3 =	vld.idx.msk [tilespmem:v3+s12+$0x0], $0xffff;
	[tilespmem:s21+$0x49A0] =	vst v4  }
0x442: {  	v4 =	vadd.s32 s30, v12;
	v5 =	vld.idx.msk [tilespmem:v5+s12+$0x0], $0xffff  }
0x443: {  	v7 =	vadd.s32 s31, v12  }
0x444: {  	[tilespmem:s6+$0x49B0] =	vst v6  }
0x445: {  	v0 =	vld.idx.msk [tilespmem:v0+s12+$0x0], $0xffff;
	[tilespmem:s29+$0x49B0] =	vst v1  }
0x446: {  	v1 =	vadd.s32 s26, v13;
	v2 =	vld.idx.msk [tilespmem:v2+s12+$0x0], $0xffff;
	[tilespmem:s14+$0x49B0] =	vst v3  }
0x447: {  	v3 =	vadd.s32 s28, v13;
	v4 =	vld.idx.msk [tilespmem:v4+s12+$0x0], $0xffff;
	[tilespmem:s21+$0x49B0] =	vst v5  }
0x448: {  	v5 =	vadd.s32 s30, v13;
	v6 =	vld.idx.msk [tilespmem:v7+s12+$0x0], $0xffff  }
0x449: {  	v7 =	vadd.s32 s31, v13  }
0x44a: {  	[tilespmem:s6+$0x49C0] =	vst v0  }
0x44b: {  	v0 =	vld.idx.msk [tilespmem:v1+s12+$0x0], $0xffff;
	[tilespmem:s29+$0x49C0] =	vst v2  }
0x44c: {  	v1 =	vadd.s32 s26, v15;
	v2 =	vld.idx.msk [tilespmem:v3+s12+$0x0], $0xffff;
	[tilespmem:s14+$0x49C0] =	vst v4  }
0x44d: {  	v3 =	vadd.s32 s28, v15;
	v4 =	vld.idx.msk [tilespmem:v5+s12+$0x0], $0xffff;
	[tilespmem:s21+$0x49C0] =	vst v6  }
0x44e: {  	[tilespmem:s8+$0x49D0] =	vst v27;
	v5 =	vadd.s32 s30, v15;
	v6 =	vld.idx.msk [tilespmem:v7+s12+$0x0], $0xffff  }
0x44f: {  	[tilespmem:s11+$0x4DC0] =	vst v26;
	v7 =	vadd.s32 s31, v15  }
0x450: {  	v8 =	vld.idx.msk [tilespmem:v28+s12+$0x0], $0xffff;
	[tilespmem:s6+$0x49D0] =	vst v0  }
0x451: {  	v0 =	vadd.s32 s3, v16;
	v1 =	vld.idx.msk [tilespmem:v1+s12+$0x0], $0xffff;
	[tilespmem:s29+$0x49D0] =	vst v2  }
0x452: {  	v2 =	vadd.s32 s26, v16;
	v3 =	vld.idx.msk [tilespmem:v3+s12+$0x0], $0xffff;
	[tilespmem:s14+$0x49D0] =	vst v4  }
0x453: {  	v4 =	vadd.s32 s28, v16;
	v5 =	vld.idx.msk [tilespmem:v5+s12+$0x0], $0xffff;
	[tilespmem:s21+$0x49D0] =	vst v6  }
0x454: {  	[tilespmem:s2+$0x4D90] =	vst v24;
	v6 =	vadd.s32 s30, v16;
	v7 =	vld.idx.msk [tilespmem:v7+s12+$0x0], $0xffff  }
0x455: {  	[tilespmem:s8+$0x49E0] =	vst v8;
	v8 =	vadd.s32 s31, v16;
	v9 =	vld.idx.msk [tilespmem:v25+s12+$0x0], $0xffff  }
0x456: {  	v10 =	vadd.s32 s0, v19;
	v0 =	vld.idx.msk [tilespmem:v0+s12+$0x0], $0xffff;
	[tilespmem:s6+$0x49E0] =	vst v1  }
0x457: {  	v1 =	vadd.s32 s3, v17;
	v2 =	vld.idx.msk [tilespmem:v2+s12+$0x0], $0xffff;
	[tilespmem:s29+$0x49E0] =	vst v3  }
0x458: {  	v3 =	vadd.s32 s26, v17;
	v4 =	vld.idx.msk [tilespmem:v4+s12+$0x0], $0xffff;
	[tilespmem:s14+$0x49E0] =	vst v5  }
0x459: {  	v5 =	vadd.s32 s28, v17;
	v6 =	vld.idx.msk [tilespmem:v6+s12+$0x0], $0xffff;
	[tilespmem:s21+$0x49E0] =	vst v7  }
0x45a: {  	[tilespmem:s11+$0x4DD0] =	vst v9;
	v7 =	vadd.s32 s30, v17;
	v8 =	vld.idx.msk [tilespmem:v8+s12+$0x0], $0xffff  }
0x45b: {  	v9 =	vld.idx.msk [tilespmem:v10+s12+$0x0], $0xffff;
	[tilespmem:s8+$0x49F0] =	vst v0;
	v0 =	vadd.s32 s31, v17  }
0x45c: {  	v10 =	vadd.s32 s25, v20;
	v1 =	vld.idx.msk [tilespmem:v1+s12+$0x0], $0xffff;
	[tilespmem:s6+$0x49F0] =	vst v2  }
0x45d: {  	v2 =	vadd.s32 s3, v18;
	v3 =	vld.idx.msk [tilespmem:v3+s12+$0x0], $0xffff;
	[tilespmem:s29+$0x49F0] =	vst v4  }
0x45e: {  	v4 =	vadd.s32 s26, v18;
	v5 =	vld.idx.msk [tilespmem:v5+s12+$0x0], $0xffff;
	[tilespmem:s14+$0x49F0] =	vst v6  }
0x45f: {  	v6 =	vadd.s32 s28, v18;
	v7 =	vld.idx.msk [tilespmem:v7+s12+$0x0], $0xffff;
	[tilespmem:s21+$0x49F0] =	vst v8  }
0x460: {  	[tilespmem:s2+$0x4DA0] =	vst v9;
	v8 =	vadd.s32 s30, v18;
	v0 =	vld.idx.msk [tilespmem:v0+s12+$0x0], $0xffff  }
0x461: {  	v9 =	vld.idx.msk [tilespmem:v10+s12+$0x0], $0xffff;
	[tilespmem:s8+$0x4D80] =	vst v1;
	v1 =	vadd.s32 s31, v18  }
0x462: {  	v10 =	vadd.s32 s0, v21;
	v2 =	vld.idx.msk [tilespmem:v2+s12+$0x0], $0xffff;
	[tilespmem:s6+$0x4D80] =	vst v3  }
0x463: {  	v3 =	vadd.s32 s3, v19;
	v4 =	vld.idx.msk [tilespmem:v4+s12+$0x0], $0xffff;
	[tilespmem:s29+$0x4D80] =	vst v5  }
0x464: {  	v5 =	vadd.s32 s26, v19;
	v6 =	vld.idx.msk [tilespmem:v6+s12+$0x0], $0xffff;
	[tilespmem:s14+$0x4D80] =	vst v7  }
0x465: {  	v7 =	vadd.s32 s28, v19;
	v8 =	vld.idx.msk [tilespmem:v8+s12+$0x0], $0xffff;
	[tilespmem:s21+$0x4D80] =	vst v0  }
0x466: {  	[tilespmem:s11+$0x4DE0] =	vst v9;
	v0 =	vadd.s32 s30, v19;
	v1 =	vld.idx.msk [tilespmem:v1+s12+$0x0], $0xffff  }
0x467: {  	v9 =	vld.idx.msk [tilespmem:v10+s12+$0x0], $0xffff;
	[tilespmem:s8+$0x4D90] =	vst v2;
	v2 =	vadd.s32 s31, v19  }
0x468: {  	v10 =	vadd.s32 s25, v14;
	v3 =	vld.idx.msk [tilespmem:v3+s12+$0x0], $0xffff;
	[tilespmem:s6+$0x4D90] =	vst v4  }
0x469: {  	v4 =	vadd.s32 s3, v21;
	v5 =	vld.idx.msk [tilespmem:v5+s12+$0x0], $0xffff;
	[tilespmem:s29+$0x4D90] =	vst v6  }
0x46a: {  	v6 =	vadd.s32 s26, v21;
	v7 =	vld.idx.msk [tilespmem:v7+s12+$0x0], $0xffff;
	[tilespmem:s14+$0x4D90] =	vst v8  }
0x46b: {  	v8 =	vadd.s32 s28, v21;
	v0 =	vld.idx.msk [tilespmem:v0+s12+$0x0], $0xffff;
	[tilespmem:s21+$0x4D90] =	vst v1  }
0x46c: {  	[tilespmem:s2+$0x4DB0] =	vst v9;
	v1 =	vadd.s32 s30, v21;
	v2 =	vld.idx.msk [tilespmem:v2+s12+$0x0], $0xffff  }
0x46d: {  	v9 =	vld.idx.msk [tilespmem:v10+s12+$0x0], $0xffff;
	[tilespmem:s8+$0x4DA0] =	vst v3;
	v3 =	vadd.s32 s31, v21  }
0x46e: {  	v10 =	vadd.s32 s0, v22;
	v4 =	vld.idx.msk [tilespmem:v4+s12+$0x0], $0xffff;
	[tilespmem:s6+$0x4DA0] =	vst v5  }
0x46f: {  	v5 =	vadd.s32 s3, v22;
	v6 =	vld.idx.msk [tilespmem:v6+s12+$0x0], $0xffff;
	[tilespmem:s29+$0x4DA0] =	vst v7  }
0x470: {  	v7 =	vadd.s32 s26, v22;
	v8 =	vld.idx.msk [tilespmem:v8+s12+$0x0], $0xffff;
	[tilespmem:s14+$0x4DA0] =	vst v0  }
0x471: {  	v0 =	vadd.s32 s28, v22;
	v1 =	vld.idx.msk [tilespmem:v1+s12+$0x0], $0xffff;
	[tilespmem:s21+$0x4DA0] =	vst v2  }
0x472: {  	[tilespmem:s11+$0x4DF0] =	vst v9;
	v2 =	vadd.s32 s30, v22;
	v3 =	vld.idx.msk [tilespmem:v3+s12+$0x0], $0xffff  }
0x473: {  	v9 =	vld.idx.msk [tilespmem:v10+s12+$0x0], $0xffff;
	[tilespmem:s8+$0x4DB0] =	vst v4;
	v4 =	vadd.s32 s31, v22  }
0x474: {  	v10 =	vadd.s32 s0, v23;
	v5 =	vld.idx.msk [tilespmem:v5+s12+$0x0], $0xffff;
	[tilespmem:s6+$0x4DB0] =	vst v6  }
0x475: {  	v6 =	vadd.s32 s3, v23;
	v7 =	vld.idx.msk [tilespmem:v7+s12+$0x0], $0xffff;
	[tilespmem:s29+$0x4DB0] =	vst v8  }
0x476: {  	v8 =	vadd.s32 s26, v23;
	v0 =	vld.idx.msk [tilespmem:v0+s12+$0x0], $0xffff;
	[tilespmem:s14+$0x4DB0] =	vst v1  }
0x477: {  	v1 =	vadd.s32 s28, v23;
	v2 =	vld.idx.msk [tilespmem:v2+s12+$0x0], $0xffff;
	[tilespmem:s21+$0x4DB0] =	vst v3  }
0x478: {  	[tilespmem:s2+$0x4DC0] =	vst v9;
	v3 =	vadd.s32 s30, v23;
	v4 =	vld.idx.msk [tilespmem:v4+s12+$0x0], $0xffff  }
0x479: {  	v9 =	vld.idx.msk [tilespmem:v10+s12+$0x0], $0xffff;
	[tilespmem:s8+$0x4DC0] =	vst v5;
	v5 =	vadd.s32 s31, v23  }
0x47a: {  	v10 =	vadd.s32 s0, v20;
	v6 =	vld.idx.msk [tilespmem:v6+s12+$0x0], $0xffff;
	[tilespmem:s6+$0x4DC0] =	vst v7  }
0x47b: {  	v7 =	vadd.s32 s3, v20;
	v8 =	vld.idx.msk [tilespmem:v8+s12+$0x0], $0xffff;
	[tilespmem:s29+$0x4DC0] =	vst v0  }
0x47c: {  	v0 =	vadd.s32 s26, v20;
	v1 =	vld.idx.msk [tilespmem:v1+s12+$0x0], $0xffff;
	[tilespmem:s14+$0x4DC0] =	vst v2  }
0x47d: {  	v2 =	vadd.s32 s28, v20;
	v3 =	vld.idx.msk [tilespmem:v3+s12+$0x0], $0xffff;
	[tilespmem:s21+$0x4DC0] =	vst v4  }
0x47e: {  	[tilespmem:s2+$0x4DD0] =	vst v9;
	v4 =	vadd.s32 s30, v20;
	v5 =	vld.idx.msk [tilespmem:v5+s12+$0x0], $0xffff  }
0x47f: {  	v9 =	vld.idx.msk [tilespmem:v10+s12+$0x0], $0xffff;
	[tilespmem:s8+$0x4DD0] =	vst v6;
	v6 =	vadd.s32 s31, v20  }
0x480: {  	v10 =	vadd.s32 s0, v14;
	v7 =	vld.idx.msk [tilespmem:v7+s12+$0x0], $0xffff;
	[tilespmem:s6+$0x4DD0] =	vst v8  }
0x481: {  	v8 =	vadd.s32 s3, v14;
	v0 =	vld.idx.msk [tilespmem:v0+s12+$0x0], $0xffff;
	[tilespmem:s29+$0x4DD0] =	vst v1  }
0x482: {  	v1 =	vadd.s32 s26, v14;
	v2 =	vld.idx.msk [tilespmem:v2+s12+$0x0], $0xffff;
	[tilespmem:s14+$0x4DD0] =	vst v3  }
0x483: {  	v3 =	vadd.s32 s28, v14;
	v4 =	vld.idx.msk [tilespmem:v4+s12+$0x0], $0xffff;
	[tilespmem:s21+$0x4DD0] =	vst v5  }
0x484: {  	[tilespmem:s2+$0x4DE0] =	vst v9;
	v5 =	vadd.s32 s30, v14;
	v6 =	vld.idx.msk [tilespmem:v6+s12+$0x0], $0xffff  }
0x485: {  	v9 =	vld.idx.msk [tilespmem:v10+s12+$0x0], $0xffff;
	[tilespmem:s8+$0x4DE0] =	vst v7;
	v7 =	vadd.s32 s31, v14  }
0x486: {  	v8 =	vld.idx.msk [tilespmem:v8+s12+$0x0], $0xffff;
	[tilespmem:s6+$0x4DE0] =	vst v0  }
0x487: {  	v0 =	vld.idx.msk [tilespmem:v1+s12+$0x0], $0xffff;
	[tilespmem:s29+$0x4DE0] =	vst v2  }
0x488: {  	v1 =	vld.idx.msk [tilespmem:v3+s12+$0x0], $0xffff;
	[tilespmem:s14+$0x4DE0] =	vst v4  }
0x489: {  	v2 =	vld.idx.msk [tilespmem:v5+s12+$0x0], $0xffff;
	[tilespmem:s21+$0x4DE0] =	vst v6  }
0x48a: {  	[tilespmem:s2+$0x4DF0] =	vst v9;
	v3 =	vld.idx.msk [tilespmem:v7+s12+$0x0], $0xffff  }
0x48b: {  	[tilespmem:s8+$0x4DF0] =	vst v8  }
0x48c: {  	[tilespmem:s6+$0x4DF0] =	vst v0  }
0x48d: {  	s11 =	smul.u32 $0x1600, s24;
	[tilespmem:s29+$0x4DF0] =	vst v1  }
0x48e: {  	[tilespmem:s14+$0x4DF0] =	vst v2  }
0x48f: {  	p1 =	seq.s32 s22, $0x7;
	s16 =	simm.s32 $0x2580;
	s0 =	sadd.s32 s4, s11;
	[tilespmem:s21+$0x4DF0] =	vst v3  }
0x490: {  	[hbm4b:s0+s5] =	stream.linear.scatter [tilespmem:s16], [sflag:$0x3], $0xB000, $0x38;
	[tilespmem:$0x18580] =	vst v63  }
0x491: {  	s0 =	sadd.s32 @!p1 s23, s9  }
0x492: {  	s0 =	sshll.u32 @!p1 s0, $0x9  }
0x493: {  	s0 =	sand.u32 @!p1 $0x1FFFFC00, s0  }
0x494: {  	s2 =	simm.s32 @!p1 $0x0;
	s3 =	simm.s32 @!p1 $0x580;
	s0 =	sadd.s32 @!p1 s1, s0  }
0x495: {  	[tilespmem:s3], [sflag:$0x1] =	stream.linear.gather @!p1 [hbm4b:s0+s2], $0x1000, $0x38;
	[tilespmem:$0x18580] =	vst v63  }
0x496: {  	_ =	swait.ge [sflag:s17], $0x1000  }
0x497: {  	[sflag:s17] =	ssyncset.done $0x0  }
0x498: {  	s0 =	simm.s32 @!p0 $0x4;
	[sflag:s17] =	ssyncadd.s32 $0xFFFFF000  }
0x499: {  	_ =	swait.ge @!p0 [sflag:s0], $0xB000  }
0x49a: {  	[sflag:s0] =	ssyncset.done @!p0 $0x0  }
0x49b: {  	[sflag:s0] =	ssyncadd.s32 @!p0 $0xFFFF5000  }
0x49c: {  	v0 =	vld [tilespmem:$0x0]  }
0x49d: {  	v1 =	vld [tilespmem:$0x10]  }
0x49e: {  	v2 =	vld [tilespmem:$0x20]  }
0x49f: {  	v3 =	vld [tilespmem:$0x30]  }
0x4a0: {  	v4 =	vld [tilespmem:$0x40]  }
0x4a1: {  	v5 =	vld [tilespmem:$0x50]  }
0x4a2: {  	v7 =	vld [tilespmem:$0x60]  }
0x4a3: {  	v8 =	vld [tilespmem:$0x70]  }
0x4a4: {  	v31 =	vld [tilespmem:$0x80]  }
0x4a5: {  	v49 =	vld [tilespmem:$0x90]  }
0x4a6: {  	v50 =	vld [tilespmem:$0xA0]  }
0x4a7: {  	v11 =	vld [tilespmem:$0xB0]  }
0x4a8: {  	v12 =	vld [tilespmem:$0xC0]  }
0x4a9: {  	v13 =	vld [tilespmem:$0xD0]  }
0x4aa: {  	v14 =	vld [tilespmem:$0xE0]  }
0x4ab: {  	v15 =	vld [tilespmem:$0xF0]  }
0x4ac: {  	v16 =	vld [tilespmem:$0x100]  }
0x4ad: {  	v17 =	vld [tilespmem:$0x110]  }
0x4ae: {  	v18 =	vld [tilespmem:$0x120]  }
0x4af: {  	v19 =	vld [tilespmem:$0x130]  }
0x4b0: {  	v21 =	vld [tilespmem:$0x140]  }
0x4b1: {  	v22 =	vld [tilespmem:$0x150]  }
0x4b2: {  	v23 =	vld [tilespmem:$0x160]  }
0x4b3: {  	v25 =	vld [tilespmem:$0x170]  }
0x4b4: {  	v26 =	vld [tilespmem:$0x180]  }
0x4b5: {  	v28 =	vld [tilespmem:$0x190]  }
0x4b6: {  	v29 =	vld [tilespmem:$0x1A0]  }
0x4b7: {  	s18 =	simm.s32 $0x0;
	v6 =	vld.idx.msk [tilespmem:v0+s13+$0x0], $0xffff  }
0x4b8: {  	s0 =	smul.u32 $0xB000, s18;
	v30 =	vld [tilespmem:$0x1B0]  }
0x4b9: {  	s31 =	simm.s32 $0x0;
	v27 =	vld [tilespmem:$0x1C0]  }
0x4ba: {  	s19 =	sand.u32 $0x380, s31;
	v32 =	vld [tilespmem:$0x1D0];
	s0 =	sshra.s32 s0, $0x2  }
0x4bb: {  	v24 =	vld [tilespmem:$0x1E0];
	s14 =	sor.u32 s19, s0  }
0x4bc: {  	v20 =	vld [tilespmem:$0x1F0];
	[tilespmem:s14+$0xD580] =	vst v6  }
0x4bd: {  	v6 =	vld.idx.msk [tilespmem:v1+s13+$0x0], $0xffff;
	_ =	sdelay $0x4  }
0x4be: {  	[tilespmem:s14+$0xD590] =	vst v6  }
0x4bf: {  	v6 =	vld.idx.msk [tilespmem:v2+s13+$0x0], $0xffff;
	_ =	sdelay $0x4  }
0x4c0: {  	v10 =	vadd.s32 $0x80, v0;
	[tilespmem:s14+$0xD5A0] =	vst v6  }
0x4c1: {  	v0 =	vadd.s32 s31, v10;
	v6 =	vld.idx.msk [tilespmem:v3+s13+$0x0], $0xffff;
	_ =	sdelay $0x4  }
0x4c2: {  	s20 =	simm.s32 $0x0;
	v9 =	vadd.s32 $0x80, v1;
	v0 =	vld.idx.msk [tilespmem:v0+s13+$0x0], $0xffff;
	[tilespmem:s14+$0xD5B0] =	vst v6  }
0x4c3: {  	s0 =	smul.u32 $0xB000, s20;
	v1 =	vadd.s32 s31, v9;
	v6 =	vld.idx.msk [tilespmem:v4+s13+$0x0], $0xffff  }
0x4c4: {  	s25 =	simm.s32 $0x80  }
0x4c5: {  	s21 =	sand.u32 $0x380, s25;
	s0 =	sshra.s32 s0, $0x2  }
0x4c6: {  	s30 =	sor.u32 s21, s0  }
0x4c7: {  	[tilespmem:s30+$0xD580] =	vst v0  }
0x4c8: {  	v0 =	vld.idx.msk [tilespmem:v1+s13+$0x0], $0xffff;
	[tilespmem:s14+$0xD5C0] =	vst v6;
	v6 =	vadd.s32 $0x80, v2  }
0x4c9: {  	v35 =	vld.idx.msk [tilespmem:v5+s13+$0x0], $0xffff;
	v1 =	vadd.s32 s31, v6;
	_ =	sdelay $0x3  }
0x4ca: {  	[tilespmem:s30+$0xD590] =	vst v0  }
0x4cb: {  	v3 =	vadd.s32 $0x80, v3;
	[tilespmem:s14+$0xD5D0] =	vst v35;
	v0 =	vld.idx.msk [tilespmem:v1+s13+$0x0], $0xffff  }
0x4cc: {  	v51 =	vadd.s32 s31, v3;
	v2 =	vld.idx.msk [tilespmem:v7+s13+$0x0], $0xffff;
	_ =	sdelay $0x3  }
0x4cd: {  	[tilespmem:s30+$0xD5A0] =	vst v0  }
0x4ce: {  	v1 =	vadd.s32 $0x80, v4;
	[tilespmem:s14+$0xD5E0] =	vst v2;
	v0 =	vld.idx.msk [tilespmem:v51+s13+$0x0], $0xffff  }
0x4cf: {  	v4 =	vadd.s32 s31, v1;
	v2 =	vld.idx.msk [tilespmem:v8+s13+$0x0], $0xffff;
	_ =	sdelay $0x1  }
0x4d0: {  	v52 =	vadd.s32 s25, v10;
	_ =	sdelay $0x1  }
0x4d1: {  	[tilespmem:s30+$0xD5B0] =	vst v0  }
0x4d2: {  	v0 =	vadd.s32 $0x80, v5;
	[tilespmem:s14+$0xD5F0] =	vst v2;
	v4 =	vld.idx.msk [tilespmem:v4+s13+$0x0], $0xffff  }
0x4d3: {  	v5 =	vadd.s32 s31, v0;
	v2 =	vld.idx.msk [tilespmem:v31+s13+$0x0], $0xffff  }
0x4d4: {  	s24 =	simm.s32 $0x0;
	v35 =	vld.idx.msk [tilespmem:v52+s13+$0x0], $0xffff  }
0x4d5: {  	s0 =	smul.u32 $0xB000, s24;
	v37 =	vadd.s32 s25, v9  }
0x4d6: {  	s28 =	simm.s32 $0x100  }
0x4d7: {  	s26 =	sand.u32 $0x380, s28;
	s0 =	sshra.s32 s0, $0x2;
	[tilespmem:s30+$0xD5C0] =	vst v4  }
0x4d8: {  	s26 =	sor.u32 s26, s0;
	[tilespmem:s14+$0xD980] =	vst v2;
	v2 =	vadd.s32 $0x80, v7;
	v4 =	vld.idx.msk [tilespmem:v5+s13+$0x0], $0xffff  }
0x4d9: {  	[tilespmem:s26+$0xD580] =	vst v35;
	v36 =	vld.idx.msk [tilespmem:v49+s13+$0x0], $0xffff;
	v5 =	vadd.s32 s31, v2  }
0x4da: {  	v35 =	vld.idx.msk [tilespmem:v37+s13+$0x0], $0xffff  }
0x4db: {  	v53 =	vadd.s32 s25, v6;
	_ =	sdelay $0x1  }
0x4dc: {  	[tilespmem:s30+$0xD5D0] =	vst v4  }
0x4dd: {  	v4 =	vadd.s32 $0x80, v8;
	[tilespmem:s14+$0xD990] =	vst v36;
	v5 =	vld.idx.msk [tilespmem:v5+s13+$0x0], $0xffff  }
0x4de: {  	[tilespmem:s26+$0xD590] =	vst v35;
	v8 =	vadd.s32 s31, v4;
	v7 =	vld.idx.msk [tilespmem:v50+s13+$0x0], $0xffff  }
0x4df: {  	v35 =	vld.idx.msk [tilespmem:v53+s13+$0x0], $0xffff  }
0x4e0: {  	v54 =	vadd.s32 s25, v3;
	_ =	sdelay $0x1  }
0x4e1: {  	[tilespmem:s30+$0xD5E0] =	vst v5  }
0x4e2: {  	v5 =	vadd.s32 $0x80, v31;
	[tilespmem:s14+$0xD9A0] =	vst v7;
	v8 =	vld.idx.msk [tilespmem:v8+s13+$0x0], $0xffff  }
0x4e3: {  	[tilespmem:s26+$0xD5A0] =	vst v35;
	v31 =	vadd.s32 s31, v5;
	v7 =	vld.idx.msk [tilespmem:v11+s13+$0x0], $0xffff  }
0x4e4: {  	v36 =	vld.idx.msk [tilespmem:v54+s13+$0x0], $0xffff  }
0x4e5: {  	v56 =	vadd.s32 s25, v1;
	_ =	sdelay $0x1  }
0x4e6: {  	[tilespmem:s30+$0xD5F0] =	vst v8  }
0x4e7: {  	[tilespmem:s14+$0xD9B0] =	vst v7;
	v7 =	vadd.s32 $0x80, v49;
	v8 =	vld.idx.msk [tilespmem:v31+s13+$0x0], $0xffff  }
0x4e8: {  	[tilespmem:s26+$0xD5B0] =	vst v36;
	v55 =	vld.idx.msk [tilespmem:v12+s13+$0x0], $0xffff;
	v31 =	vadd.s32 s31, v7  }
0x4e9: {  	v36 =	vld.idx.msk [tilespmem:v56+s13+$0x0], $0xffff  }
0x4ea: {  	v58 =	vadd.s32 s25, v0;
	_ =	sdelay $0x1  }
0x4eb: {  	[tilespmem:s30+$0xD980] =	vst v8  }
0x4ec: {  	v57 =	vadd.s32 s28, v10;
	v8 =	vadd.s32 $0x80, v50;
	[tilespmem:s14+$0xD9C0] =	vst v55;
	v31 =	vld.idx.msk [tilespmem:v31+s13+$0x0], $0xffff  }
0x4ed: {  	[tilespmem:s26+$0xD5C0] =	vst v36;
	v34 =	vadd.s32 s31, v8;
	v35 =	vld.idx.msk [tilespmem:v13+s13+$0x0], $0xffff  }
0x4ee: {  	v37 =	vld.idx.msk [tilespmem:v58+s13+$0x0], $0xffff  }
0x4ef: {  	v38 =	vadd.s32 s25, v2;
	_ =	sdelay $0x1  }
0x4f0: {  	s3 =	simm.s32 $0x0;
	v33 =	vld.idx.msk [tilespmem:v57+s13+$0x0], $0xffff;
	[tilespmem:s30+$0xD990] =	vst v31  }
0x4f1: {  	s6 =	smul.u32 $0xB000, s3;
	v59 =	vadd.s32 s28, v9;
	v11 =	vadd.s32 $0x80, v11;
	[tilespmem:s14+$0xD9D0] =	vst v35;
	v31 =	vld.idx.msk [tilespmem:v34+s13+$0x0], $0xffff  }
0x4f2: {  	s0 =	simm.s32 $0x180;
	v61 =	vadd.s32 s31, v11;
	[tilespmem:s26+$0xD5D0] =	vst v37;
	v60 =	vld.idx.msk [tilespmem:v14+s13+$0x0], $0xffff  }
0x4f3: {  	s2 =	sshra.s32 s6, $0x2;
	s8 =	sand.u32 $0x380, s0;
	v37 =	vld.idx.msk [tilespmem:v38+s13+$0x0], $0xffff  }
0x4f4: {  	s29 =	sor.u32 s8, s2;
	v63 =	vadd.s32 s25, v4  }
0x4f5: {  	[tilespmem:s29+$0xD580] =	vst v33  }
0x4f6: {  	v33 =	vld.idx.msk [tilespmem:v59+s13+$0x0], $0xffff;
	[tilespmem:s30+$0xD9A0] =	vst v31  }
0x4f7: {  	v62 =	vadd.s32 s28, v6;
	v12 =	vadd.s32 $0x80, v12;
	[tilespmem:s14+$0xD9E0] =	vst v60;
	v31 =	vld.idx.msk [tilespmem:v61+s13+$0x0], $0xffff  }
0x4f8: {  	v40 =	vadd.s32 s31, v12;
	[tilespmem:s26+$0xD5E0] =	vst v37;
	v36 =	vld.idx.msk [tilespmem:v15+s13+$0x0], $0xffff  }
0x4f9: {  	v37 =	vld.idx.msk [tilespmem:v63+s13+$0x0], $0xffff  }
0x4fa: {  	v42 =	vadd.s32 s25, v5  }
0x4fb: {  	[tilespmem:s29+$0xD590] =	vst v33  }
0x4fc: {  	v33 =	vld.idx.msk [tilespmem:v62+s13+$0x0], $0xffff;
	[tilespmem:s30+$0xD9B0] =	vst v31  }
0x4fd: {  	v41 =	vadd.s32 s28, v3;
	[tilespmem:s14+$0xD9F0] =	vst v36;
	v31 =	vld.idx.msk [tilespmem:v40+s13+$0x0], $0xffff  }
0x4fe: {  	[tilespmem:s26+$0xD5F0] =	vst v37;
	v36 =	vld.idx.msk [tilespmem:v16+s13+$0x0], $0xffff  }
0x4ff: {  	v37 =	vld.idx.msk [tilespmem:v42+s13+$0x0], $0xffff  }
0x500: {  	v45 =	vadd.s32 s25, v7;
	v13 =	vadd.s32 $0x80, v13  }
0x501: {  	[tilespmem:s29+$0xD5A0] =	vst v33;
	v43 =	vadd.s32 s31, v13  }
0x502: {  	v33 =	vld.idx.msk [tilespmem:v41+s13+$0x0], $0xffff;
	[tilespmem:s30+$0xD9C0] =	vst v31;
	v31 =	vadd.s32 s0, v10  }
0x503: {  	v44 =	vadd.s32 s28, v1;
	[tilespmem:s14+$0xDD80] =	vst v36  }
0x504: {  	[tilespmem:s26+$0xD980] =	vst v37;
	v36 =	vld.idx.msk [tilespmem:v17+s13+$0x0], $0xffff  }
0x505: {  	v38 =	vld.idx.msk [tilespmem:v45+s13+$0x0], $0xffff  }
0x506: {  	v46 =	vld.idx.msk [tilespmem:v43+s13+$0x0], $0xffff  }
0x507: {  	s11 =	simm.s32 $0x0;
	[tilespmem:s29+$0xD5B0] =	vst v33;
	v39 =	vadd.s32 s25, v8;
	v14 =	vadd.s32 $0x80, v14;
	v31 =	vld.idx.msk [tilespmem:v31+s13+$0x0], $0xffff  }
0x508: {  	s2 =	smul.u32 $0xB000, s11;
	v47 =	vld.idx.msk [tilespmem:v44+s13+$0x0], $0xffff;
	v48 =	vadd.s32 s31, v14  }
0x509: {  	s3 =	simm.s32 $0x200;
	v49 =	vadd.s32 s28, v0;
	[tilespmem:s14+$0xDD90] =	vst v36  }
0x50a: {  	s16 =	sand.u32 $0x380, s3;
	s2 =	sshra.s32 s2, $0x2;
	[tilespmem:s26+$0xD990] =	vst v38;
	v50 =	vld.idx.msk [tilespmem:v18+s13+$0x0], $0xffff  }
0x50b: {  	s2 =	sor.u32 s16, s2;
	[tilespmem:s30+$0xD9D0] =	vst v46  }
0x50c: {  	v51 =	vadd.s32 s0, v9;
	[tilespmem:s2+$0xD580] =	vst v31;
	v31 =	vld.idx.msk [tilespmem:v39+s13+$0x0], $0xffff  }
0x50d: {  	[tilespmem:s29+$0xD5C0] =	vst v47;
	v57 =	vadd.s32 s25, v11;
	v15 =	vadd.s32 $0x80, v15;
	v52 =	vld.idx.msk [tilespmem:v48+s13+$0x0], $0xffff  }
0x50e: {  	v53 =	vld.idx.msk [tilespmem:v49+s13+$0x0], $0xffff;
	v54 =	vadd.s32 s31, v15  }
0x50f: {  	v55 =	vadd.s32 s28, v2;
	[tilespmem:s14+$0xDDA0] =	vst v50  }
0x510: {  	v56 =	vld.idx.msk [tilespmem:v19+s13+$0x0], $0xffff  }
0x511: {  	v33 =	vld.idx.msk [tilespmem:v51+s13+$0x0], $0xffff;
	[tilespmem:s26+$0xD9A0] =	vst v31  }
0x512: {  	v58 =	vadd.s32 s0, v6;
	[tilespmem:s30+$0xD9E0] =	vst v52;
	v63 =	vld.idx.msk [tilespmem:v57+s13+$0x0], $0xffff  }
0x513: {  	[tilespmem:s29+$0xD5D0] =	vst v53;
	v42 =	vadd.s32 s25, v12;
	v16 =	vadd.s32 $0x80, v16;
	v59 =	vld.idx.msk [tilespmem:v54+s13+$0x0], $0xffff  }
0x514: {  	v60 =	vld.idx.msk [tilespmem:v55+s13+$0x0], $0xffff;
	v61 =	vadd.s32 s31, v16  }
0x515: {  	v62 =	vadd.s32 s28, v4;
	[tilespmem:s14+$0xDDB0] =	vst v56  }
0x516: {  	v40 =	vadd.s32 s3, v10;
	[tilespmem:s2+$0xD590] =	vst v33;
	v31 =	vld.idx.msk [tilespmem:v21+s13+$0x0], $0xffff  }
0x517: {  	v34 =	vld.idx.msk [tilespmem:v58+s13+$0x0], $0xffff;
	[tilespmem:s26+$0xD9B0] =	vst v63  }
0x518: {  	v43 =	vadd.s32 s0, v3;
	[tilespmem:s30+$0xD9F0] =	vst v59;
	v48 =	vld.idx.msk [tilespmem:v42+s13+$0x0], $0xffff  }
0x519: {  	v49 =	vadd.s32 s25, v13;
	[tilespmem:s29+$0xD5E0] =	vst v60;
	v17 =	vadd.s32 $0x80, v17;
	v44 =	vld.idx.msk [tilespmem:v61+s13+$0x0], $0xffff  }
0x51a: {  	v45 =	vld.idx.msk [tilespmem:v62+s13+$0x0], $0xffff;
	v46 =	vadd.s32 s31, v17  }
0x51b: {  	s18 =	simm.s32 $0x0;
	v40 =	vld.idx.msk [tilespmem:v40+s13+$0x0], $0xffff;
	[tilespmem:s14+$0xDDC0] =	vst v31;
	v31 =	vadd.s32 s28, v5  }
0x51c: {  	s6 =	smul.u32 $0xB000, s18;
	v41 =	vadd.s32 s3, v9;
	[tilespmem:s2+$0xD5A0] =	vst v34;
	v47 =	vld.idx.msk [tilespmem:v22+s13+$0x0], $0xffff  }
0x51d: {  	s11 =	simm.s32 $0x280;
	v35 =	vld.idx.msk [tilespmem:v43+s13+$0x0], $0xffff;
	[tilespmem:s26+$0xD9C0] =	vst v48  }
0x51e: {  	s6 =	sshra.s32 s6, $0x2;
	s19 =	sand.u32 $0x380, s11;
	v50 =	vadd.s32 s0, v1;
	[tilespmem:s30+$0xDD80] =	vst v44;
	v55 =	vld.idx.msk [tilespmem:v49+s13+$0x0], $0xffff  }
0x51f: {  	s8 =	sor.u32 s19, s6;
	[tilespmem:s29+$0xD5F0] =	vst v45;
	v18 =	vadd.s32 $0x80, v18;
	v56 =	vadd.s32 s25, v14;
	v51 =	vld.idx.msk [tilespmem:v46+s13+$0x0], $0xffff  }
0x520: {  	[tilespmem:s8+$0xD580] =	vst v40;
	v52 =	vadd.s32 s31, v18;
	v31 =	vld.idx.msk [tilespmem:v31+s13+$0x0], $0xffff  }
0x521: {  	v53 =	vadd.s32 s28, v7;
	v40 =	vld.idx.msk [tilespmem:v41+s13+$0x0], $0xffff;
	[tilespmem:s14+$0xDDD0] =	vst v47  }
0x522: {  	[tilespmem:s2+$0xD5B0] =	vst v35;
	v47 =	vadd.s32 s3, v6;
	v54 =	vld.idx.msk [tilespmem:v23+s13+$0x0], $0xffff  }
0x523: {  	v36 =	vld.idx.msk [tilespmem:v50+s13+$0x0], $0xffff;
	[tilespmem:s26+$0xD9D0] =	vst v55  }
0x524: {  	v57 =	vadd.s32 s0, v0;
	[tilespmem:s30+$0xDD90] =	vst v51;
	v61 =	vld.idx.msk [tilespmem:v56+s13+$0x0], $0xffff  }
0x525: {  	v62 =	vadd.s32 s25, v15;
	v19 =	vadd.s32 $0x80, v19;
	[tilespmem:s29+$0xD980] =	vst v31;
	v31 =	vld.idx.msk [tilespmem:v52+s13+$0x0], $0xffff  }
0x526: {  	[tilespmem:s8+$0xD590] =	vst v40;
	v58 =	vadd.s32 s31, v19;
	v33 =	vld.idx.msk [tilespmem:v53+s13+$0x0], $0xffff  }
0x527: {  	v59 =	vadd.s32 s28, v8;
	v40 =	vld.idx.msk [tilespmem:v47+s13+$0x0], $0xffff;
	[tilespmem:s14+$0xDDE0] =	vst v54  }
0x528: {  	v55 =	vadd.s32 s3, v3;
	[tilespmem:s2+$0xD5C0] =	vst v36;
	v60 =	vld.idx.msk [tilespmem:v25+s13+$0x0], $0xffff  }
0x529: {  	v37 =	vld.idx.msk [tilespmem:v57+s13+$0x0], $0xffff;
	[tilespmem:s26+$0xD9E0] =	vst v61  }
0x52a: {  	v47 =	vadd.s32 s11, v10;
	[tilespmem:s30+$0xDDA0] =	vst v31;
	v48 =	vld.idx.msk [tilespmem:v62+s13+$0x0], $0xffff  }
0x52b: {  	v21 =	vadd.s32 $0x80, v21;
	v31 =	vadd.s32 s0, v2;
	[tilespmem:s29+$0xD990] =	vst v33;
	v63 =	vld.idx.msk [tilespmem:v58+s13+$0x0], $0xffff  }
0x52c: {  	v44 =	vadd.s32 s31, v21;
	[tilespmem:s8+$0xD5A0] =	vst v40;
	v34 =	vld.idx.msk [tilespmem:v59+s13+$0x0], $0xffff  }
0x52d: {  	v45 =	vadd.s32 s28, v11;
	v40 =	vld.idx.msk [tilespmem:v55+s13+$0x0], $0xffff;
	[tilespmem:s14+$0xDDF0] =	vst v60  }
0x52e: {  	v61 =	vadd.s32 s3, v1;
	v46 =	vld.idx.msk [tilespmem:v26+s13+$0x0], $0xffff  }
0x52f: {  	[tilespmem:s2+$0xD5D0] =	vst v37;
	v38 =	vld.idx.msk [tilespmem:v47+s13+$0x0], $0xffff  }
0x530: {  	v49 =	vadd.s32 s25, v16;
	v31 =	vld.idx.msk [tilespmem:v31+s13+$0x0], $0xffff;
	[tilespmem:s30+$0xDDB0] =	vst v63  }
0x531: {  	v22 =	vadd.s32 $0x80, v22;
	v50 =	vadd.s32 s0, v4;
	[tilespmem:s29+$0xD9A0] =	vst v34;
	v51 =	vld.idx.msk [tilespmem:v44+s13+$0x0], $0xffff  }
0x532: {  	v52 =	vadd.s32 s31, v22;
	[tilespmem:s8+$0xD5B0] =	vst v40;
	v35 =	vld.idx.msk [tilespmem:v45+s13+$0x0], $0xffff  }
0x533: {  	v53 =	vadd.s32 s28, v12;
	v40 =	vld.idx.msk [tilespmem:v61+s13+$0x0], $0xffff;
	[tilespmem:s14+$0xE180] =	vst v46  }
0x534: {  	v42 =	vadd.s32 s3, v0;
	[tilespmem:s26+$0xD9F0] =	vst v48;
	v54 =	vld.idx.msk [tilespmem:v28+s13+$0x0], $0xffff  }
0x535: {  	[tilespmem:s2+$0xD5E0] =	vst v31;
	v31 =	vld.idx.msk [tilespmem:v49+s13+$0x0], $0xffff  }
0x536: {  	v56 =	vadd.s32 s25, v17;
	v33 =	vld.idx.msk [tilespmem:v50+s13+$0x0], $0xffff;
	[tilespmem:s30+$0xDDC0] =	vst v51  }
0x537: {  	v23 =	vadd.s32 $0x80, v23;
	v57 =	vadd.s32 s0, v5;
	[tilespmem:s29+$0xD9B0] =	vst v35;
	v58 =	vld.idx.msk [tilespmem:v52+s13+$0x0], $0xffff  }
0x538: {  	v59 =	vadd.s32 s31, v23;
	[tilespmem:s8+$0xD5C0] =	vst v40;
	v36 =	vld.idx.msk [tilespmem:v53+s13+$0x0], $0xffff  }
0x539: {  	s20 =	simm.s32 $0x0;
	v60 =	vadd.s32 s28, v13;
	v40 =	vld.idx.msk [tilespmem:v42+s13+$0x0], $0xffff;
	[tilespmem:s14+$0xE190] =	vst v54  }
0x53a: {  	s6 =	smul.u32 $0xB000, s20;
	[tilespmem:s26+$0xDD80] =	vst v31;
	v54 =	vadd.s32 s11, v9;
	v31 =	vld.idx.msk [tilespmem:v29+s13+$0x0], $0xffff  }
0x53b: {  	s19 =	simm.s32 $0x300;
	v43 =	vadd.s32 s3, v2;
	[tilespmem:s2+$0xD5F0] =	vst v33;
	v62 =	vld.idx.msk [tilespmem:v56+s13+$0x0], $0xffff  }
0x53c: {  	s21 =	sand.u32 $0x380, s19;
	s6 =	sshra.s32 s6, $0x2;
	v34 =	vld.idx.msk [tilespmem:v57+s13+$0x0], $0xffff;
	[tilespmem:s30+$0xDDD0] =	vst v58  }
0x53d: {  	s6 =	sor.u32 s21, s6;
	v63 =	vadd.s32 s25, v18;
	[tilespmem:s29+$0xD9C0] =	vst v36;
	v46 =	vld.idx.msk [tilespmem:v59+s13+$0x0], $0xffff  }
0x53e: {  	v25 =	vadd.s32 $0x80, v25;
	[tilespmem:s6+$0xD580] =	vst v38;
	v45 =	vadd.s32 s0, v7;
	v37 =	vld.idx.msk [tilespmem:v60+s13+$0x0], $0xffff  }
0x53f: {  	v48 =	vadd.s32 s31, v25;
	[tilespmem:s8+$0xD5D0] =	vst v40;
	v38 =	vld.idx.msk [tilespmem:v54+s13+$0x0], $0xffff  }
0x540: {  	v40 =	vld.idx.msk [tilespmem:v43+s13+$0x0], $0xffff;
	[tilespmem:s14+$0xE1A0] =	vst v31;
	v31 =	vadd.s32 s28, v14  }
0x541: {  	v61 =	vadd.s32 s11, v6;
	[tilespmem:s26+$0xDD90] =	vst v62;
	v49 =	vld.idx.msk [tilespmem:v30+s13+$0x0], $0xffff  }
0x542: {  	[tilespmem:s2+$0xD980] =	vst v34;
	v50 =	vld.idx.msk [tilespmem:v63+s13+$0x0], $0xffff  }
0x543: {  	v51 =	vadd.s32 s25, v19;
	v35 =	vld.idx.msk [tilespmem:v45+s13+$0x0], $0xffff;
	[tilespmem:s30+$0xDDE0] =	vst v46  }
0x544: {  	v52 =	vadd.s32 s0, v8;
	[tilespmem:s29+$0xD9D0] =	vst v37;
	v53 =	vld.idx.msk [tilespmem:v48+s13+$0x0], $0xffff  }
0x545: {  	v26 =	vadd.s32 $0x80, v26;
	v46 =	vadd.s32 s3, v4;
	[tilespmem:s6+$0xD590] =	vst v38;
	v31 =	vld.idx.msk [tilespmem:v31+s13+$0x0], $0xffff  }
0x546: {  	v55 =	vadd.s32 s31, v26;
	v38 =	vld.idx.msk [tilespmem:v61+s13+$0x0], $0xffff;
	[tilespmem:s14+$0xE1B0] =	vst v49  }
0x547: {  	v56 =	vadd.s32 s28, v15;
	[tilespmem:s26+$0xDDA0] =	vst v50;
	v57 =	vld.idx.msk [tilespmem:v27+s13+$0x0], $0xffff  }
0x548: {  	v50 =	vadd.s32 s11, v3;
	[tilespmem:s2+$0xD990] =	vst v35;
	v58 =	vld.idx.msk [tilespmem:v51+s13+$0x0], $0xffff  }
0x549: {  	[tilespmem:s8+$0xD5E0] =	vst v40;
	v36 =	vld.idx.msk [tilespmem:v52+s13+$0x0], $0xffff  }
0x54a: {  	v59 =	vadd.s32 s25, v21;
	v40 =	vld.idx.msk [tilespmem:v46+s13+$0x0], $0xffff;
	[tilespmem:s30+$0xDDF0] =	vst v53  }
0x54b: {  	v60 =	vadd.s32 s0, v11;
	[tilespmem:s29+$0xD9E0] =	vst v31;
	v31 =	vld.idx.msk [tilespmem:v55+s13+$0x0], $0xffff  }
0x54c: {  	v28 =	vadd.s32 $0x80, v28;
	v54 =	vadd.s32 s3, v5;
	[tilespmem:s6+$0xD5A0] =	vst v38;
	v33 =	vld.idx.msk [tilespmem:v56+s13+$0x0], $0xffff  }
0x54d: {  	v62 =	vadd.s32 s31, v28;
	v38 =	vld.idx.msk [tilespmem:v50+s13+$0x0], $0xffff;
	[tilespmem:s14+$0xE1C0] =	vst v57  }
0x54e: {  	v63 =	vadd.s32 s28, v16;
	[tilespmem:s26+$0xDDB0] =	vst v58;
	v45 =	vld.idx.msk [tilespmem:v32+s13+$0x0], $0xffff  }
0x54f: {  	[tilespmem:s2+$0xD9A0] =	vst v36;
	v47 =	vld.idx.msk [tilespmem:v59+s13+$0x0], $0xffff  }
0x550: {  	v48 =	vadd.s32 s25, v22;
	[tilespmem:s8+$0xD5F0] =	vst v40;
	v37 =	vld.idx.msk [tilespmem:v60+s13+$0x0], $0xffff  }
0x551: {  	v43 =	vld.idx.msk [tilespmem:v54+s13+$0x0], $0xffff;
	[tilespmem:s30+$0xE180] =	vst v31;
	v31 =	vadd.s32 s0, v12  }
0x552: {  	v29 =	vadd.s32 $0x80, v29;
	v59 =	vadd.s32 s11, v1;
	[tilespmem:s29+$0xD9F0] =	vst v33;
	v49 =	vld.idx.msk [tilespmem:v62+s13+$0x0], $0xffff  }
0x553: {  	v51 =	vadd.s32 s31, v29;
	v34 =	vld.idx.msk [tilespmem:v63+s13+$0x0], $0xffff;
	[tilespmem:s14+$0xE1D0] =	vst v45  }
0x554: {  	v52 =	vadd.s32 s28, v17;
	[tilespmem:s26+$0xDDC0] =	vst v47;
	v53 =	vld.idx.msk [tilespmem:v24+s13+$0x0], $0xffff  }
0x555: {  	[tilespmem:s2+$0xD9B0] =	vst v37;
	v55 =	vld.idx.msk [tilespmem:v48+s13+$0x0], $0xffff  }
0x556: {  	v56 =	vadd.s32 s25, v23;
	[tilespmem:s6+$0xD5B0] =	vst v38;
	v31 =	vld.idx.msk [tilespmem:v31+s13+$0x0], $0xffff  }
0x557: {  	v57 =	vadd.s32 s0, v13;
	v35 =	vld.idx.msk [tilespmem:v59+s13+$0x0], $0xffff;
	[tilespmem:s30+$0xE190] =	vst v49  }
0x558: {  	v30 =	vadd.s32 $0x80, v30;
	v63 =	vadd.s32 s19, v10;
	[tilespmem:s29+$0xDD80] =	vst v34;
	v58 =	vld.idx.msk [tilespmem:v51+s13+$0x0], $0xffff  }
0x559: {  	v61 =	vadd.s32 s31, v30;
	v60 =	vld.idx.msk [tilespmem:v52+s13+$0x0], $0xffff;
	[tilespmem:s14+$0xE1E0] =	vst v53  }
0x55a: {  	v62 =	vadd.s32 s28, v18;
	[tilespmem:s26+$0xDDD0] =	vst v55;
	v44 =	vld.idx.msk [tilespmem:v20+s13+$0x0], $0xffff  }
0x55b: {  	v45 =	vadd.s32 s3, v7;
	[tilespmem:s2+$0xD9C0] =	vst v31;
	v46 =	vld.idx.msk [tilespmem:v56+s13+$0x0], $0xffff  }
0x55c: {  	v42 =	vadd.s32 s25, v25;
	[tilespmem:s8+$0xD980] =	vst v43;
	v37 =	vld.idx.msk [tilespmem:v57+s13+$0x0], $0xffff  }
0x55d: {  	v40 =	vadd.s32 s0, v14;
	v36 =	vld.idx.msk [tilespmem:v63+s13+$0x0], $0xffff;
	[tilespmem:s30+$0xE1A0] =	vst v58  }
0x55e: {  	s24 =	sadd.s32 s23, s7;
	v41 =	vadd.s32 s11, v0;
	v31 =	vadd.s32 $0x80, v27;
	[tilespmem:s29+$0xDD90] =	vst v60;
	v33 =	vld.idx.msk [tilespmem:v61+s13+$0x0], $0xffff  }
0x55f: {  	s24 =	sadd.s32 $0x1, s24;
	v39 =	vadd.s32 s28, v19;
	v38 =	vadd.s32 s31, v31;
	v34 =	vld.idx.msk [tilespmem:v62+s13+$0x0], $0xffff;
	[tilespmem:s14+$0xE1F0] =	vst v44  }
0x560: {  	s20 =	simm.s32 $0x8;
	s21 =	simm.s32 $0x7;
	v24 =	vadd.s32 $0x80, v24;
	v27 =	vadd.s32 $0x80, v32;
	v32 =	vld.idx.msk [tilespmem:v45+s13+$0x0], $0xffff;
	v20 =	vadd.s32 $0x80, v20;
	[tilespmem:s26+$0xDDE0] =	vst v46;
	s14 =	simm.s32 $0x300  }
.LBB2_9:
0x561: {  	p0 =	sne.s32 s20, $0x1F;
	s18 =	sshrl.u32 s21, $0x3;
	v43 =	vadd.s32 s3, v8;
	[tilespmem:s2+$0xD9D0] =	vst v37;
	v37 =	vld.idx.msk [tilespmem:v42+s13+$0x0], $0xffff;
	s16 =	smov.u32 s6  }
0x562: {  	v42 =	vadd.s32 s19, v9;
	s21 =	smov.u32 s20;
	s6 =	smul.u32 $0xB000, s18;
	[tilespmem:s16+$0xD5C0] =	vst v35;
	v35 =	vld.idx.msk [tilespmem:v40+s13+$0x0], $0xffff  }
0x563: {  	s19 =	sadd.s32 $0x80, s19;
	v40 =	vld.idx.msk [tilespmem:v41+s13+$0x0], $0xffff;
	v41 =	vadd.s32 s25, v26;
	[tilespmem:s30+$0xE1B0] =	vst v33  }
0x564: {  	s18 =	sand.u32 $0x380, s19;
	v33 =	vadd.s32 s0, v15;
	s6 =	sshra.s32 s6, $0x2;
	[tilespmem:s29+$0xDDA0] =	vst v34;
	v34 =	vld.idx.msk [tilespmem:v38+s13+$0x0], $0xffff  }
0x565: {  	v38 =	vadd.s32 s11, v2;
	s6 =	sor.u32 s18, s6;
	[tilespmem:s8+$0xD990] =	vst v32;
	v32 =	vld.idx.msk [tilespmem:v39+s13+$0x0], $0xffff  }
0x566: {  	v39 =	vadd.s32 s31, v27;
	[tilespmem:s6+$0xD580] =	vst v36;
	v36 =	vld.idx.msk [tilespmem:v43+s13+$0x0], $0xffff  }
0x567: {  	v43 =	vadd.s32 s28, v21;
	v42 =	vld.idx.msk [tilespmem:v42+s13+$0x0], $0xffff;
	[tilespmem:s26+$0xDDF0] =	vst v37  }
0x568: {  	v37 =	vadd.s32 s3, v11;
	[tilespmem:s2+$0xD9E0] =	vst v35;
	v35 =	vld.idx.msk [tilespmem:v41+s13+$0x0], $0xffff  }
0x569: {  	v41 =	vadd.s32 s14, v6;
	[tilespmem:s16+$0xD5D0] =	vst v40;
	v33 =	vld.idx.msk [tilespmem:v33+s13+$0x0], $0xffff  }
0x56a: {  	v40 =	vadd.s32 s25, v28;
	v38 =	vld.idx.msk [tilespmem:v38+s13+$0x0], $0xffff;
	[tilespmem:s30+$0xE1C0] =	vst v34  }
0x56b: {  	v34 =	vadd.s32 s0, v16;
	[tilespmem:s29+$0xDDB0] =	vst v32;
	v32 =	vld.idx.msk [tilespmem:v39+s13+$0x0], $0xffff  }
0x56c: {  	v39 =	vadd.s32 s11, v4;
	[tilespmem:s8+$0xD9A0] =	vst v36;
	v36 =	vld.idx.msk [tilespmem:v43+s13+$0x0], $0xffff  }
0x56d: {  	[tilespmem:s6+$0xD590] =	vst v42;
	v37 =	vld.idx.msk [tilespmem:v37+s13+$0x0], $0xffff;
	v42 =	vadd.s32 s31, v24  }
0x56e: {  	v43 =	vadd.s32 s28, v22;
	v41 =	vld.idx.msk [tilespmem:v41+s13+$0x0], $0xffff;
	[tilespmem:s26+$0xE180] =	vst v35  }
0x56f: {  	v35 =	vadd.s32 s3, v12;
	[tilespmem:s2+$0xD9F0] =	vst v33;
	v33 =	vld.idx.msk [tilespmem:v40+s13+$0x0], $0xffff  }
0x570: {  	v40 =	vadd.s32 s14, v3;
	[tilespmem:s16+$0xD5E0] =	vst v38;
	v34 =	vld.idx.msk [tilespmem:v34+s13+$0x0], $0xffff  }
0x571: {  	v38 =	vld.idx.msk [tilespmem:v39+s13+$0x0], $0xffff;
	v39 =	vadd.s32 s25, v29;
	[tilespmem:s30+$0xE1D0] =	vst v32  }
0x572: {  	v32 =	vadd.s32 s0, v17;
	[tilespmem:s29+$0xDDC0] =	vst v36;
	v36 =	vld.idx.msk [tilespmem:v42+s13+$0x0], $0xffff  }
0x573: {  	v42 =	vadd.s32 s11, v5;
	[tilespmem:s8+$0xD9B0] =	vst v37;
	v37 =	vld.idx.msk [tilespmem:v43+s13+$0x0], $0xffff  }
0x574: {  	[tilespmem:s6+$0xD5A0] =	vst v41;
	v35 =	vld.idx.msk [tilespmem:v35+s13+$0x0], $0xffff;
	v41 =	vadd.s32 s31, v20;
	s31 =	smov.u32 s25;
	s25 =	smov.u32 s28;
	s28 =	smov.u32 s0  }
0x575: {  	s0 =	smov.u32 s3;
	s3 =	smov.u32 s11;
	s11 =	smov.u32 s14;
	v40 =	vld.idx.msk [tilespmem:v40+s13+$0x0], $0xffff;
	v43 =	vadd.s32 s25, v23;
	[tilespmem:s26+$0xE190] =	vst v33  }
0x576: {  	s14 =	smov.u32 s19;
	v33 =	vadd.s32 s0, v13;
	[tilespmem:s2+$0xDD80] =	vst v34;
	v34 =	vld.idx.msk [tilespmem:v39+s13+$0x0], $0xffff  }
0x577: {  	v39 =	vadd.s32 s11, v1;
	[tilespmem:s16+$0xD5F0] =	vst v38;
	v32 =	vld.idx.msk [tilespmem:v32+s13+$0x0], $0xffff  }
0x578: {  	v44 =	vadd.s32 s31, v30;
	v38 =	vld.idx.msk [tilespmem:v42+s13+$0x0], $0xffff;
	[tilespmem:s30+$0xE1E0] =	vst v36  }
0x579: {  	v36 =	vadd.s32 s28, v18;
	[tilespmem:s29+$0xDDD0] =	vst v37;
	v45 =	vld.idx.msk [tilespmem:v41+s13+$0x0], $0xffff  }
0x57a: {  	v46 =	vadd.s32 s3, v7;
	[tilespmem:s8+$0xD9C0] =	vst v35;
	v43 =	vld.idx.msk [tilespmem:v43+s13+$0x0], $0xffff  }
0x57b: {  	v47 =	vadd.s32 s19, v10;
	[tilespmem:s6+$0xD5B0] =	vst v40;
	v37 =	vld.idx.msk [tilespmem:v33+s13+$0x0], $0xffff  }
.Ltmp5:
0x57c: {  	v42 =	vadd.s32 s25, v25;
	v35 =	vld.idx.msk [tilespmem:v39+s13+$0x0], $0xffff;
	[tilespmem:s26+$0xE1A0] =	vst v34;
	(pc) =	sbr.rel @p0 .LBB2_9-.Ltmp5, $4  }
0x57d: {  	v40 =	vadd.s32 s0, v14;
	[tilespmem:s2+$0xDD90] =	vst v32;
	v33 =	vld.idx.msk [tilespmem:v44+s13+$0x0], $0xffff  }
0x57e: {  	v41 =	vadd.s32 s11, v0;
	[tilespmem:s16+$0xD980] =	vst v38;
	v34 =	vld.idx.msk [tilespmem:v36+s13+$0x0], $0xffff  }
0x57f: {  	v38 =	vadd.s32 s31, v31;
	v32 =	vld.idx.msk [tilespmem:v46+s13+$0x0], $0xffff;
	[tilespmem:s30+$0xE1F0] =	vst v45;
	s30 =	smov.u32 s26;
	s26 =	smov.u32 s29;
	s29 =	smov.u32 s2  }
0x580: {  	s20 =	sadd.s32 $0x1, s20;
	v39 =	vadd.s32 s28, v19;
	s2 =	smov.u32 s8;
	s8 =	smov.u32 s16;
	v36 =	vld.idx.msk [tilespmem:v47+s13+$0x0], $0xffff;
	[tilespmem:s26+$0xDDE0] =	vst v43  }
0x581: {  	_ =	sdelay $0x3  }
0x582: {  	s16 =	sshrl.u32 s21, $0x3;
	v10 =	vadd.s32 s3, v8;
	[tilespmem:s2+$0xD9D0] =	vst v37;
	v62 =	vld.idx.msk [tilespmem:v42+s13+$0x0], $0xffff  }
0x583: {  	v9 =	vadd.s32 s19, v9;
	[tilespmem:s6+$0xD5C0] =	vst v35;
	s16 =	smul.u32 $0xB000, s16;
	v63 =	vld.idx.msk [tilespmem:v40+s13+$0x0], $0xffff  }
0x584: {  	s18 =	sadd.s32 $0x80, s19;
	v45 =	vadd.s32 s25, v26;
	v44 =	vld.idx.msk [tilespmem:v41+s13+$0x0], $0xffff;
	[tilespmem:s30+$0xE1B0] =	vst v33  }
0x585: {  	v46 =	vadd.s32 s0, v15;
	s18 =	sand.u32 $0x380, s18;
	[tilespmem:s29+$0xDDA0] =	vst v34;
	v47 =	vld.idx.msk [tilespmem:v38+s13+$0x0], $0xffff;
	s16 =	sshra.s32 s16, $0x2  }
0x586: {  	v48 =	vadd.s32 s11, v2;
	[tilespmem:s8+$0xD990] =	vst v32;
	v49 =	vld.idx.msk [tilespmem:v39+s13+$0x0], $0xffff;
	s21 =	sor.u32 s18, s16  }
0x587: {  	v50 =	vadd.s32 s31, v27;
	[tilespmem:s21+$0xD580] =	vst v36;
	v10 =	vld.idx.msk [tilespmem:v10+s13+$0x0], $0xffff  }
0x588: {  	v51 =	vadd.s32 s28, v21;
	[tilespmem:s26+$0xDDF0] =	vst v62;
	v9 =	vld.idx.msk [tilespmem:v9+s13+$0x0], $0xffff  }
0x589: {  	v6 =	vadd.s32 s14, v6;
	[tilespmem:s2+$0xD9E0] =	vst v63;
	v52 =	vld.idx.msk [tilespmem:v45+s13+$0x0], $0xffff  }
0x58a: {  	v53 =	vadd.s32 s3, v11;
	[tilespmem:s6+$0xD5D0] =	vst v44;
	v33 =	vld.idx.msk [tilespmem:v46+s13+$0x0], $0xffff  }
0x58b: {  	v54 =	vadd.s32 s25, v28;
	v38 =	vld.idx.msk [tilespmem:v48+s13+$0x0], $0xffff;
	[tilespmem:s30+$0xE1C0] =	vst v47  }
0x58c: {  	v55 =	vadd.s32 s0, v16;
	[tilespmem:s29+$0xDDB0] =	vst v49;
	v56 =	vld.idx.msk [tilespmem:v50+s13+$0x0], $0xffff  }
0x58d: {  	v57 =	vadd.s32 s11, v4;
	v39 =	vld.idx.msk [tilespmem:v51+s13+$0x0], $0xffff;
	[tilespmem:s21+$0xD590] =	vst v9  }
0x58e: {  	[tilespmem:s8+$0xD9A0] =	vst v10;
	v9 =	vadd.s32 s31, v24;
	v6 =	vld.idx.msk [tilespmem:v6+s13+$0x0], $0xffff  }
0x58f: {  	v58 =	vadd.s32 s14, v3;
	v10 =	vld.idx.msk [tilespmem:v53+s13+$0x0], $0xffff;
	[tilespmem:s26+$0xE180] =	vst v52  }
0x590: {  	[tilespmem:s2+$0xD9F0] =	vst v33;
	v60 =	vld.idx.msk [tilespmem:v54+s13+$0x0], $0xffff  }
0x591: {  	v59 =	vadd.s32 s28, v22;
	[tilespmem:s6+$0xD5E0] =	vst v38;
	v34 =	vld.idx.msk [tilespmem:v55+s13+$0x0], $0xffff  }
0x592: {  	v61 =	vadd.s32 s3, v12;
	v36 =	vld.idx.msk [tilespmem:v57+s13+$0x0], $0xffff;
	[tilespmem:s30+$0xE1D0] =	vst v56  }
0x593: {  	v62 =	vadd.s32 s25, v29;
	v3 =	vld.idx.msk [tilespmem:v9+s13+$0x0], $0xffff;
	[tilespmem:s21+$0xD5A0] =	vst v6  }
0x594: {  	[tilespmem:s29+$0xDDC0] =	vst v39;
	v9 =	vld.idx.msk [tilespmem:v58+s13+$0x0], $0xffff  }
0x595: {  	[tilespmem:s8+$0xD9B0] =	vst v10;
	v10 =	vadd.s32 s14, v1  }
0x596: {  	v6 =	vld.idx.msk [tilespmem:v59+s13+$0x0], $0xffff;
	[tilespmem:s26+$0xE190] =	vst v60  }
0x597: {  	v63 =	vld.idx.msk [tilespmem:v61+s13+$0x0], $0xffff;
	[tilespmem:s2+$0xDD80] =	vst v34  }
0x598: {  	v1 =	vld.idx.msk [tilespmem:v62+s13+$0x0], $0xffff;
	[tilespmem:s6+$0xD5F0] =	vst v36  }
0x599: {  	[tilespmem:s21+$0xD5B0] =	vst v9  }
0x59a: {  	v9 =	vld.idx.msk [tilespmem:v10+s13+$0x0], $0xffff  }
0x59b: {  	v0 =	vadd.s32 s14, v0;
	_ =	sdelay $0x3  }
0x59c: {  	[tilespmem:s21+$0xD5C0] =	vst v9  }
0x59d: {  	v0 =	vld.idx.msk [tilespmem:v0+s13+$0x0], $0xffff  }
0x59e: {  	v2 =	vadd.s32 s14, v2;
	_ =	sdelay $0x3  }
0x59f: {  	[tilespmem:s21+$0xD5D0] =	vst v0  }
0x5a0: {  	v0 =	vld.idx.msk [tilespmem:v2+s13+$0x0], $0xffff  }
0x5a1: {  	v2 =	vadd.s32 s14, v4;
	_ =	sdelay $0x3  }
0x5a2: {  	[tilespmem:s21+$0xD5E0] =	vst v0;
	v0 =	vadd.s32 s11, v5  }
0x5a3: {  	v2 =	vld.idx.msk [tilespmem:v2+s13+$0x0], $0xffff  }
0x5a4: {  	v4 =	vadd.s32 s14, v5;
	_ =	sdelay $0x2  }
0x5a5: {  	v0 =	vld.idx.msk [tilespmem:v0+s13+$0x0], $0xffff  }
0x5a6: {  	[tilespmem:s21+$0xD5F0] =	vst v2;
	v2 =	vadd.s32 s11, v7  }
0x5a7: {  	v4 =	vld.idx.msk [tilespmem:v4+s13+$0x0], $0xffff  }
0x5a8: {  	v5 =	vadd.s32 s14, v7;
	_ =	sdelay $0x1  }
0x5a9: {  	[tilespmem:s6+$0xD980] =	vst v0  }
0x5aa: {  	v0 =	vld.idx.msk [tilespmem:v2+s13+$0x0], $0xffff  }
0x5ab: {  	v2 =	vadd.s32 s11, v8;
	[tilespmem:s21+$0xD980] =	vst v4  }
0x5ac: {  	v4 =	vld.idx.msk [tilespmem:v5+s13+$0x0], $0xffff  }
0x5ad: {  	v5 =	vadd.s32 s14, v8;
	_ =	sdelay $0x1  }
0x5ae: {  	[tilespmem:s6+$0xD990] =	vst v0  }
0x5af: {  	v0 =	vld.idx.msk [tilespmem:v2+s13+$0x0], $0xffff  }
0x5b0: {  	v2 =	vadd.s32 s11, v11;
	[tilespmem:s21+$0xD990] =	vst v4  }
0x5b1: {  	v4 =	vld.idx.msk [tilespmem:v5+s13+$0x0], $0xffff  }
0x5b2: {  	v5 =	vadd.s32 s14, v11;
	_ =	sdelay $0x1  }
0x5b3: {  	[tilespmem:s6+$0xD9A0] =	vst v0  }
0x5b4: {  	v0 =	vld.idx.msk [tilespmem:v2+s13+$0x0], $0xffff  }
0x5b5: {  	v2 =	vadd.s32 s11, v12;
	[tilespmem:s21+$0xD9A0] =	vst v4  }
0x5b6: {  	v4 =	vld.idx.msk [tilespmem:v5+s13+$0x0], $0xffff  }
0x5b7: {  	v5 =	vadd.s32 s14, v12;
	_ =	sdelay $0x1  }
0x5b8: {  	[tilespmem:s6+$0xD9B0] =	vst v0  }
0x5b9: {  	v0 =	vadd.s32 s3, v13;
	v2 =	vld.idx.msk [tilespmem:v2+s13+$0x0], $0xffff  }
0x5ba: {  	[tilespmem:s21+$0xD9B0] =	vst v4;
	v4 =	vadd.s32 s11, v13  }
0x5bb: {  	v5 =	vld.idx.msk [tilespmem:v5+s13+$0x0], $0xffff  }
0x5bc: {  	v7 =	vadd.s32 s14, v13  }
0x5bd: {  	[tilespmem:s8+$0xD9C0] =	vst v63  }
0x5be: {  	v0 =	vld.idx.msk [tilespmem:v0+s13+$0x0], $0xffff;
	[tilespmem:s6+$0xD9C0] =	vst v2  }
0x5bf: {  	v2 =	vadd.s32 s3, v14;
	v4 =	vld.idx.msk [tilespmem:v4+s13+$0x0], $0xffff  }
0x5c0: {  	[tilespmem:s21+$0xD9C0] =	vst v5;
	v5 =	vadd.s32 s11, v14  }
0x5c1: {  	v7 =	vld.idx.msk [tilespmem:v7+s13+$0x0], $0xffff  }
0x5c2: {  	v8 =	vadd.s32 s14, v14  }
0x5c3: {  	[tilespmem:s8+$0xD9D0] =	vst v0  }
0x5c4: {  	v0 =	vld.idx.msk [tilespmem:v2+s13+$0x0], $0xffff;
	[tilespmem:s6+$0xD9D0] =	vst v4  }
0x5c5: {  	v2 =	vadd.s32 s3, v15;
	v4 =	vld.idx.msk [tilespmem:v5+s13+$0x0], $0xffff  }
0x5c6: {  	v5 =	vadd.s32 s11, v15;
	[tilespmem:s21+$0xD9D0] =	vst v7  }
0x5c7: {  	v7 =	vld.idx.msk [tilespmem:v8+s13+$0x0], $0xffff  }
0x5c8: {  	v8 =	vadd.s32 s14, v15  }
0x5c9: {  	[tilespmem:s8+$0xD9E0] =	vst v0  }
0x5ca: {  	v0 =	vld.idx.msk [tilespmem:v2+s13+$0x0], $0xffff;
	[tilespmem:s6+$0xD9E0] =	vst v4  }
0x5cb: {  	v2 =	vadd.s32 s3, v16;
	v4 =	vld.idx.msk [tilespmem:v5+s13+$0x0], $0xffff  }
0x5cc: {  	v5 =	vadd.s32 s11, v16;
	[tilespmem:s21+$0xD9E0] =	vst v7  }
0x5cd: {  	v7 =	vld.idx.msk [tilespmem:v8+s13+$0x0], $0xffff  }
0x5ce: {  	v8 =	vadd.s32 s14, v16  }
0x5cf: {  	[tilespmem:s8+$0xD9F0] =	vst v0;
	v0 =	vadd.s32 s0, v17  }
0x5d0: {  	v2 =	vld.idx.msk [tilespmem:v2+s13+$0x0], $0xffff;
	[tilespmem:s6+$0xD9F0] =	vst v4  }
0x5d1: {  	v4 =	vadd.s32 s3, v17;
	v5 =	vld.idx.msk [tilespmem:v5+s13+$0x0], $0xffff  }
0x5d2: {  	[tilespmem:s21+$0xD9F0] =	vst v7;
	v7 =	vadd.s32 s11, v17  }
0x5d3: {  	v8 =	vld.idx.msk [tilespmem:v8+s13+$0x0], $0xffff  }
0x5d4: {  	v9 =	vadd.s32 s14, v17;
	v0 =	vld.idx.msk [tilespmem:v0+s13+$0x0], $0xffff  }
0x5d5: {  	[tilespmem:s8+$0xDD80] =	vst v2;
	v2 =	vadd.s32 s0, v18  }
0x5d6: {  	v4 =	vld.idx.msk [tilespmem:v4+s13+$0x0], $0xffff;
	[tilespmem:s6+$0xDD80] =	vst v5  }
0x5d7: {  	v5 =	vadd.s32 s3, v18;
	v7 =	vld.idx.msk [tilespmem:v7+s13+$0x0], $0xffff  }
0x5d8: {  	[tilespmem:s21+$0xDD80] =	vst v8;
	v8 =	vadd.s32 s11, v18  }
0x5d9: {  	[tilespmem:s2+$0xDD90] =	vst v0;
	v9 =	vld.idx.msk [tilespmem:v9+s13+$0x0], $0xffff  }
0x5da: {  	v10 =	vadd.s32 s14, v18;
	v0 =	vld.idx.msk [tilespmem:v2+s13+$0x0], $0xffff  }
0x5db: {  	v2 =	vadd.s32 s0, v19;
	[tilespmem:s8+$0xDD90] =	vst v4  }
0x5dc: {  	v4 =	vld.idx.msk [tilespmem:v5+s13+$0x0], $0xffff;
	[tilespmem:s6+$0xDD90] =	vst v7  }
0x5dd: {  	v5 =	vadd.s32 s3, v19;
	v7 =	vld.idx.msk [tilespmem:v8+s13+$0x0], $0xffff  }
0x5de: {  	v8 =	vadd.s32 s11, v19;
	[tilespmem:s21+$0xDD90] =	vst v9  }
0x5df: {  	[tilespmem:s2+$0xDDA0] =	vst v0;
	v9 =	vld.idx.msk [tilespmem:v10+s13+$0x0], $0xffff  }
0x5e0: {  	v10 =	vadd.s32 s14, v19;
	v0 =	vld.idx.msk [tilespmem:v2+s13+$0x0], $0xffff  }
0x5e1: {  	v2 =	vadd.s32 s0, v21;
	[tilespmem:s8+$0xDDA0] =	vst v4  }
0x5e2: {  	v4 =	vld.idx.msk [tilespmem:v5+s13+$0x0], $0xffff;
	[tilespmem:s6+$0xDDA0] =	vst v7  }
0x5e3: {  	v5 =	vadd.s32 s3, v21;
	v7 =	vld.idx.msk [tilespmem:v8+s13+$0x0], $0xffff  }
0x5e4: {  	v8 =	vadd.s32 s11, v21;
	[tilespmem:s21+$0xDDA0] =	vst v9  }
0x5e5: {  	[tilespmem:s2+$0xDDB0] =	vst v0;
	v9 =	vld.idx.msk [tilespmem:v10+s13+$0x0], $0xffff  }
0x5e6: {  	v10 =	vadd.s32 s14, v21;
	v0 =	vld.idx.msk [tilespmem:v2+s13+$0x0], $0xffff  }
0x5e7: {  	v2 =	vadd.s32 s0, v22;
	[tilespmem:s8+$0xDDB0] =	vst v4  }
0x5e8: {  	v4 =	vld.idx.msk [tilespmem:v5+s13+$0x0], $0xffff;
	[tilespmem:s6+$0xDDB0] =	vst v7  }
0x5e9: {  	v5 =	vadd.s32 s3, v22;
	v7 =	vld.idx.msk [tilespmem:v8+s13+$0x0], $0xffff  }
0x5ea: {  	v8 =	vadd.s32 s11, v22;
	[tilespmem:s21+$0xDDB0] =	vst v9  }
0x5eb: {  	[tilespmem:s2+$0xDDC0] =	vst v0;
	v0 =	vadd.s32 s28, v23;
	v9 =	vld.idx.msk [tilespmem:v10+s13+$0x0], $0xffff  }
0x5ec: {  	v10 =	vadd.s32 s14, v22;
	v2 =	vld.idx.msk [tilespmem:v2+s13+$0x0], $0xffff  }
0x5ed: {  	[tilespmem:s8+$0xDDC0] =	vst v4;
	v4 =	vadd.s32 s0, v23  }
0x5ee: {  	v5 =	vld.idx.msk [tilespmem:v5+s13+$0x0], $0xffff;
	[tilespmem:s6+$0xDDC0] =	vst v7  }
0x5ef: {  	[tilespmem:s29+$0xDDD0] =	vst v6;
	v7 =	vadd.s32 s3, v23;
	v8 =	vld.idx.msk [tilespmem:v8+s13+$0x0], $0xffff  }
0x5f0: {  	v0 =	vld.idx.msk [tilespmem:v0+s13+$0x0], $0xffff;
	[tilespmem:s21+$0xDDC0] =	vst v9;
	v9 =	vadd.s32 s11, v23  }
0x5f1: {  	[tilespmem:s2+$0xDDD0] =	vst v2;
	v2 =	vadd.s32 s28, v25;
	v10 =	vld.idx.msk [tilespmem:v10+s13+$0x0], $0xffff  }
0x5f2: {  	v6 =	vadd.s32 s14, v23;
	v4 =	vld.idx.msk [tilespmem:v4+s13+$0x0], $0xffff  }
0x5f3: {  	[tilespmem:s8+$0xDDD0] =	vst v5;
	v5 =	vadd.s32 s0, v25  }
0x5f4: {  	v7 =	vld.idx.msk [tilespmem:v7+s13+$0x0], $0xffff;
	[tilespmem:s6+$0xDDD0] =	vst v8  }
0x5f5: {  	v8 =	vadd.s32 s3, v25;
	[tilespmem:s29+$0xDDE0] =	vst v0;
	v9 =	vld.idx.msk [tilespmem:v9+s13+$0x0], $0xffff  }
0x5f6: {  	v2 =	vld.idx.msk [tilespmem:v2+s13+$0x0], $0xffff;
	[tilespmem:s21+$0xDDD0] =	vst v10;
	v10 =	vadd.s32 s11, v25  }
0x5f7: {  	[tilespmem:s2+$0xDDE0] =	vst v4;
	v4 =	vadd.s32 s28, v26;
	v6 =	vld.idx.msk [tilespmem:v6+s13+$0x0], $0xffff  }
0x5f8: {  	v0 =	vadd.s32 s14, v25;
	v5 =	vld.idx.msk [tilespmem:v5+s13+$0x0], $0xffff  }
0x5f9: {  	[tilespmem:s8+$0xDDE0] =	vst v7;
	v7 =	vadd.s32 s0, v26  }
0x5fa: {  	v8 =	vld.idx.msk [tilespmem:v8+s13+$0x0], $0xffff;
	[tilespmem:s6+$0xDDE0] =	vst v9  }
0x5fb: {  	v9 =	vadd.s32 s3, v26;
	[tilespmem:s29+$0xDDF0] =	vst v2;
	v10 =	vld.idx.msk [tilespmem:v10+s13+$0x0], $0xffff  }
0x5fc: {  	v4 =	vld.idx.msk [tilespmem:v4+s13+$0x0], $0xffff;
	[tilespmem:s21+$0xDDE0] =	vst v6;
	v6 =	vadd.s32 s11, v26  }
0x5fd: {  	[tilespmem:s2+$0xDDF0] =	vst v5;
	v5 =	vadd.s32 s28, v28;
	v0 =	vld.idx.msk [tilespmem:v0+s13+$0x0], $0xffff  }
0x5fe: {  	v2 =	vadd.s32 s14, v26;
	v7 =	vld.idx.msk [tilespmem:v7+s13+$0x0], $0xffff  }
0x5ff: {  	[tilespmem:s8+$0xDDF0] =	vst v8  }
0x600: {  	v8 =	vadd.s32 s0, v28;
	v9 =	vld.idx.msk [tilespmem:v9+s13+$0x0], $0xffff;
	[tilespmem:s6+$0xDDF0] =	vst v10  }
0x601: {  	v10 =	vadd.s32 s3, v28;
	[tilespmem:s29+$0xE180] =	vst v4;
	v6 =	vld.idx.msk [tilespmem:v6+s13+$0x0], $0xffff  }
0x602: {  	v5 =	vld.idx.msk [tilespmem:v5+s13+$0x0], $0xffff;
	[tilespmem:s21+$0xDDF0] =	vst v0;
	v0 =	vadd.s32 s11, v28  }
0x603: {  	[tilespmem:s2+$0xE180] =	vst v7;
	v7 =	vadd.s32 s28, v29;
	v2 =	vld.idx.msk [tilespmem:v2+s13+$0x0], $0xffff  }
0x604: {  	[tilespmem:s30+$0xE1E0] =	vst v3;
	v3 =	vadd.s32 s14, v28  }
0x605: {  	v4 =	vadd.s32 s31, v20;
	v8 =	vld.idx.msk [tilespmem:v8+s13+$0x0], $0xffff;
	[tilespmem:s8+$0xE180] =	vst v9  }
0x606: {  	v9 =	vadd.s32 s0, v29;
	v10 =	vld.idx.msk [tilespmem:v10+s13+$0x0], $0xffff;
	[tilespmem:s6+$0xE180] =	vst v6  }
0x607: {  	[tilespmem:s29+$0xE190] =	vst v5;
	v0 =	vld.idx.msk [tilespmem:v0+s13+$0x0], $0xffff  }
0x608: {  	v6 =	vadd.s32 s3, v29;
	v7 =	vld.idx.msk [tilespmem:v7+s13+$0x0], $0xffff;
	[tilespmem:s21+$0xE180] =	vst v2  }
0x609: {  	[tilespmem:s26+$0xE1A0] =	vst v1;
	v1 =	vadd.s32 s11, v29;
	v2 =	vld.idx.msk [tilespmem:v3+s13+$0x0], $0xffff  }
0x60a: {  	[tilespmem:s2+$0xE190] =	vst v8;
	v8 =	vadd.s32 s28, v30;
	v3 =	vld.idx.msk [tilespmem:v4+s13+$0x0], $0xffff  }
0x60b: {  	v4 =	vadd.s32 s14, v29;
	v9 =	vld.idx.msk [tilespmem:v9+s13+$0x0], $0xffff;
	[tilespmem:s8+$0xE190] =	vst v10  }
0x60c: {  	v5 =	vadd.s32 s25, v30;
	[tilespmem:s6+$0xE190] =	vst v0  }
0x60d: {  	v10 =	vadd.s32 s0, v30;
	v6 =	vld.idx.msk [tilespmem:v6+s13+$0x0], $0xffff;
	[tilespmem:s29+$0xE1A0] =	vst v7  }
0x60e: {  	v0 =	vadd.s32 s3, v30;
	v1 =	vld.idx.msk [tilespmem:v1+s13+$0x0], $0xffff;
	[tilespmem:s21+$0xE190] =	vst v2  }
0x60f: {  	v8 =	vld.idx.msk [tilespmem:v8+s13+$0x0], $0xffff;
	[tilespmem:s30+$0xE1F0] =	vst v3;
	v2 =	vadd.s32 s11, v30  }
0x610: {  	[tilespmem:s2+$0xE1A0] =	vst v9;
	v9 =	vadd.s32 s28, v31;
	v3 =	vld.idx.msk [tilespmem:v4+s13+$0x0], $0xffff  }
0x611: {  	v4 =	vld.idx.msk [tilespmem:v5+s13+$0x0], $0xffff;
	v5 =	vadd.s32 s14, v30  }
0x612: {  	v7 =	vadd.s32 s25, v31;
	v10 =	vld.idx.msk [tilespmem:v10+s13+$0x0], $0xffff;
	[tilespmem:s8+$0xE1A0] =	vst v6  }
0x613: {  	v6 =	vadd.s32 s0, v31;
	v0 =	vld.idx.msk [tilespmem:v0+s13+$0x0], $0xffff;
	[tilespmem:s6+$0xE1A0] =	vst v1  }
0x614: {  	[tilespmem:s29+$0xE1B0] =	vst v8;
	v2 =	vld.idx.msk [tilespmem:v2+s13+$0x0], $0xffff  }
0x615: {  	v1 =	vadd.s32 s3, v31;
	v9 =	vld.idx.msk [tilespmem:v9+s13+$0x0], $0xffff;
	[tilespmem:s21+$0xE1A0] =	vst v3  }
0x616: {  	[tilespmem:s26+$0xE1B0] =	vst v4;
	v3 =	vadd.s32 s11, v31;
	v4 =	vld.idx.msk [tilespmem:v5+s13+$0x0], $0xffff  }
0x617: {  	[tilespmem:s2+$0xE1B0] =	vst v10;
	v10 =	vadd.s32 s28, v27;
	v5 =	vld.idx.msk [tilespmem:v7+s13+$0x0], $0xffff  }
0x618: {  	v7 =	vadd.s32 s14, v31;
	v6 =	vld.idx.msk [tilespmem:v6+s13+$0x0], $0xffff;
	[tilespmem:s8+$0xE1B0] =	vst v0  }
0x619: {  	v8 =	vadd.s32 s25, v27;
	[tilespmem:s6+$0xE1B0] =	vst v2  }
0x61a: {  	v0 =	vadd.s32 s0, v27;
	v1 =	vld.idx.msk [tilespmem:v1+s13+$0x0], $0xffff;
	[tilespmem:s29+$0xE1C0] =	vst v9  }
0x61b: {  	v2 =	vadd.s32 s3, v27;
	v3 =	vld.idx.msk [tilespmem:v3+s13+$0x0], $0xffff;
	[tilespmem:s21+$0xE1B0] =	vst v4  }
0x61c: {  	v10 =	vld.idx.msk [tilespmem:v10+s13+$0x0], $0xffff;
	[tilespmem:s26+$0xE1C0] =	vst v5;
	v4 =	vadd.s32 s11, v27  }
0x61d: {  	[tilespmem:s2+$0xE1C0] =	vst v6;
	v6 =	vadd.s32 s28, v24;
	v5 =	vld.idx.msk [tilespmem:v7+s13+$0x0], $0xffff  }
0x61e: {  	v7 =	vld.idx.msk [tilespmem:v8+s13+$0x0], $0xffff;
	v8 =	vadd.s32 s14, v27  }
0x61f: {  	v9 =	vadd.s32 s25, v24;
	v0 =	vld.idx.msk [tilespmem:v0+s13+$0x0], $0xffff;
	[tilespmem:s8+$0xE1C0] =	vst v1  }
0x620: {  	v2 =	vld.idx.msk [tilespmem:v2+s13+$0x0], $0xffff;
	[tilespmem:s6+$0xE1C0] =	vst v3  }
0x621: {  	v1 =	vadd.s32 s0, v24;
	[tilespmem:s29+$0xE1D0] =	vst v10;
	v4 =	vld.idx.msk [tilespmem:v4+s13+$0x0], $0xffff  }
0x622: {  	v3 =	vadd.s32 s3, v24;
	v6 =	vld.idx.msk [tilespmem:v6+s13+$0x0], $0xffff;
	[tilespmem:s21+$0xE1C0] =	vst v5  }
0x623: {  	[tilespmem:s26+$0xE1D0] =	vst v7;
	v5 =	vadd.s32 s11, v24;
	v7 =	vld.idx.msk [tilespmem:v8+s13+$0x0], $0xffff  }
0x624: {  	[tilespmem:s2+$0xE1D0] =	vst v0;
	v8 =	vld.idx.msk [tilespmem:v9+s13+$0x0], $0xffff;
	v9 =	vadd.s32 s14, v24  }
0x625: {  	v0 =	vadd.s32 s28, v20;
	[tilespmem:s8+$0xE1D0] =	vst v2  }
0x626: {  	v10 =	vadd.s32 s25, v20;
	v1 =	vld.idx.msk [tilespmem:v1+s13+$0x0], $0xffff;
	[tilespmem:s6+$0xE1D0] =	vst v4  }
0x627: {  	v2 =	vadd.s32 s0, v20;
	v3 =	vld.idx.msk [tilespmem:v3+s13+$0x0], $0xffff;
	[tilespmem:s29+$0xE1E0] =	vst v6  }
0x628: {  	v4 =	vadd.s32 s3, v20;
	v5 =	vld.idx.msk [tilespmem:v5+s13+$0x0], $0xffff;
	[tilespmem:s21+$0xE1D0] =	vst v7  }
0x629: {  	[tilespmem:s26+$0xE1E0] =	vst v8;
	v7 =	vadd.s32 s11, v20;
	v8 =	vld.idx.msk [tilespmem:v9+s13+$0x0], $0xffff  }
0x62a: {  	v6 =	vadd.s32 s14, v20;
	v0 =	vld.idx.msk [tilespmem:v0+s13+$0x0], $0xffff  }
0x62b: {  	[tilespmem:s2+$0xE1E0] =	vst v1;
	v9 =	vld.idx.msk [tilespmem:v10+s13+$0x0], $0xffff  }
0x62c: {  	v1 =	vld.idx.msk [tilespmem:v2+s13+$0x0], $0xffff;
	[tilespmem:s8+$0xE1E0] =	vst v3  }
0x62d: {  	v2 =	vld.idx.msk [tilespmem:v4+s13+$0x0], $0xffff;
	[tilespmem:s6+$0xE1E0] =	vst v5  }
0x62e: {  	v3 =	vld.idx.msk [tilespmem:v7+s13+$0x0], $0xffff;
	[tilespmem:s21+$0xE1E0] =	vst v8  }
0x62f: {  	[tilespmem:s29+$0xE1F0] =	vst v0;
	v4 =	vld.idx.msk [tilespmem:v6+s13+$0x0], $0xffff  }
0x630: {  	[tilespmem:s26+$0xE1F0] =	vst v9  }
0x631: {  	[tilespmem:s2+$0xE1F0] =	vst v1  }
0x632: {  	[tilespmem:s8+$0xE1F0] =	vst v2  }
0x633: {  	[tilespmem:s6+$0xE1F0] =	vst v3  }
0x634: {  	[tilespmem:s21+$0xE1F0] =	vst v4  }
0x635: {  	v0 =	vld [tilespmem:$0x200]  }
0x636: {  	v1 =	vld [tilespmem:$0x210]  }
0x637: {  	v2 =	vld [tilespmem:$0x220]  }
0x638: {  	v3 =	vld [tilespmem:$0x230]  }
0x639: {  	v4 =	vld [tilespmem:$0x240]  }
0x63a: {  	v5 =	vld [tilespmem:$0x250]  }
0x63b: {  	v6 =	vld [tilespmem:$0x260]  }
0x63c: {  	v7 =	vld [tilespmem:$0x270]  }
0x63d: {  	v8 =	vld [tilespmem:$0x280]  }
0x63e: {  	v9 =	vld [tilespmem:$0x290]  }
0x63f: {  	v10 =	vld [tilespmem:$0x2A0]  }
0x640: {  	v11 =	vld [tilespmem:$0x2B0]  }
0x641: {  	v12 =	vld [tilespmem:$0x2C0]  }
0x642: {  	v13 =	vld [tilespmem:$0x2D0]  }
0x643: {  	v14 =	vld [tilespmem:$0x2E0]  }
0x644: {  	v16 =	vld [tilespmem:$0x2F0]  }
0x645: {  	v17 =	vld [tilespmem:$0x300]  }
0x646: {  	v18 =	vld [tilespmem:$0x310]  }
0x647: {  	v20 =	vld [tilespmem:$0x320]  }
0x648: {  	v21 =	vld [tilespmem:$0x330]  }
0x649: {  	v22 =	vld [tilespmem:$0x340]  }
0x64a: {  	v23 =	vld [tilespmem:$0x350]  }
0x64b: {  	v24 =	vld [tilespmem:$0x360]  }
0x64c: {  	v25 =	vld [tilespmem:$0x370]  }
0x64d: {  	v27 =	vld [tilespmem:$0x380]  }
0x64e: {  	v28 =	vld [tilespmem:$0x390]  }
0x64f: {  	v29 =	vld [tilespmem:$0x3A0]  }
0x650: {  	s16 =	simm.s32 $0x0;
	v31 =	vld.idx.msk [tilespmem:v0+s13+$0x0], $0xffff  }
0x651: {  	s0 =	smul.u32 $0xB000, s16;
	v30 =	vld [tilespmem:$0x3B0]  }
0x652: {  	s31 =	simm.s32 $0x0;
	v26 =	vld [tilespmem:$0x3C0]  }
0x653: {  	s18 =	sand.u32 $0x380, s31;
	s0 =	sshra.s32 s0, $0x2;
	v32 =	vld [tilespmem:$0x3D0]  }
0x654: {  	s14 =	sor.u32 s18, s0;
	v19 =	vld [tilespmem:$0x3E0]  }
0x655: {  	v15 =	vld [tilespmem:$0x3F0];
	[tilespmem:s14+$0xE580] =	vst v31  }
0x656: {  	v31 =	vld.idx.msk [tilespmem:v1+s13+$0x0], $0xffff;
	_ =	sdelay $0x4  }
0x657: {  	[tilespmem:s14+$0xE590] =	vst v31  }
0x658: {  	v31 =	vld.idx.msk [tilespmem:v2+s13+$0x0], $0xffff;
	_ =	sdelay $0x4  }
0x659: {  	[tilespmem:s14+$0xE5A0] =	vst v31  }
0x65a: {  	v31 =	vld.idx.msk [tilespmem:v3+s13+$0x0], $0xffff;
	_ =	sdelay $0x3  }
0x65b: {  	v0 =	vadd.s32 $0x80, v0  }
0x65c: {  	v37 =	vadd.s32 s31, v0;
	[tilespmem:s14+$0xE5B0] =	vst v31  }
0x65d: {  	v31 =	vld.idx.msk [tilespmem:v4+s13+$0x0], $0xffff;
	_ =	sdelay $0x3  }
0x65e: {  	s19 =	simm.s32 $0x0;
	v1 =	vadd.s32 $0x80, v1;
	v33 =	vld.idx.msk [tilespmem:v37+s13+$0x0], $0xffff  }
0x65f: {  	s0 =	smul.u32 $0xB000, s19;
	v38 =	vadd.s32 s31, v1;
	[tilespmem:s14+$0xE5C0] =	vst v31  }
0x660: {  	s25 =	simm.s32 $0x80;
	v31 =	vld.idx.msk [tilespmem:v5+s13+$0x0], $0xffff  }
0x661: {  	s20 =	sand.u32 $0x380, s25;
	s0 =	sshra.s32 s0, $0x2  }
0x662: {  	s30 =	sor.u32 s20, s0  }
0x663: {  	[tilespmem:s30+$0xE580] =	vst v33  }
0x664: {  	v2 =	vadd.s32 $0x80, v2;
	v33 =	vld.idx.msk [tilespmem:v38+s13+$0x0], $0xffff  }
0x665: {  	v39 =	vadd.s32 s31, v2;
	[tilespmem:s14+$0xE5D0] =	vst v31  }
0x666: {  	v31 =	vld.idx.msk [tilespmem:v6+s13+$0x0], $0xffff;
	_ =	sdelay $0x2  }
0x667: {  	[tilespmem:s30+$0xE590] =	vst v33  }
0x668: {  	v3 =	vadd.s32 $0x80, v3;
	v33 =	vld.idx.msk [tilespmem:v39+s13+$0x0], $0xffff  }
0x669: {  	v40 =	vadd.s32 s31, v3;
	[tilespmem:s14+$0xE5E0] =	vst v31  }
0x66a: {  	v31 =	vld.idx.msk [tilespmem:v7+s13+$0x0], $0xffff;
	_ =	sdelay $0x2  }
0x66b: {  	[tilespmem:s30+$0xE5A0] =	vst v33  }
0x66c: {  	v4 =	vadd.s32 $0x80, v4;
	v33 =	vld.idx.msk [tilespmem:v40+s13+$0x0], $0xffff  }
0x66d: {  	v41 =	vadd.s32 s31, v4;
	[tilespmem:s14+$0xE5F0] =	vst v31  }
0x66e: {  	v31 =	vld.idx.msk [tilespmem:v8+s13+$0x0], $0xffff;
	_ =	sdelay $0x1  }
0x66f: {  	v42 =	vadd.s32 s25, v0  }
0x670: {  	[tilespmem:s30+$0xE5B0] =	vst v33  }
0x671: {  	v5 =	vadd.s32 $0x80, v5;
	v33 =	vld.idx.msk [tilespmem:v41+s13+$0x0], $0xffff  }
0x672: {  	v43 =	vadd.s32 s31, v5;
	[tilespmem:s14+$0xE980] =	vst v31  }
0x673: {  	v31 =	vld.idx.msk [tilespmem:v9+s13+$0x0], $0xffff  }
0x674: {  	s21 =	simm.s32 $0x0;
	v35 =	vld.idx.msk [tilespmem:v42+s13+$0x0], $0xffff  }
0x675: {  	s0 =	smul.u32 $0xB000, s21;
	v44 =	vadd.s32 s25, v1  }
0x676: {  	s28 =	simm.s32 $0x100;
	[tilespmem:s30+$0xE5C0] =	vst v33  }
0x677: {  	s26 =	sand.u32 $0x380, s28;
	s0 =	sshra.s32 s0, $0x2;
	v6 =	vadd.s32 $0x80, v6;
	v33 =	vld.idx.msk [tilespmem:v43+s13+$0x0], $0xffff  }
0x678: {  	s26 =	sor.u32 s26, s0;
	v45 =	vadd.s32 s31, v6;
	[tilespmem:s14+$0xE990] =	vst v31  }
0x679: {  	[tilespmem:s26+$0xE580] =	vst v35;
	v31 =	vld.idx.msk [tilespmem:v10+s13+$0x0], $0xffff  }
0x67a: {  	v35 =	vld.idx.msk [tilespmem:v44+s13+$0x0], $0xffff  }
0x67b: {  	v46 =	vadd.s32 s25, v2  }
0x67c: {  	[tilespmem:s30+$0xE5D0] =	vst v33  }
0x67d: {  	v7 =	vadd.s32 $0x80, v7;
	v33 =	vld.idx.msk [tilespmem:v45+s13+$0x0], $0xffff  }
0x67e: {  	v47 =	vadd.s32 s31, v7;
	[tilespmem:s14+$0xE9A0] =	vst v31  }
0x67f: {  	[tilespmem:s26+$0xE590] =	vst v35;
	v31 =	vld.idx.msk [tilespmem:v11+s13+$0x0], $0xffff  }
0x680: {  	v35 =	vld.idx.msk [tilespmem:v46+s13+$0x0], $0xffff  }
0x681: {  	v48 =	vadd.s32 s25, v3  }
0x682: {  	[tilespmem:s30+$0xE5E0] =	vst v33  }
0x683: {  	v8 =	vadd.s32 $0x80, v8;
	v33 =	vld.idx.msk [tilespmem:v47+s13+$0x0], $0xffff  }
0x684: {  	v49 =	vadd.s32 s31, v8;
	[tilespmem:s14+$0xE9B0] =	vst v31  }
0x685: {  	[tilespmem:s26+$0xE5A0] =	vst v35;
	v31 =	vld.idx.msk [tilespmem:v12+s13+$0x0], $0xffff  }
0x686: {  	v35 =	vld.idx.msk [tilespmem:v48+s13+$0x0], $0xffff  }
0x687: {  	v50 =	vadd.s32 s25, v4  }
0x688: {  	[tilespmem:s30+$0xE5F0] =	vst v33  }
0x689: {  	v9 =	vadd.s32 $0x80, v9;
	v33 =	vld.idx.msk [tilespmem:v49+s13+$0x0], $0xffff  }
0x68a: {  	v51 =	vadd.s32 s31, v9;
	[tilespmem:s14+$0xE9C0] =	vst v31  }
0x68b: {  	[tilespmem:s26+$0xE5B0] =	vst v35;
	v31 =	vadd.s32 s28, v0;
	v52 =	vld.idx.msk [tilespmem:v13+s13+$0x0], $0xffff  }
0x68c: {  	v36 =	vld.idx.msk [tilespmem:v50+s13+$0x0], $0xffff  }
0x68d: {  	v53 =	vadd.s32 s25, v5  }
0x68e: {  	[tilespmem:s30+$0xE980] =	vst v33  }
0x68f: {  	v10 =	vadd.s32 $0x80, v10;
	v33 =	vld.idx.msk [tilespmem:v51+s13+$0x0], $0xffff  }
0x690: {  	s3 =	simm.s32 $0x0;
	v54 =	vadd.s32 s31, v10;
	v31 =	vld.idx.msk [tilespmem:v31+s13+$0x0], $0xffff;
	[tilespmem:s14+$0xE9D0] =	vst v52  }
0x691: {  	s6 =	smul.u32 $0xB000, s3;
	v55 =	vadd.s32 s28, v1;
	[tilespmem:s26+$0xE5C0] =	vst v36;
	v56 =	vld.idx.msk [tilespmem:v14+s13+$0x0], $0xffff  }
0x692: {  	s0 =	simm.s32 $0x180;
	v37 =	vld.idx.msk [tilespmem:v53+s13+$0x0], $0xffff  }
0x693: {  	s2 =	sshra.s32 s6, $0x2;
	s8 =	sand.u32 $0x380, s0;
	v57 =	vadd.s32 s25, v6  }
0x694: {  	s29 =	sor.u32 s8, s2;
	[tilespmem:s30+$0xE990] =	vst v33  }
0x695: {  	v11 =	vadd.s32 $0x80, v11;
	[tilespmem:s29+$0xE580] =	vst v31;
	v31 =	vld.idx.msk [tilespmem:v54+s13+$0x0], $0xffff  }
0x696: {  	v59 =	vadd.s32 s31, v11;
	v58 =	vld.idx.msk [tilespmem:v55+s13+$0x0], $0xffff;
	[tilespmem:s14+$0xE9E0] =	vst v56  }
0x697: {  	v60 =	vadd.s32 s28, v2;
	[tilespmem:s26+$0xE5D0] =	vst v37;
	v36 =	vld.idx.msk [tilespmem:v16+s13+$0x0], $0xffff  }
0x698: {  	v37 =	vld.idx.msk [tilespmem:v57+s13+$0x0], $0xffff  }
0x699: {  	v61 =	vadd.s32 s25, v7  }
0x69a: {  	[tilespmem:s30+$0xE9A0] =	vst v31  }
0x69b: {  	v12 =	vadd.s32 $0x80, v12;
	[tilespmem:s29+$0xE590] =	vst v58;
	v31 =	vld.idx.msk [tilespmem:v59+s13+$0x0], $0xffff  }
0x69c: {  	v62 =	vadd.s32 s31, v12;
	v33 =	vld.idx.msk [tilespmem:v60+s13+$0x0], $0xffff;
	[tilespmem:s14+$0xE9F0] =	vst v36  }
0x69d: {  	v63 =	vadd.s32 s28, v3;
	[tilespmem:s26+$0xE5E0] =	vst v37;
	v36 =	vld.idx.msk [tilespmem:v17+s13+$0x0], $0xffff  }
0x69e: {  	v37 =	vld.idx.msk [tilespmem:v61+s13+$0x0], $0xffff  }
0x69f: {  	v40 =	vadd.s32 s25, v8  }
0x6a0: {  	[tilespmem:s30+$0xE9B0] =	vst v31  }
0x6a1: {  	v13 =	vadd.s32 $0x80, v13;
	[tilespmem:s29+$0xE5A0] =	vst v33;
	v31 =	vld.idx.msk [tilespmem:v62+s13+$0x0], $0xffff  }
0x6a2: {  	v41 =	vadd.s32 s31, v13;
	v33 =	vld.idx.msk [tilespmem:v63+s13+$0x0], $0xffff;
	[tilespmem:s14+$0xED80] =	vst v36  }
0x6a3: {  	v42 =	vadd.s32 s28, v4;
	[tilespmem:s26+$0xE5F0] =	vst v37;
	v36 =	vld.idx.msk [tilespmem:v18+s13+$0x0], $0xffff  }
0x6a4: {  	v37 =	vld.idx.msk [tilespmem:v40+s13+$0x0], $0xffff  }
0x6a5: {  	v43 =	vadd.s32 s25, v9  }
0x6a6: {  	[tilespmem:s30+$0xE9C0] =	vst v31;
	v31 =	vadd.s32 s0, v0  }
0x6a7: {  	v14 =	vadd.s32 $0x80, v14;
	[tilespmem:s29+$0xE5B0] =	vst v33;
	v44 =	vld.idx.msk [tilespmem:v41+s13+$0x0], $0xffff  }
0x6a8: {  	v46 =	vadd.s32 s31, v14;
	v45 =	vld.idx.msk [tilespmem:v42+s13+$0x0], $0xffff;
	[tilespmem:s14+$0xED90] =	vst v36  }
0x6a9: {  	v47 =	vadd.s32 s28, v5;
	[tilespmem:s26+$0xE980] =	vst v37;
	v48 =	vld.idx.msk [tilespmem:v20+s13+$0x0], $0xffff  }
0x6aa: {  	v38 =	vld.idx.msk [tilespmem:v43+s13+$0x0], $0xffff  }
0x6ab: {  	s11 =	simm.s32 $0x0;
	v49 =	vadd.s32 s25, v10;
	v31 =	vld.idx.msk [tilespmem:v31+s13+$0x0], $0xffff  }
0x6ac: {  	s2 =	smul.u32 $0xB000, s11;
	v50 =	vadd.s32 s0, v1;
	[tilespmem:s30+$0xE9D0] =	vst v44  }
0x6ad: {  	s3 =	simm.s32 $0x200;
	v16 =	vadd.s32 $0x80, v16;
	[tilespmem:s29+$0xE5C0] =	vst v45;
	v51 =	vld.idx.msk [tilespmem:v46+s13+$0x0], $0xffff  }
0x6ae: {  	s16 =	sand.u32 $0x380, s3;
	s2 =	sshra.s32 s2, $0x2;
	v53 =	vadd.s32 s31, v16;
	v52 =	vld.idx.msk [tilespmem:v47+s13+$0x0], $0xffff;
	[tilespmem:s14+$0xEDA0] =	vst v48  }
0x6af: {  	s2 =	sor.u32 s16, s2;
	[tilespmem:s26+$0xE990] =	vst v38;
	v54 =	vadd.s32 s28, v6;
	v55 =	vld.idx.msk [tilespmem:v21+s13+$0x0], $0xffff  }
0x6b0: {  	[tilespmem:s2+$0xE580] =	vst v31;
	v31 =	vld.idx.msk [tilespmem:v49+s13+$0x0], $0xffff  }
0x6b1: {  	v56 =	vadd.s32 s25, v11;
	v33 =	vld.idx.msk [tilespmem:v50+s13+$0x0], $0xffff  }
0x6b2: {  	v57 =	vadd.s32 s0, v2;
	[tilespmem:s30+$0xE9E0] =	vst v51  }
0x6b3: {  	v17 =	vadd.s32 $0x80, v17;
	[tilespmem:s29+$0xE5D0] =	vst v52;
	v58 =	vld.idx.msk [tilespmem:v53+s13+$0x0], $0xffff;
	v53 =	vadd.s32 s3, v0  }
0x6b4: {  	v60 =	vadd.s32 s31, v17;
	v59 =	vld.idx.msk [tilespmem:v54+s13+$0x0], $0xffff;
	[tilespmem:s14+$0xEDB0] =	vst v55  }
0x6b5: {  	v61 =	vadd.s32 s28, v7;
	[tilespmem:s26+$0xE9A0] =	vst v31;
	v31 =	vld.idx.msk [tilespmem:v22+s13+$0x0], $0xffff  }
0x6b6: {  	[tilespmem:s2+$0xE590] =	vst v33;
	v62 =	vld.idx.msk [tilespmem:v56+s13+$0x0], $0xffff  }
0x6b7: {  	v63 =	vadd.s32 s25, v12;
	v34 =	vld.idx.msk [tilespmem:v57+s13+$0x0], $0xffff  }
0x6b8: {  	s18 =	simm.s32 $0x0;
	v41 =	vadd.s32 s0, v3;
	[tilespmem:s30+$0xE9F0] =	vst v58;
	v40 =	vld.idx.msk [tilespmem:v53+s13+$0x0], $0xffff  }
0x6b9: {  	s6 =	smul.u32 $0xB000, s18;
	v18 =	vadd.s32 $0x80, v18;
	[tilespmem:s29+$0xE5E0] =	vst v59;
	v42 =	vld.idx.msk [tilespmem:v60+s13+$0x0], $0xffff;
	v60 =	vadd.s32 s3, v1  }
0x6ba: {  	s11 =	simm.s32 $0x280;
	v44 =	vadd.s32 s31, v18;
	v43 =	vld.idx.msk [tilespmem:v61+s13+$0x0], $0xffff;
	[tilespmem:s14+$0xEDC0] =	vst v31  }
0x6bb: {  	s6 =	sshra.s32 s6, $0x2;
	s19 =	sand.u32 $0x380, s11;
	v31 =	vadd.s32 s28, v8;
	[tilespmem:s26+$0xE9B0] =	vst v62;
	v45 =	vld.idx.msk [tilespmem:v23+s13+$0x0], $0xffff  }
0x6bc: {  	s8 =	sor.u32 s19, s6;
	[tilespmem:s2+$0xE5A0] =	vst v34;
	v46 =	vld.idx.msk [tilespmem:v63+s13+$0x0], $0xffff  }
0x6bd: {  	v47 =	vadd.s32 s25, v13;
	v35 =	vld.idx.msk [tilespmem:v41+s13+$0x0], $0xffff;
	[tilespmem:s8+$0xE580] =	vst v40  }
0x6be: {  	[tilespmem:s30+$0xED80] =	vst v42;
	v40 =	vld.idx.msk [tilespmem:v60+s13+$0x0], $0xffff  }
0x6bf: {  	v20 =	vadd.s32 $0x80, v20;
	v48 =	vadd.s32 s0, v4;
	[tilespmem:s29+$0xE5F0] =	vst v43;
	v49 =	vld.idx.msk [tilespmem:v44+s13+$0x0], $0xffff  }
0x6c0: {  	v50 =	vadd.s32 s31, v20;
	v31 =	vld.idx.msk [tilespmem:v31+s13+$0x0], $0xffff;
	[tilespmem:s14+$0xEDD0] =	vst v45  }
0x6c1: {  	v51 =	vadd.s32 s28, v9;
	[tilespmem:s26+$0xE9C0] =	vst v46;
	v52 =	vld.idx.msk [tilespmem:v24+s13+$0x0], $0xffff  }
0x6c2: {  	v54 =	vld.idx.msk [tilespmem:v47+s13+$0x0], $0xffff;
	v47 =	vadd.s32 s3, v2  }
0x6c3: {  	[tilespmem:s2+$0xE5B0] =	vst v35  }
0x6c4: {  	v55 =	vadd.s32 s25, v14;
	v36 =	vld.idx.msk [tilespmem:v48+s13+$0x0], $0xffff;
	[tilespmem:s30+$0xED90] =	vst v49  }
0x6c5: {  	v21 =	vadd.s32 $0x80, v21;
	v56 =	vadd.s32 s0, v5;
	[tilespmem:s29+$0xE980] =	vst v31;
	v31 =	vld.idx.msk [tilespmem:v50+s13+$0x0], $0xffff  }
0x6c6: {  	v57 =	vadd.s32 s31, v21;
	[tilespmem:s8+$0xE590] =	vst v40;
	v33 =	vld.idx.msk [tilespmem:v51+s13+$0x0], $0xffff  }
0x6c7: {  	v58 =	vadd.s32 s28, v10;
	[tilespmem:s14+$0xEDE0] =	vst v52;
	v40 =	vld.idx.msk [tilespmem:v47+s13+$0x0], $0xffff  }
0x6c8: {  	[tilespmem:s26+$0xE9D0] =	vst v54;
	v47 =	vadd.s32 s11, v0;
	v59 =	vld.idx.msk [tilespmem:v25+s13+$0x0], $0xffff  }
0x6c9: {  	[tilespmem:s2+$0xE5C0] =	vst v36;
	v61 =	vld.idx.msk [tilespmem:v55+s13+$0x0], $0xffff;
	v55 =	vadd.s32 s3, v3  }
0x6ca: {  	v37 =	vld.idx.msk [tilespmem:v56+s13+$0x0], $0xffff;
	[tilespmem:s30+$0xEDA0] =	vst v31  }
0x6cb: {  	v62 =	vadd.s32 s25, v16;
	[tilespmem:s29+$0xE990] =	vst v33;
	v63 =	vld.idx.msk [tilespmem:v57+s13+$0x0], $0xffff  }
0x6cc: {  	v22 =	vadd.s32 $0x80, v22;
	v31 =	vadd.s32 s0, v6;
	v34 =	vld.idx.msk [tilespmem:v58+s13+$0x0], $0xffff;
	[tilespmem:s8+$0xE5A0] =	vst v40  }
0x6cd: {  	s20 =	simm.s32 $0x0;
	v44 =	vadd.s32 s31, v22;
	v38 =	vld.idx.msk [tilespmem:v47+s13+$0x0], $0xffff;
	[tilespmem:s14+$0xEDF0] =	vst v59  }
0x6ce: {  	s6 =	smul.u32 $0xB000, s20;
	v45 =	vadd.s32 s28, v11;
	[tilespmem:s26+$0xE9E0] =	vst v61;
	v40 =	vld.idx.msk [tilespmem:v55+s13+$0x0], $0xffff  }
0x6cf: {  	s19 =	simm.s32 $0x300;
	v55 =	vadd.s32 s11, v1;
	v46 =	vld.idx.msk [tilespmem:v27+s13+$0x0], $0xffff;
	[tilespmem:s2+$0xE5D0] =	vst v37  }
0x6d0: {  	s21 =	sand.u32 $0x380, s19;
	s6 =	sshra.s32 s6, $0x2;
	v48 =	vld.idx.msk [tilespmem:v62+s13+$0x0], $0xffff;
	[tilespmem:s30+$0xEDB0] =	vst v63  }
0x6d1: {  	s6 =	sor.u32 s21, s6;
	v49 =	vadd.s32 s25, v17;
	v31 =	vld.idx.msk [tilespmem:v31+s13+$0x0], $0xffff;
	[tilespmem:s29+$0xE9A0] =	vst v34  }
0x6d2: {  	v61 =	vadd.s32 s3, v4;
	v51 =	vld.idx.msk [tilespmem:v44+s13+$0x0], $0xffff;
	[tilespmem:s6+$0xE580] =	vst v38  }
0x6d3: {  	v23 =	vadd.s32 $0x80, v23;
	v50 =	vadd.s32 s0, v7;
	v35 =	vld.idx.msk [tilespmem:v45+s13+$0x0], $0xffff;
	[tilespmem:s8+$0xE5B0] =	vst v40  }
0x6d4: {  	v52 =	vadd.s32 s31, v23;
	v38 =	vld.idx.msk [tilespmem:v55+s13+$0x0], $0xffff;
	[tilespmem:s14+$0xF180] =	vst v46  }
0x6d5: {  	v53 =	vadd.s32 s28, v12;
	[tilespmem:s26+$0xE9F0] =	vst v48;
	v54 =	vld.idx.msk [tilespmem:v28+s13+$0x0], $0xffff  }
0x6d6: {  	[tilespmem:s2+$0xE5E0] =	vst v31;
	v31 =	vld.idx.msk [tilespmem:v49+s13+$0x0], $0xffff  }
0x6d7: {  	v56 =	vadd.s32 s25, v18;
	v40 =	vld.idx.msk [tilespmem:v61+s13+$0x0], $0xffff  }
0x6d8: {  	v33 =	vld.idx.msk [tilespmem:v50+s13+$0x0], $0xffff;
	v50 =	vadd.s32 s3, v5;
	[tilespmem:s30+$0xEDC0] =	vst v51  }
0x6d9: {  	v24 =	vadd.s32 $0x80, v24;
	v57 =	vadd.s32 s0, v8;
	[tilespmem:s29+$0xE9B0] =	vst v35;
	v58 =	vld.idx.msk [tilespmem:v52+s13+$0x0], $0xffff  }
0x6da: {  	v59 =	vadd.s32 s31, v24;
	v36 =	vld.idx.msk [tilespmem:v53+s13+$0x0], $0xffff;
	[tilespmem:s14+$0xF190] =	vst v54  }
0x6db: {  	v60 =	vadd.s32 s28, v13;
	[tilespmem:s26+$0xED80] =	vst v31;
	v31 =	vld.idx.msk [tilespmem:v29+s13+$0x0], $0xffff  }
0x6dc: {  	[tilespmem:s8+$0xE5C0] =	vst v40;
	v62 =	vld.idx.msk [tilespmem:v56+s13+$0x0], $0xffff  }
0x6dd: {  	v63 =	vadd.s32 s25, v20;
	[tilespmem:s2+$0xE5F0] =	vst v33;
	v40 =	vld.idx.msk [tilespmem:v50+s13+$0x0], $0xffff  }
0x6de: {  	v43 =	vadd.s32 s3, v6;
	v34 =	vld.idx.msk [tilespmem:v57+s13+$0x0], $0xffff;
	[tilespmem:s30+$0xEDD0] =	vst v58  }
0x6df: {  	v25 =	vadd.s32 $0x80, v25;
	v45 =	vadd.s32 s0, v9;
	[tilespmem:s29+$0xE9C0] =	vst v36;
	v46 =	vld.idx.msk [tilespmem:v59+s13+$0x0], $0xffff  }
0x6e0: {  	v48 =	vadd.s32 s31, v25;
	v37 =	vld.idx.msk [tilespmem:v60+s13+$0x0], $0xffff;
	[tilespmem:s14+$0xF1A0] =	vst v31  }
0x6e1: {  	v31 =	vadd.s32 s28, v14;
	[tilespmem:s26+$0xED90] =	vst v62;
	v49 =	vld.idx.msk [tilespmem:v30+s13+$0x0], $0xffff  }
0x6e2: {  	v62 =	vadd.s32 s11, v2;
	[tilespmem:s8+$0xE5D0] =	vst v40;
	v51 =	vld.idx.msk [tilespmem:v63+s13+$0x0], $0xffff  }
0x6e3: {  	[tilespmem:s2+$0xE980] =	vst v34;
	v40 =	vld.idx.msk [tilespmem:v43+s13+$0x0], $0xffff  }
0x6e4: {  	v52 =	vadd.s32 s25, v21;
	v35 =	vld.idx.msk [tilespmem:v45+s13+$0x0], $0xffff;
	[tilespmem:s30+$0xEDE0] =	vst v46  }
0x6e5: {  	v47 =	vadd.s32 s3, v7;
	[tilespmem:s29+$0xE9D0] =	vst v37;
	v54 =	vld.idx.msk [tilespmem:v48+s13+$0x0], $0xffff  }
0x6e6: {  	[tilespmem:s6+$0xE590] =	vst v38;
	v53 =	vadd.s32 s0, v10;
	v31 =	vld.idx.msk [tilespmem:v31+s13+$0x0], $0xffff  }
0x6e7: {  	v27 =	vadd.s32 $0x80, v27;
	v57 =	vadd.s32 s28, v16;
	v38 =	vld.idx.msk [tilespmem:v62+s13+$0x0], $0xffff;
	[tilespmem:s14+$0xF1B0] =	vst v49  }
0x6e8: {  	v56 =	vadd.s32 s31, v27;
	[tilespmem:s26+$0xEDA0] =	vst v51;
	v58 =	vld.idx.msk [tilespmem:v26+s13+$0x0], $0xffff  }
0x6e9: {  	v51 =	vadd.s32 s11, v3;
	[tilespmem:s8+$0xE5E0] =	vst v40;
	v59 =	vld.idx.msk [tilespmem:v52+s13+$0x0], $0xffff  }
0x6ea: {  	[tilespmem:s2+$0xE990] =	vst v35;
	v40 =	vld.idx.msk [tilespmem:v47+s13+$0x0], $0xffff  }
0x6eb: {  	v60 =	vadd.s32 s25, v22;
	v36 =	vld.idx.msk [tilespmem:v53+s13+$0x0], $0xffff;
	[tilespmem:s29+$0xE9E0] =	vst v31  }
0x6ec: {  	v61 =	vadd.s32 s0, v11;
	[tilespmem:s30+$0xEDF0] =	vst v54;
	v33 =	vld.idx.msk [tilespmem:v57+s13+$0x0], $0xffff  }
0x6ed: {  	v28 =	vadd.s32 $0x80, v28;
	v45 =	vadd.s32 s28, v17;
	v31 =	vld.idx.msk [tilespmem:v56+s13+$0x0], $0xffff;
	[tilespmem:s6+$0xE5A0] =	vst v38  }
0x6ee: {  	v63 =	vadd.s32 s31, v28;
	v38 =	vld.idx.msk [tilespmem:v51+s13+$0x0], $0xffff;
	[tilespmem:s14+$0xF1C0] =	vst v58  }
0x6ef: {  	v47 =	vadd.s32 s19, v0;
	[tilespmem:s26+$0xEDB0] =	vst v59;
	v46 =	vld.idx.msk [tilespmem:v32+s13+$0x0], $0xffff  }
0x6f0: {  	[tilespmem:s2+$0xE9A0] =	vst v36;
	v48 =	vld.idx.msk [tilespmem:v60+s13+$0x0], $0xffff  }
0x6f1: {  	v49 =	vadd.s32 s25, v23;
	v37 =	vld.idx.msk [tilespmem:v61+s13+$0x0], $0xffff;
	[tilespmem:s29+$0xE9F0] =	vst v33  }
0x6f2: {  	[tilespmem:s30+$0xF180] =	vst v31;
	v31 =	vadd.s32 s0, v12;
	v34 =	vld.idx.msk [tilespmem:v45+s13+$0x0], $0xffff  }
0x6f3: {  	v29 =	vadd.s32 $0x80, v29;
	v53 =	vadd.s32 s28, v18;
	[tilespmem:s8+$0xE5F0] =	vst v40;
	v50 =	vld.idx.msk [tilespmem:v63+s13+$0x0], $0xffff  }
0x6f4: {  	v52 =	vadd.s32 s31, v29;
	v42 =	vld.idx.msk [tilespmem:v47+s13+$0x0], $0xffff;
	[tilespmem:s14+$0xF1D0] =	vst v46  }
0x6f5: {  	v55 =	vadd.s32 s3, v8;
	[tilespmem:s26+$0xEDC0] =	vst v48;
	v54 =	vld.idx.msk [tilespmem:v19+s13+$0x0], $0xffff  }
0x6f6: {  	[tilespmem:s2+$0xE9B0] =	vst v37;
	v56 =	vld.idx.msk [tilespmem:v49+s13+$0x0], $0xffff  }
0x6f7: {  	v57 =	vadd.s32 s25, v24;
	v31 =	vld.idx.msk [tilespmem:v31+s13+$0x0], $0xffff;
	[tilespmem:s29+$0xED80] =	vst v34  }
0x6f8: {  	v58 =	vadd.s32 s0, v13;
	[tilespmem:s30+$0xF190] =	vst v50;
	v35 =	vld.idx.msk [tilespmem:v53+s13+$0x0], $0xffff  }
0x6f9: {  	v30 =	vadd.s32 $0x80, v30;
	v60 =	vadd.s32 s11, v4;
	[tilespmem:s6+$0xE5B0] =	vst v38;
	v59 =	vld.idx.msk [tilespmem:v52+s13+$0x0], $0xffff  }
0x6fa: {  	v62 =	vadd.s32 s31, v30;
	v61 =	vld.idx.msk [tilespmem:v55+s13+$0x0], $0xffff;
	[tilespmem:s14+$0xF1E0] =	vst v54  }
0x6fb: {  	v63 =	vadd.s32 s28, v20;
	[tilespmem:s26+$0xEDD0] =	vst v56;
	v44 =	vld.idx.msk [tilespmem:v15+s13+$0x0], $0xffff  }
0x6fc: {  	v45 =	vadd.s32 s3, v9;
	[tilespmem:s2+$0xE9C0] =	vst v31;
	v46 =	vld.idx.msk [tilespmem:v57+s13+$0x0], $0xffff  }
0x6fd: {  	v37 =	vld.idx.msk [tilespmem:v58+s13+$0x0], $0xffff;
	[tilespmem:s29+$0xED90] =	vst v35;
	v35 =	vadd.s32 s25, v25  }
0x6fe: {  	v38 =	vadd.s32 s0, v14;
	v40 =	vld.idx.msk [tilespmem:v60+s13+$0x0], $0xffff;
	[tilespmem:s30+$0xF1A0] =	vst v59  }
0x6ff: {  	v41 =	vadd.s32 s11, v5;
	[tilespmem:s8+$0xE980] =	vst v61;
	v31 =	vadd.s32 $0x80, v26;
	v33 =	vld.idx.msk [tilespmem:v62+s13+$0x0], $0xffff  }
0x700: {  	v26 =	vadd.s32 $0x80, v32;
	v32 =	vadd.s32 s31, v31;
	v34 =	vld.idx.msk [tilespmem:v63+s13+$0x0], $0xffff;
	[tilespmem:s14+$0xF1F0] =	vst v44  }
0x701: {  	s20 =	simm.s32 $0x8;
	s21 =	simm.s32 $0x7;
	v36 =	vadd.s32 s28, v21;
	v19 =	vadd.s32 $0x80, v19;
	v39 =	vld.idx.msk [tilespmem:v45+s13+$0x0], $0xffff;
	v15 =	vadd.s32 $0x80, v15;
	[tilespmem:s26+$0xEDE0] =	vst v46;
	s14 =	simm.s32 $0x300  }
.LBB2_11:
0x702: {  	p0 =	sne.s32 s20, $0x1F;
	s18 =	sshrl.u32 s21, $0x3;
	v43 =	vadd.s32 s3, v10;
	[tilespmem:s2+$0xE9D0] =	vst v37;
	v35 =	vld.idx.msk [tilespmem:v35+s13+$0x0], $0xffff;
	s16 =	smov.u32 s6  }
0x703: {  	v37 =	vadd.s32 s19, v1;
	s21 =	smov.u32 s20;
	s6 =	smul.u32 $0xB000, s18;
	[tilespmem:s16+$0xE5C0] =	vst v40;
	v38 =	vld.idx.msk [tilespmem:v38+s13+$0x0], $0xffff  }
0x704: {  	s19 =	sadd.s32 $0x80, s19;
	v40 =	vld.idx.msk [tilespmem:v41+s13+$0x0], $0xffff;
	v41 =	vadd.s32 s25, v27;
	[tilespmem:s30+$0xF1B0] =	vst v33  }
0x705: {  	s18 =	sand.u32 $0x380, s19;
	v33 =	vadd.s32 s0, v16;
	s6 =	sshra.s32 s6, $0x2;
	[tilespmem:s29+$0xEDA0] =	vst v34;
	v32 =	vld.idx.msk [tilespmem:v32+s13+$0x0], $0xffff  }
0x706: {  	v34 =	vadd.s32 s11, v6;
	s6 =	sor.u32 s18, s6;
	[tilespmem:s8+$0xE990] =	vst v39;
	v36 =	vld.idx.msk [tilespmem:v36+s13+$0x0], $0xffff  }
0x707: {  	[tilespmem:s6+$0xE580] =	vst v42;
	v39 =	vld.idx.msk [tilespmem:v43+s13+$0x0], $0xffff;
	v42 =	vadd.s32 s31, v26  }
0x708: {  	v43 =	vadd.s32 s28, v22;
	v37 =	vld.idx.msk [tilespmem:v37+s13+$0x0], $0xffff;
	[tilespmem:s26+$0xEDF0] =	vst v35  }
0x709: {  	v35 =	vadd.s32 s3, v11;
	[tilespmem:s2+$0xE9E0] =	vst v38;
	v38 =	vld.idx.msk [tilespmem:v41+s13+$0x0], $0xffff  }
0x70a: {  	v41 =	vadd.s32 s14, v2;
	[tilespmem:s16+$0xE5D0] =	vst v40;
	v33 =	vld.idx.msk [tilespmem:v33+s13+$0x0], $0xffff  }
0x70b: {  	v40 =	vadd.s32 s25, v28;
	v34 =	vld.idx.msk [tilespmem:v34+s13+$0x0], $0xffff;
	[tilespmem:s30+$0xF1C0] =	vst v32  }
0x70c: {  	v32 =	vadd.s32 s0, v17;
	[tilespmem:s29+$0xEDB0] =	vst v36;
	v36 =	vld.idx.msk [tilespmem:v42+s13+$0x0], $0xffff  }
0x70d: {  	v42 =	vadd.s32 s11, v7;
	[tilespmem:s8+$0xE9A0] =	vst v39;
	v39 =	vld.idx.msk [tilespmem:v43+s13+$0x0], $0xffff  }
0x70e: {  	[tilespmem:s6+$0xE590] =	vst v37;
	v35 =	vld.idx.msk [tilespmem:v35+s13+$0x0], $0xffff;
	v37 =	vadd.s32 s31, v19  }
0x70f: {  	v43 =	vadd.s32 s28, v23;
	v41 =	vld.idx.msk [tilespmem:v41+s13+$0x0], $0xffff;
	[tilespmem:s26+$0xF180] =	vst v38  }
0x710: {  	v38 =	vadd.s32 s3, v12;
	[tilespmem:s2+$0xE9F0] =	vst v33;
	v33 =	vld.idx.msk [tilespmem:v40+s13+$0x0], $0xffff  }
0x711: {  	v40 =	vadd.s32 s14, v3;
	[tilespmem:s16+$0xE5E0] =	vst v34;
	v32 =	vld.idx.msk [tilespmem:v32+s13+$0x0], $0xffff  }
0x712: {  	v34 =	vld.idx.msk [tilespmem:v42+s13+$0x0], $0xffff;
	v42 =	vadd.s32 s25, v29;
	[tilespmem:s30+$0xF1D0] =	vst v36  }
0x713: {  	v36 =	vadd.s32 s0, v18;
	[tilespmem:s29+$0xEDC0] =	vst v39;
	v37 =	vld.idx.msk [tilespmem:v37+s13+$0x0], $0xffff  }
0x714: {  	v39 =	vadd.s32 s11, v8;
	[tilespmem:s8+$0xE9B0] =	vst v35;
	v35 =	vld.idx.msk [tilespmem:v43+s13+$0x0], $0xffff  }
0x715: {  	[tilespmem:s6+$0xE5A0] =	vst v41;
	v38 =	vld.idx.msk [tilespmem:v38+s13+$0x0], $0xffff;
	v41 =	vadd.s32 s31, v15;
	s31 =	smov.u32 s25;
	s25 =	smov.u32 s28;
	s28 =	smov.u32 s0  }
0x716: {  	s0 =	smov.u32 s3;
	s3 =	smov.u32 s11;
	s11 =	smov.u32 s14;
	v40 =	vld.idx.msk [tilespmem:v40+s13+$0x0], $0xffff;
	v43 =	vadd.s32 s25, v24;
	[tilespmem:s26+$0xF190] =	vst v33  }
0x717: {  	s14 =	smov.u32 s19;
	v33 =	vadd.s32 s0, v13;
	[tilespmem:s2+$0xED80] =	vst v32;
	v32 =	vld.idx.msk [tilespmem:v42+s13+$0x0], $0xffff  }
0x718: {  	v42 =	vadd.s32 s11, v4;
	[tilespmem:s16+$0xE5F0] =	vst v34;
	v34 =	vld.idx.msk [tilespmem:v36+s13+$0x0], $0xffff  }
0x719: {  	v36 =	vld.idx.msk [tilespmem:v39+s13+$0x0], $0xffff;
	v39 =	vadd.s32 s31, v30;
	[tilespmem:s30+$0xF1E0] =	vst v37  }
0x71a: {  	v44 =	vadd.s32 s28, v20;
	[tilespmem:s29+$0xEDD0] =	vst v35;
	v45 =	vld.idx.msk [tilespmem:v41+s13+$0x0], $0xffff  }
0x71b: {  	v46 =	vadd.s32 s3, v9;
	[tilespmem:s8+$0xE9C0] =	vst v38;
	v43 =	vld.idx.msk [tilespmem:v43+s13+$0x0], $0xffff  }
0x71c: {  	v47 =	vadd.s32 s19, v0;
	[tilespmem:s6+$0xE5B0] =	vst v40;
	v37 =	vld.idx.msk [tilespmem:v33+s13+$0x0], $0xffff  }
.Ltmp6:
0x71d: {  	v35 =	vadd.s32 s25, v25;
	v40 =	vld.idx.msk [tilespmem:v42+s13+$0x0], $0xffff;
	[tilespmem:s26+$0xF1A0] =	vst v32;
	(pc) =	sbr.rel @p0 .LBB2_11-.Ltmp6, $4  }
0x71e: {  	v38 =	vadd.s32 s0, v14;
	[tilespmem:s2+$0xED90] =	vst v34;
	v33 =	vld.idx.msk [tilespmem:v39+s13+$0x0], $0xffff  }
0x71f: {  	v41 =	vadd.s32 s11, v5;
	[tilespmem:s16+$0xE980] =	vst v36;
	v34 =	vld.idx.msk [tilespmem:v44+s13+$0x0], $0xffff  }
0x720: {  	v32 =	vadd.s32 s31, v31;
	v39 =	vld.idx.msk [tilespmem:v46+s13+$0x0], $0xffff;
	[tilespmem:s30+$0xF1F0] =	vst v45;
	s30 =	smov.u32 s26;
	s26 =	smov.u32 s29;
	s29 =	smov.u32 s2  }
0x721: {  	s20 =	sadd.s32 $0x1, s20;
	v36 =	vadd.s32 s28, v21;
	s2 =	smov.u32 s8;
	s8 =	smov.u32 s16;
	v42 =	vld.idx.msk [tilespmem:v47+s13+$0x0], $0xffff;
	[tilespmem:s26+$0xEDE0] =	vst v43  }
0x722: {  	s16 =	sshrl.u32 s21, $0x3  }
0x723: {  	v0 =	vadd.s32 s19, v1;
	s16 =	smul.u32 $0xB000, s16  }
0x724: {  	s18 =	sadd.s32 $0x80, s19  }
0x725: {  	s18 =	sand.u32 $0x380, s18;
	s16 =	sshra.s32 s16, $0x2  }
0x726: {  	s21 =	sor.u32 s18, s16  }
0x727: {  	[tilespmem:s21+$0xE580] =	vst v42  }
0x728: {  	v0 =	vld.idx.msk [tilespmem:v0+s13+$0x0], $0xffff  }
0x729: {  	v1 =	vadd.s32 s14, v2;
	_ =	sdelay $0x3  }
0x72a: {  	[tilespmem:s21+$0xE590] =	vst v0  }
0x72b: {  	v0 =	vld.idx.msk [tilespmem:v1+s13+$0x0], $0xffff  }
0x72c: {  	v1 =	vadd.s32 s14, v3;
	_ =	sdelay $0x3  }
0x72d: {  	[tilespmem:s21+$0xE5A0] =	vst v0  }
0x72e: {  	v0 =	vld.idx.msk [tilespmem:v1+s13+$0x0], $0xffff  }
0x72f: {  	v1 =	vadd.s32 s14, v4;
	_ =	sdelay $0x3  }
0x730: {  	[tilespmem:s21+$0xE5B0] =	vst v0  }
0x731: {  	v0 =	vld.idx.msk [tilespmem:v1+s13+$0x0], $0xffff  }
0x732: {  	v1 =	vadd.s32 s14, v5;
	_ =	sdelay $0x1  }
0x733: {  	[tilespmem:s6+$0xE5C0] =	vst v40  }
0x734: {  	v2 =	vld.idx.msk [tilespmem:v41+s13+$0x0], $0xffff  }
0x735: {  	[tilespmem:s21+$0xE5C0] =	vst v0;
	v0 =	vadd.s32 s11, v6  }
0x736: {  	v1 =	vld.idx.msk [tilespmem:v1+s13+$0x0], $0xffff  }
0x737: {  	v3 =	vadd.s32 s14, v6;
	_ =	sdelay $0x1  }
0x738: {  	[tilespmem:s6+$0xE5D0] =	vst v2  }
0x739: {  	v0 =	vld.idx.msk [tilespmem:v0+s13+$0x0], $0xffff  }
0x73a: {  	[tilespmem:s21+$0xE5D0] =	vst v1;
	v1 =	vadd.s32 s11, v7  }
0x73b: {  	v2 =	vld.idx.msk [tilespmem:v3+s13+$0x0], $0xffff  }
0x73c: {  	v3 =	vadd.s32 s14, v7;
	_ =	sdelay $0x1  }
0x73d: {  	[tilespmem:s6+$0xE5E0] =	vst v0  }
0x73e: {  	v0 =	vld.idx.msk [tilespmem:v1+s13+$0x0], $0xffff  }
0x73f: {  	v1 =	vadd.s32 s11, v8;
	[tilespmem:s21+$0xE5E0] =	vst v2  }
0x740: {  	v2 =	vld.idx.msk [tilespmem:v3+s13+$0x0], $0xffff  }
0x741: {  	v3 =	vadd.s32 s14, v8;
	_ =	sdelay $0x1  }
0x742: {  	[tilespmem:s6+$0xE5F0] =	vst v0  }
0x743: {  	v0 =	vld.idx.msk [tilespmem:v1+s13+$0x0], $0xffff  }
0x744: {  	v1 =	vadd.s32 s11, v9;
	[tilespmem:s21+$0xE5F0] =	vst v2  }
0x745: {  	v2 =	vld.idx.msk [tilespmem:v3+s13+$0x0], $0xffff  }
0x746: {  	v3 =	vadd.s32 s14, v9;
	_ =	sdelay $0x1  }
0x747: {  	[tilespmem:s6+$0xE980] =	vst v0  }
0x748: {  	v0 =	vadd.s32 s3, v10;
	v1 =	vld.idx.msk [tilespmem:v1+s13+$0x0], $0xffff  }
0x749: {  	[tilespmem:s21+$0xE980] =	vst v2;
	v2 =	vadd.s32 s11, v10  }
0x74a: {  	v3 =	vld.idx.msk [tilespmem:v3+s13+$0x0], $0xffff  }
0x74b: {  	v4 =	vadd.s32 s14, v10  }
0x74c: {  	[tilespmem:s8+$0xE990] =	vst v39  }
0x74d: {  	v0 =	vld.idx.msk [tilespmem:v0+s13+$0x0], $0xffff;
	[tilespmem:s6+$0xE990] =	vst v1  }
0x74e: {  	v1 =	vadd.s32 s3, v11;
	v2 =	vld.idx.msk [tilespmem:v2+s13+$0x0], $0xffff  }
0x74f: {  	[tilespmem:s21+$0xE990] =	vst v3;
	v3 =	vadd.s32 s11, v11  }
0x750: {  	v4 =	vld.idx.msk [tilespmem:v4+s13+$0x0], $0xffff  }
0x751: {  	v5 =	vadd.s32 s14, v11  }
0x752: {  	[tilespmem:s8+$0xE9A0] =	vst v0  }
0x753: {  	v0 =	vld.idx.msk [tilespmem:v1+s13+$0x0], $0xffff;
	[tilespmem:s6+$0xE9A0] =	vst v2  }
0x754: {  	v1 =	vadd.s32 s3, v12;
	v2 =	vld.idx.msk [tilespmem:v3+s13+$0x0], $0xffff  }
0x755: {  	v3 =	vadd.s32 s11, v12;
	[tilespmem:s21+$0xE9A0] =	vst v4  }
0x756: {  	v4 =	vld.idx.msk [tilespmem:v5+s13+$0x0], $0xffff  }
0x757: {  	v5 =	vadd.s32 s14, v12  }
0x758: {  	[tilespmem:s8+$0xE9B0] =	vst v0  }
0x759: {  	v0 =	vld.idx.msk [tilespmem:v1+s13+$0x0], $0xffff;
	[tilespmem:s6+$0xE9B0] =	vst v2  }
0x75a: {  	v1 =	vadd.s32 s3, v13;
	v2 =	vld.idx.msk [tilespmem:v3+s13+$0x0], $0xffff  }
0x75b: {  	v3 =	vadd.s32 s11, v13;
	[tilespmem:s21+$0xE9B0] =	vst v4  }
0x75c: {  	v4 =	vld.idx.msk [tilespmem:v5+s13+$0x0], $0xffff  }
0x75d: {  	v5 =	vadd.s32 s14, v13  }
0x75e: {  	[tilespmem:s8+$0xE9C0] =	vst v0  }
0x75f: {  	v0 =	vld.idx.msk [tilespmem:v1+s13+$0x0], $0xffff;
	[tilespmem:s6+$0xE9C0] =	vst v2  }
0x760: {  	v1 =	vadd.s32 s3, v14;
	v2 =	vld.idx.msk [tilespmem:v3+s13+$0x0], $0xffff  }
0x761: {  	v3 =	vadd.s32 s11, v14;
	[tilespmem:s21+$0xE9C0] =	vst v4  }
0x762: {  	[tilespmem:s2+$0xE9D0] =	vst v37;
	v4 =	vld.idx.msk [tilespmem:v5+s13+$0x0], $0xffff  }
0x763: {  	v6 =	vld.idx.msk [tilespmem:v38+s13+$0x0], $0xffff;
	v5 =	vadd.s32 s14, v14  }
0x764: {  	[tilespmem:s8+$0xE9D0] =	vst v0;
	v0 =	vadd.s32 s0, v16  }
0x765: {  	v1 =	vld.idx.msk [tilespmem:v1+s13+$0x0], $0xffff;
	[tilespmem:s6+$0xE9D0] =	vst v2  }
0x766: {  	v2 =	vadd.s32 s3, v16;
	v3 =	vld.idx.msk [tilespmem:v3+s13+$0x0], $0xffff  }
0x767: {  	[tilespmem:s21+$0xE9D0] =	vst v4;
	v4 =	vadd.s32 s11, v16  }
0x768: {  	[tilespmem:s2+$0xE9E0] =	vst v6;
	v5 =	vld.idx.msk [tilespmem:v5+s13+$0x0], $0xffff  }
0x769: {  	v7 =	vadd.s32 s14, v16;
	v0 =	vld.idx.msk [tilespmem:v0+s13+$0x0], $0xffff  }
0x76a: {  	[tilespmem:s8+$0xE9E0] =	vst v1;
	v1 =	vadd.s32 s0, v17  }
0x76b: {  	v2 =	vld.idx.msk [tilespmem:v2+s13+$0x0], $0xffff;
	[tilespmem:s6+$0xE9E0] =	vst v3  }
0x76c: {  	v3 =	vadd.s32 s3, v17;
	v4 =	vld.idx.msk [tilespmem:v4+s13+$0x0], $0xffff  }
0x76d: {  	[tilespmem:s21+$0xE9E0] =	vst v5;
	v5 =	vadd.s32 s11, v17  }
0x76e: {  	[tilespmem:s2+$0xE9F0] =	vst v0;
	v6 =	vld.idx.msk [tilespmem:v7+s13+$0x0], $0xffff  }
0x76f: {  	v7 =	vadd.s32 s14, v17;
	v0 =	vld.idx.msk [tilespmem:v1+s13+$0x0], $0xffff  }
0x770: {  	v1 =	vadd.s32 s0, v18;
	[tilespmem:s8+$0xE9F0] =	vst v2  }
0x771: {  	v2 =	vld.idx.msk [tilespmem:v3+s13+$0x0], $0xffff;
	[tilespmem:s6+$0xE9F0] =	vst v4  }
0x772: {  	v3 =	vadd.s32 s3, v18;
	v4 =	vld.idx.msk [tilespmem:v5+s13+$0x0], $0xffff  }
0x773: {  	v5 =	vadd.s32 s11, v18;
	[tilespmem:s21+$0xE9F0] =	vst v6  }
0x774: {  	[tilespmem:s2+$0xED80] =	vst v0;
	v6 =	vld.idx.msk [tilespmem:v7+s13+$0x0], $0xffff  }
0x775: {  	v7 =	vadd.s32 s14, v18;
	v0 =	vld.idx.msk [tilespmem:v1+s13+$0x0], $0xffff  }
0x776: {  	v1 =	vadd.s32 s0, v20;
	[tilespmem:s8+$0xED80] =	vst v2  }
0x777: {  	v2 =	vld.idx.msk [tilespmem:v3+s13+$0x0], $0xffff;
	[tilespmem:s6+$0xED80] =	vst v4  }
0x778: {  	v3 =	vadd.s32 s3, v20;
	v4 =	vld.idx.msk [tilespmem:v5+s13+$0x0], $0xffff  }
0x779: {  	v5 =	vadd.s32 s11, v20;
	[tilespmem:s21+$0xED80] =	vst v6  }
0x77a: {  	[tilespmem:s2+$0xED90] =	vst v0;
	v6 =	vld.idx.msk [tilespmem:v7+s13+$0x0], $0xffff  }
0x77b: {  	v7 =	vadd.s32 s14, v20;
	v0 =	vld.idx.msk [tilespmem:v1+s13+$0x0], $0xffff  }
0x77c: {  	[tilespmem:s8+$0xED90] =	vst v2  }
0x77d: {  	v1 =	vadd.s32 s0, v21;
	v2 =	vld.idx.msk [tilespmem:v3+s13+$0x0], $0xffff;
	[tilespmem:s6+$0xED90] =	vst v4  }
0x77e: {  	[tilespmem:s29+$0xEDA0] =	vst v34;
	v3 =	vadd.s32 s3, v21;
	v4 =	vld.idx.msk [tilespmem:v5+s13+$0x0], $0xffff  }
0x77f: {  	v9 =	vld.idx.msk [tilespmem:v36+s13+$0x0], $0xffff;
	v5 =	vadd.s32 s11, v21;
	[tilespmem:s21+$0xED90] =	vst v6  }
0x780: {  	[tilespmem:s2+$0xEDA0] =	vst v0;
	v0 =	vadd.s32 s28, v22;
	v6 =	vld.idx.msk [tilespmem:v7+s13+$0x0], $0xffff  }
0x781: {  	[tilespmem:s30+$0xF1B0] =	vst v33;
	v8 =	vadd.s32 s14, v21;
	v7 =	vld.idx.msk [tilespmem:v35+s13+$0x0], $0xffff  }
0x782: {  	v1 =	vld.idx.msk [tilespmem:v1+s13+$0x0], $0xffff;
	[tilespmem:s8+$0xEDA0] =	vst v2  }
0x783: {  	v3 =	vld.idx.msk [tilespmem:v3+s13+$0x0], $0xffff;
	[tilespmem:s6+$0xEDA0] =	vst v4  }
0x784: {  	[tilespmem:s29+$0xEDB0] =	vst v9;
	v2 =	vadd.s32 s0, v22;
	v5 =	vld.idx.msk [tilespmem:v5+s13+$0x0], $0xffff  }
0x785: {  	v4 =	vadd.s32 s3, v22;
	v0 =	vld.idx.msk [tilespmem:v0+s13+$0x0], $0xffff;
	[tilespmem:s21+$0xEDA0] =	vst v6  }
0x786: {  	[tilespmem:s26+$0xEDF0] =	vst v7;
	v6 =	vadd.s32 s11, v22;
	v7 =	vld.idx.msk [tilespmem:v8+s13+$0x0], $0xffff  }
0x787: {  	v9 =	vadd.s32 s14, v22;
	[tilespmem:s2+$0xEDB0] =	vst v1;
	v8 =	vld.idx.msk [tilespmem:v32+s13+$0x0], $0xffff  }
0x788: {  	v1 =	vadd.s32 s28, v23;
	[tilespmem:s8+$0xEDB0] =	vst v3  }
0x789: {  	v10 =	vadd.s32 s25, v27;
	v2 =	vld.idx.msk [tilespmem:v2+s13+$0x0], $0xffff;
	[tilespmem:s6+$0xEDB0] =	vst v5  }
0x78a: {  	v3 =	vadd.s32 s0, v23;
	v4 =	vld.idx.msk [tilespmem:v4+s13+$0x0], $0xffff;
	[tilespmem:s29+$0xEDC0] =	vst v0  }
0x78b: {  	v5 =	vadd.s32 s3, v23;
	v6 =	vld.idx.msk [tilespmem:v6+s13+$0x0], $0xffff;
	[tilespmem:s21+$0xEDB0] =	vst v7  }
0x78c: {  	[tilespmem:s30+$0xF1C0] =	vst v8;
	v7 =	vadd.s32 s11, v23;
	v8 =	vld.idx.msk [tilespmem:v9+s13+$0x0], $0xffff  }
0x78d: {  	v0 =	vadd.s32 s14, v23;
	v1 =	vld.idx.msk [tilespmem:v1+s13+$0x0], $0xffff  }
0x78e: {  	[tilespmem:s2+$0xEDC0] =	vst v2;
	v2 =	vadd.s32 s28, v24;
	v9 =	vld.idx.msk [tilespmem:v10+s13+$0x0], $0xffff  }
0x78f: {  	v10 =	vadd.s32 s31, v26;
	v3 =	vld.idx.msk [tilespmem:v3+s13+$0x0], $0xffff;
	[tilespmem:s8+$0xEDC0] =	vst v4  }
0x790: {  	v4 =	vadd.s32 s0, v24;
	v5 =	vld.idx.msk [tilespmem:v5+s13+$0x0], $0xffff;
	[tilespmem:s6+$0xEDC0] =	vst v6  }
0x791: {  	v6 =	vadd.s32 s3, v24;
	v7 =	vld.idx.msk [tilespmem:v7+s13+$0x0], $0xffff;
	[tilespmem:s21+$0xEDC0] =	vst v8  }
0x792: {  	[tilespmem:s29+$0xEDD0] =	vst v1;
	v8 =	vadd.s32 s11, v24;
	v0 =	vld.idx.msk [tilespmem:v0+s13+$0x0], $0xffff  }
0x793: {  	v1 =	vadd.s32 s14, v24;
	v2 =	vld.idx.msk [tilespmem:v2+s13+$0x0], $0xffff;
	[tilespmem:s26+$0xF180] =	vst v9  }
0x794: {  	v9 =	vld.idx.msk [tilespmem:v10+s13+$0x0], $0xffff;
	v10 =	vadd.s32 s25, v28;
	[tilespmem:s2+$0xEDD0] =	vst v3  }
0x795: {  	v3 =	vadd.s32 s28, v25;
	v4 =	vld.idx.msk [tilespmem:v4+s13+$0x0], $0xffff;
	[tilespmem:s8+$0xEDD0] =	vst v5  }
0x796: {  	v5 =	vadd.s32 s0, v25;
	v6 =	vld.idx.msk [tilespmem:v6+s13+$0x0], $0xffff;
	[tilespmem:s6+$0xEDD0] =	vst v7  }
0x797: {  	v7 =	vadd.s32 s3, v25;
	v8 =	vld.idx.msk [tilespmem:v8+s13+$0x0], $0xffff;
	[tilespmem:s21+$0xEDD0] =	vst v0  }
0x798: {  	[tilespmem:s29+$0xEDE0] =	vst v2;
	v0 =	vadd.s32 s11, v25;
	v1 =	vld.idx.msk [tilespmem:v1+s13+$0x0], $0xffff  }
0x799: {  	v2 =	vadd.s32 s14, v25;
	[tilespmem:s30+$0xF1D0] =	vst v9;
	v9 =	vld.idx.msk [tilespmem:v10+s13+$0x0], $0xffff  }
0x79a: {  	v10 =	vadd.s32 s31, v19;
	v3 =	vld.idx.msk [tilespmem:v3+s13+$0x0], $0xffff;
	[tilespmem:s2+$0xEDE0] =	vst v4  }
0x79b: {  	v4 =	vadd.s32 s28, v27;
	v5 =	vld.idx.msk [tilespmem:v5+s13+$0x0], $0xffff;
	[tilespmem:s8+$0xEDE0] =	vst v6  }
0x79c: {  	v6 =	vadd.s32 s0, v27;
	v7 =	vld.idx.msk [tilespmem:v7+s13+$0x0], $0xffff;
	[tilespmem:s6+$0xEDE0] =	vst v8  }
0x79d: {  	v8 =	vadd.s32 s3, v27;
	v0 =	vld.idx.msk [tilespmem:v0+s13+$0x0], $0xffff;
	[tilespmem:s21+$0xEDE0] =	vst v1  }
0x79e: {  	[tilespmem:s26+$0xF190] =	vst v9;
	v1 =	vadd.s32 s11, v27;
	v2 =	vld.idx.msk [tilespmem:v2+s13+$0x0], $0xffff  }
0x79f: {  	v9 =	vld.idx.msk [tilespmem:v10+s13+$0x0], $0xffff;
	[tilespmem:s29+$0xEDF0] =	vst v3;
	v3 =	vadd.s32 s14, v27  }
0x7a0: {  	v10 =	vadd.s32 s25, v29;
	v4 =	vld.idx.msk [tilespmem:v4+s13+$0x0], $0xffff;
	[tilespmem:s2+$0xEDF0] =	vst v5  }
0x7a1: {  	v5 =	vadd.s32 s28, v28;
	v6 =	vld.idx.msk [tilespmem:v6+s13+$0x0], $0xffff;
	[tilespmem:s8+$0xEDF0] =	vst v7  }
0x7a2: {  	v7 =	vadd.s32 s0, v28;
	v8 =	vld.idx.msk [tilespmem:v8+s13+$0x0], $0xffff;
	[tilespmem:s6+$0xEDF0] =	vst v0  }
0x7a3: {  	v0 =	vadd.s32 s3, v28;
	v1 =	vld.idx.msk [tilespmem:v1+s13+$0x0], $0xffff;
	[tilespmem:s21+$0xEDF0] =	vst v2  }
0x7a4: {  	[tilespmem:s30+$0xF1E0] =	vst v9;
	v2 =	vadd.s32 s11, v28;
	v3 =	vld.idx.msk [tilespmem:v3+s13+$0x0], $0xffff  }
0x7a5: {  	v9 =	vld.idx.msk [tilespmem:v10+s13+$0x0], $0xffff;
	[tilespmem:s29+$0xF180] =	vst v4;
	v4 =	vadd.s32 s14, v28  }
0x7a6: {  	v10 =	vadd.s32 s31, v15;
	v5 =	vld.idx.msk [tilespmem:v5+s13+$0x0], $0xffff;
	[tilespmem:s2+$0xF180] =	vst v6  }
0x7a7: {  	v6 =	vadd.s32 s28, v29;
	v7 =	vld.idx.msk [tilespmem:v7+s13+$0x0], $0xffff;
	[tilespmem:s8+$0xF180] =	vst v8  }
0x7a8: {  	v8 =	vadd.s32 s0, v29;
	v0 =	vld.idx.msk [tilespmem:v0+s13+$0x0], $0xffff;
	[tilespmem:s6+$0xF180] =	vst v1  }
0x7a9: {  	v1 =	vadd.s32 s3, v29;
	v2 =	vld.idx.msk [tilespmem:v2+s13+$0x0], $0xffff;
	[tilespmem:s21+$0xF180] =	vst v3  }
0x7aa: {  	[tilespmem:s26+$0xF1A0] =	vst v9;
	v3 =	vadd.s32 s11, v29;
	v4 =	vld.idx.msk [tilespmem:v4+s13+$0x0], $0xffff  }
0x7ab: {  	v9 =	vld.idx.msk [tilespmem:v10+s13+$0x0], $0xffff;
	[tilespmem:s29+$0xF190] =	vst v5;
	v5 =	vadd.s32 s14, v29  }
0x7ac: {  	v10 =	vadd.s32 s25, v30;
	v6 =	vld.idx.msk [tilespmem:v6+s13+$0x0], $0xffff;
	[tilespmem:s2+$0xF190] =	vst v7  }
0x7ad: {  	v7 =	vadd.s32 s28, v30;
	v8 =	vld.idx.msk [tilespmem:v8+s13+$0x0], $0xffff;
	[tilespmem:s8+$0xF190] =	vst v0  }
0x7ae: {  	v0 =	vadd.s32 s0, v30;
	v1 =	vld.idx.msk [tilespmem:v1+s13+$0x0], $0xffff;
	[tilespmem:s6+$0xF190] =	vst v2  }
0x7af: {  	v2 =	vadd.s32 s3, v30;
	v3 =	vld.idx.msk [tilespmem:v3+s13+$0x0], $0xffff;
	[tilespmem:s21+$0xF190] =	vst v4  }
0x7b0: {  	[tilespmem:s30+$0xF1F0] =	vst v9;
	v4 =	vadd.s32 s11, v30;
	v5 =	vld.idx.msk [tilespmem:v5+s13+$0x0], $0xffff  }
0x7b1: {  	v9 =	vld.idx.msk [tilespmem:v10+s13+$0x0], $0xffff;
	[tilespmem:s29+$0xF1A0] =	vst v6;
	v6 =	vadd.s32 s14, v30  }
0x7b2: {  	v10 =	vadd.s32 s25, v31;
	v7 =	vld.idx.msk [tilespmem:v7+s13+$0x0], $0xffff;
	[tilespmem:s2+$0xF1A0] =	vst v8  }
0x7b3: {  	v8 =	vadd.s32 s28, v31;
	v0 =	vld.idx.msk [tilespmem:v0+s13+$0x0], $0xffff;
	[tilespmem:s8+$0xF1A0] =	vst v1  }
0x7b4: {  	v1 =	vadd.s32 s0, v31;
	v2 =	vld.idx.msk [tilespmem:v2+s13+$0x0], $0xffff;
	[tilespmem:s6+$0xF1A0] =	vst v3  }
0x7b5: {  	v3 =	vadd.s32 s3, v31;
	v4 =	vld.idx.msk [tilespmem:v4+s13+$0x0], $0xffff;
	[tilespmem:s21+$0xF1A0] =	vst v5  }
0x7b6: {  	[tilespmem:s26+$0xF1B0] =	vst v9;
	v5 =	vadd.s32 s11, v31;
	v6 =	vld.idx.msk [tilespmem:v6+s13+$0x0], $0xffff  }
0x7b7: {  	v9 =	vld.idx.msk [tilespmem:v10+s13+$0x0], $0xffff;
	[tilespmem:s29+$0xF1B0] =	vst v7;
	v7 =	vadd.s32 s14, v31  }
0x7b8: {  	v10 =	vadd.s32 s25, v26;
	v8 =	vld.idx.msk [tilespmem:v8+s13+$0x0], $0xffff;
	[tilespmem:s2+$0xF1B0] =	vst v0  }
0x7b9: {  	v0 =	vadd.s32 s28, v26;
	v1 =	vld.idx.msk [tilespmem:v1+s13+$0x0], $0xffff;
	[tilespmem:s8+$0xF1B0] =	vst v2  }
0x7ba: {  	v2 =	vadd.s32 s0, v26;
	v3 =	vld.idx.msk [tilespmem:v3+s13+$0x0], $0xffff;
	[tilespmem:s6+$0xF1B0] =	vst v4  }
0x7bb: {  	v4 =	vadd.s32 s3, v26;
	v5 =	vld.idx.msk [tilespmem:v5+s13+$0x0], $0xffff;
	[tilespmem:s21+$0xF1B0] =	vst v6  }
0x7bc: {  	[tilespmem:s26+$0xF1C0] =	vst v9;
	v6 =	vadd.s32 s11, v26;
	v7 =	vld.idx.msk [tilespmem:v7+s13+$0x0], $0xffff  }
0x7bd: {  	v9 =	vld.idx.msk [tilespmem:v10+s13+$0x0], $0xffff;
	[tilespmem:s29+$0xF1C0] =	vst v8;
	v8 =	vadd.s32 s14, v26  }
0x7be: {  	v10 =	vadd.s32 s25, v19;
	v0 =	vld.idx.msk [tilespmem:v0+s13+$0x0], $0xffff;
	[tilespmem:s2+$0xF1C0] =	vst v1  }
0x7bf: {  	v1 =	vadd.s32 s28, v19;
	v2 =	vld.idx.msk [tilespmem:v2+s13+$0x0], $0xffff;
	[tilespmem:s8+$0xF1C0] =	vst v3  }
0x7c0: {  	v3 =	vadd.s32 s0, v19;
	v4 =	vld.idx.msk [tilespmem:v4+s13+$0x0], $0xffff;
	[tilespmem:s6+$0xF1C0] =	vst v5  }
0x7c1: {  	v5 =	vadd.s32 s3, v19;
	v6 =	vld.idx.msk [tilespmem:v6+s13+$0x0], $0xffff;
	[tilespmem:s21+$0xF1C0] =	vst v7  }
0x7c2: {  	[tilespmem:s26+$0xF1D0] =	vst v9;
	v7 =	vadd.s32 s11, v19;
	v8 =	vld.idx.msk [tilespmem:v8+s13+$0x0], $0xffff  }
0x7c3: {  	v9 =	vld.idx.msk [tilespmem:v10+s13+$0x0], $0xffff;
	[tilespmem:s29+$0xF1D0] =	vst v0;
	v0 =	vadd.s32 s14, v19  }
0x7c4: {  	v10 =	vadd.s32 s25, v15;
	v1 =	vld.idx.msk [tilespmem:v1+s13+$0x0], $0xffff;
	[tilespmem:s2+$0xF1D0] =	vst v2  }
0x7c5: {  	v2 =	vadd.s32 s28, v15;
	v3 =	vld.idx.msk [tilespmem:v3+s13+$0x0], $0xffff;
	[tilespmem:s8+$0xF1D0] =	vst v4  }
0x7c6: {  	v4 =	vadd.s32 s0, v15;
	v5 =	vld.idx.msk [tilespmem:v5+s13+$0x0], $0xffff;
	[tilespmem:s6+$0xF1D0] =	vst v6  }
0x7c7: {  	v6 =	vadd.s32 s3, v15;
	v7 =	vld.idx.msk [tilespmem:v7+s13+$0x0], $0xffff;
	[tilespmem:s21+$0xF1D0] =	vst v8  }
0x7c8: {  	[tilespmem:s26+$0xF1E0] =	vst v9;
	v8 =	vadd.s32 s11, v15;
	v0 =	vld.idx.msk [tilespmem:v0+s13+$0x0], $0xffff  }
0x7c9: {  	v9 =	vld.idx.msk [tilespmem:v10+s13+$0x0], $0xffff;
	[tilespmem:s29+$0xF1E0] =	vst v1;
	v1 =	vadd.s32 s14, v15  }
0x7ca: {  	v2 =	vld.idx.msk [tilespmem:v2+s13+$0x0], $0xffff;
	[tilespmem:s2+$0xF1E0] =	vst v3  }
0x7cb: {  	v3 =	vld.idx.msk [tilespmem:v4+s13+$0x0], $0xffff;
	[tilespmem:s8+$0xF1E0] =	vst v5  }
0x7cc: {  	v4 =	vld.idx.msk [tilespmem:v6+s13+$0x0], $0xffff;
	[tilespmem:s6+$0xF1E0] =	vst v7  }
0x7cd: {  	v5 =	vld.idx.msk [tilespmem:v8+s13+$0x0], $0xffff;
	[tilespmem:s21+$0xF1E0] =	vst v0  }
0x7ce: {  	[tilespmem:s26+$0xF1F0] =	vst v9;
	v0 =	vld.idx.msk [tilespmem:v1+s13+$0x0], $0xffff  }
0x7cf: {  	[tilespmem:s29+$0xF1F0] =	vst v2  }
0x7d0: {  	[tilespmem:s2+$0xF1F0] =	vst v3  }
0x7d1: {  	[tilespmem:s8+$0xF1F0] =	vst v4  }
0x7d2: {  	[tilespmem:s6+$0xF1F0] =	vst v5  }
0x7d3: {  	[tilespmem:s21+$0xF1F0] =	vst v0  }
0x7d4: {  	v0 =	vld [tilespmem:$0x400]  }
0x7d5: {  	v1 =	vld [tilespmem:$0x410]  }
0x7d6: {  	v2 =	vld [tilespmem:$0x420]  }
0x7d7: {  	v3 =	vld [tilespmem:$0x430]  }
0x7d8: {  	v4 =	vld [tilespmem:$0x440]  }
0x7d9: {  	v5 =	vld [tilespmem:$0x450]  }
0x7da: {  	v6 =	vld [tilespmem:$0x460]  }
0x7db: {  	v7 =	vld [tilespmem:$0x470]  }
0x7dc: {  	v8 =	vld [tilespmem:$0x480]  }
0x7dd: {  	v9 =	vld [tilespmem:$0x490]  }
0x7de: {  	v10 =	vld [tilespmem:$0x4A0]  }
0x7df: {  	v11 =	vld [tilespmem:$0x4B0]  }
0x7e0: {  	v12 =	vld [tilespmem:$0x4C0]  }
0x7e1: {  	v13 =	vld [tilespmem:$0x4D0]  }
0x7e2: {  	v15 =	vld [tilespmem:$0x4E0]  }
0x7e3: {  	v16 =	vld [tilespmem:$0x4F0]  }
0x7e4: {  	v17 =	vld [tilespmem:$0x500]  }
0x7e5: {  	v18 =	vld [tilespmem:$0x510]  }
0x7e6: {  	v19 =	vld [tilespmem:$0x520]  }
0x7e7: {  	s25 =	simm.s32 $0x0;
	v24 =	vld.idx.msk [tilespmem:v0+s13+$0x0], $0xffff  }
0x7e8: {  	s0 =	smul.u32 $0xB000, s25;
	v21 =	vld [tilespmem:$0x530]  }
0x7e9: {  	s25 =	simm.s32 $0x0;
	v22 =	vld [tilespmem:$0x540]  }
0x7ea: {  	s0 =	sshra.s32 s0, $0x2;
	s26 =	sand.u32 $0x380, s25;
	v23 =	vld [tilespmem:$0x550]  }
0x7eb: {  	s19 =	sor.u32 s26, s0;
	v20 =	vld [tilespmem:$0x560]  }
0x7ec: {  	v14 =	vld [tilespmem:$0x570];
	[tilespmem:s19+$0xF580] =	vst v24  }
0x7ed: {  	v24 =	vld.idx.msk [tilespmem:v1+s13+$0x0], $0xffff;
	_ =	sdelay $0x4  }
0x7ee: {  	[tilespmem:s19+$0xF590] =	vst v24  }
0x7ef: {  	v24 =	vld.idx.msk [tilespmem:v2+s13+$0x0], $0xffff;
	_ =	sdelay $0x2  }
0x7f0: {  	v0 =	vadd.s32 $0x80, v0  }
0x7f1: {  	v25 =	vadd.s32 s25, v0  }
0x7f2: {  	[tilespmem:s19+$0xF5A0] =	vst v24  }
0x7f3: {  	v24 =	vld.idx.msk [tilespmem:v3+s13+$0x0], $0xffff;
	_ =	sdelay $0x2  }
0x7f4: {  	s2 =	simm.s32 $0x0;
	v1 =	vadd.s32 $0x80, v1;
	v25 =	vld.idx.msk [tilespmem:v25+s13+$0x0], $0xffff  }
0x7f5: {  	s3 =	smul.u32 $0xB000, s2;
	v26 =	vadd.s32 s25, v1  }
0x7f6: {  	s0 =	simm.s32 $0x80;
	[tilespmem:s19+$0xF5B0] =	vst v24  }
0x7f7: {  	s2 =	sshra.s32 s3, $0x2;
	s6 =	sand.u32 $0x380, s0;
	v24 =	vld.idx.msk [tilespmem:v4+s13+$0x0], $0xffff  }
0x7f8: {  	s11 =	sor.u32 s6, s2  }
0x7f9: {  	[tilespmem:s11+$0xF580] =	vst v25  }
0x7fa: {  	v2 =	vadd.s32 $0x80, v2;
	v25 =	vld.idx.msk [tilespmem:v26+s13+$0x0], $0xffff  }
0x7fb: {  	v26 =	vadd.s32 s25, v2  }
0x7fc: {  	[tilespmem:s19+$0xF5C0] =	vst v24  }
0x7fd: {  	v24 =	vld.idx.msk [tilespmem:v5+s13+$0x0], $0xffff;
	_ =	sdelay $0x1  }
0x7fe: {  	[tilespmem:s11+$0xF590] =	vst v25  }
0x7ff: {  	v3 =	vadd.s32 $0x80, v3;
	v25 =	vld.idx.msk [tilespmem:v26+s13+$0x0], $0xffff  }
0x800: {  	v26 =	vadd.s32 s25, v3  }
0x801: {  	[tilespmem:s19+$0xF5D0] =	vst v24  }
0x802: {  	v27 =	vadd.s32 s0, v0;
	v24 =	vld.idx.msk [tilespmem:v6+s13+$0x0], $0xffff;
	_ =	sdelay $0x1  }
0x803: {  	[tilespmem:s11+$0xF5A0] =	vst v25  }
0x804: {  	v4 =	vadd.s32 $0x80, v4;
	v25 =	vld.idx.msk [tilespmem:v26+s13+$0x0], $0xffff  }
0x805: {  	v26 =	vadd.s32 s25, v4  }
0x806: {  	s8 =	simm.s32 $0x0;
	v27 =	vld.idx.msk [tilespmem:v27+s13+$0x0], $0xffff;
	[tilespmem:s19+$0xF5E0] =	vst v24  }
0x807: {  	s2 =	smul.u32 $0xB000, s8;
	v28 =	vadd.s32 s0, v1;
	v24 =	vld.idx.msk [tilespmem:v7+s13+$0x0], $0xffff  }
0x808: {  	s3 =	simm.s32 $0x100  }
0x809: {  	s14 =	sand.u32 $0x380, s3;
	s2 =	sshra.s32 s2, $0x2;
	[tilespmem:s11+$0xF5B0] =	vst v25  }
0x80a: {  	s2 =	sor.u32 s14, s2;
	v5 =	vadd.s32 $0x80, v5;
	v25 =	vld.idx.msk [tilespmem:v26+s13+$0x0], $0xffff  }
0x80b: {  	[tilespmem:s2+$0xF580] =	vst v27;
	v26 =	vadd.s32 s25, v5  }
0x80c: {  	v27 =	vld.idx.msk [tilespmem:v28+s13+$0x0], $0xffff;
	[tilespmem:s19+$0xF5F0] =	vst v24  }
0x80d: {  	v28 =	vadd.s32 s0, v2;
	v24 =	vld.idx.msk [tilespmem:v8+s13+$0x0], $0xffff;
	_ =	sdelay $0x1  }
0x80e: {  	[tilespmem:s11+$0xF5C0] =	vst v25  }
0x80f: {  	v6 =	vadd.s32 $0x80, v6;
	v25 =	vld.idx.msk [tilespmem:v26+s13+$0x0], $0xffff  }
0x810: {  	[tilespmem:s2+$0xF590] =	vst v27;
	v26 =	vadd.s32 s25, v6  }
0x811: {  	v27 =	vld.idx.msk [tilespmem:v28+s13+$0x0], $0xffff;
	[tilespmem:s19+$0xF980] =	vst v24  }
0x812: {  	v28 =	vadd.s32 s0, v3;
	v24 =	vld.idx.msk [tilespmem:v9+s13+$0x0], $0xffff;
	_ =	sdelay $0x1  }
0x813: {  	[tilespmem:s11+$0xF5D0] =	vst v25  }
0x814: {  	v7 =	vadd.s32 $0x80, v7;
	v25 =	vld.idx.msk [tilespmem:v26+s13+$0x0], $0xffff;
	v26 =	vadd.s32 s3, v0  }
0x815: {  	[tilespmem:s2+$0xF5A0] =	vst v27;
	v27 =	vadd.s32 s25, v7  }
0x816: {  	v28 =	vld.idx.msk [tilespmem:v28+s13+$0x0], $0xffff;
	[tilespmem:s19+$0xF990] =	vst v24  }
0x817: {  	v29 =	vadd.s32 s0, v4;
	v24 =	vld.idx.msk [tilespmem:v10+s13+$0x0], $0xffff;
	_ =	sdelay $0x1  }
0x818: {  	s16 =	simm.s32 $0x0;
	v26 =	vld.idx.msk [tilespmem:v26+s13+$0x0], $0xffff;
	[tilespmem:s11+$0xF5E0] =	vst v25  }
0x819: {  	s6 =	smul.u32 $0xB000, s16;
	v8 =	vadd.s32 $0x80, v8;
	v25 =	vld.idx.msk [tilespmem:v27+s13+$0x0], $0xffff;
	v27 =	vadd.s32 s3, v1  }
0x81a: {  	s26 =	simm.s32 $0x180;
	[tilespmem:s2+$0xF5B0] =	vst v28;
	v28 =	vadd.s32 s25, v8  }
0x81b: {  	s18 =	sand.u32 $0x380, s26;
	s6 =	sshra.s32 s6, $0x2;
	v29 =	vld.idx.msk [tilespmem:v29+s13+$0x0], $0xffff;
	[tilespmem:s19+$0xF9A0] =	vst v24  }
0x81c: {  	s8 =	sor.u32 s18, s6;
	v30 =	vadd.s32 s0, v5;
	v24 =	vld.idx.msk [tilespmem:v11+s13+$0x0], $0xffff  }
0x81d: {  	[tilespmem:s8+$0xF580] =	vst v26  }
0x81e: {  	v26 =	vld.idx.msk [tilespmem:v27+s13+$0x0], $0xffff;
	[tilespmem:s11+$0xF5F0] =	vst v25  }
0x81f: {  	v27 =	vadd.s32 s3, v2;
	v9 =	vadd.s32 $0x80, v9;
	v25 =	vld.idx.msk [tilespmem:v28+s13+$0x0], $0xffff  }
0x820: {  	[tilespmem:s2+$0xF5C0] =	vst v29;
	v28 =	vadd.s32 s25, v9  }
0x821: {  	v29 =	vld.idx.msk [tilespmem:v30+s13+$0x0], $0xffff;
	[tilespmem:s19+$0xF9B0] =	vst v24  }
0x822: {  	v30 =	vadd.s32 s0, v6;
	v24 =	vld.idx.msk [tilespmem:v12+s13+$0x0], $0xffff  }
0x823: {  	[tilespmem:s8+$0xF590] =	vst v26  }
0x824: {  	v26 =	vld.idx.msk [tilespmem:v27+s13+$0x0], $0xffff;
	[tilespmem:s11+$0xF980] =	vst v25  }
0x825: {  	v27 =	vadd.s32 s3, v3;
	v10 =	vadd.s32 $0x80, v10;
	v25 =	vld.idx.msk [tilespmem:v28+s13+$0x0], $0xffff  }
0x826: {  	[tilespmem:s2+$0xF5D0] =	vst v29;
	v28 =	vadd.s32 s25, v10  }
0x827: {  	v29 =	vld.idx.msk [tilespmem:v30+s13+$0x0], $0xffff;
	[tilespmem:s19+$0xF9C0] =	vst v24;
	v24 =	vadd.s32 s26, v0  }
0x828: {  	v31 =	vadd.s32 s0, v7;
	v30 =	vld.idx.msk [tilespmem:v13+s13+$0x0], $0xffff  }
0x829: {  	[tilespmem:s8+$0xF5A0] =	vst v26  }
0x82a: {  	v26 =	vld.idx.msk [tilespmem:v27+s13+$0x0], $0xffff;
	[tilespmem:s11+$0xF990] =	vst v25  }
0x82b: {  	v27 =	vadd.s32 s3, v4;
	v11 =	vadd.s32 $0x80, v11;
	v25 =	vld.idx.msk [tilespmem:v28+s13+$0x0], $0xffff  }
0x82c: {  	s20 =	simm.s32 $0x0;
	[tilespmem:s2+$0xF5E0] =	vst v29;
	v28 =	vadd.s32 s25, v11;
	v24 =	vld.idx.msk [tilespmem:v24+s13+$0x0], $0xffff  }
0x82d: {  	s6 =	smul.u32 $0xB000, s20;
	v29 =	vld.idx.msk [tilespmem:v31+s13+$0x0], $0xffff;
	[tilespmem:s19+$0xF9D0] =	vst v30;
	v30 =	vadd.s32 s26, v1  }
0x82e: {  	s28 =	simm.s32 $0x200;
	v43 =	vadd.s32 s0, v8;
	v31 =	vld.idx.msk [tilespmem:v15+s13+$0x0], $0xffff  }
0x82f: {  	s30 =	simm.s32 $0x280;
	s21 =	sand.u32 $0x380, s28;
	s6 =	sshra.s32 s6, $0x2;
	[tilespmem:s8+$0xF5B0] =	vst v26  }
0x830: {  	s6 =	sor.u32 s21, s6;
	v52 =	vadd.s32 s30, v0;
	v26 =	vld.idx.msk [tilespmem:v27+s13+$0x0], $0xffff;
	[tilespmem:s11+$0xF9A0] =	vst v25  }
0x831: {  	s16 =	simm.s32 $0x0;
	v12 =	vadd.s32 $0x80, v12;
	v25 =	vld.idx.msk [tilespmem:v28+s13+$0x0], $0xffff;
	[tilespmem:s6+$0xF580] =	vst v24;
	v24 =	vadd.s32 s3, v5  }
0x832: {  	s14 =	smul.u32 $0xB000, s16;
	[tilespmem:s2+$0xF5F0] =	vst v29;
	v28 =	vadd.s32 s25, v12;
	v27 =	vld.idx.msk [tilespmem:v30+s13+$0x0], $0xffff  }
0x833: {  	v29 =	vld.idx.msk [tilespmem:v43+s13+$0x0], $0xffff;
	v30 =	vadd.s32 s26, v2;
	[tilespmem:s19+$0xF9E0] =	vst v31  }
0x834: {  	s18 =	sand.u32 $0x380, s30;
	s20 =	simm.s32 $0x0;
	s14 =	sshra.s32 s14, $0x2;
	v44 =	vadd.s32 s0, v9;
	v31 =	vld.idx.msk [tilespmem:v16+s13+$0x0], $0xffff  }
0x835: {  	s29 =	sor.u32 s18, s14;
	s14 =	smul.u32 $0xB000, s20;
	s20 =	simm.s32 $0x300;
	v32 =	vld.idx.msk [tilespmem:v52+s13+$0x0], $0xffff;
	[tilespmem:s8+$0xF5C0] =	vst v26  }
0x836: {  	v63 =	vadd.s32 s20, v0;
	[tilespmem:s11+$0xF9B0] =	vst v25;
	v24 =	vld.idx.msk [tilespmem:v24+s13+$0x0], $0xffff  }
0x837: {  	v26 =	vadd.s32 s3, v6;
	v13 =	vadd.s32 $0x80, v13;
	v25 =	vld.idx.msk [tilespmem:v28+s13+$0x0], $0xffff;
	[tilespmem:s6+$0xF590] =	vst v27  }
0x838: {  	[tilespmem:s2+$0xF980] =	vst v29;
	v28 =	vadd.s32 s25, v13;
	v27 =	vld.idx.msk [tilespmem:v30+s13+$0x0], $0xffff  }
0x839: {  	v29 =	vld.idx.msk [tilespmem:v44+s13+$0x0], $0xffff;
	v30 =	vadd.s32 s26, v3;
	[tilespmem:s19+$0xF9F0] =	vst v31  }
0x83a: {  	v45 =	vadd.s32 s0, v10;
	v31 =	vld.idx.msk [tilespmem:v17+s13+$0x0], $0xffff  }
0x83b: {  	v34 =	vld.idx.msk [tilespmem:v63+s13+$0x0], $0xffff;
	[tilespmem:s8+$0xF5D0] =	vst v24  }
0x83c: {  	[tilespmem:s11+$0xF9C0] =	vst v25;
	v25 =	vadd.s32 s28, v0;
	v24 =	vld.idx.msk [tilespmem:v26+s13+$0x0], $0xffff  }
0x83d: {  	v15 =	vadd.s32 $0x80, v15;
	v26 =	vld.idx.msk [tilespmem:v28+s13+$0x0], $0xffff;
	[tilespmem:s6+$0xF5A0] =	vst v27;
	v27 =	vadd.s32 s3, v7  }
0x83e: {  	s21 =	sand.u32 $0x380, s20;
	s14 =	sshra.s32 s14, $0x2;
	[tilespmem:s2+$0xF990] =	vst v29;
	v29 =	vadd.s32 s25, v15;
	v28 =	vld.idx.msk [tilespmem:v30+s13+$0x0], $0xffff  }
0x83f: {  	s14 =	sor.u32 s21, s14;
	v30 =	vld.idx.msk [tilespmem:v45+s13+$0x0], $0xffff;
	[tilespmem:s19+$0xFD80] =	vst v31;
	v31 =	vadd.s32 s26, v4  }
0x840: {  	[tilespmem:s14+$0xF580] =	vst v32;
	v47 =	vadd.s32 s0, v11;
	v46 =	vld.idx.msk [tilespmem:v18+s13+$0x0], $0xffff  }
0x841: {  	v25 =	vld.idx.msk [tilespmem:v25+s13+$0x0], $0xffff;
	[tilespmem:s8+$0xF5E0] =	vst v24  }
0x842: {  	[tilespmem:s11+$0xF9D0] =	vst v26;
	v26 =	vadd.s32 s28, v1;
	v24 =	vld.idx.msk [tilespmem:v27+s13+$0x0], $0xffff  }
0x843: {  	v16 =	vadd.s32 $0x80, v16;
	v27 =	vld.idx.msk [tilespmem:v29+s13+$0x0], $0xffff;
	[tilespmem:s6+$0xF5B0] =	vst v28;
	v28 =	vadd.s32 s3, v8  }
0x844: {  	[tilespmem:s2+$0xF9A0] =	vst v30;
	v30 =	vadd.s32 s25, v16;
	v29 =	vld.idx.msk [tilespmem:v31+s13+$0x0], $0xffff  }
0x845: {  	v48 =	vadd.s32 s26, v5;
	v31 =	vld.idx.msk [tilespmem:v47+s13+$0x0], $0xffff;
	[tilespmem:s19+$0xFD90] =	vst v46  }
0x846: {  	v49 =	vadd.s32 s0, v12;
	[tilespmem:s29+$0xF580] =	vst v25;
	v25 =	vld.idx.msk [tilespmem:v19+s13+$0x0], $0xffff  }
0x847: {  	v26 =	vld.idx.msk [tilespmem:v26+s13+$0x0], $0xffff;
	[tilespmem:s8+$0xF5F0] =	vst v24  }
0x848: {  	[tilespmem:s11+$0xF9E0] =	vst v27;
	v27 =	vadd.s32 s28, v2;
	v24 =	vld.idx.msk [tilespmem:v28+s13+$0x0], $0xffff  }
0x849: {  	v28 =	vld.idx.msk [tilespmem:v30+s13+$0x0], $0xffff;
	[tilespmem:s6+$0xF5C0] =	vst v29;
	v29 =	vadd.s32 s3, v9  }
0x84a: {  	v54 =	vadd.s32 s30, v1;
	v17 =	vadd.s32 $0x80, v17;
	[tilespmem:s2+$0xF9B0] =	vst v31;
	v30 =	vld.idx.msk [tilespmem:v48+s13+$0x0], $0xffff  }
0x84b: {  	v31 =	vadd.s32 s25, v17;
	v50 =	vld.idx.msk [tilespmem:v49+s13+$0x0], $0xffff;
	[tilespmem:s19+$0xFDA0] =	vst v25  }
0x84c: {  	v25 =	vadd.s32 s26, v6;
	[tilespmem:s29+$0xF590] =	vst v26;
	v26 =	vld.idx.msk [tilespmem:v21+s13+$0x0], $0xffff  }
0x84d: {  	v51 =	vadd.s32 s0, v13;
	v27 =	vld.idx.msk [tilespmem:v27+s13+$0x0], $0xffff;
	[tilespmem:s8+$0xF980] =	vst v24  }
0x84e: {  	[tilespmem:s11+$0xF9F0] =	vst v28;
	v24 =	vld.idx.msk [tilespmem:v29+s13+$0x0], $0xffff  }
0x84f: {  	v56 =	vld.idx.msk [tilespmem:v54+s13+$0x0], $0xffff;
	v28 =	vadd.s32 s28, v3;
	[tilespmem:s6+$0xF5D0] =	vst v30  }
0x850: {  	v18 =	vadd.s32 $0x80, v18;
	v29 =	vld.idx.msk [tilespmem:v31+s13+$0x0], $0xffff;
	v30 =	vadd.s32 s3, v10;
	[tilespmem:s2+$0xF9C0] =	vst v50  }
0x851: {  	v31 =	vadd.s32 s25, v18;
	v25 =	vld.idx.msk [tilespmem:v25+s13+$0x0], $0xffff;
	[tilespmem:s19+$0xFDB0] =	vst v26  }
0x852: {  	v33 =	vld.idx.msk [tilespmem:v51+s13+$0x0], $0xffff;
	[tilespmem:s29+$0xF5A0] =	vst v27;
	v26 =	vadd.s32 s26, v7  }
0x853: {  	v27 =	vld.idx.msk [tilespmem:v22+s13+$0x0], $0xffff;
	[tilespmem:s8+$0xF990] =	vst v24;
	v24 =	vadd.s32 s0, v15  }
0x854: {  	[tilespmem:s14+$0xF590] =	vst v56;
	v28 =	vld.idx.msk [tilespmem:v28+s13+$0x0], $0xffff  }
0x855: {  	[tilespmem:s11+$0xFD80] =	vst v29;
	v29 =	vadd.s32 s28, v4;
	v30 =	vld.idx.msk [tilespmem:v30+s13+$0x0], $0xffff  }
0x856: {  	v31 =	vld.idx.msk [tilespmem:v31+s13+$0x0], $0xffff;
	[tilespmem:s6+$0xF5E0] =	vst v25;
	v25 =	vadd.s32 s3, v11  }
0x857: {  	v57 =	vadd.s32 s30, v2;
	v19 =	vadd.s32 $0x80, v19;
	[tilespmem:s2+$0xF9D0] =	vst v33;
	v26 =	vld.idx.msk [tilespmem:v26+s13+$0x0], $0xffff  }
0x858: {  	v53 =	vadd.s32 s25, v19;
	[tilespmem:s19+$0xFDC0] =	vst v27;
	v24 =	vld.idx.msk [tilespmem:v24+s13+$0x0], $0xffff  }
0x859: {  	[tilespmem:s29+$0xF5B0] =	vst v28;
	v27 =	vadd.s32 s26, v8;
	v28 =	vld.idx.msk [tilespmem:v23+s13+$0x0], $0xffff  }
0x85a: {  	v29 =	vld.idx.msk [tilespmem:v29+s13+$0x0], $0xffff;
	[tilespmem:s8+$0xF9A0] =	vst v30;
	v30 =	vadd.s32 s0, v16  }
0x85b: {  	[tilespmem:s11+$0xFD90] =	vst v31;
	v25 =	vld.idx.msk [tilespmem:v25+s13+$0x0], $0xffff  }
0x85c: {  	v33 =	vld.idx.msk [tilespmem:v57+s13+$0x0], $0xffff;
	v31 =	vadd.s32 s28, v5;
	[tilespmem:s6+$0xF5F0] =	vst v26  }
0x85d: {  	v21 =	vadd.s32 $0x80, v21;
	v55 =	vld.idx.msk [tilespmem:v53+s13+$0x0], $0xffff;
	v26 =	vadd.s32 s3, v12;
	[tilespmem:s2+$0xF9E0] =	vst v24  }
0x85e: {  	v27 =	vld.idx.msk [tilespmem:v27+s13+$0x0], $0xffff;
	v24 =	vadd.s32 s25, v21;
	[tilespmem:s19+$0xFDD0] =	vst v28  }
0x85f: {  	[tilespmem:s29+$0xF5C0] =	vst v29;
	v28 =	vadd.s32 s26, v9;
	v30 =	vld.idx.msk [tilespmem:v30+s13+$0x0], $0xffff  }
0x860: {  	v29 =	vld.idx.msk [tilespmem:v20+s13+$0x0], $0xffff;
	[tilespmem:s8+$0xF9B0] =	vst v25;
	v25 =	vadd.s32 s0, v17  }
0x861: {  	[tilespmem:s14+$0xF5A0] =	vst v33;
	v31 =	vld.idx.msk [tilespmem:v31+s13+$0x0], $0xffff  }
0x862: {  	v58 =	vadd.s32 s28, v6;
	[tilespmem:s11+$0xFDA0] =	vst v55;
	v26 =	vld.idx.msk [tilespmem:v26+s13+$0x0], $0xffff  }
0x863: {  	v22 =	vadd.s32 $0x80, v22;
	[tilespmem:s6+$0xF980] =	vst v27;
	v27 =	vadd.s32 s3, v13;
	v24 =	vld.idx.msk [tilespmem:v24+s13+$0x0], $0xffff  }
0x864: {  	v28 =	vld.idx.msk [tilespmem:v28+s13+$0x0], $0xffff;
	[tilespmem:s2+$0xF9F0] =	vst v30;
	v30 =	vadd.s32 s25, v22  }
0x865: {  	v59 =	vadd.s32 s30, v3;
	[tilespmem:s19+$0xFDE0] =	vst v29;
	v25 =	vld.idx.msk [tilespmem:v25+s13+$0x0], $0xffff  }
0x866: {  	[tilespmem:s29+$0xF5D0] =	vst v31;
	v29 =	vadd.s32 s26, v10;
	v60 =	vld.idx.msk [tilespmem:v14+s13+$0x0], $0xffff  }
0x867: {  	v62 =	vadd.s32 s0, v18;
	v61 =	vld.idx.msk [tilespmem:v58+s13+$0x0], $0xffff;
	[tilespmem:s8+$0xF9C0] =	vst v26  }
0x868: {  	v31 =	vadd.s32 s28, v7;
	v27 =	vld.idx.msk [tilespmem:v27+s13+$0x0], $0xffff;
	[tilespmem:s11+$0xFDB0] =	vst v24  }
0x869: {  	v23 =	vadd.s32 $0x80, v23;
	[tilespmem:s6+$0xF990] =	vst v28;
	v28 =	vadd.s32 s3, v15;
	v26 =	vld.idx.msk [tilespmem:v30+s13+$0x0], $0xffff  }
0x86a: {  	v32 =	vld.idx.msk [tilespmem:v59+s13+$0x0], $0xffff;
	[tilespmem:s2+$0xFD80] =	vst v25;
	v25 =	vadd.s32 s25, v23  }
0x86b: {  	v33 =	vadd.s32 s30, v4;
	v29 =	vld.idx.msk [tilespmem:v29+s13+$0x0], $0xffff;
	[tilespmem:s19+$0xFDF0] =	vst v60  }
0x86c: {  	s31 =	simm.s32 $0x300;
	s16 =	simm.s32 $0x8;
	v20 =	vadd.s32 $0x80, v20;
	v14 =	vadd.s32 $0x80, v14;
	v30 =	vadd.s32 s26, v11;
	s19 =	simm.s32 $0x7;
	[tilespmem:s29+$0xF5E0] =	vst v61;
	v24 =	vld.idx.msk [tilespmem:v62+s13+$0x0], $0xffff  }
.LBB2_13:
0x86d: {  	p0 =	sne.s32 s16, $0x1F;
	s18 =	sshrl.u32 s19, $0x3;
	v31 =	vld.idx.msk [tilespmem:v31+s13+$0x0], $0xffff;
	[tilespmem:s8+$0xF9D0] =	vst v27;
	v27 =	vadd.s32 s0, v19;
	s21 =	smov.u32 s14  }
0x86e: {  	v35 =	vadd.s32 s20, v1;
	s19 =	smov.u32 s16;
	s14 =	smul.u32 $0xB000, s18;
	v28 =	vld.idx.msk [tilespmem:v28+s13+$0x0], $0xffff;
	[tilespmem:s11+$0xFDC0] =	vst v26  }
0x86f: {  	s20 =	sadd.s32 $0x80, s20;
	v26 =	vadd.s32 s28, v8;
	[tilespmem:s21+$0xF5B0] =	vst v32;
	v25 =	vld.idx.msk [tilespmem:v25+s13+$0x0], $0xffff  }
0x870: {  	s18 =	sand.u32 $0x380, s20;
	s14 =	sshra.s32 s14, $0x2;
	v32 =	vld.idx.msk [tilespmem:v33+s13+$0x0], $0xffff;
	[tilespmem:s6+$0xF9A0] =	vst v29;
	v29 =	vadd.s32 s3, v16  }
0x871: {  	s14 =	sor.u32 s18, s14;
	v30 =	vld.idx.msk [tilespmem:v30+s13+$0x0], $0xffff;
	[tilespmem:s2+$0xFD90] =	vst v24;
	v24 =	vadd.s32 s25, v20  }
0x872: {  	v33 =	vadd.s32 s30, v5;
	[tilespmem:s14+$0xF580] =	vst v34;
	v27 =	vld.idx.msk [tilespmem:v27+s13+$0x0], $0xffff  }
0x873: {  	v34 =	vld.idx.msk [tilespmem:v35+s13+$0x0], $0xffff;
	[tilespmem:s29+$0xF5F0] =	vst v31;
	v31 =	vadd.s32 s26, v12  }
0x874: {  	v26 =	vld.idx.msk [tilespmem:v26+s13+$0x0], $0xffff;
	[tilespmem:s8+$0xF9E0] =	vst v28;
	v28 =	vadd.s32 s0, v21  }
0x875: {  	v35 =	vadd.s32 s31, v2;
	v29 =	vld.idx.msk [tilespmem:v29+s13+$0x0], $0xffff;
	[tilespmem:s11+$0xFDD0] =	vst v25  }
0x876: {  	v25 =	vadd.s32 s28, v9;
	[tilespmem:s21+$0xF5C0] =	vst v32;
	v24 =	vld.idx.msk [tilespmem:v24+s13+$0x0], $0xffff  }
0x877: {  	v32 =	vld.idx.msk [tilespmem:v33+s13+$0x0], $0xffff;
	[tilespmem:s6+$0xF9B0] =	vst v30;
	v30 =	vadd.s32 s3, v17  }
0x878: {  	v31 =	vld.idx.msk [tilespmem:v31+s13+$0x0], $0xffff;
	[tilespmem:s2+$0xFDA0] =	vst v27;
	v27 =	vadd.s32 s25, v14;
	s25 =	smov.u32 s0;
	s0 =	smov.u32 s3;
	s3 =	smov.u32 s26  }
0x879: {  	v33 =	vadd.s32 s30, v6;
	s26 =	smov.u32 s28;
	s28 =	smov.u32 s30;
	s30 =	smov.u32 s31;
	[tilespmem:s14+$0xF590] =	vst v34;
	v28 =	vld.idx.msk [tilespmem:v28+s13+$0x0], $0xffff  }
0x87a: {  	s31 =	smov.u32 s20;
	v34 =	vld.idx.msk [tilespmem:v35+s13+$0x0], $0xffff;
	[tilespmem:s29+$0xF980] =	vst v26;
	v26 =	vadd.s32 s3, v13  }
0x87b: {  	v25 =	vld.idx.msk [tilespmem:v25+s13+$0x0], $0xffff;
	[tilespmem:s8+$0xF9F0] =	vst v29;
	v29 =	vadd.s32 s25, v22  }
0x87c: {  	v35 =	vadd.s32 s30, v3;
	v30 =	vld.idx.msk [tilespmem:v30+s13+$0x0], $0xffff;
	[tilespmem:s11+$0xFDE0] =	vst v24  }
0x87d: {  	v24 =	vadd.s32 s26, v10;
	[tilespmem:s21+$0xF5D0] =	vst v32;
	v36 =	vld.idx.msk [tilespmem:v27+s13+$0x0], $0xffff  }
0x87e: {  	v38 =	vadd.s32 s0, v18;
	v37 =	vld.idx.msk [tilespmem:v33+s13+$0x0], $0xffff;
	[tilespmem:s6+$0xF9C0] =	vst v31  }
0x87f: {  	v39 =	vadd.s32 s20, v0;
	v27 =	vld.idx.msk [tilespmem:v26+s13+$0x0], $0xffff;
	[tilespmem:s2+$0xFDB0] =	vst v28  }
.Ltmp7:
0x880: {  	v31 =	vadd.s32 s28, v7;
	[tilespmem:s14+$0xF5A0] =	vst v34;
	v26 =	vld.idx.msk [tilespmem:v29+s13+$0x0], $0xffff;
	(pc) =	sbr.rel @p0 .LBB2_13-.Ltmp7, $4  }
0x881: {  	v28 =	vadd.s32 s3, v15;
	v32 =	vld.idx.msk [tilespmem:v35+s13+$0x0], $0xffff;
	[tilespmem:s29+$0xF990] =	vst v25  }
0x882: {  	v25 =	vadd.s32 s25, v23;
	v29 =	vld.idx.msk [tilespmem:v24+s13+$0x0], $0xffff;
	[tilespmem:s8+$0xFD80] =	vst v30  }
0x883: {  	v33 =	vadd.s32 s30, v4;
	v24 =	vld.idx.msk [tilespmem:v38+s13+$0x0], $0xffff;
	[tilespmem:s11+$0xFDF0] =	vst v36;
	s11 =	smov.u32 s2;
	s2 =	smov.u32 s8;
	s8 =	smov.u32 s6  }
0x884: {  	s16 =	sadd.s32 $0x1, s16;
	v30 =	vadd.s32 s26, v11;
	s6 =	smov.u32 s29;
	s29 =	smov.u32 s21;
	v34 =	vld.idx.msk [tilespmem:v39+s13+$0x0], $0xffff;
	[tilespmem:s21+$0xF5E0] =	vst v37  }
0x885: {  	s16 =	sshrl.u32 s19, $0x3  }
0x886: {  	v0 =	vadd.s32 s20, v1;
	s16 =	smul.u32 $0xB000, s16  }
0x887: {  	s18 =	sadd.s32 $0x80, s20  }
0x888: {  	s18 =	sand.u32 $0x380, s18;
	s16 =	sshra.s32 s16, $0x2  }
0x889: {  	s21 =	sor.u32 s18, s16  }
0x88a: {  	[tilespmem:s21+$0xF580] =	vst v34  }
0x88b: {  	v0 =	vld.idx.msk [tilespmem:v0+s13+$0x0], $0xffff  }
0x88c: {  	v44 =	vadd.s32 s31, v2;
	_ =	sdelay $0x3  }
0x88d: {  	[tilespmem:s21+$0xF590] =	vst v0  }
0x88e: {  	v0 =	vld.idx.msk [tilespmem:v44+s13+$0x0], $0xffff  }
0x88f: {  	v45 =	vadd.s32 s31, v3;
	_ =	sdelay $0x3  }
0x890: {  	[tilespmem:s21+$0xF5A0] =	vst v0  }
0x891: {  	v0 =	vld.idx.msk [tilespmem:v45+s13+$0x0], $0xffff  }
0x892: {  	v46 =	vadd.s32 s31, v4;
	_ =	sdelay $0x2  }
0x893: {  	[tilespmem:s14+$0xF5B0] =	vst v32  }
0x894: {  	v47 =	vld.idx.msk [tilespmem:v33+s13+$0x0], $0xffff;
	[tilespmem:s21+$0xF5B0] =	vst v0  }
0x895: {  	v48 =	vadd.s32 s30, v5;
	v1 =	vld.idx.msk [tilespmem:v46+s13+$0x0], $0xffff  }
0x896: {  	v49 =	vadd.s32 s31, v5;
	_ =	sdelay $0x2  }
0x897: {  	[tilespmem:s14+$0xF5C0] =	vst v47  }
0x898: {  	v0 =	vld.idx.msk [tilespmem:v48+s13+$0x0], $0xffff;
	[tilespmem:s21+$0xF5C0] =	vst v1  }
0x899: {  	v50 =	vadd.s32 s30, v6;
	v51 =	vld.idx.msk [tilespmem:v49+s13+$0x0], $0xffff  }
0x89a: {  	v52 =	vadd.s32 s31, v6;
	_ =	sdelay $0x2  }
0x89b: {  	[tilespmem:s14+$0xF5D0] =	vst v0  }
0x89c: {  	v0 =	vld.idx.msk [tilespmem:v50+s13+$0x0], $0xffff;
	[tilespmem:s21+$0xF5D0] =	vst v51  }
0x89d: {  	v53 =	vadd.s32 s30, v7;
	v2 =	vld.idx.msk [tilespmem:v52+s13+$0x0], $0xffff  }
0x89e: {  	v54 =	vadd.s32 s31, v7;
	_ =	sdelay $0x2  }
0x89f: {  	v55 =	vld.idx.msk [tilespmem:v31+s13+$0x0], $0xffff;
	[tilespmem:s14+$0xF5E0] =	vst v0  }
0x8a0: {  	v56 =	vadd.s32 s28, v8;
	v1 =	vld.idx.msk [tilespmem:v53+s13+$0x0], $0xffff;
	[tilespmem:s21+$0xF5E0] =	vst v2  }
0x8a1: {  	v57 =	vadd.s32 s30, v8;
	v3 =	vld.idx.msk [tilespmem:v54+s13+$0x0], $0xffff  }
0x8a2: {  	v58 =	vadd.s32 s31, v8;
	_ =	sdelay $0x1  }
0x8a3: {  	[tilespmem:s29+$0xF5F0] =	vst v55  }
0x8a4: {  	v0 =	vld.idx.msk [tilespmem:v56+s13+$0x0], $0xffff;
	[tilespmem:s14+$0xF5F0] =	vst v1  }
0x8a5: {  	v59 =	vadd.s32 s28, v9;
	v2 =	vld.idx.msk [tilespmem:v57+s13+$0x0], $0xffff;
	[tilespmem:s21+$0xF5F0] =	vst v3  }
0x8a6: {  	v60 =	vadd.s32 s30, v9;
	v61 =	vld.idx.msk [tilespmem:v58+s13+$0x0], $0xffff  }
0x8a7: {  	v62 =	vadd.s32 s31, v9;
	_ =	sdelay $0x1  }
0x8a8: {  	[tilespmem:s29+$0xF980] =	vst v0  }
0x8a9: {  	v0 =	vld.idx.msk [tilespmem:v59+s13+$0x0], $0xffff;
	[tilespmem:s14+$0xF980] =	vst v2  }
0x8aa: {  	v63 =	vadd.s32 s28, v10;
	v2 =	vld.idx.msk [tilespmem:v60+s13+$0x0], $0xffff;
	[tilespmem:s21+$0xF980] =	vst v61  }
0x8ab: {  	v8 =	vadd.s32 s30, v10;
	v4 =	vld.idx.msk [tilespmem:v62+s13+$0x0], $0xffff  }
0x8ac: {  	v9 =	vadd.s32 s31, v10;
	_ =	sdelay $0x1  }
0x8ad: {  	[tilespmem:s29+$0xF990] =	vst v0  }
0x8ae: {  	v0 =	vld.idx.msk [tilespmem:v63+s13+$0x0], $0xffff;
	[tilespmem:s14+$0xF990] =	vst v2  }
0x8af: {  	v10 =	vadd.s32 s28, v11;
	v2 =	vld.idx.msk [tilespmem:v8+s13+$0x0], $0xffff;
	[tilespmem:s21+$0xF990] =	vst v4  }
0x8b0: {  	v31 =	vadd.s32 s30, v11;
	v4 =	vld.idx.msk [tilespmem:v9+s13+$0x0], $0xffff  }
0x8b1: {  	v32 =	vadd.s32 s31, v11  }
0x8b2: {  	[tilespmem:s6+$0xF9A0] =	vst v29  }
0x8b3: {  	v33 =	vld.idx.msk [tilespmem:v30+s13+$0x0], $0xffff;
	[tilespmem:s29+$0xF9A0] =	vst v0  }
0x8b4: {  	v34 =	vadd.s32 s26, v12;
	v1 =	vld.idx.msk [tilespmem:v10+s13+$0x0], $0xffff;
	[tilespmem:s14+$0xF9A0] =	vst v2  }
0x8b5: {  	v35 =	vadd.s32 s28, v12;
	v3 =	vld.idx.msk [tilespmem:v31+s13+$0x0], $0xffff;
	[tilespmem:s21+$0xF9A0] =	vst v4  }
0x8b6: {  	v36 =	vadd.s32 s30, v12;
	v5 =	vld.idx.msk [tilespmem:v32+s13+$0x0], $0xffff  }
0x8b7: {  	v37 =	vadd.s32 s31, v12  }
0x8b8: {  	[tilespmem:s6+$0xF9B0] =	vst v33  }
0x8b9: {  	v0 =	vld.idx.msk [tilespmem:v34+s13+$0x0], $0xffff;
	[tilespmem:s29+$0xF9B0] =	vst v1  }
0x8ba: {  	v38 =	vadd.s32 s26, v13;
	v2 =	vld.idx.msk [tilespmem:v35+s13+$0x0], $0xffff;
	[tilespmem:s14+$0xF9B0] =	vst v3  }
0x8bb: {  	v39 =	vadd.s32 s28, v13;
	v4 =	vld.idx.msk [tilespmem:v36+s13+$0x0], $0xffff;
	[tilespmem:s21+$0xF9B0] =	vst v5  }
0x8bc: {  	v40 =	vadd.s32 s30, v13;
	v41 =	vld.idx.msk [tilespmem:v37+s13+$0x0], $0xffff  }
0x8bd: {  	v42 =	vadd.s32 s31, v13  }
0x8be: {  	[tilespmem:s6+$0xF9C0] =	vst v0  }
0x8bf: {  	v0 =	vld.idx.msk [tilespmem:v38+s13+$0x0], $0xffff;
	[tilespmem:s29+$0xF9C0] =	vst v2  }
0x8c0: {  	v43 =	vadd.s32 s26, v15;
	v2 =	vld.idx.msk [tilespmem:v39+s13+$0x0], $0xffff;
	[tilespmem:s14+$0xF9C0] =	vst v4  }
0x8c1: {  	v44 =	vadd.s32 s28, v15;
	v4 =	vld.idx.msk [tilespmem:v40+s13+$0x0], $0xffff;
	[tilespmem:s21+$0xF9C0] =	vst v41  }
0x8c2: {  	[tilespmem:s8+$0xF9D0] =	vst v27;
	v45 =	vadd.s32 s30, v15;
	v6 =	vld.idx.msk [tilespmem:v42+s13+$0x0], $0xffff  }
0x8c3: {  	[tilespmem:s11+$0xFDC0] =	vst v26;
	v46 =	vadd.s32 s31, v15  }
0x8c4: {  	v47 =	vld.idx.msk [tilespmem:v28+s13+$0x0], $0xffff;
	[tilespmem:s6+$0xF9D0] =	vst v0  }
0x8c5: {  	v48 =	vadd.s32 s3, v16;
	v1 =	vld.idx.msk [tilespmem:v43+s13+$0x0], $0xffff;
	[tilespmem:s29+$0xF9D0] =	vst v2  }
0x8c6: {  	v49 =	vadd.s32 s26, v16;
	v3 =	vld.idx.msk [tilespmem:v44+s13+$0x0], $0xffff;
	[tilespmem:s14+$0xF9D0] =	vst v4  }
0x8c7: {  	v50 =	vadd.s32 s28, v16;
	v5 =	vld.idx.msk [tilespmem:v45+s13+$0x0], $0xffff;
	[tilespmem:s21+$0xF9D0] =	vst v6  }
0x8c8: {  	[tilespmem:s2+$0xFD90] =	vst v24;
	v51 =	vadd.s32 s30, v16;
	v7 =	vld.idx.msk [tilespmem:v46+s13+$0x0], $0xffff  }
0x8c9: {  	[tilespmem:s8+$0xF9E0] =	vst v47;
	v53 =	vadd.s32 s31, v16;
	v52 =	vld.idx.msk [tilespmem:v25+s13+$0x0], $0xffff  }
0x8ca: {  	v54 =	vadd.s32 s0, v19;
	v0 =	vld.idx.msk [tilespmem:v48+s13+$0x0], $0xffff;
	[tilespmem:s6+$0xF9E0] =	vst v1  }
0x8cb: {  	v55 =	vadd.s32 s3, v17;
	v2 =	vld.idx.msk [tilespmem:v49+s13+$0x0], $0xffff;
	[tilespmem:s29+$0xF9E0] =	vst v3  }
0x8cc: {  	v56 =	vadd.s32 s26, v17;
	v4 =	vld.idx.msk [tilespmem:v50+s13+$0x0], $0xffff;
	[tilespmem:s14+$0xF9E0] =	vst v5  }
0x8cd: {  	v57 =	vadd.s32 s28, v17;
	v6 =	vld.idx.msk [tilespmem:v51+s13+$0x0], $0xffff;
	[tilespmem:s21+$0xF9E0] =	vst v7  }
0x8ce: {  	[tilespmem:s11+$0xFDD0] =	vst v52;
	v58 =	vadd.s32 s30, v17;
	v8 =	vld.idx.msk [tilespmem:v53+s13+$0x0], $0xffff  }
0x8cf: {  	v59 =	vld.idx.msk [tilespmem:v54+s13+$0x0], $0xffff;
	v60 =	vadd.s32 s31, v17;
	[tilespmem:s8+$0xF9F0] =	vst v0  }
0x8d0: {  	v17 =	vadd.s32 s0, v21;
	v1 =	vld.idx.msk [tilespmem:v55+s13+$0x0], $0xffff;
	[tilespmem:s6+$0xF9F0] =	vst v2  }
0x8d1: {  	v62 =	vadd.s32 s3, v18;
	v3 =	vld.idx.msk [tilespmem:v56+s13+$0x0], $0xffff;
	[tilespmem:s29+$0xF9F0] =	vst v4  }
0x8d2: {  	v63 =	vadd.s32 s26, v18;
	v5 =	vld.idx.msk [tilespmem:v57+s13+$0x0], $0xffff;
	[tilespmem:s14+$0xF9F0] =	vst v6  }
0x8d3: {  	v12 =	vadd.s32 s28, v18;
	v7 =	vld.idx.msk [tilespmem:v58+s13+$0x0], $0xffff;
	[tilespmem:s21+$0xF9F0] =	vst v8  }
0x8d4: {  	v13 =	vadd.s32 s30, v18;
	[tilespmem:s2+$0xFDA0] =	vst v59;
	v0 =	vld.idx.msk [tilespmem:v60+s13+$0x0], $0xffff  }
0x8d5: {  	v16 =	vadd.s32 s31, v18;
	v27 =	vld.idx.msk [tilespmem:v17+s13+$0x0], $0xffff;
	[tilespmem:s8+$0xFD80] =	vst v1  }
0x8d6: {  	v61 =	vadd.s32 s25, v20;
	v2 =	vld.idx.msk [tilespmem:v62+s13+$0x0], $0xffff;
	[tilespmem:s6+$0xFD80] =	vst v3  }
0x8d7: {  	v18 =	vadd.s32 s3, v19;
	v4 =	vld.idx.msk [tilespmem:v63+s13+$0x0], $0xffff;
	[tilespmem:s29+$0xFD80] =	vst v5  }
0x8d8: {  	v24 =	vadd.s32 s26, v19;
	v6 =	vld.idx.msk [tilespmem:v12+s13+$0x0], $0xffff;
	[tilespmem:s14+$0xFD80] =	vst v7  }
0x8d9: {  	v25 =	vadd.s32 s28, v19;
	v8 =	vld.idx.msk [tilespmem:v13+s13+$0x0], $0xffff;
	[tilespmem:s21+$0xFD80] =	vst v0  }
0x8da: {  	v26 =	vadd.s32 s30, v19;
	[tilespmem:s2+$0xFDB0] =	vst v27;
	v1 =	vld.idx.msk [tilespmem:v16+s13+$0x0], $0xffff  }
0x8db: {  	v28 =	vadd.s32 s31, v19;
	v15 =	vld.idx.msk [tilespmem:v61+s13+$0x0], $0xffff;
	[tilespmem:s8+$0xFD90] =	vst v2  }
0x8dc: {  	v29 =	vadd.s32 s25, v14;
	v3 =	vld.idx.msk [tilespmem:v18+s13+$0x0], $0xffff;
	[tilespmem:s6+$0xFD90] =	vst v4  }
0x8dd: {  	v30 =	vadd.s32 s3, v21;
	v5 =	vld.idx.msk [tilespmem:v24+s13+$0x0], $0xffff;
	[tilespmem:s29+$0xFD90] =	vst v6  }
0x8de: {  	v31 =	vadd.s32 s26, v21;
	v7 =	vld.idx.msk [tilespmem:v25+s13+$0x0], $0xffff;
	[tilespmem:s14+$0xFD90] =	vst v8  }
0x8df: {  	v32 =	vadd.s32 s28, v21;
	v0 =	vld.idx.msk [tilespmem:v26+s13+$0x0], $0xffff;
	[tilespmem:s21+$0xFD90] =	vst v1  }
0x8e0: {  	v33 =	vadd.s32 s30, v21;
	[tilespmem:s11+$0xFDE0] =	vst v15;
	v2 =	vld.idx.msk [tilespmem:v28+s13+$0x0], $0xffff  }
0x8e1: {  	v35 =	vadd.s32 s31, v21;
	v34 =	vld.idx.msk [tilespmem:v29+s13+$0x0], $0xffff;
	[tilespmem:s8+$0xFDA0] =	vst v3  }
0x8e2: {  	v36 =	vadd.s32 s0, v22;
	v4 =	vld.idx.msk [tilespmem:v30+s13+$0x0], $0xffff;
	[tilespmem:s6+$0xFDA0] =	vst v5  }
0x8e3: {  	v37 =	vadd.s32 s3, v22;
	v6 =	vld.idx.msk [tilespmem:v31+s13+$0x0], $0xffff;
	[tilespmem:s29+$0xFDA0] =	vst v7  }
0x8e4: {  	v38 =	vadd.s32 s26, v22;
	v8 =	vld.idx.msk [tilespmem:v32+s13+$0x0], $0xffff;
	[tilespmem:s14+$0xFDA0] =	vst v0  }
0x8e5: {  	v39 =	vadd.s32 s28, v22;
	v1 =	vld.idx.msk [tilespmem:v33+s13+$0x0], $0xffff;
	[tilespmem:s21+$0xFDA0] =	vst v2  }
0x8e6: {  	[tilespmem:s11+$0xFDF0] =	vst v34;
	v40 =	vadd.s32 s30, v22;
	v3 =	vld.idx.msk [tilespmem:v35+s13+$0x0], $0xffff  }
0x8e7: {  	v41 =	vld.idx.msk [tilespmem:v36+s13+$0x0], $0xffff;
	v42 =	vadd.s32 s31, v22;
	[tilespmem:s8+$0xFDB0] =	vst v4  }
0x8e8: {  	v43 =	vadd.s32 s0, v23;
	v5 =	vld.idx.msk [tilespmem:v37+s13+$0x0], $0xffff;
	[tilespmem:s6+$0xFDB0] =	vst v6  }
0x8e9: {  	v44 =	vadd.s32 s3, v23;
	v7 =	vld.idx.msk [tilespmem:v38+s13+$0x0], $0xffff;
	[tilespmem:s29+$0xFDB0] =	vst v8  }
0x8ea: {  	v45 =	vadd.s32 s26, v23;
	v0 =	vld.idx.msk [tilespmem:v39+s13+$0x0], $0xffff;
	[tilespmem:s14+$0xFDB0] =	vst v1  }
0x8eb: {  	v46 =	vadd.s32 s28, v23;
	v2 =	vld.idx.msk [tilespmem:v40+s13+$0x0], $0xffff;
	[tilespmem:s21+$0xFDB0] =	vst v3  }
0x8ec: {  	v47 =	vadd.s32 s30, v23;
	[tilespmem:s2+$0xFDC0] =	vst v41;
	v4 =	vld.idx.msk [tilespmem:v42+s13+$0x0], $0xffff  }
0x8ed: {  	v48 =	vadd.s32 s31, v23;
	v9 =	vld.idx.msk [tilespmem:v43+s13+$0x0], $0xffff;
	[tilespmem:s8+$0xFDC0] =	vst v5  }
0x8ee: {  	v49 =	vadd.s32 s0, v20;
	v6 =	vld.idx.msk [tilespmem:v44+s13+$0x0], $0xffff;
	[tilespmem:s6+$0xFDC0] =	vst v7  }
0x8ef: {  	v50 =	vadd.s32 s3, v20;
	v8 =	vld.idx.msk [tilespmem:v45+s13+$0x0], $0xffff;
	[tilespmem:s29+$0xFDC0] =	vst v0  }
0x8f0: {  	v51 =	vadd.s32 s26, v20;
	v1 =	vld.idx.msk [tilespmem:v46+s13+$0x0], $0xffff;
	[tilespmem:s14+$0xFDC0] =	vst v2  }
0x8f1: {  	v52 =	vadd.s32 s28, v20;
	v3 =	vld.idx.msk [tilespmem:v47+s13+$0x0], $0xffff;
	[tilespmem:s21+$0xFDC0] =	vst v4  }
0x8f2: {  	[tilespmem:s2+$0xFDD0] =	vst v9;
	v53 =	vadd.s32 s30, v20;
	v5 =	vld.idx.msk [tilespmem:v48+s13+$0x0], $0xffff  }
0x8f3: {  	v54 =	vadd.s32 s31, v20;
	v9 =	vld.idx.msk [tilespmem:v49+s13+$0x0], $0xffff;
	[tilespmem:s8+$0xFDD0] =	vst v6  }
0x8f4: {  	v55 =	vadd.s32 s0, v14;
	v7 =	vld.idx.msk [tilespmem:v50+s13+$0x0], $0xffff;
	[tilespmem:s6+$0xFDD0] =	vst v8  }
0x8f5: {  	v56 =	vadd.s32 s3, v14;
	v0 =	vld.idx.msk [tilespmem:v51+s13+$0x0], $0xffff;
	[tilespmem:s29+$0xFDD0] =	vst v1  }
0x8f6: {  	v57 =	vadd.s32 s26, v14;
	v2 =	vld.idx.msk [tilespmem:v52+s13+$0x0], $0xffff;
	[tilespmem:s14+$0xFDD0] =	vst v3  }
0x8f7: {  	v58 =	vadd.s32 s28, v14;
	v4 =	vld.idx.msk [tilespmem:v53+s13+$0x0], $0xffff;
	[tilespmem:s21+$0xFDD0] =	vst v5  }
0x8f8: {  	v59 =	vadd.s32 s30, v14;
	[tilespmem:s2+$0xFDE0] =	vst v9;
	v6 =	vld.idx.msk [tilespmem:v54+s13+$0x0], $0xffff  }
0x8f9: {  	v9 =	vld.idx.msk [tilespmem:v55+s13+$0x0], $0xffff;
	v60 =	vadd.s32 s31, v14;
	[tilespmem:s8+$0xFDE0] =	vst v7  }
0x8fa: {  	v8 =	vld.idx.msk [tilespmem:v56+s13+$0x0], $0xffff;
	[tilespmem:s6+$0xFDE0] =	vst v0  }
0x8fb: {  	v0 =	vld.idx.msk [tilespmem:v57+s13+$0x0], $0xffff;
	[tilespmem:s29+$0xFDE0] =	vst v2  }
0x8fc: {  	v61 =	vld.idx.msk [tilespmem:v58+s13+$0x0], $0xffff;
	[tilespmem:s14+$0xFDE0] =	vst v4  }
0x8fd: {  	v62 =	vld.idx.msk [tilespmem:v59+s13+$0x0], $0xffff;
	[tilespmem:s21+$0xFDE0] =	vst v6  }
0x8fe: {  	[tilespmem:s2+$0xFDF0] =	vst v9;
	v63 =	vld.idx.msk [tilespmem:v60+s13+$0x0], $0xffff  }
0x8ff: {  	[tilespmem:s8+$0xFDF0] =	vst v8  }
.Ltmp8:
0x900: {  	[tilespmem:s6+$0xFDF0] =	vst v0;
	(pc) =	sbr.rel @p1 .LBB2_16-.Ltmp8, $4  }
0x901: {  	s30 =	smul.u32 $0x1600, s24;
	[tilespmem:s29+$0xFDF0] =	vst v61  }
0x902: {  	[tilespmem:s14+$0xFDF0] =	vst v62  }
0x903: {  	s0 =	sadd.s32 s4, s30;
	s31 =	simm.s32 $0xD580;
	[tilespmem:s21+$0xFDF0] =	vst v63  }
0x904: {  	[hbm4b:s0+s5] =	stream.linear.scatter [tilespmem:s31], [sflag:$0x4], $0xB000, $0x38;
	[tilespmem:$0x18580] =	vst v63  }
.Ltmp9:
0x905: {  	s0 =	sadd.s32 s23, s10;
	(pc) =	sbr.rel .LBB2_2-.Ltmp9, $4  }
0x906: {  	s0 =	sshll.u32 s0, $0x9  }
0x907: {  	s0 =	sand.u32 $0x1FFFFE00, s0  }
0x908: {  	s22 =	sadd.s32 $0x1, s22;
	s0 =	sadd.s32 s1, s0  }
0x909: {  	[tilespmem:s13], [sflag:$0x2] =	stream.linear.gather [hbm4b:s0+s5], $0x1000, $0x38;
	[tilespmem:$0x18580] =	vst v63  }
.LBB2_17:
0x90a: {  	_ =	sfence.sel $0x180000  }
0x90b: {  	[bflag:$0x0] =	sbarrier.arrive $0xFFFF  }
0x90c: {  	_ =	strace $0x90000047  }
0x90d: {  	s0 =	stileid.u32;
	[bflag:$0x2] =	sbarrier.arrive $0xFFFF  }
0x90e: {  	p0 =	sne.s32 s0, $0x0;
	s0 =	rddreg [dreg:$0x3]  }
0x90f: {  	s0 =	sadd.s32 @!p0 $0x100000, s0  }
0x910: {  	[sflag:s0] =	ssyncadd.tile.s32 @!p0 $0x1;
	_ =	shalt  }
.Lfunc_end2:
_tile_overlayer_lowered:
.L_overlay_start_2:
0x911: {  	(tag) =	ssettag $0x2  }
0x912: {  	s0 =	rddreg [dreg:$0x0];
	s2 =	stileid.u32  }
0x913: {  	s1 =	rddreg [dreg:$0x1];
	p0 =	sne.s32 s2, $0x0  }
0x914: {  	s3 =	rddreg [dreg:$0x2];
	[bflag:$0x3] =	sbarrier.arrive $0xFFFF;
	s2 =	simm.s32 @!p0 $0x1C05  }
0x915: {  	[timem:s3], [sflag:s2] =	dma.local @!p0 [hbm:s0], s1  }
0x916: {  	s0 =	simm.s32 @!p0 $0x5  }
0x917: {  	_ =	swait.ge @!p0 [sflag:s0], s1  }
0x918: {  	s1 =	ssub.s32 @!p0 $0x0, s1;
	[sflag:s0] =	ssyncset.done @!p0 $0x0  }
0x919: {  	[sflag:s0] =	ssyncadd.s32 @!p0 s1  }
0x91a: {  	[bflag:$0x3] =	sbarrier.arrive $0xFFFF  }
0x91b: {  	_ =	shalt  }

</sc_bundles>
